<compile_context>
chip_gen: v7x
topology: tpu7x:2x2x1
jax: 0.10.2.dev20260603
libtpu: 0.0.44.dev20260713+nightly
codegen_flags: <defaults>
</compile_context>

<pallas_src>
import functools

import jax
import jax.numpy as jnp
from jax.experimental import pallas as pl

_NUM_CLASSES = 81
_THRESHOLD = 0.5
_NEGPOS_RATIO = 3
_VAR0, _VAR1 = 0.1, 0.2
_T = 16
_R, _L = 256, 128
_P = _R * _L


def _topk_mask(mined, k, idx2d):
    u = jax.lax.bitcast_convert_type(mined, jnp.int32)
    v = jnp.int32(0)
    for bit in range(30, -1, -1):
        cand = v | jnp.int32(1 << bit)
        c = jnp.sum((u >= cand).astype(jnp.int32))
        v = jnp.where(c >= k, cand, v)
    c_gt = jnp.sum((u > v).astype(jnp.int32))
    r = k - c_gt
    tied = u == v
    lo = jnp.int32(0)
    for bit in range(14, -1, -1):
        cand = lo | jnp.int32(1 << bit)
        f = jnp.sum((tied & (idx2d < cand)).astype(jnp.int32))
        lo = jnp.where(f < r, cand, lo)
    m = jnp.where(r > 0, lo + 1, jnp.int32(0))
    return ((u > v) | (tied & (idx2d < m))) & (k > 0)


def _sample_kernel(loc_ref, conf_ref, bin_ref, pri_ref, tgt_ref,
                   scal_ref, pos_ref, negb_ref, negm_ref):
    idx2d = (jax.lax.broadcasted_iota(jnp.int32, (_R, _L), 0) * _L
             + jax.lax.broadcasted_iota(jnp.int32, (_R, _L), 1))

    pri = pri_ref[:]
    px1 = pri[0] - pri[2] * 0.5
    py1 = pri[1] - pri[3] * 0.5
    px2 = pri[0] + pri[2] * 0.5
    py2 = pri[1] + pri[3] * 0.5
    area_b = (px2 - px1) * (py2 - py1)

    tgt = tgt_ref[0]

    best_ov = jnp.full((_R, _L), -1.0, jnp.float32)
    best_ti = jnp.zeros((_R, _L), jnp.int32)
    bp_idx = []
    for t in range(_T):
        tx1, ty1, tx2, ty2 = tgt[t, 0], tgt[t, 1], tgt[t, 2], tgt[t, 3]
        iw = jnp.clip(jnp.minimum(tx2, px2) - jnp.maximum(tx1, px1), 0.0, None)
        ih = jnp.clip(jnp.minimum(ty2, py2) - jnp.maximum(ty1, py1), 0.0, None)
        inter = iw * ih
        area_a = (tx2 - tx1) * (ty2 - ty1)
        iou = inter / (area_a + area_b - inter)
        upd = iou > best_ov
        best_ti = jnp.where(upd, t, best_ti)
        best_ov = jnp.where(upd, iou, best_ov)
        mx = jnp.max(iou)
        bp_idx.append(jnp.min(jnp.where(iou == mx, idx2d, _P)))
    for t in range(_T):
        hit = idx2d == bp_idx[t]
        best_ov = jnp.where(hit, 2.0, best_ov)
        best_ti = jnp.where(hit, t, best_ti)

    mx1 = jnp.zeros((_R, _L), jnp.float32)
    my1 = jnp.zeros((_R, _L), jnp.float32)
    mx2 = jnp.zeros((_R, _L), jnp.float32)
    my2 = jnp.zeros((_R, _L), jnp.float32)
    lab = jnp.zeros((_R, _L), jnp.float32)
    for t in range(_T):
        sel = best_ti == t
        mx1 = jnp.where(sel, tgt[t, 0], mx1)
        my1 = jnp.where(sel, tgt[t, 1], my1)
        mx2 = jnp.where(sel, tgt[t, 2], mx2)
        my2 = jnp.where(sel, tgt[t, 3], my2)
        lab = jnp.where(sel, tgt[t, 4], lab)

    pos = best_ov >= _THRESHOLD
    conf_t = jnp.where(pos, lab.astype(jnp.int32) + 1, 0)

    loc = loc_ref[0]
    g0 = ((mx1 + mx2) * 0.5 - pri[0]) / (_VAR0 * pri[2])
    g1 = ((my1 + my2) * 0.5 - pri[1]) / (_VAR0 * pri[3])
    g2 = jnp.log((mx2 - mx1) / pri[2]) / _VAR1
    g3 = jnp.log((my2 - my1) / pri[3]) / _VAR1
    posf = pos.astype(jnp.float32)
    loss_l = jnp.float32(0.0)
    for c, g in enumerate((g0, g1, g2, g3)):
        d = loc[c] - g
        ad = jnp.abs(d)
        loss_l += jnp.sum(jnp.where(ad < 1.0, 0.5 * d * d, ad - 0.5) * posf)

    b = bin_ref[0]
    b0, b1 = b[0], b[1]
    mb = jnp.maximum(b0, b1)
    lse_bin = mb + jnp.log(jnp.exp(b0 - mb) + jnp.exp(b1 - mb))
    ce_bin = lse_bin - jnp.where(pos, b1, b0)

    tgt_cls = conf_t - 1
    sexp = jnp.zeros((_R, _L), jnp.float32)
    cmax = jnp.full((_R, _L), -jnp.inf, jnp.float32)
    conf_sel = jnp.zeros((_R, _L), jnp.float32)
    for c in range(_NUM_CLASSES - 1):
        x = conf_ref[0, c]
        sexp += jnp.exp(x)
        cmax = jnp.maximum(cmax, x)
        conf_sel = jnp.where(tgt_cls == c, x, conf_sel)
    p0 = b0 + jnp.log(sexp)
    m81 = jnp.maximum(p0, cmax + b1)
    b1m = b1 - m81
    acc = jnp.exp(p0 - m81)
    for c in range(_NUM_CLASSES - 1):
        acc += jnp.exp(conf_ref[0, c] + b1m)
    lse_cls = m81 + jnp.log(acc)
    tgt_logit = jnp.where(conf_t == 0, p0, conf_sel + b1)
    ce_cls = lse_cls - tgt_logit

    num_pos = jnp.sum(pos.astype(jnp.int32))
    k = jnp.minimum(_NEGPOS_RATIO * num_pos, _P - 1)

    neg_b = _topk_mask(jnp.where(pos, 0.0, ce_bin), k, idx2d)
    neg_m = _topk_mask(jnp.where(pos, 0.0, ce_cls), k, idx2d)

    loss_bin = jnp.sum(ce_bin * (pos | neg_b).astype(jnp.float32))
    loss_cls = jnp.sum(ce_cls * (pos | neg_m).astype(jnp.float32))

    srow = jax.lax.broadcasted_iota(jnp.int32, (8, 128), 0)
    scol = jax.lax.broadcasted_iota(jnp.int32, (8, 128), 1)
    stile = jnp.where((srow == 0) & (scol == 0), loss_l, 0.0)
    stile = stile + jnp.where((srow == 0) & (scol == 1), loss_bin, 0.0)
    stile = stile + jnp.where((srow == 0) & (scol == 2), loss_cls, 0.0)
    stile = stile + jnp.where((srow == 0) & (scol == 3),
                              num_pos.astype(jnp.float32), 0.0)
    scal_ref[0] = stile
    pos_ref[0] = posf
    negb_ref[0] = neg_b.astype(jnp.float32)
    negm_ref[0] = neg_m.astype(jnp.float32)


@functools.partial(jax.jit, static_argnames=())
def kernel(loc_data, conf_data, bin_conf_data, priors, targets):
    B, P, _ = loc_data.shape
    loc_r = loc_data.transpose(0, 2, 1).reshape(B, 4, _R, _L)
    bin_r = bin_conf_data.transpose(0, 2, 1).reshape(B, 2, _R, _L)
    conf_r = conf_data.transpose(0, 2, 1).reshape(B, _NUM_CLASSES - 1, _R, _L)
    pri_r = priors.transpose(1, 0).reshape(4, _R, _L)

    scal, posf, negbf, negmf = pl.pallas_call(
        _sample_kernel,
        grid=(B,),
        in_specs=[
            pl.BlockSpec((1, 4, _R, _L), lambda b: (b, 0, 0, 0)),
            pl.BlockSpec((1, _NUM_CLASSES - 1, _R, _L), lambda b: (b, 0, 0, 0)),
            pl.BlockSpec((1, 2, _R, _L), lambda b: (b, 0, 0, 0)),
            pl.BlockSpec((4, _R, _L), lambda b: (0, 0, 0)),
            pl.BlockSpec((1, _T, 5), lambda b: (b, 0, 0)),
        ],
        out_specs=[
            pl.BlockSpec((1, 8, 128), lambda b: (b, 0, 0)),
            pl.BlockSpec((1, _R, _L), lambda b: (b, 0, 0)),
            pl.BlockSpec((1, _R, _L), lambda b: (b, 0, 0)),
            pl.BlockSpec((1, _R, _L), lambda b: (b, 0, 0)),
        ],
        out_shape=[
            jax.ShapeDtypeStruct((B, 8, 128), jnp.float32),
            jax.ShapeDtypeStruct((B, _R, _L), jnp.float32),
            jax.ShapeDtypeStruct((B, _R, _L), jnp.float32),
            jax.ShapeDtypeStruct((B, _R, _L), jnp.float32),
        ],
    )(loc_r, conf_r, bin_r, pri_r, targets)

    sums = jnp.sum(scal[:, 0, :4], axis=0)
    n = jnp.maximum(sums[3], 1.0)
    pos = posf.reshape(B, P) > 0.5
    neg_binary = negbf.reshape(B, P) > 0.5
    neg_multi = negmf.reshape(B, P) > 0.5
    return (sums[0] / n, sums[2] / n, sums[1] / n, pos, neg_binary, neg_multi)

# --- scband reference (transcript-rebuilt; emitter-appended) ---
"""Pipeline reference for scband-multi-box-loss-tf-target-32203664786113 (READ-ONLY COPY).

The authoritative reference and input builder live on the scoring server;
editing this copy changes nothing except your own understanding.
"""

import jax, jax.numpy as jnp
import numpy as np

NUM_CLASSES = 81
THRESHOLD = 0.5
NEGPOS_RATIO = 3
VAR0, VAR1 = 0.1, 0.2


def point_form(boxes):
    return jnp.concatenate([boxes[:, :2] - boxes[:, 2:] / 2.0,
                            boxes[:, :2] + boxes[:, 2:] / 2.0], axis=1)


def intersect(box_a, box_b):
    max_xy = jnp.minimum(box_a[:, None, 2:], box_b[None, :, 2:])
    min_xy = jnp.maximum(box_a[:, None, :2], box_b[None, :, :2])
    inter = jnp.clip(max_xy - min_xy, 0.0, None)
    return inter[..., 0] * inter[..., 1]


def jaccard(box_a, box_b):
    inter = intersect(box_a, box_b)
    area_a = ((box_a[:, 2] - box_a[:, 0]) * (box_a[:, 3] - box_a[:, 1]))[:, None]
    area_b = ((box_b[:, 2] - box_b[:, 0]) * (box_b[:, 3] - box_b[:, 1]))[None, :]
    return inter / (area_a + area_b - inter)


def encode(matched, priors):
    g_cxcy = (matched[:, :2] + matched[:, 2:]) / 2.0 - priors[:, :2]
    g_cxcy = g_cxcy / (VAR0 * priors[:, 2:])
    g_wh = (matched[:, 2:] - matched[:, :2]) / priors[:, 2:]
    g_wh = jnp.log(g_wh) / VAR1
    return jnp.concatenate([g_cxcy, g_wh], axis=1)


def match_3_terms_one(truths, labels, priors):
    overlaps = jaccard(truths, point_form(priors))  # [T, P]
    best_prior_idx = jnp.argmax(overlaps, axis=1)   # [T]
    best_truth_overlap = jnp.max(overlaps, axis=0)  # [P]
    best_truth_idx = jnp.argmax(overlaps, axis=0)   # [P]
    best_truth_overlap = best_truth_overlap.at[best_prior_idx].set(2.0)
    best_truth_idx = best_truth_idx.at[best_prior_idx].set(jnp.arange(truths.shape[0]))
    matches = truths[best_truth_idx]
    conf = labels[best_truth_idx].astype(jnp.int32) + 1
    conf = jnp.where(best_truth_overlap < THRESHOLD, 0, conf)
    loc = encode(matches, priors)
    bin_conf = (conf > 0).astype(jnp.int32)
    return loc, conf, bin_conf


def smooth_l1(x, y):
    d = x - y
    ad = jnp.abs(d)
    return jnp.where(ad < 1.0, 0.5 * d * d, ad - 0.5)


def log_sum_exp(x):
    return jax.scipy.special.logsumexp(x, axis=1, keepdims=True)


def setup_inputs(seed: int = 0):
    key = jax.random.key(seed)
    k1, k2, k3, k4, k5, k6, k7 = jax.random.split(key, 7)
    B, P, T = 32, 32768, 16
    loc_data = jax.random.normal(k1, (B, P, 4), dtype=jnp.float32)
    conf_data = jax.random.normal(k2, (B, P, NUM_CLASSES - 1), dtype=jnp.float32)
    bin_conf_data = jax.random.normal(k3, (B, P, 2), dtype=jnp.float32)
    centers = jax.random.uniform(k4, (P, 2), minval=0.05, maxval=0.95)
    whs = jax.random.uniform(k5, (P, 2), minval=0.05, maxval=0.4)
    priors = jnp.concatenate([centers, whs], axis=1).astype(jnp.float32)
    mins = jax.random.uniform(k6, (B, T, 2), minval=0.0, maxval=0.6)
    sizes = jax.random.uniform(k7, (B, T, 2), minval=0.05, maxval=0.35)
    labels = jax.random.randint(jax.random.fold_in(key, 99), (B, T, 1), 0, NUM_CLASSES - 1).astype(jnp.float32)
    targets = jnp.concatenate([mins, mins + sizes, labels], axis=2).astype(jnp.float32)
    return {"loc_data": loc_data, "conf_data": conf_data,
            "bin_conf_data": bin_conf_data, "priors": priors, "targets": targets}


def reference(loc_data, conf_data, bin_conf_data, priors, targets):
    num = loc_data.shape[0]
    num_priors = priors.shape[0]
    truths = targets[:, :, :-1]
    labels = targets[:, :, -1]
    loc_t, conf_t, bin_conf_t = jax.vmap(lambda t, l: match_3_terms_one(t, l, priors))(truths, labels)
    loc_t = jax.lax.stop_gradient(loc_t)
    pos = bin_conf_t > 0  # [B, P]

    # localization loss over positives (sum reduction)
    loss_l = jnp.sum(smooth_l1(loc_data, loc_t) * pos[..., None].astype(loc_data.dtype))

    # binary-conf hard negative mining
    batch_bin_conf = bin_conf_data.reshape(-1, 2)
    bin_t_flat = bin_conf_t.reshape(-1, 1)
    ce_bin_all = log_sum_exp(batch_bin_conf) - jnp.take_along_axis(batch_bin_conf, bin_t_flat, axis=1)
    mined_bin = jnp.where(pos.reshape(-1, 1), 0.0, ce_bin_all).reshape(num, -1)
    loss_idx = jnp.argsort(-mined_bin, axis=1)
    idx_rank = jnp.argsort(loss_idx, axis=1)
    num_pos = jnp.sum(pos.astype(jnp.int32), axis=1, keepdims=True)
    num_neg = jnp.minimum(NEGPOS_RATIO * num_pos, num_priors - 1)
    neg_binary = idx_rank < num_neg
    mask_bin = (pos | neg_binary)
    loss_bin = jnp.sum(ce_bin_all.reshape(num, -1) * mask_bin.astype(jnp.float32))

    # combined multiclass logits
    batch_conf = conf_data.reshape(-1, NUM_CLASSES - 1)
    P_k = batch_conf + batch_bin_conf[:, 1:2]
    P_0 = batch_bin_conf[:, 0:1] + jnp.log(jnp.sum(jnp.exp(batch_conf), axis=1, keepdims=True))
    P_logit = jnp.concatenate([P_0, P_k], axis=1)
    conf_t_flat = conf_t.reshape(-1, 1)
    ce_cls_all = log_sum_exp(P_logit) - jnp.take_along_axis(P_logit, conf_t_flat, axis=1)
    mined_cls = jnp.where(pos.reshape(-1, 1), 0.0, ce_cls_all).reshape(num, -1)
    loss_idx2 = jnp.argsort(-mined_cls, axis=1)
    idx_rank2 = jnp.argsort(loss_idx2, axis=1)
    neg_multi = idx_rank2 < num_neg
    mask_cls = (pos | neg_multi)
    loss_cls = jnp.sum(ce_cls_all.reshape(num, -1) * mask_cls.astype(jnp.float32))

    N = jnp.maximum(jnp.sum(num_pos).astype(jnp.float32), 1.0)
    return (loss_l / N, loss_cls / N, loss_bin / N, pos, neg_binary, neg_multi)

if __name__ == "__main__":
    import jax
    _d = setup_inputs()
    print(jax.jit(kernel)(*tuple(_d.values())))

</pallas_src>

<mosaic_0001>
module attributes {stable_mosaic.version = 14 : i64} {
  func.func @_sample_kernel(%arg0: i32, %arg1: memref<1x4x256x128xf32, #tpu.memory_space<vmem>>, %arg2: memref<1x80x256x128xf32, #tpu.memory_space<vmem>>, %arg3: memref<1x2x256x128xf32, #tpu.memory_space<vmem>>, %arg4: memref<4x256x128xf32, #tpu.memory_space<vmem>>, %arg5: memref<1x16x5xf32, #tpu.memory_space<vmem>>, %arg6: memref<1x8x128xf32, #tpu.memory_space<vmem>>, %arg7: memref<1x256x128xf32, #tpu.memory_space<vmem>>, %arg8: memref<1x256x128xf32, #tpu.memory_space<vmem>>, %arg9: memref<1x256x128xf32, #tpu.memory_space<vmem>>) attributes {dimension_semantics = [#tpu.dimension_semantics<arbitrary>], iteration_bounds = array<i64: 32>, scalar_prefetch = 0 : i64, scratch_operands = 0 : i64, tpu.core_type = #tpu.core_type<tc>, window_params = [{transform_indices = @transform_0, window_bounds = array<i64: 1, 4, 256, 128>}, {transform_indices = @transform_1, window_bounds = array<i64: 1, 80, 256, 128>}, {transform_indices = @transform_2, window_bounds = array<i64: 1, 2, 256, 128>}, {pipeline_mode = #tpu.pipeline_mode<synchronous>, transform_indices = @transform_3, window_bounds = array<i64: 4, 256, 128>}, {transform_indices = @transform_4, window_bounds = array<i64: 1, 16, 5>}, {transform_indices = @transform_5, window_bounds = array<i64: 1, 8, 128>}, {transform_indices = @transform_6, window_bounds = array<i64: 1, 256, 128>}, {transform_indices = @transform_7, window_bounds = array<i64: 1, 256, 128>}, {transform_indices = @transform_8, window_bounds = array<i64: 1, 256, 128>}]} {
    %iota3A = tpu.iota {dimensions = array<i32: 0>} : vector<256x128xi32>
    %mul3A = arith.constant 128 : i32
    %mul3A_0 = vector.broadcast %mul3A : i32 to vector<256x128xi32>
    %mul3A_1 = arith.muli %iota3A, %mul3A_0 : vector<256x128xi32>
    %iota3A_2 = tpu.iota {dimensions = array<i32: 1>} : vector<256x128xi32>
    %add3A = arith.addi %mul3A_1, %iota3A_2 : vector<256x128xi32>
    %get3A = arith.constant 0 : index
    %get3A_3 = arith.constant 0 : index
    %get3A_4 = arith.constant 0 : index
    %get3A_5 = vector.load %arg4[%get3A, %get3A_3, %get3A_4] : memref<4x256x128xf32, #tpu.memory_space<vmem>>, vector<4x256x128xf32>
    %slice3A = vector.extract_strided_slice %get3A_5 {offsets = [0, 0, 0], sizes = [1, 256, 128], strides = [1, 1, 1]} : vector<4x256x128xf32> to vector<1x256x128xf32>
    %squeeze3A = vector.shape_cast %slice3A : vector<1x256x128xf32> to vector<256x128xf32>
    %slice3A_6 = vector.extract_strided_slice %get3A_5 {offsets = [2, 0, 0], sizes = [1, 256, 128], strides = [1, 1, 1]} : vector<4x256x128xf32> to vector<1x256x128xf32>
    %squeeze3A_7 = vector.shape_cast %slice3A_6 : vector<1x256x128xf32> to vector<256x128xf32>
    %mul3A_8 = arith.constant 5.000000e-01 : f32
    %mul3A_9 = vector.broadcast %mul3A_8 : f32 to vector<256x128xf32>
    %mul3A_10 = arith.mulf %squeeze3A_7, %mul3A_9 : vector<256x128xf32>
    %sub3A = arith.subf %squeeze3A, %mul3A_10 : vector<256x128xf32>
    %slice3A_11 = vector.extract_strided_slice %get3A_5 {offsets = [1, 0, 0], sizes = [1, 256, 128], strides = [1, 1, 1]} : vector<4x256x128xf32> to vector<1x256x128xf32>
    %squeeze3A_12 = vector.shape_cast %slice3A_11 : vector<1x256x128xf32> to vector<256x128xf32>
    %slice3A_13 = vector.extract_strided_slice %get3A_5 {offsets = [3, 0, 0], sizes = [1, 256, 128], strides = [1, 1, 1]} : vector<4x256x128xf32> to vector<1x256x128xf32>
    %squeeze3A_14 = vector.shape_cast %slice3A_13 : vector<1x256x128xf32> to vector<256x128xf32>
    %mul3A_15 = arith.constant 5.000000e-01 : f32
    %mul3A_16 = vector.broadcast %mul3A_15 : f32 to vector<256x128xf32>
    %mul3A_17 = arith.mulf %squeeze3A_14, %mul3A_16 : vector<256x128xf32>
    %sub3A_18 = arith.subf %squeeze3A_12, %mul3A_17 : vector<256x128xf32>
    %slice3A_19 = vector.extract_strided_slice %get3A_5 {offsets = [0, 0, 0], sizes = [1, 256, 128], strides = [1, 1, 1]} : vector<4x256x128xf32> to vector<1x256x128xf32>
    %squeeze3A_20 = vector.shape_cast %slice3A_19 : vector<1x256x128xf32> to vector<256x128xf32>
    %slice3A_21 = vector.extract_strided_slice %get3A_5 {offsets = [2, 0, 0], sizes = [1, 256, 128], strides = [1, 1, 1]} : vector<4x256x128xf32> to vector<1x256x128xf32>
    %squeeze3A_22 = vector.shape_cast %slice3A_21 : vector<1x256x128xf32> to vector<256x128xf32>
    %mul3A_23 = arith.constant 5.000000e-01 : f32
    %mul3A_24 = vector.broadcast %mul3A_23 : f32 to vector<256x128xf32>
    %mul3A_25 = arith.mulf %squeeze3A_22, %mul3A_24 : vector<256x128xf32>
    %add3A_26 = arith.addf %squeeze3A_20, %mul3A_25 : vector<256x128xf32>
    %slice3A_27 = vector.extract_strided_slice %get3A_5 {offsets = [1, 0, 0], sizes = [1, 256, 128], strides = [1, 1, 1]} : vector<4x256x128xf32> to vector<1x256x128xf32>
    %squeeze3A_28 = vector.shape_cast %slice3A_27 : vector<1x256x128xf32> to vector<256x128xf32>
    %slice3A_29 = vector.extract_strided_slice %get3A_5 {offsets = [3, 0, 0], sizes = [1, 256, 128], strides = [1, 1, 1]} : vector<4x256x128xf32> to vector<1x256x128xf32>
    %squeeze3A_30 = vector.shape_cast %slice3A_29 : vector<1x256x128xf32> to vector<256x128xf32>
    %mul3A_31 = arith.constant 5.000000e-01 : f32
    %mul3A_32 = vector.broadcast %mul3A_31 : f32 to vector<256x128xf32>
    %mul3A_33 = arith.mulf %squeeze3A_30, %mul3A_32 : vector<256x128xf32>
    %add3A_34 = arith.addf %squeeze3A_28, %mul3A_33 : vector<256x128xf32>
    %sub3A_35 = arith.subf %add3A_26, %sub3A : vector<256x128xf32>
    %sub3A_36 = arith.subf %add3A_34, %sub3A_18 : vector<256x128xf32>
    %mul3A_37 = arith.mulf %sub3A_35, %sub3A_36 : vector<256x128xf32>
    %get3A_38 = arith.constant 0 : index
    %get3A_39 = arith.constant 0 : index
    %get3A_40 = arith.constant 0 : index
    %get3A_41 = vector.load %arg5[%get3A_38, %get3A_39, %get3A_40] : memref<1x16x5xf32, #tpu.memory_space<vmem>>, vector<1x16x5xf32>
    %get3A_42 = vector.shape_cast %get3A_41 : vector<1x16x5xf32> to vector<16x5xf32>
    %broadcast_in_dim3A = arith.constant -1.000000e+00 : f32
    %broadcast_in_dim3A_43 = vector.broadcast %broadcast_in_dim3A : f32 to vector<256x128xf32>
    %broadcast_in_dim3A_44 = arith.constant 0 : i32
    %broadcast_in_dim3A_45 = vector.broadcast %broadcast_in_dim3A_44 : i32 to vector<256x128xi32>
    %slice3A_46 = vector.extract_strided_slice %get3A_42 {offsets = [0, 0], sizes = [1, 1], strides = [1, 1]} : vector<16x5xf32> to vector<1x1xf32>
    %squeeze3A_47 = vector.extract %slice3A_46[0, 0] : f32 from vector<1x1xf32>
    %slice3A_48 = vector.extract_strided_slice %get3A_42 {offsets = [0, 1], sizes = [1, 1], strides = [1, 1]} : vector<16x5xf32> to vector<1x1xf32>
    %squeeze3A_49 = vector.extract %slice3A_48[0, 0] : f32 from vector<1x1xf32>
    %slice3A_50 = vector.extract_strided_slice %get3A_42 {offsets = [0, 2], sizes = [1, 1], strides = [1, 1]} : vector<16x5xf32> to vector<1x1xf32>
    %squeeze3A_51 = vector.extract %slice3A_50[0, 0] : f32 from vector<1x1xf32>
    %slice3A_52 = vector.extract_strided_slice %get3A_42 {offsets = [0, 3], sizes = [1, 1], strides = [1, 1]} : vector<16x5xf32> to vector<1x1xf32>
    %squeeze3A_53 = vector.extract %slice3A_52[0, 0] : f32 from vector<1x1xf32>
    %min3A = vector.broadcast %squeeze3A_51 : f32 to vector<256x128xf32>
    %min3A_54 = arith.minimumf %min3A, %add3A_26 : vector<256x128xf32>
    %max3A = vector.broadcast %squeeze3A_47 : f32 to vector<256x128xf32>
    %max3A_55 = arith.maximumf %max3A, %sub3A : vector<256x128xf32>
    %sub3A_56 = arith.subf %min3A_54, %max3A_55 : vector<256x128xf32>
    %jit3A = arith.constant 0.000000e+00 : f32
    %max3A_57 = vector.broadcast %jit3A : f32 to vector<256x128xf32>
    %max3A_58 = arith.maximumf %max3A_57, %sub3A_56 : vector<256x128xf32>
    %min3A_59 = vector.broadcast %squeeze3A_53 : f32 to vector<256x128xf32>
    %min3A_60 = arith.minimumf %min3A_59, %add3A_34 : vector<256x128xf32>
    %max3A_61 = vector.broadcast %squeeze3A_49 : f32 to vector<256x128xf32>
    %max3A_62 = arith.maximumf %max3A_61, %sub3A_18 : vector<256x128xf32>
    %sub3A_63 = arith.subf %min3A_60, %max3A_62 : vector<256x128xf32>
    %jit3A_64 = arith.constant 0.000000e+00 : f32
    %max3A_65 = vector.broadcast %jit3A_64 : f32 to vector<256x128xf32>
    %max3A_66 = arith.maximumf %max3A_65, %sub3A_63 : vector<256x128xf32>
    %mul3A_67 = arith.mulf %max3A_58, %max3A_66 : vector<256x128xf32>
    %sub3A_68 = arith.subf %squeeze3A_51, %squeeze3A_47 : f32
    %sub3A_69 = arith.subf %squeeze3A_53, %squeeze3A_49 : f32
    %mul3A_70 = arith.mulf %sub3A_68, %sub3A_69 : f32
    %add3A_71 = vector.broadcast %mul3A_70 : f32 to vector<256x128xf32>
    %add3A_72 = arith.addf %add3A_71, %mul3A_37 : vector<256x128xf32>
    %sub3A_73 = arith.subf %add3A_72, %mul3A_67 : vector<256x128xf32>
    %div3A = arith.divf %mul3A_67, %sub3A_73 : vector<256x128xf32>
    %gt3A = arith.cmpf ogt, %div3A, %broadcast_in_dim3A_43 : vector<256x128xf32>
    %jit3A_74 = arith.constant 0 : i32
    %broadcast_in_dim3A_75 = vector.broadcast %jit3A_74 : i32 to vector<256x128xi32>
    %select_n3A = arith.select %gt3A, %broadcast_in_dim3A_75, %broadcast_in_dim3A_45 : vector<256x128xi1>, vector<256x128xi32>
    %select_n3A_76 = arith.select %gt3A, %div3A, %broadcast_in_dim3A_43 : vector<256x128xi1>, vector<256x128xf32>
    %reduce_max3A = vector.shape_cast %div3A : vector<256x128xf32> to vector<1x256x128xf32>
    %reduce_max3A_77 = arith.constant dense<0xFF800000> : vector<1xf32>
    %reduce_max3A_78 = vector.multi_reduction <maximumf>, %reduce_max3A, %reduce_max3A_77 [1, 2] : vector<1x256x128xf32> to vector<1xf32>
    %reduce_max3A_79 = vector.shape_cast %reduce_max3A_78 : vector<1xf32> to vector<1x1x1xf32>
    %reduce_max3A_80 = vector.extract %reduce_max3A_79[0, 0, 0] : f32 from vector<1x1x1xf32>
    %eq3A = vector.broadcast %reduce_max3A_80 : f32 to vector<256x128xf32>
    %eq3A_81 = arith.cmpf oeq, %div3A, %eq3A : vector<256x128xf32>
    %jit3A_82 = arith.constant 32768 : i32
    %broadcast_in_dim3A_83 = vector.broadcast %jit3A_82 : i32 to vector<256x128xi32>
    %select_n3A_84 = arith.select %eq3A_81, %add3A, %broadcast_in_dim3A_83 : vector<256x128xi1>, vector<256x128xi32>
    %reduce_min3A = vector.shape_cast %select_n3A_84 : vector<256x128xi32> to vector<1x256x128xi32>
    %reduce_min3A_85 = arith.constant dense<2147483647> : vector<1xi32>
    %reduce_min3A_86 = vector.multi_reduction <minsi>, %reduce_min3A, %reduce_min3A_85 [1, 2] : vector<1x256x128xi32> to vector<1xi32>
    %reduce_min3A_87 = vector.shape_cast %reduce_min3A_86 : vector<1xi32> to vector<1x1x1xi32>
    %reduce_min3A_88 = vector.extract %reduce_min3A_87[0, 0, 0] : i32 from vector<1x1x1xi32>
    %slice3A_89 = vector.extract_strided_slice %get3A_42 {offsets = [1, 0], sizes = [1, 1], strides = [1, 1]} : vector<16x5xf32> to vector<1x1xf32>
    %squeeze3A_90 = vector.extract %slice3A_89[0, 0] : f32 from vector<1x1xf32>
    %slice3A_91 = vector.extract_strided_slice %get3A_42 {offsets = [1, 1], sizes = [1, 1], strides = [1, 1]} : vector<16x5xf32> to vector<1x1xf32>
    %squeeze3A_92 = vector.extract %slice3A_91[0, 0] : f32 from vector<1x1xf32>
    %slice3A_93 = vector.extract_strided_slice %get3A_42 {offsets = [1, 2], sizes = [1, 1], strides = [1, 1]} : vector<16x5xf32> to vector<1x1xf32>
    %squeeze3A_94 = vector.extract %slice3A_93[0, 0] : f32 from vector<1x1xf32>
    %slice3A_95 = vector.extract_strided_slice %get3A_42 {offsets = [1, 3], sizes = [1, 1], strides = [1, 1]} : vector<16x5xf32> to vector<1x1xf32>
    %squeeze3A_96 = vector.extract %slice3A_95[0, 0] : f32 from vector<1x1xf32>
    %min3A_97 = vector.broadcast %squeeze3A_94 : f32 to vector<256x128xf32>
    %min3A_98 = arith.minimumf %min3A_97, %add3A_26 : vector<256x128xf32>
    %max3A_99 = vector.broadcast %squeeze3A_90 : f32 to vector<256x128xf32>
    %max3A_100 = arith.maximumf %max3A_99, %sub3A : vector<256x128xf32>
    %sub3A_101 = arith.subf %min3A_98, %max3A_100 : vector<256x128xf32>
    %jit3A_102 = arith.constant 0.000000e+00 : f32
    %max3A_103 = vector.broadcast %jit3A_102 : f32 to vector<256x128xf32>
    %max3A_104 = arith.maximumf %max3A_103, %sub3A_101 : vector<256x128xf32>
    %min3A_105 = vector.broadcast %squeeze3A_96 : f32 to vector<256x128xf32>
    %min3A_106 = arith.minimumf %min3A_105, %add3A_34 : vector<256x128xf32>
    %max3A_107 = vector.broadcast %squeeze3A_92 : f32 to vector<256x128xf32>
    %max3A_108 = arith.maximumf %max3A_107, %sub3A_18 : vector<256x128xf32>
    %sub3A_109 = arith.subf %min3A_106, %max3A_108 : vector<256x128xf32>
    %jit3A_110 = arith.constant 0.000000e+00 : f32
    %max3A_111 = vector.broadcast %jit3A_110 : f32 to vector<256x128xf32>
    %max3A_112 = arith.maximumf %max3A_111, %sub3A_109 : vector<256x128xf32>
    %mul3A_113 = arith.mulf %max3A_104, %max3A_112 : vector<256x128xf32>
    %sub3A_114 = arith.subf %squeeze3A_94, %squeeze3A_90 : f32
    %sub3A_115 = arith.subf %squeeze3A_96, %squeeze3A_92 : f32
    %mul3A_116 = arith.mulf %sub3A_114, %sub3A_115 : f32
    %add3A_117 = vector.broadcast %mul3A_116 : f32 to vector<256x128xf32>
    %add3A_118 = arith.addf %add3A_117, %mul3A_37 : vector<256x128xf32>
    %sub3A_119 = arith.subf %add3A_118, %mul3A_113 : vector<256x128xf32>
    %div3A_120 = arith.divf %mul3A_113, %sub3A_119 : vector<256x128xf32>
    %gt3A_121 = arith.cmpf ogt, %div3A_120, %select_n3A_76 : vector<256x128xf32>
    %jit3A_122 = arith.constant 1 : i32
    %broadcast_in_dim3A_123 = vector.broadcast %jit3A_122 : i32 to vector<256x128xi32>
    %select_n3A_124 = arith.select %gt3A_121, %broadcast_in_dim3A_123, %select_n3A : vector<256x128xi1>, vector<256x128xi32>
    %select_n3A_125 = arith.select %gt3A_121, %div3A_120, %select_n3A_76 : vector<256x128xi1>, vector<256x128xf32>
    %reduce_max3A_126 = vector.shape_cast %div3A_120 : vector<256x128xf32> to vector<1x256x128xf32>
    %reduce_max3A_127 = arith.constant dense<0xFF800000> : vector<1xf32>
    %reduce_max3A_128 = vector.multi_reduction <maximumf>, %reduce_max3A_126, %reduce_max3A_127 [1, 2] : vector<1x256x128xf32> to vector<1xf32>
    %reduce_max3A_129 = vector.shape_cast %reduce_max3A_128 : vector<1xf32> to vector<1x1x1xf32>
    %reduce_max3A_130 = vector.extract %reduce_max3A_129[0, 0, 0] : f32 from vector<1x1x1xf32>
    %eq3A_131 = vector.broadcast %reduce_max3A_130 : f32 to vector<256x128xf32>
    %eq3A_132 = arith.cmpf oeq, %div3A_120, %eq3A_131 : vector<256x128xf32>
    %jit3A_133 = arith.constant 32768 : i32
    %broadcast_in_dim3A_134 = vector.broadcast %jit3A_133 : i32 to vector<256x128xi32>
    %select_n3A_135 = arith.select %eq3A_132, %add3A, %broadcast_in_dim3A_134 : vector<256x128xi1>, vector<256x128xi32>
    %reduce_min3A_136 = vector.shape_cast %select_n3A_135 : vector<256x128xi32> to vector<1x256x128xi32>
    %reduce_min3A_137 = arith.constant dense<2147483647> : vector<1xi32>
    %reduce_min3A_138 = vector.multi_reduction <minsi>, %reduce_min3A_136, %reduce_min3A_137 [1, 2] : vector<1x256x128xi32> to vector<1xi32>
    %reduce_min3A_139 = vector.shape_cast %reduce_min3A_138 : vector<1xi32> to vector<1x1x1xi32>
    %reduce_min3A_140 = vector.extract %reduce_min3A_139[0, 0, 0] : i32 from vector<1x1x1xi32>
    %slice3A_141 = vector.extract_strided_slice %get3A_42 {offsets = [2, 0], sizes = [1, 1], strides = [1, 1]} : vector<16x5xf32> to vector<1x1xf32>
    %squeeze3A_142 = vector.extract %slice3A_141[0, 0] : f32 from vector<1x1xf32>
    %slice3A_143 = vector.extract_strided_slice %get3A_42 {offsets = [2, 1], sizes = [1, 1], strides = [1, 1]} : vector<16x5xf32> to vector<1x1xf32>
    %squeeze3A_144 = vector.extract %slice3A_143[0, 0] : f32 from vector<1x1xf32>
    %slice3A_145 = vector.extract_strided_slice %get3A_42 {offsets = [2, 2], sizes = [1, 1], strides = [1, 1]} : vector<16x5xf32> to vector<1x1xf32>
    %squeeze3A_146 = vector.extract %slice3A_145[0, 0] : f32 from vector<1x1xf32>
    %slice3A_147 = vector.extract_strided_slice %get3A_42 {offsets = [2, 3], sizes = [1, 1], strides = [1, 1]} : vector<16x5xf32> to vector<1x1xf32>
    %squeeze3A_148 = vector.extract %slice3A_147[0, 0] : f32 from vector<1x1xf32>
    %min3A_149 = vector.broadcast %squeeze3A_146 : f32 to vector<256x128xf32>
    %min3A_150 = arith.minimumf %min3A_149, %add3A_26 : vector<256x128xf32>
    %max3A_151 = vector.broadcast %squeeze3A_142 : f32 to vector<256x128xf32>
    %max3A_152 = arith.maximumf %max3A_151, %sub3A : vector<256x128xf32>
    %sub3A_153 = arith.subf %min3A_150, %max3A_152 : vector<256x128xf32>
    %jit3A_154 = arith.constant 0.000000e+00 : f32
    %max3A_155 = vector.broadcast %jit3A_154 : f32 to vector<256x128xf32>
    %max3A_156 = arith.maximumf %max3A_155, %sub3A_153 : vector<256x128xf32>
    %min3A_157 = vector.broadcast %squeeze3A_148 : f32 to vector<256x128xf32>
    %min3A_158 = arith.minimumf %min3A_157, %add3A_34 : vector<256x128xf32>
    %max3A_159 = vector.broadcast %squeeze3A_144 : f32 to vector<256x128xf32>
    %max3A_160 = arith.maximumf %max3A_159, %sub3A_18 : vector<256x128xf32>
    %sub3A_161 = arith.subf %min3A_158, %max3A_160 : vector<256x128xf32>
    %jit3A_162 = arith.constant 0.000000e+00 : f32
    %max3A_163 = vector.broadcast %jit3A_162 : f32 to vector<256x128xf32>
    %max3A_164 = arith.maximumf %max3A_163, %sub3A_161 : vector<256x128xf32>
    %mul3A_165 = arith.mulf %max3A_156, %max3A_164 : vector<256x128xf32>
    %sub3A_166 = arith.subf %squeeze3A_146, %squeeze3A_142 : f32
    %sub3A_167 = arith.subf %squeeze3A_148, %squeeze3A_144 : f32
    %mul3A_168 = arith.mulf %sub3A_166, %sub3A_167 : f32
    %add3A_169 = vector.broadcast %mul3A_168 : f32 to vector<256x128xf32>
    %add3A_170 = arith.addf %add3A_169, %mul3A_37 : vector<256x128xf32>
    %sub3A_171 = arith.subf %add3A_170, %mul3A_165 : vector<256x128xf32>
    %div3A_172 = arith.divf %mul3A_165, %sub3A_171 : vector<256x128xf32>
    %gt3A_173 = arith.cmpf ogt, %div3A_172, %select_n3A_125 : vector<256x128xf32>
    %jit3A_174 = arith.constant 2 : i32
    %broadcast_in_dim3A_175 = vector.broadcast %jit3A_174 : i32 to vector<256x128xi32>
    %select_n3A_176 = arith.select %gt3A_173, %broadcast_in_dim3A_175, %select_n3A_124 : vector<256x128xi1>, vector<256x128xi32>
    %select_n3A_177 = arith.select %gt3A_173, %div3A_172, %select_n3A_125 : vector<256x128xi1>, vector<256x128xf32>
    %reduce_max3A_178 = vector.shape_cast %div3A_172 : vector<256x128xf32> to vector<1x256x128xf32>
    %reduce_max3A_179 = arith.constant dense<0xFF800000> : vector<1xf32>
    %reduce_max3A_180 = vector.multi_reduction <maximumf>, %reduce_max3A_178, %reduce_max3A_179 [1, 2] : vector<1x256x128xf32> to vector<1xf32>
    %reduce_max3A_181 = vector.shape_cast %reduce_max3A_180 : vector<1xf32> to vector<1x1x1xf32>
    %reduce_max3A_182 = vector.extract %reduce_max3A_181[0, 0, 0] : f32 from vector<1x1x1xf32>
    %eq3A_183 = vector.broadcast %reduce_max3A_182 : f32 to vector<256x128xf32>
    %eq3A_184 = arith.cmpf oeq, %div3A_172, %eq3A_183 : vector<256x128xf32>
    %jit3A_185 = arith.constant 32768 : i32
    %broadcast_in_dim3A_186 = vector.broadcast %jit3A_185 : i32 to vector<256x128xi32>
    %select_n3A_187 = arith.select %eq3A_184, %add3A, %broadcast_in_dim3A_186 : vector<256x128xi1>, vector<256x128xi32>
    %reduce_min3A_188 = vector.shape_cast %select_n3A_187 : vector<256x128xi32> to vector<1x256x128xi32>
    %reduce_min3A_189 = arith.constant dense<2147483647> : vector<1xi32>
    %reduce_min3A_190 = vector.multi_reduction <minsi>, %reduce_min3A_188, %reduce_min3A_189 [1, 2] : vector<1x256x128xi32> to vector<1xi32>
    %reduce_min3A_191 = vector.shape_cast %reduce_min3A_190 : vector<1xi32> to vector<1x1x1xi32>
    %reduce_min3A_192 = vector.extract %reduce_min3A_191[0, 0, 0] : i32 from vector<1x1x1xi32>
    %slice3A_193 = vector.extract_strided_slice %get3A_42 {offsets = [3, 0], sizes = [1, 1], strides = [1, 1]} : vector<16x5xf32> to vector<1x1xf32>
    %squeeze3A_194 = vector.extract %slice3A_193[0, 0] : f32 from vector<1x1xf32>
    %slice3A_195 = vector.extract_strided_slice %get3A_42 {offsets = [3, 1], sizes = [1, 1], strides = [1, 1]} : vector<16x5xf32> to vector<1x1xf32>
    %squeeze3A_196 = vector.extract %slice3A_195[0, 0] : f32 from vector<1x1xf32>
    %slice3A_197 = vector.extract_strided_slice %get3A_42 {offsets = [3, 2], sizes = [1, 1], strides = [1, 1]} : vector<16x5xf32> to vector<1x1xf32>
    %squeeze3A_198 = vector.extract %slice3A_197[0, 0] : f32 from vector<1x1xf32>
    %slice3A_199 = vector.extract_strided_slice %get3A_42 {offsets = [3, 3], sizes = [1, 1], strides = [1, 1]} : vector<16x5xf32> to vector<1x1xf32>
    %squeeze3A_200 = vector.extract %slice3A_199[0, 0] : f32 from vector<1x1xf32>
    %min3A_201 = vector.broadcast %squeeze3A_198 : f32 to vector<256x128xf32>
    %min3A_202 = arith.minimumf %min3A_201, %add3A_26 : vector<256x128xf32>
    %max3A_203 = vector.broadcast %squeeze3A_194 : f32 to vector<256x128xf32>
    %max3A_204 = arith.maximumf %max3A_203, %sub3A : vector<256x128xf32>
    %sub3A_205 = arith.subf %min3A_202, %max3A_204 : vector<256x128xf32>
    %jit3A_206 = arith.constant 0.000000e+00 : f32
    %max3A_207 = vector.broadcast %jit3A_206 : f32 to vector<256x128xf32>
    %max3A_208 = arith.maximumf %max3A_207, %sub3A_205 : vector<256x128xf32>
    %min3A_209 = vector.broadcast %squeeze3A_200 : f32 to vector<256x128xf32>
    %min3A_210 = arith.minimumf %min3A_209, %add3A_34 : vector<256x128xf32>
    %max3A_211 = vector.broadcast %squeeze3A_196 : f32 to vector<256x128xf32>
    %max3A_212 = arith.maximumf %max3A_211, %sub3A_18 : vector<256x128xf32>
    %sub3A_213 = arith.subf %min3A_210, %max3A_212 : vector<256x128xf32>
    %jit3A_214 = arith.constant 0.000000e+00 : f32
    %max3A_215 = vector.broadcast %jit3A_214 : f32 to vector<256x128xf32>
    %max3A_216 = arith.maximumf %max3A_215, %sub3A_213 : vector<256x128xf32>
    %mul3A_217 = arith.mulf %max3A_208, %max3A_216 : vector<256x128xf32>
    %sub3A_218 = arith.subf %squeeze3A_198, %squeeze3A_194 : f32
    %sub3A_219 = arith.subf %squeeze3A_200, %squeeze3A_196 : f32
    %mul3A_220 = arith.mulf %sub3A_218, %sub3A_219 : f32
    %add3A_221 = vector.broadcast %mul3A_220 : f32 to vector<256x128xf32>
    %add3A_222 = arith.addf %add3A_221, %mul3A_37 : vector<256x128xf32>
    %sub3A_223 = arith.subf %add3A_222, %mul3A_217 : vector<256x128xf32>
    %div3A_224 = arith.divf %mul3A_217, %sub3A_223 : vector<256x128xf32>
    %gt3A_225 = arith.cmpf ogt, %div3A_224, %select_n3A_177 : vector<256x128xf32>
    %jit3A_226 = arith.constant 3 : i32
    %broadcast_in_dim3A_227 = vector.broadcast %jit3A_226 : i32 to vector<256x128xi32>
    %select_n3A_228 = arith.select %gt3A_225, %broadcast_in_dim3A_227, %select_n3A_176 : vector<256x128xi1>, vector<256x128xi32>
    %select_n3A_229 = arith.select %gt3A_225, %div3A_224, %select_n3A_177 : vector<256x128xi1>, vector<256x128xf32>
    %reduce_max3A_230 = vector.shape_cast %div3A_224 : vector<256x128xf32> to vector<1x256x128xf32>
    %reduce_max3A_231 = arith.constant dense<0xFF800000> : vector<1xf32>
    %reduce_max3A_232 = vector.multi_reduction <maximumf>, %reduce_max3A_230, %reduce_max3A_231 [1, 2] : vector<1x256x128xf32> to vector<1xf32>
    %reduce_max3A_233 = vector.shape_cast %reduce_max3A_232 : vector<1xf32> to vector<1x1x1xf32>
    %reduce_max3A_234 = vector.extract %reduce_max3A_233[0, 0, 0] : f32 from vector<1x1x1xf32>
    %eq3A_235 = vector.broadcast %reduce_max3A_234 : f32 to vector<256x128xf32>
    %eq3A_236 = arith.cmpf oeq, %div3A_224, %eq3A_235 : vector<256x128xf32>
    %jit3A_237 = arith.constant 32768 : i32
    %broadcast_in_dim3A_238 = vector.broadcast %jit3A_237 : i32 to vector<256x128xi32>
    %select_n3A_239 = arith.select %eq3A_236, %add3A, %broadcast_in_dim3A_238 : vector<256x128xi1>, vector<256x128xi32>
    %reduce_min3A_240 = vector.shape_cast %select_n3A_239 : vector<256x128xi32> to vector<1x256x128xi32>
    %reduce_min3A_241 = arith.constant dense<2147483647> : vector<1xi32>
    %reduce_min3A_242 = vector.multi_reduction <minsi>, %reduce_min3A_240, %reduce_min3A_241 [1, 2] : vector<1x256x128xi32> to vector<1xi32>
    %reduce_min3A_243 = vector.shape_cast %reduce_min3A_242 : vector<1xi32> to vector<1x1x1xi32>
    %reduce_min3A_244 = vector.extract %reduce_min3A_243[0, 0, 0] : i32 from vector<1x1x1xi32>
    %slice3A_245 = vector.extract_strided_slice %get3A_42 {offsets = [4, 0], sizes = [1, 1], strides = [1, 1]} : vector<16x5xf32> to vector<1x1xf32>
    %squeeze3A_246 = vector.extract %slice3A_245[0, 0] : f32 from vector<1x1xf32>
    %slice3A_247 = vector.extract_strided_slice %get3A_42 {offsets = [4, 1], sizes = [1, 1], strides = [1, 1]} : vector<16x5xf32> to vector<1x1xf32>
    %squeeze3A_248 = vector.extract %slice3A_247[0, 0] : f32 from vector<1x1xf32>
    %slice3A_249 = vector.extract_strided_slice %get3A_42 {offsets = [4, 2], sizes = [1, 1], strides = [1, 1]} : vector<16x5xf32> to vector<1x1xf32>
    %squeeze3A_250 = vector.extract %slice3A_249[0, 0] : f32 from vector<1x1xf32>
    %slice3A_251 = vector.extract_strided_slice %get3A_42 {offsets = [4, 3], sizes = [1, 1], strides = [1, 1]} : vector<16x5xf32> to vector<1x1xf32>
    %squeeze3A_252 = vector.extract %slice3A_251[0, 0] : f32 from vector<1x1xf32>
    %min3A_253 = vector.broadcast %squeeze3A_250 : f32 to vector<256x128xf32>
    %min3A_254 = arith.minimumf %min3A_253, %add3A_26 : vector<256x128xf32>
    %max3A_255 = vector.broadcast %squeeze3A_246 : f32 to vector<256x128xf32>
    %max3A_256 = arith.maximumf %max3A_255, %sub3A : vector<256x128xf32>
    %sub3A_257 = arith.subf %min3A_254, %max3A_256 : vector<256x128xf32>
    %jit3A_258 = arith.constant 0.000000e+00 : f32
    %max3A_259 = vector.broadcast %jit3A_258 : f32 to vector<256x128xf32>
    %max3A_260 = arith.maximumf %max3A_259, %sub3A_257 : vector<256x128xf32>
    %min3A_261 = vector.broadcast %squeeze3A_252 : f32 to vector<256x128xf32>
    %min3A_262 = arith.minimumf %min3A_261, %add3A_34 : vector<256x128xf32>
    %max3A_263 = vector.broadcast %squeeze3A_248 : f32 to vector<256x128xf32>
    %max3A_264 = arith.maximumf %max3A_263, %sub3A_18 : vector<256x128xf32>
    %sub3A_265 = arith.subf %min3A_262, %max3A_264 : vector<256x128xf32>
    %jit3A_266 = arith.constant 0.000000e+00 : f32
    %max3A_267 = vector.broadcast %jit3A_266 : f32 to vector<256x128xf32>
    %max3A_268 = arith.maximumf %max3A_267, %sub3A_265 : vector<256x128xf32>
    %mul3A_269 = arith.mulf %max3A_260, %max3A_268 : vector<256x128xf32>
    %sub3A_270 = arith.subf %squeeze3A_250, %squeeze3A_246 : f32
    %sub3A_271 = arith.subf %squeeze3A_252, %squeeze3A_248 : f32
    %mul3A_272 = arith.mulf %sub3A_270, %sub3A_271 : f32
    %add3A_273 = vector.broadcast %mul3A_272 : f32 to vector<256x128xf32>
    %add3A_274 = arith.addf %add3A_273, %mul3A_37 : vector<256x128xf32>
    %sub3A_275 = arith.subf %add3A_274, %mul3A_269 : vector<256x128xf32>
    %div3A_276 = arith.divf %mul3A_269, %sub3A_275 : vector<256x128xf32>
    %gt3A_277 = arith.cmpf ogt, %div3A_276, %select_n3A_229 : vector<256x128xf32>
    %jit3A_278 = arith.constant 4 : i32
    %broadcast_in_dim3A_279 = vector.broadcast %jit3A_278 : i32 to vector<256x128xi32>
    %select_n3A_280 = arith.select %gt3A_277, %broadcast_in_dim3A_279, %select_n3A_228 : vector<256x128xi1>, vector<256x128xi32>
    %select_n3A_281 = arith.select %gt3A_277, %div3A_276, %select_n3A_229 : vector<256x128xi1>, vector<256x128xf32>
    %reduce_max3A_282 = vector.shape_cast %div3A_276 : vector<256x128xf32> to vector<1x256x128xf32>
    %reduce_max3A_283 = arith.constant dense<0xFF800000> : vector<1xf32>
    %reduce_max3A_284 = vector.multi_reduction <maximumf>, %reduce_max3A_282, %reduce_max3A_283 [1, 2] : vector<1x256x128xf32> to vector<1xf32>
    %reduce_max3A_285 = vector.shape_cast %reduce_max3A_284 : vector<1xf32> to vector<1x1x1xf32>
    %reduce_max3A_286 = vector.extract %reduce_max3A_285[0, 0, 0] : f32 from vector<1x1x1xf32>
    %eq3A_287 = vector.broadcast %reduce_max3A_286 : f32 to vector<256x128xf32>
    %eq3A_288 = arith.cmpf oeq, %div3A_276, %eq3A_287 : vector<256x128xf32>
    %jit3A_289 = arith.constant 32768 : i32
    %broadcast_in_dim3A_290 = vector.broadcast %jit3A_289 : i32 to vector<256x128xi32>
    %select_n3A_291 = arith.select %eq3A_288, %add3A, %broadcast_in_dim3A_290 : vector<256x128xi1>, vector<256x128xi32>
    %reduce_min3A_292 = vector.shape_cast %select_n3A_291 : vector<256x128xi32> to vector<1x256x128xi32>
    %reduce_min3A_293 = arith.constant dense<2147483647> : vector<1xi32>
    %reduce_min3A_294 = vector.multi_reduction <minsi>, %reduce_min3A_292, %reduce_min3A_293 [1, 2] : vector<1x256x128xi32> to vector<1xi32>
    %reduce_min3A_295 = vector.shape_cast %reduce_min3A_294 : vector<1xi32> to vector<1x1x1xi32>
    %reduce_min3A_296 = vector.extract %reduce_min3A_295[0, 0, 0] : i32 from vector<1x1x1xi32>
    %slice3A_297 = vector.extract_strided_slice %get3A_42 {offsets = [5, 0], sizes = [1, 1], strides = [1, 1]} : vector<16x5xf32> to vector<1x1xf32>
    %squeeze3A_298 = vector.extract %slice3A_297[0, 0] : f32 from vector<1x1xf32>
    %slice3A_299 = vector.extract_strided_slice %get3A_42 {offsets = [5, 1], sizes = [1, 1], strides = [1, 1]} : vector<16x5xf32> to vector<1x1xf32>
    %squeeze3A_300 = vector.extract %slice3A_299[0, 0] : f32 from vector<1x1xf32>
    %slice3A_301 = vector.extract_strided_slice %get3A_42 {offsets = [5, 2], sizes = [1, 1], strides = [1, 1]} : vector<16x5xf32> to vector<1x1xf32>
    %squeeze3A_302 = vector.extract %slice3A_301[0, 0] : f32 from vector<1x1xf32>
    %slice3A_303 = vector.extract_strided_slice %get3A_42 {offsets = [5, 3], sizes = [1, 1], strides = [1, 1]} : vector<16x5xf32> to vector<1x1xf32>
    %squeeze3A_304 = vector.extract %slice3A_303[0, 0] : f32 from vector<1x1xf32>
    %min3A_305 = vector.broadcast %squeeze3A_302 : f32 to vector<256x128xf32>
    %min3A_306 = arith.minimumf %min3A_305, %add3A_26 : vector<256x128xf32>
    %max3A_307 = vector.broadcast %squeeze3A_298 : f32 to vector<256x128xf32>
    %max3A_308 = arith.maximumf %max3A_307, %sub3A : vector<256x128xf32>
    %sub3A_309 = arith.subf %min3A_306, %max3A_308 : vector<256x128xf32>
    %jit3A_310 = arith.constant 0.000000e+00 : f32
    %max3A_311 = vector.broadcast %jit3A_310 : f32 to vector<256x128xf32>
    %max3A_312 = arith.maximumf %max3A_311, %sub3A_309 : vector<256x128xf32>
    %min3A_313 = vector.broadcast %squeeze3A_304 : f32 to vector<256x128xf32>
    %min3A_314 = arith.minimumf %min3A_313, %add3A_34 : vector<256x128xf32>
    %max3A_315 = vector.broadcast %squeeze3A_300 : f32 to vector<256x128xf32>
    %max3A_316 = arith.maximumf %max3A_315, %sub3A_18 : vector<256x128xf32>
    %sub3A_317 = arith.subf %min3A_314, %max3A_316 : vector<256x128xf32>
    %jit3A_318 = arith.constant 0.000000e+00 : f32
    %max3A_319 = vector.broadcast %jit3A_318 : f32 to vector<256x128xf32>
    %max3A_320 = arith.maximumf %max3A_319, %sub3A_317 : vector<256x128xf32>
    %mul3A_321 = arith.mulf %max3A_312, %max3A_320 : vector<256x128xf32>
    %sub3A_322 = arith.subf %squeeze3A_302, %squeeze3A_298 : f32
    %sub3A_323 = arith.subf %squeeze3A_304, %squeeze3A_300 : f32
    %mul3A_324 = arith.mulf %sub3A_322, %sub3A_323 : f32
    %add3A_325 = vector.broadcast %mul3A_324 : f32 to vector<256x128xf32>
    %add3A_326 = arith.addf %add3A_325, %mul3A_37 : vector<256x128xf32>
    %sub3A_327 = arith.subf %add3A_326, %mul3A_321 : vector<256x128xf32>
    %div3A_328 = arith.divf %mul3A_321, %sub3A_327 : vector<256x128xf32>
    %gt3A_329 = arith.cmpf ogt, %div3A_328, %select_n3A_281 : vector<256x128xf32>
    %jit3A_330 = arith.constant 5 : i32
    %broadcast_in_dim3A_331 = vector.broadcast %jit3A_330 : i32 to vector<256x128xi32>
    %select_n3A_332 = arith.select %gt3A_329, %broadcast_in_dim3A_331, %select_n3A_280 : vector<256x128xi1>, vector<256x128xi32>
    %select_n3A_333 = arith.select %gt3A_329, %div3A_328, %select_n3A_281 : vector<256x128xi1>, vector<256x128xf32>
    %reduce_max3A_334 = vector.shape_cast %div3A_328 : vector<256x128xf32> to vector<1x256x128xf32>
    %reduce_max3A_335 = arith.constant dense<0xFF800000> : vector<1xf32>
    %reduce_max3A_336 = vector.multi_reduction <maximumf>, %reduce_max3A_334, %reduce_max3A_335 [1, 2] : vector<1x256x128xf32> to vector<1xf32>
    %reduce_max3A_337 = vector.shape_cast %reduce_max3A_336 : vector<1xf32> to vector<1x1x1xf32>
    %reduce_max3A_338 = vector.extract %reduce_max3A_337[0, 0, 0] : f32 from vector<1x1x1xf32>
    %eq3A_339 = vector.broadcast %reduce_max3A_338 : f32 to vector<256x128xf32>
    %eq3A_340 = arith.cmpf oeq, %div3A_328, %eq3A_339 : vector<256x128xf32>
    %jit3A_341 = arith.constant 32768 : i32
    %broadcast_in_dim3A_342 = vector.broadcast %jit3A_341 : i32 to vector<256x128xi32>
    %select_n3A_343 = arith.select %eq3A_340, %add3A, %broadcast_in_dim3A_342 : vector<256x128xi1>, vector<256x128xi32>
    %reduce_min3A_344 = vector.shape_cast %select_n3A_343 : vector<256x128xi32> to vector<1x256x128xi32>
    %reduce_min3A_345 = arith.constant dense<2147483647> : vector<1xi32>
    %reduce_min3A_346 = vector.multi_reduction <minsi>, %reduce_min3A_344, %reduce_min3A_345 [1, 2] : vector<1x256x128xi32> to vector<1xi32>
    %reduce_min3A_347 = vector.shape_cast %reduce_min3A_346 : vector<1xi32> to vector<1x1x1xi32>
    %reduce_min3A_348 = vector.extract %reduce_min3A_347[0, 0, 0] : i32 from vector<1x1x1xi32>
    %slice3A_349 = vector.extract_strided_slice %get3A_42 {offsets = [6, 0], sizes = [1, 1], strides = [1, 1]} : vector<16x5xf32> to vector<1x1xf32>
    %squeeze3A_350 = vector.extract %slice3A_349[0, 0] : f32 from vector<1x1xf32>
    %slice3A_351 = vector.extract_strided_slice %get3A_42 {offsets = [6, 1], sizes = [1, 1], strides = [1, 1]} : vector<16x5xf32> to vector<1x1xf32>
    %squeeze3A_352 = vector.extract %slice3A_351[0, 0] : f32 from vector<1x1xf32>
    %slice3A_353 = vector.extract_strided_slice %get3A_42 {offsets = [6, 2], sizes = [1, 1], strides = [1, 1]} : vector<16x5xf32> to vector<1x1xf32>
    %squeeze3A_354 = vector.extract %slice3A_353[0, 0] : f32 from vector<1x1xf32>
    %slice3A_355 = vector.extract_strided_slice %get3A_42 {offsets = [6, 3], sizes = [1, 1], strides = [1, 1]} : vector<16x5xf32> to vector<1x1xf32>
    %squeeze3A_356 = vector.extract %slice3A_355[0, 0] : f32 from vector<1x1xf32>
    %min3A_357 = vector.broadcast %squeeze3A_354 : f32 to vector<256x128xf32>
    %min3A_358 = arith.minimumf %min3A_357, %add3A_26 : vector<256x128xf32>
    %max3A_359 = vector.broadcast %squeeze3A_350 : f32 to vector<256x128xf32>
    %max3A_360 = arith.maximumf %max3A_359, %sub3A : vector<256x128xf32>
    %sub3A_361 = arith.subf %min3A_358, %max3A_360 : vector<256x128xf32>
    %jit3A_362 = arith.constant 0.000000e+00 : f32
    %max3A_363 = vector.broadcast %jit3A_362 : f32 to vector<256x128xf32>
    %max3A_364 = arith.maximumf %max3A_363, %sub3A_361 : vector<256x128xf32>
    %min3A_365 = vector.broadcast %squeeze3A_356 : f32 to vector<256x128xf32>
    %min3A_366 = arith.minimumf %min3A_365, %add3A_34 : vector<256x128xf32>
    %max3A_367 = vector.broadcast %squeeze3A_352 : f32 to vector<256x128xf32>
    %max3A_368 = arith.maximumf %max3A_367, %sub3A_18 : vector<256x128xf32>
    %sub3A_369 = arith.subf %min3A_366, %max3A_368 : vector<256x128xf32>
    %jit3A_370 = arith.constant 0.000000e+00 : f32
    %max3A_371 = vector.broadcast %jit3A_370 : f32 to vector<256x128xf32>
    %max3A_372 = arith.maximumf %max3A_371, %sub3A_369 : vector<256x128xf32>
    %mul3A_373 = arith.mulf %max3A_364, %max3A_372 : vector<256x128xf32>
    %sub3A_374 = arith.subf %squeeze3A_354, %squeeze3A_350 : f32
    %sub3A_375 = arith.subf %squeeze3A_356, %squeeze3A_352 : f32
    %mul3A_376 = arith.mulf %sub3A_374, %sub3A_375 : f32
    %add3A_377 = vector.broadcast %mul3A_376 : f32 to vector<256x128xf32>
    %add3A_378 = arith.addf %add3A_377, %mul3A_37 : vector<256x128xf32>
    %sub3A_379 = arith.subf %add3A_378, %mul3A_373 : vector<256x128xf32>
    %div3A_380 = arith.divf %mul3A_373, %sub3A_379 : vector<256x128xf32>
    %gt3A_381 = arith.cmpf ogt, %div3A_380, %select_n3A_333 : vector<256x128xf32>
    %jit3A_382 = arith.constant 6 : i32
    %broadcast_in_dim3A_383 = vector.broadcast %jit3A_382 : i32 to vector<256x128xi32>
    %select_n3A_384 = arith.select %gt3A_381, %broadcast_in_dim3A_383, %select_n3A_332 : vector<256x128xi1>, vector<256x128xi32>
    %select_n3A_385 = arith.select %gt3A_381, %div3A_380, %select_n3A_333 : vector<256x128xi1>, vector<256x128xf32>
    %reduce_max3A_386 = vector.shape_cast %div3A_380 : vector<256x128xf32> to vector<1x256x128xf32>
    %reduce_max3A_387 = arith.constant dense<0xFF800000> : vector<1xf32>
    %reduce_max3A_388 = vector.multi_reduction <maximumf>, %reduce_max3A_386, %reduce_max3A_387 [1, 2] : vector<1x256x128xf32> to vector<1xf32>
    %reduce_max3A_389 = vector.shape_cast %reduce_max3A_388 : vector<1xf32> to vector<1x1x1xf32>
    %reduce_max3A_390 = vector.extract %reduce_max3A_389[0, 0, 0] : f32 from vector<1x1x1xf32>
    %eq3A_391 = vector.broadcast %reduce_max3A_390 : f32 to vector<256x128xf32>
    %eq3A_392 = arith.cmpf oeq, %div3A_380, %eq3A_391 : vector<256x128xf32>
    %jit3A_393 = arith.constant 32768 : i32
    %broadcast_in_dim3A_394 = vector.broadcast %jit3A_393 : i32 to vector<256x128xi32>
    %select_n3A_395 = arith.select %eq3A_392, %add3A, %broadcast_in_dim3A_394 : vector<256x128xi1>, vector<256x128xi32>
    %reduce_min3A_396 = vector.shape_cast %select_n3A_395 : vector<256x128xi32> to vector<1x256x128xi32>
    %reduce_min3A_397 = arith.constant dense<2147483647> : vector<1xi32>
    %reduce_min3A_398 = vector.multi_reduction <minsi>, %reduce_min3A_396, %reduce_min3A_397 [1, 2] : vector<1x256x128xi32> to vector<1xi32>
    %reduce_min3A_399 = vector.shape_cast %reduce_min3A_398 : vector<1xi32> to vector<1x1x1xi32>
    %reduce_min3A_400 = vector.extract %reduce_min3A_399[0, 0, 0] : i32 from vector<1x1x1xi32>
    %slice3A_401 = vector.extract_strided_slice %get3A_42 {offsets = [7, 0], sizes = [1, 1], strides = [1, 1]} : vector<16x5xf32> to vector<1x1xf32>
    %squeeze3A_402 = vector.extract %slice3A_401[0, 0] : f32 from vector<1x1xf32>
    %slice3A_403 = vector.extract_strided_slice %get3A_42 {offsets = [7, 1], sizes = [1, 1], strides = [1, 1]} : vector<16x5xf32> to vector<1x1xf32>
    %squeeze3A_404 = vector.extract %slice3A_403[0, 0] : f32 from vector<1x1xf32>
    %slice3A_405 = vector.extract_strided_slice %get3A_42 {offsets = [7, 2], sizes = [1, 1], strides = [1, 1]} : vector<16x5xf32> to vector<1x1xf32>
    %squeeze3A_406 = vector.extract %slice3A_405[0, 0] : f32 from vector<1x1xf32>
    %slice3A_407 = vector.extract_strided_slice %get3A_42 {offsets = [7, 3], sizes = [1, 1], strides = [1, 1]} : vector<16x5xf32> to vector<1x1xf32>
    %squeeze3A_408 = vector.extract %slice3A_407[0, 0] : f32 from vector<1x1xf32>
    %min3A_409 = vector.broadcast %squeeze3A_406 : f32 to vector<256x128xf32>
    %min3A_410 = arith.minimumf %min3A_409, %add3A_26 : vector<256x128xf32>
    %max3A_411 = vector.broadcast %squeeze3A_402 : f32 to vector<256x128xf32>
    %max3A_412 = arith.maximumf %max3A_411, %sub3A : vector<256x128xf32>
    %sub3A_413 = arith.subf %min3A_410, %max3A_412 : vector<256x128xf32>
    %jit3A_414 = arith.constant 0.000000e+00 : f32
    %max3A_415 = vector.broadcast %jit3A_414 : f32 to vector<256x128xf32>
    %max3A_416 = arith.maximumf %max3A_415, %sub3A_413 : vector<256x128xf32>
    %min3A_417 = vector.broadcast %squeeze3A_408 : f32 to vector<256x128xf32>
    %min3A_418 = arith.minimumf %min3A_417, %add3A_34 : vector<256x128xf32>
    %max3A_419 = vector.broadcast %squeeze3A_404 : f32 to vector<256x128xf32>
    %max3A_420 = arith.maximumf %max3A_419, %sub3A_18 : vector<256x128xf32>
    %sub3A_421 = arith.subf %min3A_418, %max3A_420 : vector<256x128xf32>
    %jit3A_422 = arith.constant 0.000000e+00 : f32
    %max3A_423 = vector.broadcast %jit3A_422 : f32 to vector<256x128xf32>
    %max3A_424 = arith.maximumf %max3A_423, %sub3A_421 : vector<256x128xf32>
    %mul3A_425 = arith.mulf %max3A_416, %max3A_424 : vector<256x128xf32>
    %sub3A_426 = arith.subf %squeeze3A_406, %squeeze3A_402 : f32
    %sub3A_427 = arith.subf %squeeze3A_408, %squeeze3A_404 : f32
    %mul3A_428 = arith.mulf %sub3A_426, %sub3A_427 : f32
    %add3A_429 = vector.broadcast %mul3A_428 : f32 to vector<256x128xf32>
    %add3A_430 = arith.addf %add3A_429, %mul3A_37 : vector<256x128xf32>
    %sub3A_431 = arith.subf %add3A_430, %mul3A_425 : vector<256x128xf32>
    %div3A_432 = arith.divf %mul3A_425, %sub3A_431 : vector<256x128xf32>
    %gt3A_433 = arith.cmpf ogt, %div3A_432, %select_n3A_385 : vector<256x128xf32>
    %jit3A_434 = arith.constant 7 : i32
    %broadcast_in_dim3A_435 = vector.broadcast %jit3A_434 : i32 to vector<256x128xi32>
    %select_n3A_436 = arith.select %gt3A_433, %broadcast_in_dim3A_435, %select_n3A_384 : vector<256x128xi1>, vector<256x128xi32>
    %select_n3A_437 = arith.select %gt3A_433, %div3A_432, %select_n3A_385 : vector<256x128xi1>, vector<256x128xf32>
    %reduce_max3A_438 = vector.shape_cast %div3A_432 : vector<256x128xf32> to vector<1x256x128xf32>
    %reduce_max3A_439 = arith.constant dense<0xFF800000> : vector<1xf32>
    %reduce_max3A_440 = vector.multi_reduction <maximumf>, %reduce_max3A_438, %reduce_max3A_439 [1, 2] : vector<1x256x128xf32> to vector<1xf32>
    %reduce_max3A_441 = vector.shape_cast %reduce_max3A_440 : vector<1xf32> to vector<1x1x1xf32>
    %reduce_max3A_442 = vector.extract %reduce_max3A_441[0, 0, 0] : f32 from vector<1x1x1xf32>
    %eq3A_443 = vector.broadcast %reduce_max3A_442 : f32 to vector<256x128xf32>
    %eq3A_444 = arith.cmpf oeq, %div3A_432, %eq3A_443 : vector<256x128xf32>
    %jit3A_445 = arith.constant 32768 : i32
    %broadcast_in_dim3A_446 = vector.broadcast %jit3A_445 : i32 to vector<256x128xi32>
    %select_n3A_447 = arith.select %eq3A_444, %add3A, %broadcast_in_dim3A_446 : vector<256x128xi1>, vector<256x128xi32>
    %reduce_min3A_448 = vector.shape_cast %select_n3A_447 : vector<256x128xi32> to vector<1x256x128xi32>
    %reduce_min3A_449 = arith.constant dense<2147483647> : vector<1xi32>
    %reduce_min3A_450 = vector.multi_reduction <minsi>, %reduce_min3A_448, %reduce_min3A_449 [1, 2] : vector<1x256x128xi32> to vector<1xi32>
    %reduce_min3A_451 = vector.shape_cast %reduce_min3A_450 : vector<1xi32> to vector<1x1x1xi32>
    %reduce_min3A_452 = vector.extract %reduce_min3A_451[0, 0, 0] : i32 from vector<1x1x1xi32>
    %slice3A_453 = vector.extract_strided_slice %get3A_42 {offsets = [8, 0], sizes = [1, 1], strides = [1, 1]} : vector<16x5xf32> to vector<1x1xf32>
    %squeeze3A_454 = vector.extract %slice3A_453[0, 0] : f32 from vector<1x1xf32>
    %slice3A_455 = vector.extract_strided_slice %get3A_42 {offsets = [8, 1], sizes = [1, 1], strides = [1, 1]} : vector<16x5xf32> to vector<1x1xf32>
    %squeeze3A_456 = vector.extract %slice3A_455[0, 0] : f32 from vector<1x1xf32>
    %slice3A_457 = vector.extract_strided_slice %get3A_42 {offsets = [8, 2], sizes = [1, 1], strides = [1, 1]} : vector<16x5xf32> to vector<1x1xf32>
    %squeeze3A_458 = vector.extract %slice3A_457[0, 0] : f32 from vector<1x1xf32>
    %slice3A_459 = vector.extract_strided_slice %get3A_42 {offsets = [8, 3], sizes = [1, 1], strides = [1, 1]} : vector<16x5xf32> to vector<1x1xf32>
    %squeeze3A_460 = vector.extract %slice3A_459[0, 0] : f32 from vector<1x1xf32>
    %min3A_461 = vector.broadcast %squeeze3A_458 : f32 to vector<256x128xf32>
    %min3A_462 = arith.minimumf %min3A_461, %add3A_26 : vector<256x128xf32>
    %max3A_463 = vector.broadcast %squeeze3A_454 : f32 to vector<256x128xf32>
    %max3A_464 = arith.maximumf %max3A_463, %sub3A : vector<256x128xf32>
    %sub3A_465 = arith.subf %min3A_462, %max3A_464 : vector<256x128xf32>
    %jit3A_466 = arith.constant 0.000000e+00 : f32
    %max3A_467 = vector.broadcast %jit3A_466 : f32 to vector<256x128xf32>
    %max3A_468 = arith.maximumf %max3A_467, %sub3A_465 : vector<256x128xf32>
    %min3A_469 = vector.broadcast %squeeze3A_460 : f32 to vector<256x128xf32>
    %min3A_470 = arith.minimumf %min3A_469, %add3A_34 : vector<256x128xf32>
    %max3A_471 = vector.broadcast %squeeze3A_456 : f32 to vector<256x128xf32>
    %max3A_472 = arith.maximumf %max3A_471, %sub3A_18 : vector<256x128xf32>
    %sub3A_473 = arith.subf %min3A_470, %max3A_472 : vector<256x128xf32>
    %jit3A_474 = arith.constant 0.000000e+00 : f32
    %max3A_475 = vector.broadcast %jit3A_474 : f32 to vector<256x128xf32>
    %max3A_476 = arith.maximumf %max3A_475, %sub3A_473 : vector<256x128xf32>
    %mul3A_477 = arith.mulf %max3A_468, %max3A_476 : vector<256x128xf32>
    %sub3A_478 = arith.subf %squeeze3A_458, %squeeze3A_454 : f32
    %sub3A_479 = arith.subf %squeeze3A_460, %squeeze3A_456 : f32
    %mul3A_480 = arith.mulf %sub3A_478, %sub3A_479 : f32
    %add3A_481 = vector.broadcast %mul3A_480 : f32 to vector<256x128xf32>
    %add3A_482 = arith.addf %add3A_481, %mul3A_37 : vector<256x128xf32>
    %sub3A_483 = arith.subf %add3A_482, %mul3A_477 : vector<256x128xf32>
    %div3A_484 = arith.divf %mul3A_477, %sub3A_483 : vector<256x128xf32>
    %gt3A_485 = arith.cmpf ogt, %div3A_484, %select_n3A_437 : vector<256x128xf32>
    %jit3A_486 = arith.constant 8 : i32
    %broadcast_in_dim3A_487 = vector.broadcast %jit3A_486 : i32 to vector<256x128xi32>
    %select_n3A_488 = arith.select %gt3A_485, %broadcast_in_dim3A_487, %select_n3A_436 : vector<256x128xi1>, vector<256x128xi32>
    %select_n3A_489 = arith.select %gt3A_485, %div3A_484, %select_n3A_437 : vector<256x128xi1>, vector<256x128xf32>
    %reduce_max3A_490 = vector.shape_cast %div3A_484 : vector<256x128xf32> to vector<1x256x128xf32>
    %reduce_max3A_491 = arith.constant dense<0xFF800000> : vector<1xf32>
    %reduce_max3A_492 = vector.multi_reduction <maximumf>, %reduce_max3A_490, %reduce_max3A_491 [1, 2] : vector<1x256x128xf32> to vector<1xf32>
    %reduce_max3A_493 = vector.shape_cast %reduce_max3A_492 : vector<1xf32> to vector<1x1x1xf32>
    %reduce_max3A_494 = vector.extract %reduce_max3A_493[0, 0, 0] : f32 from vector<1x1x1xf32>
    %eq3A_495 = vector.broadcast %reduce_max3A_494 : f32 to vector<256x128xf32>
    %eq3A_496 = arith.cmpf oeq, %div3A_484, %eq3A_495 : vector<256x128xf32>
    %jit3A_497 = arith.constant 32768 : i32
    %broadcast_in_dim3A_498 = vector.broadcast %jit3A_497 : i32 to vector<256x128xi32>
    %select_n3A_499 = arith.select %eq3A_496, %add3A, %broadcast_in_dim3A_498 : vector<256x128xi1>, vector<256x128xi32>
    %reduce_min3A_500 = vector.shape_cast %select_n3A_499 : vector<256x128xi32> to vector<1x256x128xi32>
    %reduce_min3A_501 = arith.constant dense<2147483647> : vector<1xi32>
    %reduce_min3A_502 = vector.multi_reduction <minsi>, %reduce_min3A_500, %reduce_min3A_501 [1, 2] : vector<1x256x128xi32> to vector<1xi32>
    %reduce_min3A_503 = vector.shape_cast %reduce_min3A_502 : vector<1xi32> to vector<1x1x1xi32>
    %reduce_min3A_504 = vector.extract %reduce_min3A_503[0, 0, 0] : i32 from vector<1x1x1xi32>
    %slice3A_505 = vector.extract_strided_slice %get3A_42 {offsets = [9, 0], sizes = [1, 1], strides = [1, 1]} : vector<16x5xf32> to vector<1x1xf32>
    %squeeze3A_506 = vector.extract %slice3A_505[0, 0] : f32 from vector<1x1xf32>
    %slice3A_507 = vector.extract_strided_slice %get3A_42 {offsets = [9, 1], sizes = [1, 1], strides = [1, 1]} : vector<16x5xf32> to vector<1x1xf32>
    %squeeze3A_508 = vector.extract %slice3A_507[0, 0] : f32 from vector<1x1xf32>
    %slice3A_509 = vector.extract_strided_slice %get3A_42 {offsets = [9, 2], sizes = [1, 1], strides = [1, 1]} : vector<16x5xf32> to vector<1x1xf32>
    %squeeze3A_510 = vector.extract %slice3A_509[0, 0] : f32 from vector<1x1xf32>
    %slice3A_511 = vector.extract_strided_slice %get3A_42 {offsets = [9, 3], sizes = [1, 1], strides = [1, 1]} : vector<16x5xf32> to vector<1x1xf32>
    %squeeze3A_512 = vector.extract %slice3A_511[0, 0] : f32 from vector<1x1xf32>
    %min3A_513 = vector.broadcast %squeeze3A_510 : f32 to vector<256x128xf32>
    %min3A_514 = arith.minimumf %min3A_513, %add3A_26 : vector<256x128xf32>
    %max3A_515 = vector.broadcast %squeeze3A_506 : f32 to vector<256x128xf32>
    %max3A_516 = arith.maximumf %max3A_515, %sub3A : vector<256x128xf32>
    %sub3A_517 = arith.subf %min3A_514, %max3A_516 : vector<256x128xf32>
    %jit3A_518 = arith.constant 0.000000e+00 : f32
    %max3A_519 = vector.broadcast %jit3A_518 : f32 to vector<256x128xf32>
    %max3A_520 = arith.maximumf %max3A_519, %sub3A_517 : vector<256x128xf32>
    %min3A_521 = vector.broadcast %squeeze3A_512 : f32 to vector<256x128xf32>
    %min3A_522 = arith.minimumf %min3A_521, %add3A_34 : vector<256x128xf32>
    %max3A_523 = vector.broadcast %squeeze3A_508 : f32 to vector<256x128xf32>
    %max3A_524 = arith.maximumf %max3A_523, %sub3A_18 : vector<256x128xf32>
    %sub3A_525 = arith.subf %min3A_522, %max3A_524 : vector<256x128xf32>
    %jit3A_526 = arith.constant 0.000000e+00 : f32
    %max3A_527 = vector.broadcast %jit3A_526 : f32 to vector<256x128xf32>
    %max3A_528 = arith.maximumf %max3A_527, %sub3A_525 : vector<256x128xf32>
    %mul3A_529 = arith.mulf %max3A_520, %max3A_528 : vector<256x128xf32>
    %sub3A_530 = arith.subf %squeeze3A_510, %squeeze3A_506 : f32
    %sub3A_531 = arith.subf %squeeze3A_512, %squeeze3A_508 : f32
    %mul3A_532 = arith.mulf %sub3A_530, %sub3A_531 : f32
    %add3A_533 = vector.broadcast %mul3A_532 : f32 to vector<256x128xf32>
    %add3A_534 = arith.addf %add3A_533, %mul3A_37 : vector<256x128xf32>
    %sub3A_535 = arith.subf %add3A_534, %mul3A_529 : vector<256x128xf32>
    %div3A_536 = arith.divf %mul3A_529, %sub3A_535 : vector<256x128xf32>
    %gt3A_537 = arith.cmpf ogt, %div3A_536, %select_n3A_489 : vector<256x128xf32>
    %jit3A_538 = arith.constant 9 : i32
    %broadcast_in_dim3A_539 = vector.broadcast %jit3A_538 : i32 to vector<256x128xi32>
    %select_n3A_540 = arith.select %gt3A_537, %broadcast_in_dim3A_539, %select_n3A_488 : vector<256x128xi1>, vector<256x128xi32>
    %select_n3A_541 = arith.select %gt3A_537, %div3A_536, %select_n3A_489 : vector<256x128xi1>, vector<256x128xf32>
    %reduce_max3A_542 = vector.shape_cast %div3A_536 : vector<256x128xf32> to vector<1x256x128xf32>
    %reduce_max3A_543 = arith.constant dense<0xFF800000> : vector<1xf32>
    %reduce_max3A_544 = vector.multi_reduction <maximumf>, %reduce_max3A_542, %reduce_max3A_543 [1, 2] : vector<1x256x128xf32> to vector<1xf32>
    %reduce_max3A_545 = vector.shape_cast %reduce_max3A_544 : vector<1xf32> to vector<1x1x1xf32>
    %reduce_max3A_546 = vector.extract %reduce_max3A_545[0, 0, 0] : f32 from vector<1x1x1xf32>
    %eq3A_547 = vector.broadcast %reduce_max3A_546 : f32 to vector<256x128xf32>
    %eq3A_548 = arith.cmpf oeq, %div3A_536, %eq3A_547 : vector<256x128xf32>
    %jit3A_549 = arith.constant 32768 : i32
    %broadcast_in_dim3A_550 = vector.broadcast %jit3A_549 : i32 to vector<256x128xi32>
    %select_n3A_551 = arith.select %eq3A_548, %add3A, %broadcast_in_dim3A_550 : vector<256x128xi1>, vector<256x128xi32>
    %reduce_min3A_552 = vector.shape_cast %select_n3A_551 : vector<256x128xi32> to vector<1x256x128xi32>
    %reduce_min3A_553 = arith.constant dense<2147483647> : vector<1xi32>
    %reduce_min3A_554 = vector.multi_reduction <minsi>, %reduce_min3A_552, %reduce_min3A_553 [1, 2] : vector<1x256x128xi32> to vector<1xi32>
    %reduce_min3A_555 = vector.shape_cast %reduce_min3A_554 : vector<1xi32> to vector<1x1x1xi32>
    %reduce_min3A_556 = vector.extract %reduce_min3A_555[0, 0, 0] : i32 from vector<1x1x1xi32>
    %slice3A_557 = vector.extract_strided_slice %get3A_42 {offsets = [10, 0], sizes = [1, 1], strides = [1, 1]} : vector<16x5xf32> to vector<1x1xf32>
    %squeeze3A_558 = vector.extract %slice3A_557[0, 0] : f32 from vector<1x1xf32>
    %slice3A_559 = vector.extract_strided_slice %get3A_42 {offsets = [10, 1], sizes = [1, 1], strides = [1, 1]} : vector<16x5xf32> to vector<1x1xf32>
    %squeeze3A_560 = vector.extract %slice3A_559[0, 0] : f32 from vector<1x1xf32>
    %slice3A_561 = vector.extract_strided_slice %get3A_42 {offsets = [10, 2], sizes = [1, 1], strides = [1, 1]} : vector<16x5xf32> to vector<1x1xf32>
    %squeeze3A_562 = vector.extract %slice3A_561[0, 0] : f32 from vector<1x1xf32>
    %slice3A_563 = vector.extract_strided_slice %get3A_42 {offsets = [10, 3], sizes = [1, 1], strides = [1, 1]} : vector<16x5xf32> to vector<1x1xf32>
    %squeeze3A_564 = vector.extract %slice3A_563[0, 0] : f32 from vector<1x1xf32>
    %min3A_565 = vector.broadcast %squeeze3A_562 : f32 to vector<256x128xf32>
    %min3A_566 = arith.minimumf %min3A_565, %add3A_26 : vector<256x128xf32>
    %max3A_567 = vector.broadcast %squeeze3A_558 : f32 to vector<256x128xf32>
    %max3A_568 = arith.maximumf %max3A_567, %sub3A : vector<256x128xf32>
    %sub3A_569 = arith.subf %min3A_566, %max3A_568 : vector<256x128xf32>
    %jit3A_570 = arith.constant 0.000000e+00 : f32
    %max3A_571 = vector.broadcast %jit3A_570 : f32 to vector<256x128xf32>
    %max3A_572 = arith.maximumf %max3A_571, %sub3A_569 : vector<256x128xf32>
    %min3A_573 = vector.broadcast %squeeze3A_564 : f32 to vector<256x128xf32>
    %min3A_574 = arith.minimumf %min3A_573, %add3A_34 : vector<256x128xf32>
    %max3A_575 = vector.broadcast %squeeze3A_560 : f32 to vector<256x128xf32>
    %max3A_576 = arith.maximumf %max3A_575, %sub3A_18 : vector<256x128xf32>
    %sub3A_577 = arith.subf %min3A_574, %max3A_576 : vector<256x128xf32>
    %jit3A_578 = arith.constant 0.000000e+00 : f32
    %max3A_579 = vector.broadcast %jit3A_578 : f32 to vector<256x128xf32>
    %max3A_580 = arith.maximumf %max3A_579, %sub3A_577 : vector<256x128xf32>
    %mul3A_581 = arith.mulf %max3A_572, %max3A_580 : vector<256x128xf32>
    %sub3A_582 = arith.subf %squeeze3A_562, %squeeze3A_558 : f32
    %sub3A_583 = arith.subf %squeeze3A_564, %squeeze3A_560 : f32
    %mul3A_584 = arith.mulf %sub3A_582, %sub3A_583 : f32
    %add3A_585 = vector.broadcast %mul3A_584 : f32 to vector<256x128xf32>
    %add3A_586 = arith.addf %add3A_585, %mul3A_37 : vector<256x128xf32>
    %sub3A_587 = arith.subf %add3A_586, %mul3A_581 : vector<256x128xf32>
    %div3A_588 = arith.divf %mul3A_581, %sub3A_587 : vector<256x128xf32>
    %gt3A_589 = arith.cmpf ogt, %div3A_588, %select_n3A_541 : vector<256x128xf32>
    %jit3A_590 = arith.constant 10 : i32
    %broadcast_in_dim3A_591 = vector.broadcast %jit3A_590 : i32 to vector<256x128xi32>
    %select_n3A_592 = arith.select %gt3A_589, %broadcast_in_dim3A_591, %select_n3A_540 : vector<256x128xi1>, vector<256x128xi32>
    %select_n3A_593 = arith.select %gt3A_589, %div3A_588, %select_n3A_541 : vector<256x128xi1>, vector<256x128xf32>
    %reduce_max3A_594 = vector.shape_cast %div3A_588 : vector<256x128xf32> to vector<1x256x128xf32>
    %reduce_max3A_595 = arith.constant dense<0xFF800000> : vector<1xf32>
    %reduce_max3A_596 = vector.multi_reduction <maximumf>, %reduce_max3A_594, %reduce_max3A_595 [1, 2] : vector<1x256x128xf32> to vector<1xf32>
    %reduce_max3A_597 = vector.shape_cast %reduce_max3A_596 : vector<1xf32> to vector<1x1x1xf32>
    %reduce_max3A_598 = vector.extract %reduce_max3A_597[0, 0, 0] : f32 from vector<1x1x1xf32>
    %eq3A_599 = vector.broadcast %reduce_max3A_598 : f32 to vector<256x128xf32>
    %eq3A_600 = arith.cmpf oeq, %div3A_588, %eq3A_599 : vector<256x128xf32>
    %jit3A_601 = arith.constant 32768 : i32
    %broadcast_in_dim3A_602 = vector.broadcast %jit3A_601 : i32 to vector<256x128xi32>
    %select_n3A_603 = arith.select %eq3A_600, %add3A, %broadcast_in_dim3A_602 : vector<256x128xi1>, vector<256x128xi32>
    %reduce_min3A_604 = vector.shape_cast %select_n3A_603 : vector<256x128xi32> to vector<1x256x128xi32>
    %reduce_min3A_605 = arith.constant dense<2147483647> : vector<1xi32>
    %reduce_min3A_606 = vector.multi_reduction <minsi>, %reduce_min3A_604, %reduce_min3A_605 [1, 2] : vector<1x256x128xi32> to vector<1xi32>
    %reduce_min3A_607 = vector.shape_cast %reduce_min3A_606 : vector<1xi32> to vector<1x1x1xi32>
    %reduce_min3A_608 = vector.extract %reduce_min3A_607[0, 0, 0] : i32 from vector<1x1x1xi32>
    %slice3A_609 = vector.extract_strided_slice %get3A_42 {offsets = [11, 0], sizes = [1, 1], strides = [1, 1]} : vector<16x5xf32> to vector<1x1xf32>
    %squeeze3A_610 = vector.extract %slice3A_609[0, 0] : f32 from vector<1x1xf32>
    %slice3A_611 = vector.extract_strided_slice %get3A_42 {offsets = [11, 1], sizes = [1, 1], strides = [1, 1]} : vector<16x5xf32> to vector<1x1xf32>
    %squeeze3A_612 = vector.extract %slice3A_611[0, 0] : f32 from vector<1x1xf32>
    %slice3A_613 = vector.extract_strided_slice %get3A_42 {offsets = [11, 2], sizes = [1, 1], strides = [1, 1]} : vector<16x5xf32> to vector<1x1xf32>
    %squeeze3A_614 = vector.extract %slice3A_613[0, 0] : f32 from vector<1x1xf32>
    %slice3A_615 = vector.extract_strided_slice %get3A_42 {offsets = [11, 3], sizes = [1, 1], strides = [1, 1]} : vector<16x5xf32> to vector<1x1xf32>
    %squeeze3A_616 = vector.extract %slice3A_615[0, 0] : f32 from vector<1x1xf32>
    %min3A_617 = vector.broadcast %squeeze3A_614 : f32 to vector<256x128xf32>
    %min3A_618 = arith.minimumf %min3A_617, %add3A_26 : vector<256x128xf32>
    %max3A_619 = vector.broadcast %squeeze3A_610 : f32 to vector<256x128xf32>
    %max3A_620 = arith.maximumf %max3A_619, %sub3A : vector<256x128xf32>
    %sub3A_621 = arith.subf %min3A_618, %max3A_620 : vector<256x128xf32>
    %jit3A_622 = arith.constant 0.000000e+00 : f32
    %max3A_623 = vector.broadcast %jit3A_622 : f32 to vector<256x128xf32>
    %max3A_624 = arith.maximumf %max3A_623, %sub3A_621 : vector<256x128xf32>
    %min3A_625 = vector.broadcast %squeeze3A_616 : f32 to vector<256x128xf32>
    %min3A_626 = arith.minimumf %min3A_625, %add3A_34 : vector<256x128xf32>
    %max3A_627 = vector.broadcast %squeeze3A_612 : f32 to vector<256x128xf32>
    %max3A_628 = arith.maximumf %max3A_627, %sub3A_18 : vector<256x128xf32>
    %sub3A_629 = arith.subf %min3A_626, %max3A_628 : vector<256x128xf32>
    %jit3A_630 = arith.constant 0.000000e+00 : f32
    %max3A_631 = vector.broadcast %jit3A_630 : f32 to vector<256x128xf32>
    %max3A_632 = arith.maximumf %max3A_631, %sub3A_629 : vector<256x128xf32>
    %mul3A_633 = arith.mulf %max3A_624, %max3A_632 : vector<256x128xf32>
    %sub3A_634 = arith.subf %squeeze3A_614, %squeeze3A_610 : f32
    %sub3A_635 = arith.subf %squeeze3A_616, %squeeze3A_612 : f32
    %mul3A_636 = arith.mulf %sub3A_634, %sub3A_635 : f32
    %add3A_637 = vector.broadcast %mul3A_636 : f32 to vector<256x128xf32>
    %add3A_638 = arith.addf %add3A_637, %mul3A_37 : vector<256x128xf32>
    %sub3A_639 = arith.subf %add3A_638, %mul3A_633 : vector<256x128xf32>
    %div3A_640 = arith.divf %mul3A_633, %sub3A_639 : vector<256x128xf32>
    %gt3A_641 = arith.cmpf ogt, %div3A_640, %select_n3A_593 : vector<256x128xf32>
    %jit3A_642 = arith.constant 11 : i32
    %broadcast_in_dim3A_643 = vector.broadcast %jit3A_642 : i32 to vector<256x128xi32>
    %select_n3A_644 = arith.select %gt3A_641, %broadcast_in_dim3A_643, %select_n3A_592 : vector<256x128xi1>, vector<256x128xi32>
    %select_n3A_645 = arith.select %gt3A_641, %div3A_640, %select_n3A_593 : vector<256x128xi1>, vector<256x128xf32>
    %reduce_max3A_646 = vector.shape_cast %div3A_640 : vector<256x128xf32> to vector<1x256x128xf32>
    %reduce_max3A_647 = arith.constant dense<0xFF800000> : vector<1xf32>
    %reduce_max3A_648 = vector.multi_reduction <maximumf>, %reduce_max3A_646, %reduce_max3A_647 [1, 2] : vector<1x256x128xf32> to vector<1xf32>
    %reduce_max3A_649 = vector.shape_cast %reduce_max3A_648 : vector<1xf32> to vector<1x1x1xf32>
    %reduce_max3A_650 = vector.extract %reduce_max3A_649[0, 0, 0] : f32 from vector<1x1x1xf32>
    %eq3A_651 = vector.broadcast %reduce_max3A_650 : f32 to vector<256x128xf32>
    %eq3A_652 = arith.cmpf oeq, %div3A_640, %eq3A_651 : vector<256x128xf32>
    %jit3A_653 = arith.constant 32768 : i32
    %broadcast_in_dim3A_654 = vector.broadcast %jit3A_653 : i32 to vector<256x128xi32>
    %select_n3A_655 = arith.select %eq3A_652, %add3A, %broadcast_in_dim3A_654 : vector<256x128xi1>, vector<256x128xi32>
    %reduce_min3A_656 = vector.shape_cast %select_n3A_655 : vector<256x128xi32> to vector<1x256x128xi32>
    %reduce_min3A_657 = arith.constant dense<2147483647> : vector<1xi32>
    %reduce_min3A_658 = vector.multi_reduction <minsi>, %reduce_min3A_656, %reduce_min3A_657 [1, 2] : vector<1x256x128xi32> to vector<1xi32>
    %reduce_min3A_659 = vector.shape_cast %reduce_min3A_658 : vector<1xi32> to vector<1x1x1xi32>
    %reduce_min3A_660 = vector.extract %reduce_min3A_659[0, 0, 0] : i32 from vector<1x1x1xi32>
    %slice3A_661 = vector.extract_strided_slice %get3A_42 {offsets = [12, 0], sizes = [1, 1], strides = [1, 1]} : vector<16x5xf32> to vector<1x1xf32>
    %squeeze3A_662 = vector.extract %slice3A_661[0, 0] : f32 from vector<1x1xf32>
    %slice3A_663 = vector.extract_strided_slice %get3A_42 {offsets = [12, 1], sizes = [1, 1], strides = [1, 1]} : vector<16x5xf32> to vector<1x1xf32>
    %squeeze3A_664 = vector.extract %slice3A_663[0, 0] : f32 from vector<1x1xf32>
    %slice3A_665 = vector.extract_strided_slice %get3A_42 {offsets = [12, 2], sizes = [1, 1], strides = [1, 1]} : vector<16x5xf32> to vector<1x1xf32>
    %squeeze3A_666 = vector.extract %slice3A_665[0, 0] : f32 from vector<1x1xf32>
    %slice3A_667 = vector.extract_strided_slice %get3A_42 {offsets = [12, 3], sizes = [1, 1], strides = [1, 1]} : vector<16x5xf32> to vector<1x1xf32>
    %squeeze3A_668 = vector.extract %slice3A_667[0, 0] : f32 from vector<1x1xf32>
    %min3A_669 = vector.broadcast %squeeze3A_666 : f32 to vector<256x128xf32>
    %min3A_670 = arith.minimumf %min3A_669, %add3A_26 : vector<256x128xf32>
    %max3A_671 = vector.broadcast %squeeze3A_662 : f32 to vector<256x128xf32>
    %max3A_672 = arith.maximumf %max3A_671, %sub3A : vector<256x128xf32>
    %sub3A_673 = arith.subf %min3A_670, %max3A_672 : vector<256x128xf32>
    %jit3A_674 = arith.constant 0.000000e+00 : f32
    %max3A_675 = vector.broadcast %jit3A_674 : f32 to vector<256x128xf32>
    %max3A_676 = arith.maximumf %max3A_675, %sub3A_673 : vector<256x128xf32>
    %min3A_677 = vector.broadcast %squeeze3A_668 : f32 to vector<256x128xf32>
    %min3A_678 = arith.minimumf %min3A_677, %add3A_34 : vector<256x128xf32>
    %max3A_679 = vector.broadcast %squeeze3A_664 : f32 to vector<256x128xf32>
    %max3A_680 = arith.maximumf %max3A_679, %sub3A_18 : vector<256x128xf32>
    %sub3A_681 = arith.subf %min3A_678, %max3A_680 : vector<256x128xf32>
    %jit3A_682 = arith.constant 0.000000e+00 : f32
    %max3A_683 = vector.broadcast %jit3A_682 : f32 to vector<256x128xf32>
    %max3A_684 = arith.maximumf %max3A_683, %sub3A_681 : vector<256x128xf32>
    %mul3A_685 = arith.mulf %max3A_676, %max3A_684 : vector<256x128xf32>
    %sub3A_686 = arith.subf %squeeze3A_666, %squeeze3A_662 : f32
    %sub3A_687 = arith.subf %squeeze3A_668, %squeeze3A_664 : f32
    %mul3A_688 = arith.mulf %sub3A_686, %sub3A_687 : f32
    %add3A_689 = vector.broadcast %mul3A_688 : f32 to vector<256x128xf32>
    %add3A_690 = arith.addf %add3A_689, %mul3A_37 : vector<256x128xf32>
    %sub3A_691 = arith.subf %add3A_690, %mul3A_685 : vector<256x128xf32>
    %div3A_692 = arith.divf %mul3A_685, %sub3A_691 : vector<256x128xf32>
    %gt3A_693 = arith.cmpf ogt, %div3A_692, %select_n3A_645 : vector<256x128xf32>
    %jit3A_694 = arith.constant 12 : i32
    %broadcast_in_dim3A_695 = vector.broadcast %jit3A_694 : i32 to vector<256x128xi32>
    %select_n3A_696 = arith.select %gt3A_693, %broadcast_in_dim3A_695, %select_n3A_644 : vector<256x128xi1>, vector<256x128xi32>
    %select_n3A_697 = arith.select %gt3A_693, %div3A_692, %select_n3A_645 : vector<256x128xi1>, vector<256x128xf32>
    %reduce_max3A_698 = vector.shape_cast %div3A_692 : vector<256x128xf32> to vector<1x256x128xf32>
    %reduce_max3A_699 = arith.constant dense<0xFF800000> : vector<1xf32>
    %reduce_max3A_700 = vector.multi_reduction <maximumf>, %reduce_max3A_698, %reduce_max3A_699 [1, 2] : vector<1x256x128xf32> to vector<1xf32>
    %reduce_max3A_701 = vector.shape_cast %reduce_max3A_700 : vector<1xf32> to vector<1x1x1xf32>
    %reduce_max3A_702 = vector.extract %reduce_max3A_701[0, 0, 0] : f32 from vector<1x1x1xf32>
    %eq3A_703 = vector.broadcast %reduce_max3A_702 : f32 to vector<256x128xf32>
    %eq3A_704 = arith.cmpf oeq, %div3A_692, %eq3A_703 : vector<256x128xf32>
    %jit3A_705 = arith.constant 32768 : i32
    %broadcast_in_dim3A_706 = vector.broadcast %jit3A_705 : i32 to vector<256x128xi32>
    %select_n3A_707 = arith.select %eq3A_704, %add3A, %broadcast_in_dim3A_706 : vector<256x128xi1>, vector<256x128xi32>
    %reduce_min3A_708 = vector.shape_cast %select_n3A_707 : vector<256x128xi32> to vector<1x256x128xi32>
    %reduce_min3A_709 = arith.constant dense<2147483647> : vector<1xi32>
    %reduce_min3A_710 = vector.multi_reduction <minsi>, %reduce_min3A_708, %reduce_min3A_709 [1, 2] : vector<1x256x128xi32> to vector<1xi32>
    %reduce_min3A_711 = vector.shape_cast %reduce_min3A_710 : vector<1xi32> to vector<1x1x1xi32>
    %reduce_min3A_712 = vector.extract %reduce_min3A_711[0, 0, 0] : i32 from vector<1x1x1xi32>
    %slice3A_713 = vector.extract_strided_slice %get3A_42 {offsets = [13, 0], sizes = [1, 1], strides = [1, 1]} : vector<16x5xf32> to vector<1x1xf32>
    %squeeze3A_714 = vector.extract %slice3A_713[0, 0] : f32 from vector<1x1xf32>
    %slice3A_715 = vector.extract_strided_slice %get3A_42 {offsets = [13, 1], sizes = [1, 1], strides = [1, 1]} : vector<16x5xf32> to vector<1x1xf32>
    %squeeze3A_716 = vector.extract %slice3A_715[0, 0] : f32 from vector<1x1xf32>
    %slice3A_717 = vector.extract_strided_slice %get3A_42 {offsets = [13, 2], sizes = [1, 1], strides = [1, 1]} : vector<16x5xf32> to vector<1x1xf32>
    %squeeze3A_718 = vector.extract %slice3A_717[0, 0] : f32 from vector<1x1xf32>
    %slice3A_719 = vector.extract_strided_slice %get3A_42 {offsets = [13, 3], sizes = [1, 1], strides = [1, 1]} : vector<16x5xf32> to vector<1x1xf32>
    %squeeze3A_720 = vector.extract %slice3A_719[0, 0] : f32 from vector<1x1xf32>
    %min3A_721 = vector.broadcast %squeeze3A_718 : f32 to vector<256x128xf32>
    %min3A_722 = arith.minimumf %min3A_721, %add3A_26 : vector<256x128xf32>
    %max3A_723 = vector.broadcast %squeeze3A_714 : f32 to vector<256x128xf32>
    %max3A_724 = arith.maximumf %max3A_723, %sub3A : vector<256x128xf32>
    %sub3A_725 = arith.subf %min3A_722, %max3A_724 : vector<256x128xf32>
    %jit3A_726 = arith.constant 0.000000e+00 : f32
    %max3A_727 = vector.broadcast %jit3A_726 : f32 to vector<256x128xf32>
    %max3A_728 = arith.maximumf %max3A_727, %sub3A_725 : vector<256x128xf32>
    %min3A_729 = vector.broadcast %squeeze3A_720 : f32 to vector<256x128xf32>
    %min3A_730 = arith.minimumf %min3A_729, %add3A_34 : vector<256x128xf32>
    %max3A_731 = vector.broadcast %squeeze3A_716 : f32 to vector<256x128xf32>
    %max3A_732 = arith.maximumf %max3A_731, %sub3A_18 : vector<256x128xf32>
    %sub3A_733 = arith.subf %min3A_730, %max3A_732 : vector<256x128xf32>
    %jit3A_734 = arith.constant 0.000000e+00 : f32
    %max3A_735 = vector.broadcast %jit3A_734 : f32 to vector<256x128xf32>
    %max3A_736 = arith.maximumf %max3A_735, %sub3A_733 : vector<256x128xf32>
    %mul3A_737 = arith.mulf %max3A_728, %max3A_736 : vector<256x128xf32>
    %sub3A_738 = arith.subf %squeeze3A_718, %squeeze3A_714 : f32
    %sub3A_739 = arith.subf %squeeze3A_720, %squeeze3A_716 : f32
    %mul3A_740 = arith.mulf %sub3A_738, %sub3A_739 : f32
    %add3A_741 = vector.broadcast %mul3A_740 : f32 to vector<256x128xf32>
    %add3A_742 = arith.addf %add3A_741, %mul3A_37 : vector<256x128xf32>
    %sub3A_743 = arith.subf %add3A_742, %mul3A_737 : vector<256x128xf32>
    %div3A_744 = arith.divf %mul3A_737, %sub3A_743 : vector<256x128xf32>
    %gt3A_745 = arith.cmpf ogt, %div3A_744, %select_n3A_697 : vector<256x128xf32>
    %jit3A_746 = arith.constant 13 : i32
    %broadcast_in_dim3A_747 = vector.broadcast %jit3A_746 : i32 to vector<256x128xi32>
    %select_n3A_748 = arith.select %gt3A_745, %broadcast_in_dim3A_747, %select_n3A_696 : vector<256x128xi1>, vector<256x128xi32>
    %select_n3A_749 = arith.select %gt3A_745, %div3A_744, %select_n3A_697 : vector<256x128xi1>, vector<256x128xf32>
    %reduce_max3A_750 = vector.shape_cast %div3A_744 : vector<256x128xf32> to vector<1x256x128xf32>
    %reduce_max3A_751 = arith.constant dense<0xFF800000> : vector<1xf32>
    %reduce_max3A_752 = vector.multi_reduction <maximumf>, %reduce_max3A_750, %reduce_max3A_751 [1, 2] : vector<1x256x128xf32> to vector<1xf32>
    %reduce_max3A_753 = vector.shape_cast %reduce_max3A_752 : vector<1xf32> to vector<1x1x1xf32>
    %reduce_max3A_754 = vector.extract %reduce_max3A_753[0, 0, 0] : f32 from vector<1x1x1xf32>
    %eq3A_755 = vector.broadcast %reduce_max3A_754 : f32 to vector<256x128xf32>
    %eq3A_756 = arith.cmpf oeq, %div3A_744, %eq3A_755 : vector<256x128xf32>
    %jit3A_757 = arith.constant 32768 : i32
    %broadcast_in_dim3A_758 = vector.broadcast %jit3A_757 : i32 to vector<256x128xi32>
    %select_n3A_759 = arith.select %eq3A_756, %add3A, %broadcast_in_dim3A_758 : vector<256x128xi1>, vector<256x128xi32>
    %reduce_min3A_760 = vector.shape_cast %select_n3A_759 : vector<256x128xi32> to vector<1x256x128xi32>
    %reduce_min3A_761 = arith.constant dense<2147483647> : vector<1xi32>
    %reduce_min3A_762 = vector.multi_reduction <minsi>, %reduce_min3A_760, %reduce_min3A_761 [1, 2] : vector<1x256x128xi32> to vector<1xi32>
    %reduce_min3A_763 = vector.shape_cast %reduce_min3A_762 : vector<1xi32> to vector<1x1x1xi32>
    %reduce_min3A_764 = vector.extract %reduce_min3A_763[0, 0, 0] : i32 from vector<1x1x1xi32>
    %slice3A_765 = vector.extract_strided_slice %get3A_42 {offsets = [14, 0], sizes = [1, 1], strides = [1, 1]} : vector<16x5xf32> to vector<1x1xf32>
    %squeeze3A_766 = vector.extract %slice3A_765[0, 0] : f32 from vector<1x1xf32>
    %slice3A_767 = vector.extract_strided_slice %get3A_42 {offsets = [14, 1], sizes = [1, 1], strides = [1, 1]} : vector<16x5xf32> to vector<1x1xf32>
    %squeeze3A_768 = vector.extract %slice3A_767[0, 0] : f32 from vector<1x1xf32>
    %slice3A_769 = vector.extract_strided_slice %get3A_42 {offsets = [14, 2], sizes = [1, 1], strides = [1, 1]} : vector<16x5xf32> to vector<1x1xf32>
    %squeeze3A_770 = vector.extract %slice3A_769[0, 0] : f32 from vector<1x1xf32>
    %slice3A_771 = vector.extract_strided_slice %get3A_42 {offsets = [14, 3], sizes = [1, 1], strides = [1, 1]} : vector<16x5xf32> to vector<1x1xf32>
    %squeeze3A_772 = vector.extract %slice3A_771[0, 0] : f32 from vector<1x1xf32>
    %min3A_773 = vector.broadcast %squeeze3A_770 : f32 to vector<256x128xf32>
    %min3A_774 = arith.minimumf %min3A_773, %add3A_26 : vector<256x128xf32>
    %max3A_775 = vector.broadcast %squeeze3A_766 : f32 to vector<256x128xf32>
    %max3A_776 = arith.maximumf %max3A_775, %sub3A : vector<256x128xf32>
    %sub3A_777 = arith.subf %min3A_774, %max3A_776 : vector<256x128xf32>
    %jit3A_778 = arith.constant 0.000000e+00 : f32
    %max3A_779 = vector.broadcast %jit3A_778 : f32 to vector<256x128xf32>
    %max3A_780 = arith.maximumf %max3A_779, %sub3A_777 : vector<256x128xf32>
    %min3A_781 = vector.broadcast %squeeze3A_772 : f32 to vector<256x128xf32>
    %min3A_782 = arith.minimumf %min3A_781, %add3A_34 : vector<256x128xf32>
    %max3A_783 = vector.broadcast %squeeze3A_768 : f32 to vector<256x128xf32>
    %max3A_784 = arith.maximumf %max3A_783, %sub3A_18 : vector<256x128xf32>
    %sub3A_785 = arith.subf %min3A_782, %max3A_784 : vector<256x128xf32>
    %jit3A_786 = arith.constant 0.000000e+00 : f32
    %max3A_787 = vector.broadcast %jit3A_786 : f32 to vector<256x128xf32>
    %max3A_788 = arith.maximumf %max3A_787, %sub3A_785 : vector<256x128xf32>
    %mul3A_789 = arith.mulf %max3A_780, %max3A_788 : vector<256x128xf32>
    %sub3A_790 = arith.subf %squeeze3A_770, %squeeze3A_766 : f32
    %sub3A_791 = arith.subf %squeeze3A_772, %squeeze3A_768 : f32
    %mul3A_792 = arith.mulf %sub3A_790, %sub3A_791 : f32
    %add3A_793 = vector.broadcast %mul3A_792 : f32 to vector<256x128xf32>
    %add3A_794 = arith.addf %add3A_793, %mul3A_37 : vector<256x128xf32>
    %sub3A_795 = arith.subf %add3A_794, %mul3A_789 : vector<256x128xf32>
    %div3A_796 = arith.divf %mul3A_789, %sub3A_795 : vector<256x128xf32>
    %gt3A_797 = arith.cmpf ogt, %div3A_796, %select_n3A_749 : vector<256x128xf32>
    %jit3A_798 = arith.constant 14 : i32
    %broadcast_in_dim3A_799 = vector.broadcast %jit3A_798 : i32 to vector<256x128xi32>
    %select_n3A_800 = arith.select %gt3A_797, %broadcast_in_dim3A_799, %select_n3A_748 : vector<256x128xi1>, vector<256x128xi32>
    %select_n3A_801 = arith.select %gt3A_797, %div3A_796, %select_n3A_749 : vector<256x128xi1>, vector<256x128xf32>
    %reduce_max3A_802 = vector.shape_cast %div3A_796 : vector<256x128xf32> to vector<1x256x128xf32>
    %reduce_max3A_803 = arith.constant dense<0xFF800000> : vector<1xf32>
    %reduce_max3A_804 = vector.multi_reduction <maximumf>, %reduce_max3A_802, %reduce_max3A_803 [1, 2] : vector<1x256x128xf32> to vector<1xf32>
    %reduce_max3A_805 = vector.shape_cast %reduce_max3A_804 : vector<1xf32> to vector<1x1x1xf32>
    %reduce_max3A_806 = vector.extract %reduce_max3A_805[0, 0, 0] : f32 from vector<1x1x1xf32>
    %eq3A_807 = vector.broadcast %reduce_max3A_806 : f32 to vector<256x128xf32>
    %eq3A_808 = arith.cmpf oeq, %div3A_796, %eq3A_807 : vector<256x128xf32>
    %jit3A_809 = arith.constant 32768 : i32
    %broadcast_in_dim3A_810 = vector.broadcast %jit3A_809 : i32 to vector<256x128xi32>
    %select_n3A_811 = arith.select %eq3A_808, %add3A, %broadcast_in_dim3A_810 : vector<256x128xi1>, vector<256x128xi32>
    %reduce_min3A_812 = vector.shape_cast %select_n3A_811 : vector<256x128xi32> to vector<1x256x128xi32>
    %reduce_min3A_813 = arith.constant dense<2147483647> : vector<1xi32>
    %reduce_min3A_814 = vector.multi_reduction <minsi>, %reduce_min3A_812, %reduce_min3A_813 [1, 2] : vector<1x256x128xi32> to vector<1xi32>
    %reduce_min3A_815 = vector.shape_cast %reduce_min3A_814 : vector<1xi32> to vector<1x1x1xi32>
    %reduce_min3A_816 = vector.extract %reduce_min3A_815[0, 0, 0] : i32 from vector<1x1x1xi32>
    %slice3A_817 = vector.extract_strided_slice %get3A_42 {offsets = [15, 0], sizes = [1, 1], strides = [1, 1]} : vector<16x5xf32> to vector<1x1xf32>
    %squeeze3A_818 = vector.extract %slice3A_817[0, 0] : f32 from vector<1x1xf32>
    %slice3A_819 = vector.extract_strided_slice %get3A_42 {offsets = [15, 1], sizes = [1, 1], strides = [1, 1]} : vector<16x5xf32> to vector<1x1xf32>
    %squeeze3A_820 = vector.extract %slice3A_819[0, 0] : f32 from vector<1x1xf32>
    %slice3A_821 = vector.extract_strided_slice %get3A_42 {offsets = [15, 2], sizes = [1, 1], strides = [1, 1]} : vector<16x5xf32> to vector<1x1xf32>
    %squeeze3A_822 = vector.extract %slice3A_821[0, 0] : f32 from vector<1x1xf32>
    %slice3A_823 = vector.extract_strided_slice %get3A_42 {offsets = [15, 3], sizes = [1, 1], strides = [1, 1]} : vector<16x5xf32> to vector<1x1xf32>
    %squeeze3A_824 = vector.extract %slice3A_823[0, 0] : f32 from vector<1x1xf32>
    %min3A_825 = vector.broadcast %squeeze3A_822 : f32 to vector<256x128xf32>
    %min3A_826 = arith.minimumf %min3A_825, %add3A_26 : vector<256x128xf32>
    %max3A_827 = vector.broadcast %squeeze3A_818 : f32 to vector<256x128xf32>
    %max3A_828 = arith.maximumf %max3A_827, %sub3A : vector<256x128xf32>
    %sub3A_829 = arith.subf %min3A_826, %max3A_828 : vector<256x128xf32>
    %jit3A_830 = arith.constant 0.000000e+00 : f32
    %max3A_831 = vector.broadcast %jit3A_830 : f32 to vector<256x128xf32>
    %max3A_832 = arith.maximumf %max3A_831, %sub3A_829 : vector<256x128xf32>
    %min3A_833 = vector.broadcast %squeeze3A_824 : f32 to vector<256x128xf32>
    %min3A_834 = arith.minimumf %min3A_833, %add3A_34 : vector<256x128xf32>
    %max3A_835 = vector.broadcast %squeeze3A_820 : f32 to vector<256x128xf32>
    %max3A_836 = arith.maximumf %max3A_835, %sub3A_18 : vector<256x128xf32>
    %sub3A_837 = arith.subf %min3A_834, %max3A_836 : vector<256x128xf32>
    %jit3A_838 = arith.constant 0.000000e+00 : f32
    %max3A_839 = vector.broadcast %jit3A_838 : f32 to vector<256x128xf32>
    %max3A_840 = arith.maximumf %max3A_839, %sub3A_837 : vector<256x128xf32>
    %mul3A_841 = arith.mulf %max3A_832, %max3A_840 : vector<256x128xf32>
    %sub3A_842 = arith.subf %squeeze3A_822, %squeeze3A_818 : f32
    %sub3A_843 = arith.subf %squeeze3A_824, %squeeze3A_820 : f32
    %mul3A_844 = arith.mulf %sub3A_842, %sub3A_843 : f32
    %add3A_845 = vector.broadcast %mul3A_844 : f32 to vector<256x128xf32>
    %add3A_846 = arith.addf %add3A_845, %mul3A_37 : vector<256x128xf32>
    %sub3A_847 = arith.subf %add3A_846, %mul3A_841 : vector<256x128xf32>
    %div3A_848 = arith.divf %mul3A_841, %sub3A_847 : vector<256x128xf32>
    %gt3A_849 = arith.cmpf ogt, %div3A_848, %select_n3A_801 : vector<256x128xf32>
    %jit3A_850 = arith.constant 15 : i32
    %broadcast_in_dim3A_851 = vector.broadcast %jit3A_850 : i32 to vector<256x128xi32>
    %select_n3A_852 = arith.select %gt3A_849, %broadcast_in_dim3A_851, %select_n3A_800 : vector<256x128xi1>, vector<256x128xi32>
    %select_n3A_853 = arith.select %gt3A_849, %div3A_848, %select_n3A_801 : vector<256x128xi1>, vector<256x128xf32>
    %reduce_max3A_854 = vector.shape_cast %div3A_848 : vector<256x128xf32> to vector<1x256x128xf32>
    %reduce_max3A_855 = arith.constant dense<0xFF800000> : vector<1xf32>
    %reduce_max3A_856 = vector.multi_reduction <maximumf>, %reduce_max3A_854, %reduce_max3A_855 [1, 2] : vector<1x256x128xf32> to vector<1xf32>
    %reduce_max3A_857 = vector.shape_cast %reduce_max3A_856 : vector<1xf32> to vector<1x1x1xf32>
    %reduce_max3A_858 = vector.extract %reduce_max3A_857[0, 0, 0] : f32 from vector<1x1x1xf32>
    %eq3A_859 = vector.broadcast %reduce_max3A_858 : f32 to vector<256x128xf32>
    %eq3A_860 = arith.cmpf oeq, %div3A_848, %eq3A_859 : vector<256x128xf32>
    %jit3A_861 = arith.constant 32768 : i32
    %broadcast_in_dim3A_862 = vector.broadcast %jit3A_861 : i32 to vector<256x128xi32>
    %select_n3A_863 = arith.select %eq3A_860, %add3A, %broadcast_in_dim3A_862 : vector<256x128xi1>, vector<256x128xi32>
    %reduce_min3A_864 = vector.shape_cast %select_n3A_863 : vector<256x128xi32> to vector<1x256x128xi32>
    %reduce_min3A_865 = arith.constant dense<2147483647> : vector<1xi32>
    %reduce_min3A_866 = vector.multi_reduction <minsi>, %reduce_min3A_864, %reduce_min3A_865 [1, 2] : vector<1x256x128xi32> to vector<1xi32>
    %reduce_min3A_867 = vector.shape_cast %reduce_min3A_866 : vector<1xi32> to vector<1x1x1xi32>
    %reduce_min3A_868 = vector.extract %reduce_min3A_867[0, 0, 0] : i32 from vector<1x1x1xi32>
    %eq3A_869 = vector.broadcast %reduce_min3A_88 : i32 to vector<256x128xi32>
    %eq3A_870 = arith.cmpi eq, %add3A, %eq3A_869 : vector<256x128xi32>
    %jit3A_871 = arith.constant 2.000000e+00 : f32
    %broadcast_in_dim3A_872 = vector.broadcast %jit3A_871 : f32 to vector<256x128xf32>
    %select_n3A_873 = arith.select %eq3A_870, %broadcast_in_dim3A_872, %select_n3A_853 : vector<256x128xi1>, vector<256x128xf32>
    %jit3A_874 = arith.constant 0 : i32
    %broadcast_in_dim3A_875 = vector.broadcast %jit3A_874 : i32 to vector<256x128xi32>
    %select_n3A_876 = arith.select %eq3A_870, %broadcast_in_dim3A_875, %select_n3A_852 : vector<256x128xi1>, vector<256x128xi32>
    %eq3A_877 = vector.broadcast %reduce_min3A_140 : i32 to vector<256x128xi32>
    %eq3A_878 = arith.cmpi eq, %add3A, %eq3A_877 : vector<256x128xi32>
    %jit3A_879 = arith.constant 2.000000e+00 : f32
    %broadcast_in_dim3A_880 = vector.broadcast %jit3A_879 : f32 to vector<256x128xf32>
    %select_n3A_881 = arith.select %eq3A_878, %broadcast_in_dim3A_880, %select_n3A_873 : vector<256x128xi1>, vector<256x128xf32>
    %jit3A_882 = arith.constant 1 : i32
    %broadcast_in_dim3A_883 = vector.broadcast %jit3A_882 : i32 to vector<256x128xi32>
    %select_n3A_884 = arith.select %eq3A_878, %broadcast_in_dim3A_883, %select_n3A_876 : vector<256x128xi1>, vector<256x128xi32>
    %eq3A_885 = vector.broadcast %reduce_min3A_192 : i32 to vector<256x128xi32>
    %eq3A_886 = arith.cmpi eq, %add3A, %eq3A_885 : vector<256x128xi32>
    %jit3A_887 = arith.constant 2.000000e+00 : f32
    %broadcast_in_dim3A_888 = vector.broadcast %jit3A_887 : f32 to vector<256x128xf32>
    %select_n3A_889 = arith.select %eq3A_886, %broadcast_in_dim3A_888, %select_n3A_881 : vector<256x128xi1>, vector<256x128xf32>
    %jit3A_890 = arith.constant 2 : i32
    %broadcast_in_dim3A_891 = vector.broadcast %jit3A_890 : i32 to vector<256x128xi32>
    %select_n3A_892 = arith.select %eq3A_886, %broadcast_in_dim3A_891, %select_n3A_884 : vector<256x128xi1>, vector<256x128xi32>
    %eq3A_893 = vector.broadcast %reduce_min3A_244 : i32 to vector<256x128xi32>
    %eq3A_894 = arith.cmpi eq, %add3A, %eq3A_893 : vector<256x128xi32>
    %jit3A_895 = arith.constant 2.000000e+00 : f32
    %broadcast_in_dim3A_896 = vector.broadcast %jit3A_895 : f32 to vector<256x128xf32>
    %select_n3A_897 = arith.select %eq3A_894, %broadcast_in_dim3A_896, %select_n3A_889 : vector<256x128xi1>, vector<256x128xf32>
    %jit3A_898 = arith.constant 3 : i32
    %broadcast_in_dim3A_899 = vector.broadcast %jit3A_898 : i32 to vector<256x128xi32>
    %select_n3A_900 = arith.select %eq3A_894, %broadcast_in_dim3A_899, %select_n3A_892 : vector<256x128xi1>, vector<256x128xi32>
    %eq3A_901 = vector.broadcast %reduce_min3A_296 : i32 to vector<256x128xi32>
    %eq3A_902 = arith.cmpi eq, %add3A, %eq3A_901 : vector<256x128xi32>
    %jit3A_903 = arith.constant 2.000000e+00 : f32
    %broadcast_in_dim3A_904 = vector.broadcast %jit3A_903 : f32 to vector<256x128xf32>
    %select_n3A_905 = arith.select %eq3A_902, %broadcast_in_dim3A_904, %select_n3A_897 : vector<256x128xi1>, vector<256x128xf32>
    %jit3A_906 = arith.constant 4 : i32
    %broadcast_in_dim3A_907 = vector.broadcast %jit3A_906 : i32 to vector<256x128xi32>
    %select_n3A_908 = arith.select %eq3A_902, %broadcast_in_dim3A_907, %select_n3A_900 : vector<256x128xi1>, vector<256x128xi32>
    %eq3A_909 = vector.broadcast %reduce_min3A_348 : i32 to vector<256x128xi32>
    %eq3A_910 = arith.cmpi eq, %add3A, %eq3A_909 : vector<256x128xi32>
    %jit3A_911 = arith.constant 2.000000e+00 : f32
    %broadcast_in_dim3A_912 = vector.broadcast %jit3A_911 : f32 to vector<256x128xf32>
    %select_n3A_913 = arith.select %eq3A_910, %broadcast_in_dim3A_912, %select_n3A_905 : vector<256x128xi1>, vector<256x128xf32>
    %jit3A_914 = arith.constant 5 : i32
    %broadcast_in_dim3A_915 = vector.broadcast %jit3A_914 : i32 to vector<256x128xi32>
    %select_n3A_916 = arith.select %eq3A_910, %broadcast_in_dim3A_915, %select_n3A_908 : vector<256x128xi1>, vector<256x128xi32>
    %eq3A_917 = vector.broadcast %reduce_min3A_400 : i32 to vector<256x128xi32>
    %eq3A_918 = arith.cmpi eq, %add3A, %eq3A_917 : vector<256x128xi32>
    %jit3A_919 = arith.constant 2.000000e+00 : f32
    %broadcast_in_dim3A_920 = vector.broadcast %jit3A_919 : f32 to vector<256x128xf32>
    %select_n3A_921 = arith.select %eq3A_918, %broadcast_in_dim3A_920, %select_n3A_913 : vector<256x128xi1>, vector<256x128xf32>
    %jit3A_922 = arith.constant 6 : i32
    %broadcast_in_dim3A_923 = vector.broadcast %jit3A_922 : i32 to vector<256x128xi32>
    %select_n3A_924 = arith.select %eq3A_918, %broadcast_in_dim3A_923, %select_n3A_916 : vector<256x128xi1>, vector<256x128xi32>
    %eq3A_925 = vector.broadcast %reduce_min3A_452 : i32 to vector<256x128xi32>
    %eq3A_926 = arith.cmpi eq, %add3A, %eq3A_925 : vector<256x128xi32>
    %jit3A_927 = arith.constant 2.000000e+00 : f32
    %broadcast_in_dim3A_928 = vector.broadcast %jit3A_927 : f32 to vector<256x128xf32>
    %select_n3A_929 = arith.select %eq3A_926, %broadcast_in_dim3A_928, %select_n3A_921 : vector<256x128xi1>, vector<256x128xf32>
    %jit3A_930 = arith.constant 7 : i32
    %broadcast_in_dim3A_931 = vector.broadcast %jit3A_930 : i32 to vector<256x128xi32>
    %select_n3A_932 = arith.select %eq3A_926, %broadcast_in_dim3A_931, %select_n3A_924 : vector<256x128xi1>, vector<256x128xi32>
    %eq3A_933 = vector.broadcast %reduce_min3A_504 : i32 to vector<256x128xi32>
    %eq3A_934 = arith.cmpi eq, %add3A, %eq3A_933 : vector<256x128xi32>
    %jit3A_935 = arith.constant 2.000000e+00 : f32
    %broadcast_in_dim3A_936 = vector.broadcast %jit3A_935 : f32 to vector<256x128xf32>
    %select_n3A_937 = arith.select %eq3A_934, %broadcast_in_dim3A_936, %select_n3A_929 : vector<256x128xi1>, vector<256x128xf32>
    %jit3A_938 = arith.constant 8 : i32
    %broadcast_in_dim3A_939 = vector.broadcast %jit3A_938 : i32 to vector<256x128xi32>
    %select_n3A_940 = arith.select %eq3A_934, %broadcast_in_dim3A_939, %select_n3A_932 : vector<256x128xi1>, vector<256x128xi32>
    %eq3A_941 = vector.broadcast %reduce_min3A_556 : i32 to vector<256x128xi32>
    %eq3A_942 = arith.cmpi eq, %add3A, %eq3A_941 : vector<256x128xi32>
    %jit3A_943 = arith.constant 2.000000e+00 : f32
    %broadcast_in_dim3A_944 = vector.broadcast %jit3A_943 : f32 to vector<256x128xf32>
    %select_n3A_945 = arith.select %eq3A_942, %broadcast_in_dim3A_944, %select_n3A_937 : vector<256x128xi1>, vector<256x128xf32>
    %jit3A_946 = arith.constant 9 : i32
    %broadcast_in_dim3A_947 = vector.broadcast %jit3A_946 : i32 to vector<256x128xi32>
    %select_n3A_948 = arith.select %eq3A_942, %broadcast_in_dim3A_947, %select_n3A_940 : vector<256x128xi1>, vector<256x128xi32>
    %eq3A_949 = vector.broadcast %reduce_min3A_608 : i32 to vector<256x128xi32>
    %eq3A_950 = arith.cmpi eq, %add3A, %eq3A_949 : vector<256x128xi32>
    %jit3A_951 = arith.constant 2.000000e+00 : f32
    %broadcast_in_dim3A_952 = vector.broadcast %jit3A_951 : f32 to vector<256x128xf32>
    %select_n3A_953 = arith.select %eq3A_950, %broadcast_in_dim3A_952, %select_n3A_945 : vector<256x128xi1>, vector<256x128xf32>
    %jit3A_954 = arith.constant 10 : i32
    %broadcast_in_dim3A_955 = vector.broadcast %jit3A_954 : i32 to vector<256x128xi32>
    %select_n3A_956 = arith.select %eq3A_950, %broadcast_in_dim3A_955, %select_n3A_948 : vector<256x128xi1>, vector<256x128xi32>
    %eq3A_957 = vector.broadcast %reduce_min3A_660 : i32 to vector<256x128xi32>
    %eq3A_958 = arith.cmpi eq, %add3A, %eq3A_957 : vector<256x128xi32>
    %jit3A_959 = arith.constant 2.000000e+00 : f32
    %broadcast_in_dim3A_960 = vector.broadcast %jit3A_959 : f32 to vector<256x128xf32>
    %select_n3A_961 = arith.select %eq3A_958, %broadcast_in_dim3A_960, %select_n3A_953 : vector<256x128xi1>, vector<256x128xf32>
    %jit3A_962 = arith.constant 11 : i32
    %broadcast_in_dim3A_963 = vector.broadcast %jit3A_962 : i32 to vector<256x128xi32>
    %select_n3A_964 = arith.select %eq3A_958, %broadcast_in_dim3A_963, %select_n3A_956 : vector<256x128xi1>, vector<256x128xi32>
    %eq3A_965 = vector.broadcast %reduce_min3A_712 : i32 to vector<256x128xi32>
    %eq3A_966 = arith.cmpi eq, %add3A, %eq3A_965 : vector<256x128xi32>
    %jit3A_967 = arith.constant 2.000000e+00 : f32
    %broadcast_in_dim3A_968 = vector.broadcast %jit3A_967 : f32 to vector<256x128xf32>
    %select_n3A_969 = arith.select %eq3A_966, %broadcast_in_dim3A_968, %select_n3A_961 : vector<256x128xi1>, vector<256x128xf32>
    %jit3A_970 = arith.constant 12 : i32
    %broadcast_in_dim3A_971 = vector.broadcast %jit3A_970 : i32 to vector<256x128xi32>
    %select_n3A_972 = arith.select %eq3A_966, %broadcast_in_dim3A_971, %select_n3A_964 : vector<256x128xi1>, vector<256x128xi32>
    %eq3A_973 = vector.broadcast %reduce_min3A_764 : i32 to vector<256x128xi32>
    %eq3A_974 = arith.cmpi eq, %add3A, %eq3A_973 : vector<256x128xi32>
    %jit3A_975 = arith.constant 2.000000e+00 : f32
    %broadcast_in_dim3A_976 = vector.broadcast %jit3A_975 : f32 to vector<256x128xf32>
    %select_n3A_977 = arith.select %eq3A_974, %broadcast_in_dim3A_976, %select_n3A_969 : vector<256x128xi1>, vector<256x128xf32>
    %jit3A_978 = arith.constant 13 : i32
    %broadcast_in_dim3A_979 = vector.broadcast %jit3A_978 : i32 to vector<256x128xi32>
    %select_n3A_980 = arith.select %eq3A_974, %broadcast_in_dim3A_979, %select_n3A_972 : vector<256x128xi1>, vector<256x128xi32>
    %eq3A_981 = vector.broadcast %reduce_min3A_816 : i32 to vector<256x128xi32>
    %eq3A_982 = arith.cmpi eq, %add3A, %eq3A_981 : vector<256x128xi32>
    %jit3A_983 = arith.constant 2.000000e+00 : f32
    %broadcast_in_dim3A_984 = vector.broadcast %jit3A_983 : f32 to vector<256x128xf32>
    %select_n3A_985 = arith.select %eq3A_982, %broadcast_in_dim3A_984, %select_n3A_977 : vector<256x128xi1>, vector<256x128xf32>
    %jit3A_986 = arith.constant 14 : i32
    %broadcast_in_dim3A_987 = vector.broadcast %jit3A_986 : i32 to vector<256x128xi32>
    %select_n3A_988 = arith.select %eq3A_982, %broadcast_in_dim3A_987, %select_n3A_980 : vector<256x128xi1>, vector<256x128xi32>
    %eq3A_989 = vector.broadcast %reduce_min3A_868 : i32 to vector<256x128xi32>
    %eq3A_990 = arith.cmpi eq, %add3A, %eq3A_989 : vector<256x128xi32>
    %jit3A_991 = arith.constant 2.000000e+00 : f32
    %broadcast_in_dim3A_992 = vector.broadcast %jit3A_991 : f32 to vector<256x128xf32>
    %select_n3A_993 = arith.select %eq3A_990, %broadcast_in_dim3A_992, %select_n3A_985 : vector<256x128xi1>, vector<256x128xf32>
    %jit3A_994 = arith.constant 15 : i32
    %broadcast_in_dim3A_995 = vector.broadcast %jit3A_994 : i32 to vector<256x128xi32>
    %select_n3A_996 = arith.select %eq3A_990, %broadcast_in_dim3A_995, %select_n3A_988 : vector<256x128xi1>, vector<256x128xi32>
    %broadcast_in_dim3A_997 = arith.constant 0.000000e+00 : f32
    %broadcast_in_dim3A_998 = vector.broadcast %broadcast_in_dim3A_997 : f32 to vector<256x128xf32>
    %broadcast_in_dim3A_999 = arith.constant 0.000000e+00 : f32
    %broadcast_in_dim3A_1000 = vector.broadcast %broadcast_in_dim3A_999 : f32 to vector<256x128xf32>
    %broadcast_in_dim3A_1001 = arith.constant 0.000000e+00 : f32
    %broadcast_in_dim3A_1002 = vector.broadcast %broadcast_in_dim3A_1001 : f32 to vector<256x128xf32>
    %broadcast_in_dim3A_1003 = arith.constant 0.000000e+00 : f32
    %broadcast_in_dim3A_1004 = vector.broadcast %broadcast_in_dim3A_1003 : f32 to vector<256x128xf32>
    %broadcast_in_dim3A_1005 = arith.constant 0.000000e+00 : f32
    %broadcast_in_dim3A_1006 = vector.broadcast %broadcast_in_dim3A_1005 : f32 to vector<256x128xf32>
    %eq3A_1007 = arith.constant 0 : i32
    %eq3A_1008 = vector.broadcast %eq3A_1007 : i32 to vector<256x128xi32>
    %eq3A_1009 = arith.cmpi eq, %select_n3A_996, %eq3A_1008 : vector<256x128xi32>
    %slice3A_1010 = vector.extract_strided_slice %get3A_42 {offsets = [0, 0], sizes = [1, 1], strides = [1, 1]} : vector<16x5xf32> to vector<1x1xf32>
    %squeeze3A_1011 = vector.extract %slice3A_1010[0, 0] : f32 from vector<1x1xf32>
    %broadcast_in_dim3A_1012 = vector.broadcast %squeeze3A_1011 : f32 to vector<256x128xf32>
    %select_n3A_1013 = arith.select %eq3A_1009, %broadcast_in_dim3A_1012, %broadcast_in_dim3A_998 : vector<256x128xi1>, vector<256x128xf32>
    %slice3A_1014 = vector.extract_strided_slice %get3A_42 {offsets = [0, 1], sizes = [1, 1], strides = [1, 1]} : vector<16x5xf32> to vector<1x1xf32>
    %squeeze3A_1015 = vector.extract %slice3A_1014[0, 0] : f32 from vector<1x1xf32>
    %broadcast_in_dim3A_1016 = vector.broadcast %squeeze3A_1015 : f32 to vector<256x128xf32>
    %select_n3A_1017 = arith.select %eq3A_1009, %broadcast_in_dim3A_1016, %broadcast_in_dim3A_1000 : vector<256x128xi1>, vector<256x128xf32>
    %slice3A_1018 = vector.extract_strided_slice %get3A_42 {offsets = [0, 2], sizes = [1, 1], strides = [1, 1]} : vector<16x5xf32> to vector<1x1xf32>
    %squeeze3A_1019 = vector.extract %slice3A_1018[0, 0] : f32 from vector<1x1xf32>
    %broadcast_in_dim3A_1020 = vector.broadcast %squeeze3A_1019 : f32 to vector<256x128xf32>
    %select_n3A_1021 = arith.select %eq3A_1009, %broadcast_in_dim3A_1020, %broadcast_in_dim3A_1002 : vector<256x128xi1>, vector<256x128xf32>
    %slice3A_1022 = vector.extract_strided_slice %get3A_42 {offsets = [0, 3], sizes = [1, 1], strides = [1, 1]} : vector<16x5xf32> to vector<1x1xf32>
    %squeeze3A_1023 = vector.extract %slice3A_1022[0, 0] : f32 from vector<1x1xf32>
    %broadcast_in_dim3A_1024 = vector.broadcast %squeeze3A_1023 : f32 to vector<256x128xf32>
    %select_n3A_1025 = arith.select %eq3A_1009, %broadcast_in_dim3A_1024, %broadcast_in_dim3A_1004 : vector<256x128xi1>, vector<256x128xf32>
    %slice3A_1026 = vector.extract_strided_slice %get3A_42 {offsets = [0, 4], sizes = [1, 1], strides = [1, 1]} : vector<16x5xf32> to vector<1x1xf32>
    %squeeze3A_1027 = vector.extract %slice3A_1026[0, 0] : f32 from vector<1x1xf32>
    %broadcast_in_dim3A_1028 = vector.broadcast %squeeze3A_1027 : f32 to vector<256x128xf32>
    %select_n3A_1029 = arith.select %eq3A_1009, %broadcast_in_dim3A_1028, %broadcast_in_dim3A_1006 : vector<256x128xi1>, vector<256x128xf32>
    %eq3A_1030 = arith.constant 1 : i32
    %eq3A_1031 = vector.broadcast %eq3A_1030 : i32 to vector<256x128xi32>
    %eq3A_1032 = arith.cmpi eq, %select_n3A_996, %eq3A_1031 : vector<256x128xi32>
    %slice3A_1033 = vector.extract_strided_slice %get3A_42 {offsets = [1, 0], sizes = [1, 1], strides = [1, 1]} : vector<16x5xf32> to vector<1x1xf32>
    %squeeze3A_1034 = vector.extract %slice3A_1033[0, 0] : f32 from vector<1x1xf32>
    %broadcast_in_dim3A_1035 = vector.broadcast %squeeze3A_1034 : f32 to vector<256x128xf32>
    %select_n3A_1036 = arith.select %eq3A_1032, %broadcast_in_dim3A_1035, %select_n3A_1013 : vector<256x128xi1>, vector<256x128xf32>
    %slice3A_1037 = vector.extract_strided_slice %get3A_42 {offsets = [1, 1], sizes = [1, 1], strides = [1, 1]} : vector<16x5xf32> to vector<1x1xf32>
    %squeeze3A_1038 = vector.extract %slice3A_1037[0, 0] : f32 from vector<1x1xf32>
    %broadcast_in_dim3A_1039 = vector.broadcast %squeeze3A_1038 : f32 to vector<256x128xf32>
    %select_n3A_1040 = arith.select %eq3A_1032, %broadcast_in_dim3A_1039, %select_n3A_1017 : vector<256x128xi1>, vector<256x128xf32>
    %slice3A_1041 = vector.extract_strided_slice %get3A_42 {offsets = [1, 2], sizes = [1, 1], strides = [1, 1]} : vector<16x5xf32> to vector<1x1xf32>
    %squeeze3A_1042 = vector.extract %slice3A_1041[0, 0] : f32 from vector<1x1xf32>
    %broadcast_in_dim3A_1043 = vector.broadcast %squeeze3A_1042 : f32 to vector<256x128xf32>
    %select_n3A_1044 = arith.select %eq3A_1032, %broadcast_in_dim3A_1043, %select_n3A_1021 : vector<256x128xi1>, vector<256x128xf32>
    %slice3A_1045 = vector.extract_strided_slice %get3A_42 {offsets = [1, 3], sizes = [1, 1], strides = [1, 1]} : vector<16x5xf32> to vector<1x1xf32>
    %squeeze3A_1046 = vector.extract %slice3A_1045[0, 0] : f32 from vector<1x1xf32>
    %broadcast_in_dim3A_1047 = vector.broadcast %squeeze3A_1046 : f32 to vector<256x128xf32>
    %select_n3A_1048 = arith.select %eq3A_1032, %broadcast_in_dim3A_1047, %select_n3A_1025 : vector<256x128xi1>, vector<256x128xf32>
    %slice3A_1049 = vector.extract_strided_slice %get3A_42 {offsets = [1, 4], sizes = [1, 1], strides = [1, 1]} : vector<16x5xf32> to vector<1x1xf32>
    %squeeze3A_1050 = vector.extract %slice3A_1049[0, 0] : f32 from vector<1x1xf32>
    %broadcast_in_dim3A_1051 = vector.broadcast %squeeze3A_1050 : f32 to vector<256x128xf32>
    %select_n3A_1052 = arith.select %eq3A_1032, %broadcast_in_dim3A_1051, %select_n3A_1029 : vector<256x128xi1>, vector<256x128xf32>
    %eq3A_1053 = arith.constant 2 : i32
    %eq3A_1054 = vector.broadcast %eq3A_1053 : i32 to vector<256x128xi32>
    %eq3A_1055 = arith.cmpi eq, %select_n3A_996, %eq3A_1054 : vector<256x128xi32>
    %slice3A_1056 = vector.extract_strided_slice %get3A_42 {offsets = [2, 0], sizes = [1, 1], strides = [1, 1]} : vector<16x5xf32> to vector<1x1xf32>
    %squeeze3A_1057 = vector.extract %slice3A_1056[0, 0] : f32 from vector<1x1xf32>
    %broadcast_in_dim3A_1058 = vector.broadcast %squeeze3A_1057 : f32 to vector<256x128xf32>
    %select_n3A_1059 = arith.select %eq3A_1055, %broadcast_in_dim3A_1058, %select_n3A_1036 : vector<256x128xi1>, vector<256x128xf32>
    %slice3A_1060 = vector.extract_strided_slice %get3A_42 {offsets = [2, 1], sizes = [1, 1], strides = [1, 1]} : vector<16x5xf32> to vector<1x1xf32>
    %squeeze3A_1061 = vector.extract %slice3A_1060[0, 0] : f32 from vector<1x1xf32>
    %broadcast_in_dim3A_1062 = vector.broadcast %squeeze3A_1061 : f32 to vector<256x128xf32>
    %select_n3A_1063 = arith.select %eq3A_1055, %broadcast_in_dim3A_1062, %select_n3A_1040 : vector<256x128xi1>, vector<256x128xf32>
    %slice3A_1064 = vector.extract_strided_slice %get3A_42 {offsets = [2, 2], sizes = [1, 1], strides = [1, 1]} : vector<16x5xf32> to vector<1x1xf32>
    %squeeze3A_1065 = vector.extract %slice3A_1064[0, 0] : f32 from vector<1x1xf32>
    %broadcast_in_dim3A_1066 = vector.broadcast %squeeze3A_1065 : f32 to vector<256x128xf32>
    %select_n3A_1067 = arith.select %eq3A_1055, %broadcast_in_dim3A_1066, %select_n3A_1044 : vector<256x128xi1>, vector<256x128xf32>
    %slice3A_1068 = vector.extract_strided_slice %get3A_42 {offsets = [2, 3], sizes = [1, 1], strides = [1, 1]} : vector<16x5xf32> to vector<1x1xf32>
    %squeeze3A_1069 = vector.extract %slice3A_1068[0, 0] : f32 from vector<1x1xf32>
    %broadcast_in_dim3A_1070 = vector.broadcast %squeeze3A_1069 : f32 to vector<256x128xf32>
    %select_n3A_1071 = arith.select %eq3A_1055, %broadcast_in_dim3A_1070, %select_n3A_1048 : vector<256x128xi1>, vector<256x128xf32>
    %slice3A_1072 = vector.extract_strided_slice %get3A_42 {offsets = [2, 4], sizes = [1, 1], strides = [1, 1]} : vector<16x5xf32> to vector<1x1xf32>
    %squeeze3A_1073 = vector.extract %slice3A_1072[0, 0] : f32 from vector<1x1xf32>
    %broadcast_in_dim3A_1074 = vector.broadcast %squeeze3A_1073 : f32 to vector<256x128xf32>
    %select_n3A_1075 = arith.select %eq3A_1055, %broadcast_in_dim3A_1074, %select_n3A_1052 : vector<256x128xi1>, vector<256x128xf32>
    %eq3A_1076 = arith.constant 3 : i32
    %eq3A_1077 = vector.broadcast %eq3A_1076 : i32 to vector<256x128xi32>
    %eq3A_1078 = arith.cmpi eq, %select_n3A_996, %eq3A_1077 : vector<256x128xi32>
    %slice3A_1079 = vector.extract_strided_slice %get3A_42 {offsets = [3, 0], sizes = [1, 1], strides = [1, 1]} : vector<16x5xf32> to vector<1x1xf32>
    %squeeze3A_1080 = vector.extract %slice3A_1079[0, 0] : f32 from vector<1x1xf32>
    %broadcast_in_dim3A_1081 = vector.broadcast %squeeze3A_1080 : f32 to vector<256x128xf32>
    %select_n3A_1082 = arith.select %eq3A_1078, %broadcast_in_dim3A_1081, %select_n3A_1059 : vector<256x128xi1>, vector<256x128xf32>
    %slice3A_1083 = vector.extract_strided_slice %get3A_42 {offsets = [3, 1], sizes = [1, 1], strides = [1, 1]} : vector<16x5xf32> to vector<1x1xf32>
    %squeeze3A_1084 = vector.extract %slice3A_1083[0, 0] : f32 from vector<1x1xf32>
    %broadcast_in_dim3A_1085 = vector.broadcast %squeeze3A_1084 : f32 to vector<256x128xf32>
    %select_n3A_1086 = arith.select %eq3A_1078, %broadcast_in_dim3A_1085, %select_n3A_1063 : vector<256x128xi1>, vector<256x128xf32>
    %slice3A_1087 = vector.extract_strided_slice %get3A_42 {offsets = [3, 2], sizes = [1, 1], strides = [1, 1]} : vector<16x5xf32> to vector<1x1xf32>
    %squeeze3A_1088 = vector.extract %slice3A_1087[0, 0] : f32 from vector<1x1xf32>
    %broadcast_in_dim3A_1089 = vector.broadcast %squeeze3A_1088 : f32 to vector<256x128xf32>
    %select_n3A_1090 = arith.select %eq3A_1078, %broadcast_in_dim3A_1089, %select_n3A_1067 : vector<256x128xi1>, vector<256x128xf32>
    %slice3A_1091 = vector.extract_strided_slice %get3A_42 {offsets = [3, 3], sizes = [1, 1], strides = [1, 1]} : vector<16x5xf32> to vector<1x1xf32>
    %squeeze3A_1092 = vector.extract %slice3A_1091[0, 0] : f32 from vector<1x1xf32>
    %broadcast_in_dim3A_1093 = vector.broadcast %squeeze3A_1092 : f32 to vector<256x128xf32>
    %select_n3A_1094 = arith.select %eq3A_1078, %broadcast_in_dim3A_1093, %select_n3A_1071 : vector<256x128xi1>, vector<256x128xf32>
    %slice3A_1095 = vector.extract_strided_slice %get3A_42 {offsets = [3, 4], sizes = [1, 1], strides = [1, 1]} : vector<16x5xf32> to vector<1x1xf32>
    %squeeze3A_1096 = vector.extract %slice3A_1095[0, 0] : f32 from vector<1x1xf32>
    %broadcast_in_dim3A_1097 = vector.broadcast %squeeze3A_1096 : f32 to vector<256x128xf32>
    %select_n3A_1098 = arith.select %eq3A_1078, %broadcast_in_dim3A_1097, %select_n3A_1075 : vector<256x128xi1>, vector<256x128xf32>
    %eq3A_1099 = arith.constant 4 : i32
    %eq3A_1100 = vector.broadcast %eq3A_1099 : i32 to vector<256x128xi32>
    %eq3A_1101 = arith.cmpi eq, %select_n3A_996, %eq3A_1100 : vector<256x128xi32>
    %slice3A_1102 = vector.extract_strided_slice %get3A_42 {offsets = [4, 0], sizes = [1, 1], strides = [1, 1]} : vector<16x5xf32> to vector<1x1xf32>
    %squeeze3A_1103 = vector.extract %slice3A_1102[0, 0] : f32 from vector<1x1xf32>
    %broadcast_in_dim3A_1104 = vector.broadcast %squeeze3A_1103 : f32 to vector<256x128xf32>
    %select_n3A_1105 = arith.select %eq3A_1101, %broadcast_in_dim3A_1104, %select_n3A_1082 : vector<256x128xi1>, vector<256x128xf32>
    %slice3A_1106 = vector.extract_strided_slice %get3A_42 {offsets = [4, 1], sizes = [1, 1], strides = [1, 1]} : vector<16x5xf32> to vector<1x1xf32>
    %squeeze3A_1107 = vector.extract %slice3A_1106[0, 0] : f32 from vector<1x1xf32>
    %broadcast_in_dim3A_1108 = vector.broadcast %squeeze3A_1107 : f32 to vector<256x128xf32>
    %select_n3A_1109 = arith.select %eq3A_1101, %broadcast_in_dim3A_1108, %select_n3A_1086 : vector<256x128xi1>, vector<256x128xf32>
    %slice3A_1110 = vector.extract_strided_slice %get3A_42 {offsets = [4, 2], sizes = [1, 1], strides = [1, 1]} : vector<16x5xf32> to vector<1x1xf32>
    %squeeze3A_1111 = vector.extract %slice3A_1110[0, 0] : f32 from vector<1x1xf32>
    %broadcast_in_dim3A_1112 = vector.broadcast %squeeze3A_1111 : f32 to vector<256x128xf32>
    %select_n3A_1113 = arith.select %eq3A_1101, %broadcast_in_dim3A_1112, %select_n3A_1090 : vector<256x128xi1>, vector<256x128xf32>
    %slice3A_1114 = vector.extract_strided_slice %get3A_42 {offsets = [4, 3], sizes = [1, 1], strides = [1, 1]} : vector<16x5xf32> to vector<1x1xf32>
    %squeeze3A_1115 = vector.extract %slice3A_1114[0, 0] : f32 from vector<1x1xf32>
    %broadcast_in_dim3A_1116 = vector.broadcast %squeeze3A_1115 : f32 to vector<256x128xf32>
    %select_n3A_1117 = arith.select %eq3A_1101, %broadcast_in_dim3A_1116, %select_n3A_1094 : vector<256x128xi1>, vector<256x128xf32>
    %slice3A_1118 = vector.extract_strided_slice %get3A_42 {offsets = [4, 4], sizes = [1, 1], strides = [1, 1]} : vector<16x5xf32> to vector<1x1xf32>
    %squeeze3A_1119 = vector.extract %slice3A_1118[0, 0] : f32 from vector<1x1xf32>
    %broadcast_in_dim3A_1120 = vector.broadcast %squeeze3A_1119 : f32 to vector<256x128xf32>
    %select_n3A_1121 = arith.select %eq3A_1101, %broadcast_in_dim3A_1120, %select_n3A_1098 : vector<256x128xi1>, vector<256x128xf32>
    %eq3A_1122 = arith.constant 5 : i32
    %eq3A_1123 = vector.broadcast %eq3A_1122 : i32 to vector<256x128xi32>
    %eq3A_1124 = arith.cmpi eq, %select_n3A_996, %eq3A_1123 : vector<256x128xi32>
    %slice3A_1125 = vector.extract_strided_slice %get3A_42 {offsets = [5, 0], sizes = [1, 1], strides = [1, 1]} : vector<16x5xf32> to vector<1x1xf32>
    %squeeze3A_1126 = vector.extract %slice3A_1125[0, 0] : f32 from vector<1x1xf32>
    %broadcast_in_dim3A_1127 = vector.broadcast %squeeze3A_1126 : f32 to vector<256x128xf32>
    %select_n3A_1128 = arith.select %eq3A_1124, %broadcast_in_dim3A_1127, %select_n3A_1105 : vector<256x128xi1>, vector<256x128xf32>
    %slice3A_1129 = vector.extract_strided_slice %get3A_42 {offsets = [5, 1], sizes = [1, 1], strides = [1, 1]} : vector<16x5xf32> to vector<1x1xf32>
    %squeeze3A_1130 = vector.extract %slice3A_1129[0, 0] : f32 from vector<1x1xf32>
    %broadcast_in_dim3A_1131 = vector.broadcast %squeeze3A_1130 : f32 to vector<256x128xf32>
    %select_n3A_1132 = arith.select %eq3A_1124, %broadcast_in_dim3A_1131, %select_n3A_1109 : vector<256x128xi1>, vector<256x128xf32>
    %slice3A_1133 = vector.extract_strided_slice %get3A_42 {offsets = [5, 2], sizes = [1, 1], strides = [1, 1]} : vector<16x5xf32> to vector<1x1xf32>
    %squeeze3A_1134 = vector.extract %slice3A_1133[0, 0] : f32 from vector<1x1xf32>
    %broadcast_in_dim3A_1135 = vector.broadcast %squeeze3A_1134 : f32 to vector<256x128xf32>
    %select_n3A_1136 = arith.select %eq3A_1124, %broadcast_in_dim3A_1135, %select_n3A_1113 : vector<256x128xi1>, vector<256x128xf32>
    %slice3A_1137 = vector.extract_strided_slice %get3A_42 {offsets = [5, 3], sizes = [1, 1], strides = [1, 1]} : vector<16x5xf32> to vector<1x1xf32>
    %squeeze3A_1138 = vector.extract %slice3A_1137[0, 0] : f32 from vector<1x1xf32>
    %broadcast_in_dim3A_1139 = vector.broadcast %squeeze3A_1138 : f32 to vector<256x128xf32>
    %select_n3A_1140 = arith.select %eq3A_1124, %broadcast_in_dim3A_1139, %select_n3A_1117 : vector<256x128xi1>, vector<256x128xf32>
    %slice3A_1141 = vector.extract_strided_slice %get3A_42 {offsets = [5, 4], sizes = [1, 1], strides = [1, 1]} : vector<16x5xf32> to vector<1x1xf32>
    %squeeze3A_1142 = vector.extract %slice3A_1141[0, 0] : f32 from vector<1x1xf32>
    %broadcast_in_dim3A_1143 = vector.broadcast %squeeze3A_1142 : f32 to vector<256x128xf32>
    %select_n3A_1144 = arith.select %eq3A_1124, %broadcast_in_dim3A_1143, %select_n3A_1121 : vector<256x128xi1>, vector<256x128xf32>
    %eq3A_1145 = arith.constant 6 : i32
    %eq3A_1146 = vector.broadcast %eq3A_1145 : i32 to vector<256x128xi32>
    %eq3A_1147 = arith.cmpi eq, %select_n3A_996, %eq3A_1146 : vector<256x128xi32>
    %slice3A_1148 = vector.extract_strided_slice %get3A_42 {offsets = [6, 0], sizes = [1, 1], strides = [1, 1]} : vector<16x5xf32> to vector<1x1xf32>
    %squeeze3A_1149 = vector.extract %slice3A_1148[0, 0] : f32 from vector<1x1xf32>
    %broadcast_in_dim3A_1150 = vector.broadcast %squeeze3A_1149 : f32 to vector<256x128xf32>
    %select_n3A_1151 = arith.select %eq3A_1147, %broadcast_in_dim3A_1150, %select_n3A_1128 : vector<256x128xi1>, vector<256x128xf32>
    %slice3A_1152 = vector.extract_strided_slice %get3A_42 {offsets = [6, 1], sizes = [1, 1], strides = [1, 1]} : vector<16x5xf32> to vector<1x1xf32>
    %squeeze3A_1153 = vector.extract %slice3A_1152[0, 0] : f32 from vector<1x1xf32>
    %broadcast_in_dim3A_1154 = vector.broadcast %squeeze3A_1153 : f32 to vector<256x128xf32>
    %select_n3A_1155 = arith.select %eq3A_1147, %broadcast_in_dim3A_1154, %select_n3A_1132 : vector<256x128xi1>, vector<256x128xf32>
    %slice3A_1156 = vector.extract_strided_slice %get3A_42 {offsets = [6, 2], sizes = [1, 1], strides = [1, 1]} : vector<16x5xf32> to vector<1x1xf32>
    %squeeze3A_1157 = vector.extract %slice3A_1156[0, 0] : f32 from vector<1x1xf32>
    %broadcast_in_dim3A_1158 = vector.broadcast %squeeze3A_1157 : f32 to vector<256x128xf32>
    %select_n3A_1159 = arith.select %eq3A_1147, %broadcast_in_dim3A_1158, %select_n3A_1136 : vector<256x128xi1>, vector<256x128xf32>
    %slice3A_1160 = vector.extract_strided_slice %get3A_42 {offsets = [6, 3], sizes = [1, 1], strides = [1, 1]} : vector<16x5xf32> to vector<1x1xf32>
    %squeeze3A_1161 = vector.extract %slice3A_1160[0, 0] : f32 from vector<1x1xf32>
    %broadcast_in_dim3A_1162 = vector.broadcast %squeeze3A_1161 : f32 to vector<256x128xf32>
    %select_n3A_1163 = arith.select %eq3A_1147, %broadcast_in_dim3A_1162, %select_n3A_1140 : vector<256x128xi1>, vector<256x128xf32>
    %slice3A_1164 = vector.extract_strided_slice %get3A_42 {offsets = [6, 4], sizes = [1, 1], strides = [1, 1]} : vector<16x5xf32> to vector<1x1xf32>
    %squeeze3A_1165 = vector.extract %slice3A_1164[0, 0] : f32 from vector<1x1xf32>
    %broadcast_in_dim3A_1166 = vector.broadcast %squeeze3A_1165 : f32 to vector<256x128xf32>
    %select_n3A_1167 = arith.select %eq3A_1147, %broadcast_in_dim3A_1166, %select_n3A_1144 : vector<256x128xi1>, vector<256x128xf32>
    %eq3A_1168 = arith.constant 7 : i32
    %eq3A_1169 = vector.broadcast %eq3A_1168 : i32 to vector<256x128xi32>
    %eq3A_1170 = arith.cmpi eq, %select_n3A_996, %eq3A_1169 : vector<256x128xi32>
    %slice3A_1171 = vector.extract_strided_slice %get3A_42 {offsets = [7, 0], sizes = [1, 1], strides = [1, 1]} : vector<16x5xf32> to vector<1x1xf32>
    %squeeze3A_1172 = vector.extract %slice3A_1171[0, 0] : f32 from vector<1x1xf32>
    %broadcast_in_dim3A_1173 = vector.broadcast %squeeze3A_1172 : f32 to vector<256x128xf32>
    %select_n3A_1174 = arith.select %eq3A_1170, %broadcast_in_dim3A_1173, %select_n3A_1151 : vector<256x128xi1>, vector<256x128xf32>
    %slice3A_1175 = vector.extract_strided_slice %get3A_42 {offsets = [7, 1], sizes = [1, 1], strides = [1, 1]} : vector<16x5xf32> to vector<1x1xf32>
    %squeeze3A_1176 = vector.extract %slice3A_1175[0, 0] : f32 from vector<1x1xf32>
    %broadcast_in_dim3A_1177 = vector.broadcast %squeeze3A_1176 : f32 to vector<256x128xf32>
    %select_n3A_1178 = arith.select %eq3A_1170, %broadcast_in_dim3A_1177, %select_n3A_1155 : vector<256x128xi1>, vector<256x128xf32>
    %slice3A_1179 = vector.extract_strided_slice %get3A_42 {offsets = [7, 2], sizes = [1, 1], strides = [1, 1]} : vector<16x5xf32> to vector<1x1xf32>
    %squeeze3A_1180 = vector.extract %slice3A_1179[0, 0] : f32 from vector<1x1xf32>
    %broadcast_in_dim3A_1181 = vector.broadcast %squeeze3A_1180 : f32 to vector<256x128xf32>
    %select_n3A_1182 = arith.select %eq3A_1170, %broadcast_in_dim3A_1181, %select_n3A_1159 : vector<256x128xi1>, vector<256x128xf32>
    %slice3A_1183 = vector.extract_strided_slice %get3A_42 {offsets = [7, 3], sizes = [1, 1], strides = [1, 1]} : vector<16x5xf32> to vector<1x1xf32>
    %squeeze3A_1184 = vector.extract %slice3A_1183[0, 0] : f32 from vector<1x1xf32>
    %broadcast_in_dim3A_1185 = vector.broadcast %squeeze3A_1184 : f32 to vector<256x128xf32>
    %select_n3A_1186 = arith.select %eq3A_1170, %broadcast_in_dim3A_1185, %select_n3A_1163 : vector<256x128xi1>, vector<256x128xf32>
    %slice3A_1187 = vector.extract_strided_slice %get3A_42 {offsets = [7, 4], sizes = [1, 1], strides = [1, 1]} : vector<16x5xf32> to vector<1x1xf32>
    %squeeze3A_1188 = vector.extract %slice3A_1187[0, 0] : f32 from vector<1x1xf32>
    %broadcast_in_dim3A_1189 = vector.broadcast %squeeze3A_1188 : f32 to vector<256x128xf32>
    %select_n3A_1190 = arith.select %eq3A_1170, %broadcast_in_dim3A_1189, %select_n3A_1167 : vector<256x128xi1>, vector<256x128xf32>
    %eq3A_1191 = arith.constant 8 : i32
    %eq3A_1192 = vector.broadcast %eq3A_1191 : i32 to vector<256x128xi32>
    %eq3A_1193 = arith.cmpi eq, %select_n3A_996, %eq3A_1192 : vector<256x128xi32>
    %slice3A_1194 = vector.extract_strided_slice %get3A_42 {offsets = [8, 0], sizes = [1, 1], strides = [1, 1]} : vector<16x5xf32> to vector<1x1xf32>
    %squeeze3A_1195 = vector.extract %slice3A_1194[0, 0] : f32 from vector<1x1xf32>
    %broadcast_in_dim3A_1196 = vector.broadcast %squeeze3A_1195 : f32 to vector<256x128xf32>
    %select_n3A_1197 = arith.select %eq3A_1193, %broadcast_in_dim3A_1196, %select_n3A_1174 : vector<256x128xi1>, vector<256x128xf32>
    %slice3A_1198 = vector.extract_strided_slice %get3A_42 {offsets = [8, 1], sizes = [1, 1], strides = [1, 1]} : vector<16x5xf32> to vector<1x1xf32>
    %squeeze3A_1199 = vector.extract %slice3A_1198[0, 0] : f32 from vector<1x1xf32>
    %broadcast_in_dim3A_1200 = vector.broadcast %squeeze3A_1199 : f32 to vector<256x128xf32>
    %select_n3A_1201 = arith.select %eq3A_1193, %broadcast_in_dim3A_1200, %select_n3A_1178 : vector<256x128xi1>, vector<256x128xf32>
    %slice3A_1202 = vector.extract_strided_slice %get3A_42 {offsets = [8, 2], sizes = [1, 1], strides = [1, 1]} : vector<16x5xf32> to vector<1x1xf32>
    %squeeze3A_1203 = vector.extract %slice3A_1202[0, 0] : f32 from vector<1x1xf32>
    %broadcast_in_dim3A_1204 = vector.broadcast %squeeze3A_1203 : f32 to vector<256x128xf32>
    %select_n3A_1205 = arith.select %eq3A_1193, %broadcast_in_dim3A_1204, %select_n3A_1182 : vector<256x128xi1>, vector<256x128xf32>
    %slice3A_1206 = vector.extract_strided_slice %get3A_42 {offsets = [8, 3], sizes = [1, 1], strides = [1, 1]} : vector<16x5xf32> to vector<1x1xf32>
    %squeeze3A_1207 = vector.extract %slice3A_1206[0, 0] : f32 from vector<1x1xf32>
    %broadcast_in_dim3A_1208 = vector.broadcast %squeeze3A_1207 : f32 to vector<256x128xf32>
    %select_n3A_1209 = arith.select %eq3A_1193, %broadcast_in_dim3A_1208, %select_n3A_1186 : vector<256x128xi1>, vector<256x128xf32>
    %slice3A_1210 = vector.extract_strided_slice %get3A_42 {offsets = [8, 4], sizes = [1, 1], strides = [1, 1]} : vector<16x5xf32> to vector<1x1xf32>
    %squeeze3A_1211 = vector.extract %slice3A_1210[0, 0] : f32 from vector<1x1xf32>
    %broadcast_in_dim3A_1212 = vector.broadcast %squeeze3A_1211 : f32 to vector<256x128xf32>
    %select_n3A_1213 = arith.select %eq3A_1193, %broadcast_in_dim3A_1212, %select_n3A_1190 : vector<256x128xi1>, vector<256x128xf32>
    %eq3A_1214 = arith.constant 9 : i32
    %eq3A_1215 = vector.broadcast %eq3A_1214 : i32 to vector<256x128xi32>
    %eq3A_1216 = arith.cmpi eq, %select_n3A_996, %eq3A_1215 : vector<256x128xi32>
    %slice3A_1217 = vector.extract_strided_slice %get3A_42 {offsets = [9, 0], sizes = [1, 1], strides = [1, 1]} : vector<16x5xf32> to vector<1x1xf32>
    %squeeze3A_1218 = vector.extract %slice3A_1217[0, 0] : f32 from vector<1x1xf32>
    %broadcast_in_dim3A_1219 = vector.broadcast %squeeze3A_1218 : f32 to vector<256x128xf32>
    %select_n3A_1220 = arith.select %eq3A_1216, %broadcast_in_dim3A_1219, %select_n3A_1197 : vector<256x128xi1>, vector<256x128xf32>
    %slice3A_1221 = vector.extract_strided_slice %get3A_42 {offsets = [9, 1], sizes = [1, 1], strides = [1, 1]} : vector<16x5xf32> to vector<1x1xf32>
    %squeeze3A_1222 = vector.extract %slice3A_1221[0, 0] : f32 from vector<1x1xf32>
    %broadcast_in_dim3A_1223 = vector.broadcast %squeeze3A_1222 : f32 to vector<256x128xf32>
    %select_n3A_1224 = arith.select %eq3A_1216, %broadcast_in_dim3A_1223, %select_n3A_1201 : vector<256x128xi1>, vector<256x128xf32>
    %slice3A_1225 = vector.extract_strided_slice %get3A_42 {offsets = [9, 2], sizes = [1, 1], strides = [1, 1]} : vector<16x5xf32> to vector<1x1xf32>
    %squeeze3A_1226 = vector.extract %slice3A_1225[0, 0] : f32 from vector<1x1xf32>
    %broadcast_in_dim3A_1227 = vector.broadcast %squeeze3A_1226 : f32 to vector<256x128xf32>
    %select_n3A_1228 = arith.select %eq3A_1216, %broadcast_in_dim3A_1227, %select_n3A_1205 : vector<256x128xi1>, vector<256x128xf32>
    %slice3A_1229 = vector.extract_strided_slice %get3A_42 {offsets = [9, 3], sizes = [1, 1], strides = [1, 1]} : vector<16x5xf32> to vector<1x1xf32>
    %squeeze3A_1230 = vector.extract %slice3A_1229[0, 0] : f32 from vector<1x1xf32>
    %broadcast_in_dim3A_1231 = vector.broadcast %squeeze3A_1230 : f32 to vector<256x128xf32>
    %select_n3A_1232 = arith.select %eq3A_1216, %broadcast_in_dim3A_1231, %select_n3A_1209 : vector<256x128xi1>, vector<256x128xf32>
    %slice3A_1233 = vector.extract_strided_slice %get3A_42 {offsets = [9, 4], sizes = [1, 1], strides = [1, 1]} : vector<16x5xf32> to vector<1x1xf32>
    %squeeze3A_1234 = vector.extract %slice3A_1233[0, 0] : f32 from vector<1x1xf32>
    %broadcast_in_dim3A_1235 = vector.broadcast %squeeze3A_1234 : f32 to vector<256x128xf32>
    %select_n3A_1236 = arith.select %eq3A_1216, %broadcast_in_dim3A_1235, %select_n3A_1213 : vector<256x128xi1>, vector<256x128xf32>
    %eq3A_1237 = arith.constant 10 : i32
    %eq3A_1238 = vector.broadcast %eq3A_1237 : i32 to vector<256x128xi32>
    %eq3A_1239 = arith.cmpi eq, %select_n3A_996, %eq3A_1238 : vector<256x128xi32>
    %slice3A_1240 = vector.extract_strided_slice %get3A_42 {offsets = [10, 0], sizes = [1, 1], strides = [1, 1]} : vector<16x5xf32> to vector<1x1xf32>
    %squeeze3A_1241 = vector.extract %slice3A_1240[0, 0] : f32 from vector<1x1xf32>
    %broadcast_in_dim3A_1242 = vector.broadcast %squeeze3A_1241 : f32 to vector<256x128xf32>
    %select_n3A_1243 = arith.select %eq3A_1239, %broadcast_in_dim3A_1242, %select_n3A_1220 : vector<256x128xi1>, vector<256x128xf32>
    %slice3A_1244 = vector.extract_strided_slice %get3A_42 {offsets = [10, 1], sizes = [1, 1], strides = [1, 1]} : vector<16x5xf32> to vector<1x1xf32>
    %squeeze3A_1245 = vector.extract %slice3A_1244[0, 0] : f32 from vector<1x1xf32>
    %broadcast_in_dim3A_1246 = vector.broadcast %squeeze3A_1245 : f32 to vector<256x128xf32>
    %select_n3A_1247 = arith.select %eq3A_1239, %broadcast_in_dim3A_1246, %select_n3A_1224 : vector<256x128xi1>, vector<256x128xf32>
    %slice3A_1248 = vector.extract_strided_slice %get3A_42 {offsets = [10, 2], sizes = [1, 1], strides = [1, 1]} : vector<16x5xf32> to vector<1x1xf32>
    %squeeze3A_1249 = vector.extract %slice3A_1248[0, 0] : f32 from vector<1x1xf32>
    %broadcast_in_dim3A_1250 = vector.broadcast %squeeze3A_1249 : f32 to vector<256x128xf32>
    %select_n3A_1251 = arith.select %eq3A_1239, %broadcast_in_dim3A_1250, %select_n3A_1228 : vector<256x128xi1>, vector<256x128xf32>
    %slice3A_1252 = vector.extract_strided_slice %get3A_42 {offsets = [10, 3], sizes = [1, 1], strides = [1, 1]} : vector<16x5xf32> to vector<1x1xf32>
    %squeeze3A_1253 = vector.extract %slice3A_1252[0, 0] : f32 from vector<1x1xf32>
    %broadcast_in_dim3A_1254 = vector.broadcast %squeeze3A_1253 : f32 to vector<256x128xf32>
    %select_n3A_1255 = arith.select %eq3A_1239, %broadcast_in_dim3A_1254, %select_n3A_1232 : vector<256x128xi1>, vector<256x128xf32>
    %slice3A_1256 = vector.extract_strided_slice %get3A_42 {offsets = [10, 4], sizes = [1, 1], strides = [1, 1]} : vector<16x5xf32> to vector<1x1xf32>
    %squeeze3A_1257 = vector.extract %slice3A_1256[0, 0] : f32 from vector<1x1xf32>
    %broadcast_in_dim3A_1258 = vector.broadcast %squeeze3A_1257 : f32 to vector<256x128xf32>
    %select_n3A_1259 = arith.select %eq3A_1239, %broadcast_in_dim3A_1258, %select_n3A_1236 : vector<256x128xi1>, vector<256x128xf32>
    %eq3A_1260 = arith.constant 11 : i32
    %eq3A_1261 = vector.broadcast %eq3A_1260 : i32 to vector<256x128xi32>
    %eq3A_1262 = arith.cmpi eq, %select_n3A_996, %eq3A_1261 : vector<256x128xi32>
    %slice3A_1263 = vector.extract_strided_slice %get3A_42 {offsets = [11, 0], sizes = [1, 1], strides = [1, 1]} : vector<16x5xf32> to vector<1x1xf32>
    %squeeze3A_1264 = vector.extract %slice3A_1263[0, 0] : f32 from vector<1x1xf32>
    %broadcast_in_dim3A_1265 = vector.broadcast %squeeze3A_1264 : f32 to vector<256x128xf32>
    %select_n3A_1266 = arith.select %eq3A_1262, %broadcast_in_dim3A_1265, %select_n3A_1243 : vector<256x128xi1>, vector<256x128xf32>
    %slice3A_1267 = vector.extract_strided_slice %get3A_42 {offsets = [11, 1], sizes = [1, 1], strides = [1, 1]} : vector<16x5xf32> to vector<1x1xf32>
    %squeeze3A_1268 = vector.extract %slice3A_1267[0, 0] : f32 from vector<1x1xf32>
    %broadcast_in_dim3A_1269 = vector.broadcast %squeeze3A_1268 : f32 to vector<256x128xf32>
    %select_n3A_1270 = arith.select %eq3A_1262, %broadcast_in_dim3A_1269, %select_n3A_1247 : vector<256x128xi1>, vector<256x128xf32>
    %slice3A_1271 = vector.extract_strided_slice %get3A_42 {offsets = [11, 2], sizes = [1, 1], strides = [1, 1]} : vector<16x5xf32> to vector<1x1xf32>
    %squeeze3A_1272 = vector.extract %slice3A_1271[0, 0] : f32 from vector<1x1xf32>
    %broadcast_in_dim3A_1273 = vector.broadcast %squeeze3A_1272 : f32 to vector<256x128xf32>
    %select_n3A_1274 = arith.select %eq3A_1262, %broadcast_in_dim3A_1273, %select_n3A_1251 : vector<256x128xi1>, vector<256x128xf32>
    %slice3A_1275 = vector.extract_strided_slice %get3A_42 {offsets = [11, 3], sizes = [1, 1], strides = [1, 1]} : vector<16x5xf32> to vector<1x1xf32>
    %squeeze3A_1276 = vector.extract %slice3A_1275[0, 0] : f32 from vector<1x1xf32>
    %broadcast_in_dim3A_1277 = vector.broadcast %squeeze3A_1276 : f32 to vector<256x128xf32>
    %select_n3A_1278 = arith.select %eq3A_1262, %broadcast_in_dim3A_1277, %select_n3A_1255 : vector<256x128xi1>, vector<256x128xf32>
    %slice3A_1279 = vector.extract_strided_slice %get3A_42 {offsets = [11, 4], sizes = [1, 1], strides = [1, 1]} : vector<16x5xf32> to vector<1x1xf32>
    %squeeze3A_1280 = vector.extract %slice3A_1279[0, 0] : f32 from vector<1x1xf32>
    %broadcast_in_dim3A_1281 = vector.broadcast %squeeze3A_1280 : f32 to vector<256x128xf32>
    %select_n3A_1282 = arith.select %eq3A_1262, %broadcast_in_dim3A_1281, %select_n3A_1259 : vector<256x128xi1>, vector<256x128xf32>
    %eq3A_1283 = arith.constant 12 : i32
    %eq3A_1284 = vector.broadcast %eq3A_1283 : i32 to vector<256x128xi32>
    %eq3A_1285 = arith.cmpi eq, %select_n3A_996, %eq3A_1284 : vector<256x128xi32>
    %slice3A_1286 = vector.extract_strided_slice %get3A_42 {offsets = [12, 0], sizes = [1, 1], strides = [1, 1]} : vector<16x5xf32> to vector<1x1xf32>
    %squeeze3A_1287 = vector.extract %slice3A_1286[0, 0] : f32 from vector<1x1xf32>
    %broadcast_in_dim3A_1288 = vector.broadcast %squeeze3A_1287 : f32 to vector<256x128xf32>
    %select_n3A_1289 = arith.select %eq3A_1285, %broadcast_in_dim3A_1288, %select_n3A_1266 : vector<256x128xi1>, vector<256x128xf32>
    %slice3A_1290 = vector.extract_strided_slice %get3A_42 {offsets = [12, 1], sizes = [1, 1], strides = [1, 1]} : vector<16x5xf32> to vector<1x1xf32>
    %squeeze3A_1291 = vector.extract %slice3A_1290[0, 0] : f32 from vector<1x1xf32>
    %broadcast_in_dim3A_1292 = vector.broadcast %squeeze3A_1291 : f32 to vector<256x128xf32>
    %select_n3A_1293 = arith.select %eq3A_1285, %broadcast_in_dim3A_1292, %select_n3A_1270 : vector<256x128xi1>, vector<256x128xf32>
    %slice3A_1294 = vector.extract_strided_slice %get3A_42 {offsets = [12, 2], sizes = [1, 1], strides = [1, 1]} : vector<16x5xf32> to vector<1x1xf32>
    %squeeze3A_1295 = vector.extract %slice3A_1294[0, 0] : f32 from vector<1x1xf32>
    %broadcast_in_dim3A_1296 = vector.broadcast %squeeze3A_1295 : f32 to vector<256x128xf32>
    %select_n3A_1297 = arith.select %eq3A_1285, %broadcast_in_dim3A_1296, %select_n3A_1274 : vector<256x128xi1>, vector<256x128xf32>
    %slice3A_1298 = vector.extract_strided_slice %get3A_42 {offsets = [12, 3], sizes = [1, 1], strides = [1, 1]} : vector<16x5xf32> to vector<1x1xf32>
    %squeeze3A_1299 = vector.extract %slice3A_1298[0, 0] : f32 from vector<1x1xf32>
    %broadcast_in_dim3A_1300 = vector.broadcast %squeeze3A_1299 : f32 to vector<256x128xf32>
    %select_n3A_1301 = arith.select %eq3A_1285, %broadcast_in_dim3A_1300, %select_n3A_1278 : vector<256x128xi1>, vector<256x128xf32>
    %slice3A_1302 = vector.extract_strided_slice %get3A_42 {offsets = [12, 4], sizes = [1, 1], strides = [1, 1]} : vector<16x5xf32> to vector<1x1xf32>
    %squeeze3A_1303 = vector.extract %slice3A_1302[0, 0] : f32 from vector<1x1xf32>
    %broadcast_in_dim3A_1304 = vector.broadcast %squeeze3A_1303 : f32 to vector<256x128xf32>
    %select_n3A_1305 = arith.select %eq3A_1285, %broadcast_in_dim3A_1304, %select_n3A_1282 : vector<256x128xi1>, vector<256x128xf32>
    %eq3A_1306 = arith.constant 13 : i32
    %eq3A_1307 = vector.broadcast %eq3A_1306 : i32 to vector<256x128xi32>
    %eq3A_1308 = arith.cmpi eq, %select_n3A_996, %eq3A_1307 : vector<256x128xi32>
    %slice3A_1309 = vector.extract_strided_slice %get3A_42 {offsets = [13, 0], sizes = [1, 1], strides = [1, 1]} : vector<16x5xf32> to vector<1x1xf32>
    %squeeze3A_1310 = vector.extract %slice3A_1309[0, 0] : f32 from vector<1x1xf32>
    %broadcast_in_dim3A_1311 = vector.broadcast %squeeze3A_1310 : f32 to vector<256x128xf32>
    %select_n3A_1312 = arith.select %eq3A_1308, %broadcast_in_dim3A_1311, %select_n3A_1289 : vector<256x128xi1>, vector<256x128xf32>
    %slice3A_1313 = vector.extract_strided_slice %get3A_42 {offsets = [13, 1], sizes = [1, 1], strides = [1, 1]} : vector<16x5xf32> to vector<1x1xf32>
    %squeeze3A_1314 = vector.extract %slice3A_1313[0, 0] : f32 from vector<1x1xf32>
    %broadcast_in_dim3A_1315 = vector.broadcast %squeeze3A_1314 : f32 to vector<256x128xf32>
    %select_n3A_1316 = arith.select %eq3A_1308, %broadcast_in_dim3A_1315, %select_n3A_1293 : vector<256x128xi1>, vector<256x128xf32>
    %slice3A_1317 = vector.extract_strided_slice %get3A_42 {offsets = [13, 2], sizes = [1, 1], strides = [1, 1]} : vector<16x5xf32> to vector<1x1xf32>
    %squeeze3A_1318 = vector.extract %slice3A_1317[0, 0] : f32 from vector<1x1xf32>
    %broadcast_in_dim3A_1319 = vector.broadcast %squeeze3A_1318 : f32 to vector<256x128xf32>
    %select_n3A_1320 = arith.select %eq3A_1308, %broadcast_in_dim3A_1319, %select_n3A_1297 : vector<256x128xi1>, vector<256x128xf32>
    %slice3A_1321 = vector.extract_strided_slice %get3A_42 {offsets = [13, 3], sizes = [1, 1], strides = [1, 1]} : vector<16x5xf32> to vector<1x1xf32>
    %squeeze3A_1322 = vector.extract %slice3A_1321[0, 0] : f32 from vector<1x1xf32>
    %broadcast_in_dim3A_1323 = vector.broadcast %squeeze3A_1322 : f32 to vector<256x128xf32>
    %select_n3A_1324 = arith.select %eq3A_1308, %broadcast_in_dim3A_1323, %select_n3A_1301 : vector<256x128xi1>, vector<256x128xf32>
    %slice3A_1325 = vector.extract_strided_slice %get3A_42 {offsets = [13, 4], sizes = [1, 1], strides = [1, 1]} : vector<16x5xf32> to vector<1x1xf32>
    %squeeze3A_1326 = vector.extract %slice3A_1325[0, 0] : f32 from vector<1x1xf32>
    %broadcast_in_dim3A_1327 = vector.broadcast %squeeze3A_1326 : f32 to vector<256x128xf32>
    %select_n3A_1328 = arith.select %eq3A_1308, %broadcast_in_dim3A_1327, %select_n3A_1305 : vector<256x128xi1>, vector<256x128xf32>
    %eq3A_1329 = arith.constant 14 : i32
    %eq3A_1330 = vector.broadcast %eq3A_1329 : i32 to vector<256x128xi32>
    %eq3A_1331 = arith.cmpi eq, %select_n3A_996, %eq3A_1330 : vector<256x128xi32>
    %slice3A_1332 = vector.extract_strided_slice %get3A_42 {offsets = [14, 0], sizes = [1, 1], strides = [1, 1]} : vector<16x5xf32> to vector<1x1xf32>
    %squeeze3A_1333 = vector.extract %slice3A_1332[0, 0] : f32 from vector<1x1xf32>
    %broadcast_in_dim3A_1334 = vector.broadcast %squeeze3A_1333 : f32 to vector<256x128xf32>
    %select_n3A_1335 = arith.select %eq3A_1331, %broadcast_in_dim3A_1334, %select_n3A_1312 : vector<256x128xi1>, vector<256x128xf32>
    %slice3A_1336 = vector.extract_strided_slice %get3A_42 {offsets = [14, 1], sizes = [1, 1], strides = [1, 1]} : vector<16x5xf32> to vector<1x1xf32>
    %squeeze3A_1337 = vector.extract %slice3A_1336[0, 0] : f32 from vector<1x1xf32>
    %broadcast_in_dim3A_1338 = vector.broadcast %squeeze3A_1337 : f32 to vector<256x128xf32>
    %select_n3A_1339 = arith.select %eq3A_1331, %broadcast_in_dim3A_1338, %select_n3A_1316 : vector<256x128xi1>, vector<256x128xf32>
    %slice3A_1340 = vector.extract_strided_slice %get3A_42 {offsets = [14, 2], sizes = [1, 1], strides = [1, 1]} : vector<16x5xf32> to vector<1x1xf32>
    %squeeze3A_1341 = vector.extract %slice3A_1340[0, 0] : f32 from vector<1x1xf32>
    %broadcast_in_dim3A_1342 = vector.broadcast %squeeze3A_1341 : f32 to vector<256x128xf32>
    %select_n3A_1343 = arith.select %eq3A_1331, %broadcast_in_dim3A_1342, %select_n3A_1320 : vector<256x128xi1>, vector<256x128xf32>
    %slice3A_1344 = vector.extract_strided_slice %get3A_42 {offsets = [14, 3], sizes = [1, 1], strides = [1, 1]} : vector<16x5xf32> to vector<1x1xf32>
    %squeeze3A_1345 = vector.extract %slice3A_1344[0, 0] : f32 from vector<1x1xf32>
    %broadcast_in_dim3A_1346 = vector.broadcast %squeeze3A_1345 : f32 to vector<256x128xf32>
    %select_n3A_1347 = arith.select %eq3A_1331, %broadcast_in_dim3A_1346, %select_n3A_1324 : vector<256x128xi1>, vector<256x128xf32>
    %slice3A_1348 = vector.extract_strided_slice %get3A_42 {offsets = [14, 4], sizes = [1, 1], strides = [1, 1]} : vector<16x5xf32> to vector<1x1xf32>
    %squeeze3A_1349 = vector.extract %slice3A_1348[0, 0] : f32 from vector<1x1xf32>
    %broadcast_in_dim3A_1350 = vector.broadcast %squeeze3A_1349 : f32 to vector<256x128xf32>
    %select_n3A_1351 = arith.select %eq3A_1331, %broadcast_in_dim3A_1350, %select_n3A_1328 : vector<256x128xi1>, vector<256x128xf32>
    %eq3A_1352 = arith.constant 15 : i32
    %eq3A_1353 = vector.broadcast %eq3A_1352 : i32 to vector<256x128xi32>
    %eq3A_1354 = arith.cmpi eq, %select_n3A_996, %eq3A_1353 : vector<256x128xi32>
    %slice3A_1355 = vector.extract_strided_slice %get3A_42 {offsets = [15, 0], sizes = [1, 1], strides = [1, 1]} : vector<16x5xf32> to vector<1x1xf32>
    %squeeze3A_1356 = vector.extract %slice3A_1355[0, 0] : f32 from vector<1x1xf32>
    %broadcast_in_dim3A_1357 = vector.broadcast %squeeze3A_1356 : f32 to vector<256x128xf32>
    %select_n3A_1358 = arith.select %eq3A_1354, %broadcast_in_dim3A_1357, %select_n3A_1335 : vector<256x128xi1>, vector<256x128xf32>
    %slice3A_1359 = vector.extract_strided_slice %get3A_42 {offsets = [15, 1], sizes = [1, 1], strides = [1, 1]} : vector<16x5xf32> to vector<1x1xf32>
    %squeeze3A_1360 = vector.extract %slice3A_1359[0, 0] : f32 from vector<1x1xf32>
    %broadcast_in_dim3A_1361 = vector.broadcast %squeeze3A_1360 : f32 to vector<256x128xf32>
    %select_n3A_1362 = arith.select %eq3A_1354, %broadcast_in_dim3A_1361, %select_n3A_1339 : vector<256x128xi1>, vector<256x128xf32>
    %slice3A_1363 = vector.extract_strided_slice %get3A_42 {offsets = [15, 2], sizes = [1, 1], strides = [1, 1]} : vector<16x5xf32> to vector<1x1xf32>
    %squeeze3A_1364 = vector.extract %slice3A_1363[0, 0] : f32 from vector<1x1xf32>
    %broadcast_in_dim3A_1365 = vector.broadcast %squeeze3A_1364 : f32 to vector<256x128xf32>
    %select_n3A_1366 = arith.select %eq3A_1354, %broadcast_in_dim3A_1365, %select_n3A_1343 : vector<256x128xi1>, vector<256x128xf32>
    %slice3A_1367 = vector.extract_strided_slice %get3A_42 {offsets = [15, 3], sizes = [1, 1], strides = [1, 1]} : vector<16x5xf32> to vector<1x1xf32>
    %squeeze3A_1368 = vector.extract %slice3A_1367[0, 0] : f32 from vector<1x1xf32>
    %broadcast_in_dim3A_1369 = vector.broadcast %squeeze3A_1368 : f32 to vector<256x128xf32>
    %select_n3A_1370 = arith.select %eq3A_1354, %broadcast_in_dim3A_1369, %select_n3A_1347 : vector<256x128xi1>, vector<256x128xf32>
    %slice3A_1371 = vector.extract_strided_slice %get3A_42 {offsets = [15, 4], sizes = [1, 1], strides = [1, 1]} : vector<16x5xf32> to vector<1x1xf32>
    %squeeze3A_1372 = vector.extract %slice3A_1371[0, 0] : f32 from vector<1x1xf32>
    %broadcast_in_dim3A_1373 = vector.broadcast %squeeze3A_1372 : f32 to vector<256x128xf32>
    %select_n3A_1374 = arith.select %eq3A_1354, %broadcast_in_dim3A_1373, %select_n3A_1351 : vector<256x128xi1>, vector<256x128xf32>
    %ge3A = arith.constant 5.000000e-01 : f32
    %ge3A_1375 = vector.broadcast %ge3A : f32 to vector<256x128xf32>
    %ge3A_1376 = arith.cmpf oge, %select_n3A_993, %ge3A_1375 : vector<256x128xf32>
    %convert_element_type3A = arith.fptosi %select_n3A_1374 : vector<256x128xf32> to vector<256x128xi32>
    %add3A_1377 = arith.constant 1 : i32
    %add3A_1378 = vector.broadcast %add3A_1377 : i32 to vector<256x128xi32>
    %add3A_1379 = arith.addi %convert_element_type3A, %add3A_1378 : vector<256x128xi32>
    %jit3A_1380 = arith.constant 0 : i32
    %broadcast_in_dim3A_1381 = vector.broadcast %jit3A_1380 : i32 to vector<256x128xi32>
    %select_n3A_1382 = arith.select %ge3A_1376, %add3A_1379, %broadcast_in_dim3A_1381 : vector<256x128xi1>, vector<256x128xi32>
    %get3A_1383 = arith.constant 0 : index
    %get3A_1384 = arith.constant 0 : index
    %get3A_1385 = arith.constant 0 : index
    %get3A_1386 = arith.constant 0 : index
    %get3A_1387 = vector.load %arg1[%get3A_1383, %get3A_1384, %get3A_1385, %get3A_1386] : memref<1x4x256x128xf32, #tpu.memory_space<vmem>>, vector<1x4x256x128xf32>
    %get3A_1388 = vector.shape_cast %get3A_1387 : vector<1x4x256x128xf32> to vector<4x256x128xf32>
    %add3A_1389 = arith.addf %select_n3A_1358, %select_n3A_1366 : vector<256x128xf32>
    %mul3A_1390 = arith.constant 5.000000e-01 : f32
    %mul3A_1391 = vector.broadcast %mul3A_1390 : f32 to vector<256x128xf32>
    %mul3A_1392 = arith.mulf %add3A_1389, %mul3A_1391 : vector<256x128xf32>
    %slice3A_1393 = vector.extract_strided_slice %get3A_5 {offsets = [0, 0, 0], sizes = [1, 256, 128], strides = [1, 1, 1]} : vector<4x256x128xf32> to vector<1x256x128xf32>
    %squeeze3A_1394 = vector.shape_cast %slice3A_1393 : vector<1x256x128xf32> to vector<256x128xf32>
    %sub3A_1395 = arith.subf %mul3A_1392, %squeeze3A_1394 : vector<256x128xf32>
    %slice3A_1396 = vector.extract_strided_slice %get3A_5 {offsets = [2, 0, 0], sizes = [1, 256, 128], strides = [1, 1, 1]} : vector<4x256x128xf32> to vector<1x256x128xf32>
    %squeeze3A_1397 = vector.shape_cast %slice3A_1396 : vector<1x256x128xf32> to vector<256x128xf32>
    %mul3A_1398 = arith.constant 1.000000e-01 : f32
    %mul3A_1399 = vector.broadcast %mul3A_1398 : f32 to vector<256x128xf32>
    %mul3A_1400 = arith.mulf %mul3A_1399, %squeeze3A_1397 : vector<256x128xf32>
    %div3A_1401 = arith.divf %sub3A_1395, %mul3A_1400 : vector<256x128xf32>
    %add3A_1402 = arith.addf %select_n3A_1362, %select_n3A_1370 : vector<256x128xf32>
    %mul3A_1403 = arith.constant 5.000000e-01 : f32
    %mul3A_1404 = vector.broadcast %mul3A_1403 : f32 to vector<256x128xf32>
    %mul3A_1405 = arith.mulf %add3A_1402, %mul3A_1404 : vector<256x128xf32>
    %slice3A_1406 = vector.extract_strided_slice %get3A_5 {offsets = [1, 0, 0], sizes = [1, 256, 128], strides = [1, 1, 1]} : vector<4x256x128xf32> to vector<1x256x128xf32>
    %squeeze3A_1407 = vector.shape_cast %slice3A_1406 : vector<1x256x128xf32> to vector<256x128xf32>
    %sub3A_1408 = arith.subf %mul3A_1405, %squeeze3A_1407 : vector<256x128xf32>
    %slice3A_1409 = vector.extract_strided_slice %get3A_5 {offsets = [3, 0, 0], sizes = [1, 256, 128], strides = [1, 1, 1]} : vector<4x256x128xf32> to vector<1x256x128xf32>
    %squeeze3A_1410 = vector.shape_cast %slice3A_1409 : vector<1x256x128xf32> to vector<256x128xf32>
    %mul3A_1411 = arith.constant 1.000000e-01 : f32
    %mul3A_1412 = vector.broadcast %mul3A_1411 : f32 to vector<256x128xf32>
    %mul3A_1413 = arith.mulf %mul3A_1412, %squeeze3A_1410 : vector<256x128xf32>
    %div3A_1414 = arith.divf %sub3A_1408, %mul3A_1413 : vector<256x128xf32>
    %sub3A_1415 = arith.subf %select_n3A_1366, %select_n3A_1358 : vector<256x128xf32>
    %slice3A_1416 = vector.extract_strided_slice %get3A_5 {offsets = [2, 0, 0], sizes = [1, 256, 128], strides = [1, 1, 1]} : vector<4x256x128xf32> to vector<1x256x128xf32>
    %squeeze3A_1417 = vector.shape_cast %slice3A_1416 : vector<1x256x128xf32> to vector<256x128xf32>
    %div3A_1418 = arith.divf %sub3A_1415, %squeeze3A_1417 : vector<256x128xf32>
    %log3A = math.log %div3A_1418 : vector<256x128xf32>
    %div3A_1419 = arith.constant 2.000000e-01 : f32
    %div3A_1420 = vector.broadcast %div3A_1419 : f32 to vector<256x128xf32>
    %div3A_1421 = arith.divf %log3A, %div3A_1420 : vector<256x128xf32>
    %sub3A_1422 = arith.subf %select_n3A_1370, %select_n3A_1362 : vector<256x128xf32>
    %slice3A_1423 = vector.extract_strided_slice %get3A_5 {offsets = [3, 0, 0], sizes = [1, 256, 128], strides = [1, 1, 1]} : vector<4x256x128xf32> to vector<1x256x128xf32>
    %squeeze3A_1424 = vector.shape_cast %slice3A_1423 : vector<1x256x128xf32> to vector<256x128xf32>
    %div3A_1425 = arith.divf %sub3A_1422, %squeeze3A_1424 : vector<256x128xf32>
    %log3A_1426 = math.log %div3A_1425 : vector<256x128xf32>
    %div3A_1427 = arith.constant 2.000000e-01 : f32
    %div3A_1428 = vector.broadcast %div3A_1427 : f32 to vector<256x128xf32>
    %div3A_1429 = arith.divf %log3A_1426, %div3A_1428 : vector<256x128xf32>
    %convert_element_type3A_1430 = arith.extui %ge3A_1376 : vector<256x128xi1> to vector<256x128xi32>
    %convert_element_type3A_1431 = arith.sitofp %convert_element_type3A_1430 : vector<256x128xi32> to vector<256x128xf32>
    %slice3A_1432 = vector.extract_strided_slice %get3A_1388 {offsets = [0, 0, 0], sizes = [1, 256, 128], strides = [1, 1, 1]} : vector<4x256x128xf32> to vector<1x256x128xf32>
    %squeeze3A_1433 = vector.shape_cast %slice3A_1432 : vector<1x256x128xf32> to vector<256x128xf32>
    %sub3A_1434 = arith.subf %squeeze3A_1433, %div3A_1401 : vector<256x128xf32>
    %abs3A = math.absf %sub3A_1434 : vector<256x128xf32>
    %lt3A = arith.constant 1.000000e+00 : f32
    %lt3A_1435 = vector.broadcast %lt3A : f32 to vector<256x128xf32>
    %lt3A_1436 = arith.cmpf olt, %abs3A, %lt3A_1435 : vector<256x128xf32>
    %mul3A_1437 = arith.constant 5.000000e-01 : f32
    %mul3A_1438 = vector.broadcast %mul3A_1437 : f32 to vector<256x128xf32>
    %mul3A_1439 = arith.mulf %mul3A_1438, %sub3A_1434 : vector<256x128xf32>
    %mul3A_1440 = arith.mulf %mul3A_1439, %sub3A_1434 : vector<256x128xf32>
    %sub3A_1441 = arith.constant 5.000000e-01 : f32
    %sub3A_1442 = vector.broadcast %sub3A_1441 : f32 to vector<256x128xf32>
    %sub3A_1443 = arith.subf %abs3A, %sub3A_1442 : vector<256x128xf32>
    %select_n3A_1444 = arith.select %lt3A_1436, %mul3A_1440, %sub3A_1443 : vector<256x128xi1>, vector<256x128xf32>
    %mul3A_1445 = arith.mulf %select_n3A_1444, %convert_element_type3A_1431 : vector<256x128xf32>
    %reduce_sum3A = vector.shape_cast %mul3A_1445 : vector<256x128xf32> to vector<1x256x128xf32>
    %reduce_sum3A_1446 = arith.constant dense<0.000000e+00> : vector<1xf32>
    %reduce_sum3A_1447 = vector.multi_reduction <add>, %reduce_sum3A, %reduce_sum3A_1446 [1, 2] : vector<1x256x128xf32> to vector<1xf32>
    %reduce_sum3A_1448 = vector.shape_cast %reduce_sum3A_1447 : vector<1xf32> to vector<1x1x1xf32>
    %reduce_sum3A_1449 = vector.extract %reduce_sum3A_1448[0, 0, 0] : f32 from vector<1x1x1xf32>
    %add3A_1450 = arith.constant 0.000000e+00 : f32
    %add3A_1451 = arith.addf %add3A_1450, %reduce_sum3A_1449 : f32
    %slice3A_1452 = vector.extract_strided_slice %get3A_1388 {offsets = [1, 0, 0], sizes = [1, 256, 128], strides = [1, 1, 1]} : vector<4x256x128xf32> to vector<1x256x128xf32>
    %squeeze3A_1453 = vector.shape_cast %slice3A_1452 : vector<1x256x128xf32> to vector<256x128xf32>
    %sub3A_1454 = arith.subf %squeeze3A_1453, %div3A_1414 : vector<256x128xf32>
    %abs3A_1455 = math.absf %sub3A_1454 : vector<256x128xf32>
    %lt3A_1456 = arith.constant 1.000000e+00 : f32
    %lt3A_1457 = vector.broadcast %lt3A_1456 : f32 to vector<256x128xf32>
    %lt3A_1458 = arith.cmpf olt, %abs3A_1455, %lt3A_1457 : vector<256x128xf32>
    %mul3A_1459 = arith.constant 5.000000e-01 : f32
    %mul3A_1460 = vector.broadcast %mul3A_1459 : f32 to vector<256x128xf32>
    %mul3A_1461 = arith.mulf %mul3A_1460, %sub3A_1454 : vector<256x128xf32>
    %mul3A_1462 = arith.mulf %mul3A_1461, %sub3A_1454 : vector<256x128xf32>
    %sub3A_1463 = arith.constant 5.000000e-01 : f32
    %sub3A_1464 = vector.broadcast %sub3A_1463 : f32 to vector<256x128xf32>
    %sub3A_1465 = arith.subf %abs3A_1455, %sub3A_1464 : vector<256x128xf32>
    %select_n3A_1466 = arith.select %lt3A_1458, %mul3A_1462, %sub3A_1465 : vector<256x128xi1>, vector<256x128xf32>
    %mul3A_1467 = arith.mulf %select_n3A_1466, %convert_element_type3A_1431 : vector<256x128xf32>
    %reduce_sum3A_1468 = vector.shape_cast %mul3A_1467 : vector<256x128xf32> to vector<1x256x128xf32>
    %reduce_sum3A_1469 = arith.constant dense<0.000000e+00> : vector<1xf32>
    %reduce_sum3A_1470 = vector.multi_reduction <add>, %reduce_sum3A_1468, %reduce_sum3A_1469 [1, 2] : vector<1x256x128xf32> to vector<1xf32>
    %reduce_sum3A_1471 = vector.shape_cast %reduce_sum3A_1470 : vector<1xf32> to vector<1x1x1xf32>
    %reduce_sum3A_1472 = vector.extract %reduce_sum3A_1471[0, 0, 0] : f32 from vector<1x1x1xf32>
    %add3A_1473 = arith.addf %add3A_1451, %reduce_sum3A_1472 : f32
    %slice3A_1474 = vector.extract_strided_slice %get3A_1388 {offsets = [2, 0, 0], sizes = [1, 256, 128], strides = [1, 1, 1]} : vector<4x256x128xf32> to vector<1x256x128xf32>
    %squeeze3A_1475 = vector.shape_cast %slice3A_1474 : vector<1x256x128xf32> to vector<256x128xf32>
    %sub3A_1476 = arith.subf %squeeze3A_1475, %div3A_1421 : vector<256x128xf32>
    %abs3A_1477 = math.absf %sub3A_1476 : vector<256x128xf32>
    %lt3A_1478 = arith.constant 1.000000e+00 : f32
    %lt3A_1479 = vector.broadcast %lt3A_1478 : f32 to vector<256x128xf32>
    %lt3A_1480 = arith.cmpf olt, %abs3A_1477, %lt3A_1479 : vector<256x128xf32>
    %mul3A_1481 = arith.constant 5.000000e-01 : f32
    %mul3A_1482 = vector.broadcast %mul3A_1481 : f32 to vector<256x128xf32>
    %mul3A_1483 = arith.mulf %mul3A_1482, %sub3A_1476 : vector<256x128xf32>
    %mul3A_1484 = arith.mulf %mul3A_1483, %sub3A_1476 : vector<256x128xf32>
    %sub3A_1485 = arith.constant 5.000000e-01 : f32
    %sub3A_1486 = vector.broadcast %sub3A_1485 : f32 to vector<256x128xf32>
    %sub3A_1487 = arith.subf %abs3A_1477, %sub3A_1486 : vector<256x128xf32>
    %select_n3A_1488 = arith.select %lt3A_1480, %mul3A_1484, %sub3A_1487 : vector<256x128xi1>, vector<256x128xf32>
    %mul3A_1489 = arith.mulf %select_n3A_1488, %convert_element_type3A_1431 : vector<256x128xf32>
    %reduce_sum3A_1490 = vector.shape_cast %mul3A_1489 : vector<256x128xf32> to vector<1x256x128xf32>
    %reduce_sum3A_1491 = arith.constant dense<0.000000e+00> : vector<1xf32>
    %reduce_sum3A_1492 = vector.multi_reduction <add>, %reduce_sum3A_1490, %reduce_sum3A_1491 [1, 2] : vector<1x256x128xf32> to vector<1xf32>
    %reduce_sum3A_1493 = vector.shape_cast %reduce_sum3A_1492 : vector<1xf32> to vector<1x1x1xf32>
    %reduce_sum3A_1494 = vector.extract %reduce_sum3A_1493[0, 0, 0] : f32 from vector<1x1x1xf32>
    %add3A_1495 = arith.addf %add3A_1473, %reduce_sum3A_1494 : f32
    %slice3A_1496 = vector.extract_strided_slice %get3A_1388 {offsets = [3, 0, 0], sizes = [1, 256, 128], strides = [1, 1, 1]} : vector<4x256x128xf32> to vector<1x256x128xf32>
    %squeeze3A_1497 = vector.shape_cast %slice3A_1496 : vector<1x256x128xf32> to vector<256x128xf32>
    %sub3A_1498 = arith.subf %squeeze3A_1497, %div3A_1429 : vector<256x128xf32>
    %abs3A_1499 = math.absf %sub3A_1498 : vector<256x128xf32>
    %lt3A_1500 = arith.constant 1.000000e+00 : f32
    %lt3A_1501 = vector.broadcast %lt3A_1500 : f32 to vector<256x128xf32>
    %lt3A_1502 = arith.cmpf olt, %abs3A_1499, %lt3A_1501 : vector<256x128xf32>
    %mul3A_1503 = arith.constant 5.000000e-01 : f32
    %mul3A_1504 = vector.broadcast %mul3A_1503 : f32 to vector<256x128xf32>
    %mul3A_1505 = arith.mulf %mul3A_1504, %sub3A_1498 : vector<256x128xf32>
    %mul3A_1506 = arith.mulf %mul3A_1505, %sub3A_1498 : vector<256x128xf32>
    %sub3A_1507 = arith.constant 5.000000e-01 : f32
    %sub3A_1508 = vector.broadcast %sub3A_1507 : f32 to vector<256x128xf32>
    %sub3A_1509 = arith.subf %abs3A_1499, %sub3A_1508 : vector<256x128xf32>
    %select_n3A_1510 = arith.select %lt3A_1502, %mul3A_1506, %sub3A_1509 : vector<256x128xi1>, vector<256x128xf32>
    %mul3A_1511 = arith.mulf %select_n3A_1510, %convert_element_type3A_1431 : vector<256x128xf32>
    %reduce_sum3A_1512 = vector.shape_cast %mul3A_1511 : vector<256x128xf32> to vector<1x256x128xf32>
    %reduce_sum3A_1513 = arith.constant dense<0.000000e+00> : vector<1xf32>
    %reduce_sum3A_1514 = vector.multi_reduction <add>, %reduce_sum3A_1512, %reduce_sum3A_1513 [1, 2] : vector<1x256x128xf32> to vector<1xf32>
    %reduce_sum3A_1515 = vector.shape_cast %reduce_sum3A_1514 : vector<1xf32> to vector<1x1x1xf32>
    %reduce_sum3A_1516 = vector.extract %reduce_sum3A_1515[0, 0, 0] : f32 from vector<1x1x1xf32>
    %add3A_1517 = arith.addf %add3A_1495, %reduce_sum3A_1516 : f32
    %get3A_1518 = arith.constant 0 : index
    %get3A_1519 = arith.constant 0 : index
    %get3A_1520 = arith.constant 0 : index
    %get3A_1521 = arith.constant 0 : index
    %get3A_1522 = vector.load %arg3[%get3A_1518, %get3A_1519, %get3A_1520, %get3A_1521] : memref<1x2x256x128xf32, #tpu.memory_space<vmem>>, vector<1x2x256x128xf32>
    %get3A_1523 = vector.shape_cast %get3A_1522 : vector<1x2x256x128xf32> to vector<2x256x128xf32>
    %slice3A_1524 = vector.extract_strided_slice %get3A_1523 {offsets = [0, 0, 0], sizes = [1, 256, 128], strides = [1, 1, 1]} : vector<2x256x128xf32> to vector<1x256x128xf32>
    %squeeze3A_1525 = vector.shape_cast %slice3A_1524 : vector<1x256x128xf32> to vector<256x128xf32>
    %slice3A_1526 = vector.extract_strided_slice %get3A_1523 {offsets = [1, 0, 0], sizes = [1, 256, 128], strides = [1, 1, 1]} : vector<2x256x128xf32> to vector<1x256x128xf32>
    %squeeze3A_1527 = vector.shape_cast %slice3A_1526 : vector<1x256x128xf32> to vector<256x128xf32>
    %max3A_1528 = arith.maximumf %squeeze3A_1525, %squeeze3A_1527 : vector<256x128xf32>
    %sub3A_1529 = arith.subf %squeeze3A_1525, %max3A_1528 : vector<256x128xf32>
    %exp3A = math.exp %sub3A_1529 : vector<256x128xf32>
    %sub3A_1530 = arith.subf %squeeze3A_1527, %max3A_1528 : vector<256x128xf32>
    %exp3A_1531 = math.exp %sub3A_1530 : vector<256x128xf32>
    %add3A_1532 = arith.addf %exp3A, %exp3A_1531 : vector<256x128xf32>
    %log3A_1533 = math.log %add3A_1532 : vector<256x128xf32>
    %add3A_1534 = arith.addf %max3A_1528, %log3A_1533 : vector<256x128xf32>
    %select_n3A_1535 = arith.select %ge3A_1376, %squeeze3A_1527, %squeeze3A_1525 : vector<256x128xi1>, vector<256x128xf32>
    %sub3A_1536 = arith.subf %add3A_1534, %select_n3A_1535 : vector<256x128xf32>
    %sub3A_1537 = arith.constant 1 : i32
    %sub3A_1538 = vector.broadcast %sub3A_1537 : i32 to vector<256x128xi32>
    %sub3A_1539 = arith.subi %select_n3A_1382, %sub3A_1538 : vector<256x128xi32>
    %broadcast_in_dim3A_1540 = arith.constant 0.000000e+00 : f32
    %broadcast_in_dim3A_1541 = vector.broadcast %broadcast_in_dim3A_1540 : f32 to vector<256x128xf32>
    %broadcast_in_dim3A_1542 = arith.constant 0xFF800000 : f32
    %broadcast_in_dim3A_1543 = vector.broadcast %broadcast_in_dim3A_1542 : f32 to vector<256x128xf32>
    %broadcast_in_dim3A_1544 = arith.constant 0.000000e+00 : f32
    %broadcast_in_dim3A_1545 = vector.broadcast %broadcast_in_dim3A_1544 : f32 to vector<256x128xf32>
    %get3A_1546 = arith.constant 0 : index
    %get3A_1547 = arith.constant 0 : index
    %get3A_1548 = arith.constant 0 : index
    %get3A_1549 = arith.constant 0 : index
    %get3A_1550 = vector.load %arg2[%get3A_1546, %get3A_1547, %get3A_1548, %get3A_1549] : memref<1x80x256x128xf32, #tpu.memory_space<vmem>>, vector<1x1x256x128xf32>
    %get3A_1551 = vector.shape_cast %get3A_1550 : vector<1x1x256x128xf32> to vector<256x128xf32>
    %exp3A_1552 = math.exp %get3A_1551 : vector<256x128xf32>
    %add3A_1553 = arith.addf %broadcast_in_dim3A_1541, %exp3A_1552 : vector<256x128xf32>
    %max3A_1554 = arith.maximumf %broadcast_in_dim3A_1543, %get3A_1551 : vector<256x128xf32>
    %eq3A_1555 = arith.constant 0 : i32
    %eq3A_1556 = vector.broadcast %eq3A_1555 : i32 to vector<256x128xi32>
    %eq3A_1557 = arith.cmpi eq, %sub3A_1539, %eq3A_1556 : vector<256x128xi32>
    %select_n3A_1558 = arith.select %eq3A_1557, %get3A_1551, %broadcast_in_dim3A_1545 : vector<256x128xi1>, vector<256x128xf32>
    %get3A_1559 = arith.constant 0 : index
    %get3A_1560 = arith.constant 1 : index
    %get3A_1561 = arith.constant 0 : index
    %get3A_1562 = arith.constant 0 : index
    %get3A_1563 = vector.load %arg2[%get3A_1559, %get3A_1560, %get3A_1561, %get3A_1562] : memref<1x80x256x128xf32, #tpu.memory_space<vmem>>, vector<1x1x256x128xf32>
    %get3A_1564 = vector.shape_cast %get3A_1563 : vector<1x1x256x128xf32> to vector<256x128xf32>
    %exp3A_1565 = math.exp %get3A_1564 : vector<256x128xf32>
    %add3A_1566 = arith.addf %add3A_1553, %exp3A_1565 : vector<256x128xf32>
    %max3A_1567 = arith.maximumf %max3A_1554, %get3A_1564 : vector<256x128xf32>
    %eq3A_1568 = arith.constant 1 : i32
    %eq3A_1569 = vector.broadcast %eq3A_1568 : i32 to vector<256x128xi32>
    %eq3A_1570 = arith.cmpi eq, %sub3A_1539, %eq3A_1569 : vector<256x128xi32>
    %select_n3A_1571 = arith.select %eq3A_1570, %get3A_1564, %select_n3A_1558 : vector<256x128xi1>, vector<256x128xf32>
    %get3A_1572 = arith.constant 0 : index
    %get3A_1573 = arith.constant 2 : index
    %get3A_1574 = arith.constant 0 : index
    %get3A_1575 = arith.constant 0 : index
    %get3A_1576 = vector.load %arg2[%get3A_1572, %get3A_1573, %get3A_1574, %get3A_1575] : memref<1x80x256x128xf32, #tpu.memory_space<vmem>>, vector<1x1x256x128xf32>
    %get3A_1577 = vector.shape_cast %get3A_1576 : vector<1x1x256x128xf32> to vector<256x128xf32>
    %exp3A_1578 = math.exp %get3A_1577 : vector<256x128xf32>
    %add3A_1579 = arith.addf %add3A_1566, %exp3A_1578 : vector<256x128xf32>
    %max3A_1580 = arith.maximumf %max3A_1567, %get3A_1577 : vector<256x128xf32>
    %eq3A_1581 = arith.constant 2 : i32
    %eq3A_1582 = vector.broadcast %eq3A_1581 : i32 to vector<256x128xi32>
    %eq3A_1583 = arith.cmpi eq, %sub3A_1539, %eq3A_1582 : vector<256x128xi32>
    %select_n3A_1584 = arith.select %eq3A_1583, %get3A_1577, %select_n3A_1571 : vector<256x128xi1>, vector<256x128xf32>
    %get3A_1585 = arith.constant 0 : index
    %get3A_1586 = arith.constant 3 : index
    %get3A_1587 = arith.constant 0 : index
    %get3A_1588 = arith.constant 0 : index
    %get3A_1589 = vector.load %arg2[%get3A_1585, %get3A_1586, %get3A_1587, %get3A_1588] : memref<1x80x256x128xf32, #tpu.memory_space<vmem>>, vector<1x1x256x128xf32>
    %get3A_1590 = vector.shape_cast %get3A_1589 : vector<1x1x256x128xf32> to vector<256x128xf32>
    %exp3A_1591 = math.exp %get3A_1590 : vector<256x128xf32>
    %add3A_1592 = arith.addf %add3A_1579, %exp3A_1591 : vector<256x128xf32>
    %max3A_1593 = arith.maximumf %max3A_1580, %get3A_1590 : vector<256x128xf32>
    %eq3A_1594 = arith.constant 3 : i32
    %eq3A_1595 = vector.broadcast %eq3A_1594 : i32 to vector<256x128xi32>
    %eq3A_1596 = arith.cmpi eq, %sub3A_1539, %eq3A_1595 : vector<256x128xi32>
    %select_n3A_1597 = arith.select %eq3A_1596, %get3A_1590, %select_n3A_1584 : vector<256x128xi1>, vector<256x128xf32>
    %get3A_1598 = arith.constant 0 : index
    %get3A_1599 = arith.constant 4 : index
    %get3A_1600 = arith.constant 0 : index
    %get3A_1601 = arith.constant 0 : index
    %get3A_1602 = vector.load %arg2[%get3A_1598, %get3A_1599, %get3A_1600, %get3A_1601] : memref<1x80x256x128xf32, #tpu.memory_space<vmem>>, vector<1x1x256x128xf32>
    %get3A_1603 = vector.shape_cast %get3A_1602 : vector<1x1x256x128xf32> to vector<256x128xf32>
    %exp3A_1604 = math.exp %get3A_1603 : vector<256x128xf32>
    %add3A_1605 = arith.addf %add3A_1592, %exp3A_1604 : vector<256x128xf32>
    %max3A_1606 = arith.maximumf %max3A_1593, %get3A_1603 : vector<256x128xf32>
    %eq3A_1607 = arith.constant 4 : i32
    %eq3A_1608 = vector.broadcast %eq3A_1607 : i32 to vector<256x128xi32>
    %eq3A_1609 = arith.cmpi eq, %sub3A_1539, %eq3A_1608 : vector<256x128xi32>
    %select_n3A_1610 = arith.select %eq3A_1609, %get3A_1603, %select_n3A_1597 : vector<256x128xi1>, vector<256x128xf32>
    %get3A_1611 = arith.constant 0 : index
    %get3A_1612 = arith.constant 5 : index
    %get3A_1613 = arith.constant 0 : index
    %get3A_1614 = arith.constant 0 : index
    %get3A_1615 = vector.load %arg2[%get3A_1611, %get3A_1612, %get3A_1613, %get3A_1614] : memref<1x80x256x128xf32, #tpu.memory_space<vmem>>, vector<1x1x256x128xf32>
    %get3A_1616 = vector.shape_cast %get3A_1615 : vector<1x1x256x128xf32> to vector<256x128xf32>
    %exp3A_1617 = math.exp %get3A_1616 : vector<256x128xf32>
    %add3A_1618 = arith.addf %add3A_1605, %exp3A_1617 : vector<256x128xf32>
    %max3A_1619 = arith.maximumf %max3A_1606, %get3A_1616 : vector<256x128xf32>
    %eq3A_1620 = arith.constant 5 : i32
    %eq3A_1621 = vector.broadcast %eq3A_1620 : i32 to vector<256x128xi32>
    %eq3A_1622 = arith.cmpi eq, %sub3A_1539, %eq3A_1621 : vector<256x128xi32>
    %select_n3A_1623 = arith.select %eq3A_1622, %get3A_1616, %select_n3A_1610 : vector<256x128xi1>, vector<256x128xf32>
    %get3A_1624 = arith.constant 0 : index
    %get3A_1625 = arith.constant 6 : index
    %get3A_1626 = arith.constant 0 : index
    %get3A_1627 = arith.constant 0 : index
    %get3A_1628 = vector.load %arg2[%get3A_1624, %get3A_1625, %get3A_1626, %get3A_1627] : memref<1x80x256x128xf32, #tpu.memory_space<vmem>>, vector<1x1x256x128xf32>
    %get3A_1629 = vector.shape_cast %get3A_1628 : vector<1x1x256x128xf32> to vector<256x128xf32>
    %exp3A_1630 = math.exp %get3A_1629 : vector<256x128xf32>
    %add3A_1631 = arith.addf %add3A_1618, %exp3A_1630 : vector<256x128xf32>
    %max3A_1632 = arith.maximumf %max3A_1619, %get3A_1629 : vector<256x128xf32>
    %eq3A_1633 = arith.constant 6 : i32
    %eq3A_1634 = vector.broadcast %eq3A_1633 : i32 to vector<256x128xi32>
    %eq3A_1635 = arith.cmpi eq, %sub3A_1539, %eq3A_1634 : vector<256x128xi32>
    %select_n3A_1636 = arith.select %eq3A_1635, %get3A_1629, %select_n3A_1623 : vector<256x128xi1>, vector<256x128xf32>
    %get3A_1637 = arith.constant 0 : index
    %get3A_1638 = arith.constant 7 : index
    %get3A_1639 = arith.constant 0 : index
    %get3A_1640 = arith.constant 0 : index
    %get3A_1641 = vector.load %arg2[%get3A_1637, %get3A_1638, %get3A_1639, %get3A_1640] : memref<1x80x256x128xf32, #tpu.memory_space<vmem>>, vector<1x1x256x128xf32>
    %get3A_1642 = vector.shape_cast %get3A_1641 : vector<1x1x256x128xf32> to vector<256x128xf32>
    %exp3A_1643 = math.exp %get3A_1642 : vector<256x128xf32>
    %add3A_1644 = arith.addf %add3A_1631, %exp3A_1643 : vector<256x128xf32>
    %max3A_1645 = arith.maximumf %max3A_1632, %get3A_1642 : vector<256x128xf32>
    %eq3A_1646 = arith.constant 7 : i32
    %eq3A_1647 = vector.broadcast %eq3A_1646 : i32 to vector<256x128xi32>
    %eq3A_1648 = arith.cmpi eq, %sub3A_1539, %eq3A_1647 : vector<256x128xi32>
    %select_n3A_1649 = arith.select %eq3A_1648, %get3A_1642, %select_n3A_1636 : vector<256x128xi1>, vector<256x128xf32>
    %get3A_1650 = arith.constant 0 : index
    %get3A_1651 = arith.constant 8 : index
    %get3A_1652 = arith.constant 0 : index
    %get3A_1653 = arith.constant 0 : index
    %get3A_1654 = vector.load %arg2[%get3A_1650, %get3A_1651, %get3A_1652, %get3A_1653] : memref<1x80x256x128xf32, #tpu.memory_space<vmem>>, vector<1x1x256x128xf32>
    %get3A_1655 = vector.shape_cast %get3A_1654 : vector<1x1x256x128xf32> to vector<256x128xf32>
    %exp3A_1656 = math.exp %get3A_1655 : vector<256x128xf32>
    %add3A_1657 = arith.addf %add3A_1644, %exp3A_1656 : vector<256x128xf32>
    %max3A_1658 = arith.maximumf %max3A_1645, %get3A_1655 : vector<256x128xf32>
    %eq3A_1659 = arith.constant 8 : i32
    %eq3A_1660 = vector.broadcast %eq3A_1659 : i32 to vector<256x128xi32>
    %eq3A_1661 = arith.cmpi eq, %sub3A_1539, %eq3A_1660 : vector<256x128xi32>
    %select_n3A_1662 = arith.select %eq3A_1661, %get3A_1655, %select_n3A_1649 : vector<256x128xi1>, vector<256x128xf32>
    %get3A_1663 = arith.constant 0 : index
    %get3A_1664 = arith.constant 9 : index
    %get3A_1665 = arith.constant 0 : index
    %get3A_1666 = arith.constant 0 : index
    %get3A_1667 = vector.load %arg2[%get3A_1663, %get3A_1664, %get3A_1665, %get3A_1666] : memref<1x80x256x128xf32, #tpu.memory_space<vmem>>, vector<1x1x256x128xf32>
    %get3A_1668 = vector.shape_cast %get3A_1667 : vector<1x1x256x128xf32> to vector<256x128xf32>
    %exp3A_1669 = math.exp %get3A_1668 : vector<256x128xf32>
    %add3A_1670 = arith.addf %add3A_1657, %exp3A_1669 : vector<256x128xf32>
    %max3A_1671 = arith.maximumf %max3A_1658, %get3A_1668 : vector<256x128xf32>
    %eq3A_1672 = arith.constant 9 : i32
    %eq3A_1673 = vector.broadcast %eq3A_1672 : i32 to vector<256x128xi32>
    %eq3A_1674 = arith.cmpi eq, %sub3A_1539, %eq3A_1673 : vector<256x128xi32>
    %select_n3A_1675 = arith.select %eq3A_1674, %get3A_1668, %select_n3A_1662 : vector<256x128xi1>, vector<256x128xf32>
    %get3A_1676 = arith.constant 0 : index
    %get3A_1677 = arith.constant 10 : index
    %get3A_1678 = arith.constant 0 : index
    %get3A_1679 = arith.constant 0 : index
    %get3A_1680 = vector.load %arg2[%get3A_1676, %get3A_1677, %get3A_1678, %get3A_1679] : memref<1x80x256x128xf32, #tpu.memory_space<vmem>>, vector<1x1x256x128xf32>
    %get3A_1681 = vector.shape_cast %get3A_1680 : vector<1x1x256x128xf32> to vector<256x128xf32>
    %exp3A_1682 = math.exp %get3A_1681 : vector<256x128xf32>
    %add3A_1683 = arith.addf %add3A_1670, %exp3A_1682 : vector<256x128xf32>
    %max3A_1684 = arith.maximumf %max3A_1671, %get3A_1681 : vector<256x128xf32>
    %eq3A_1685 = arith.constant 10 : i32
    %eq3A_1686 = vector.broadcast %eq3A_1685 : i32 to vector<256x128xi32>
    %eq3A_1687 = arith.cmpi eq, %sub3A_1539, %eq3A_1686 : vector<256x128xi32>
    %select_n3A_1688 = arith.select %eq3A_1687, %get3A_1681, %select_n3A_1675 : vector<256x128xi1>, vector<256x128xf32>
    %get3A_1689 = arith.constant 0 : index
    %get3A_1690 = arith.constant 11 : index
    %get3A_1691 = arith.constant 0 : index
    %get3A_1692 = arith.constant 0 : index
    %get3A_1693 = vector.load %arg2[%get3A_1689, %get3A_1690, %get3A_1691, %get3A_1692] : memref<1x80x256x128xf32, #tpu.memory_space<vmem>>, vector<1x1x256x128xf32>
    %get3A_1694 = vector.shape_cast %get3A_1693 : vector<1x1x256x128xf32> to vector<256x128xf32>
    %exp3A_1695 = math.exp %get3A_1694 : vector<256x128xf32>
    %add3A_1696 = arith.addf %add3A_1683, %exp3A_1695 : vector<256x128xf32>
    %max3A_1697 = arith.maximumf %max3A_1684, %get3A_1694 : vector<256x128xf32>
    %eq3A_1698 = arith.constant 11 : i32
    %eq3A_1699 = vector.broadcast %eq3A_1698 : i32 to vector<256x128xi32>
    %eq3A_1700 = arith.cmpi eq, %sub3A_1539, %eq3A_1699 : vector<256x128xi32>
    %select_n3A_1701 = arith.select %eq3A_1700, %get3A_1694, %select_n3A_1688 : vector<256x128xi1>, vector<256x128xf32>
    %get3A_1702 = arith.constant 0 : index
    %get3A_1703 = arith.constant 12 : index
    %get3A_1704 = arith.constant 0 : index
    %get3A_1705 = arith.constant 0 : index
    %get3A_1706 = vector.load %arg2[%get3A_1702, %get3A_1703, %get3A_1704, %get3A_1705] : memref<1x80x256x128xf32, #tpu.memory_space<vmem>>, vector<1x1x256x128xf32>
    %get3A_1707 = vector.shape_cast %get3A_1706 : vector<1x1x256x128xf32> to vector<256x128xf32>
    %exp3A_1708 = math.exp %get3A_1707 : vector<256x128xf32>
    %add3A_1709 = arith.addf %add3A_1696, %exp3A_1708 : vector<256x128xf32>
    %max3A_1710 = arith.maximumf %max3A_1697, %get3A_1707 : vector<256x128xf32>
    %eq3A_1711 = arith.constant 12 : i32
    %eq3A_1712 = vector.broadcast %eq3A_1711 : i32 to vector<256x128xi32>
    %eq3A_1713 = arith.cmpi eq, %sub3A_1539, %eq3A_1712 : vector<256x128xi32>
    %select_n3A_1714 = arith.select %eq3A_1713, %get3A_1707, %select_n3A_1701 : vector<256x128xi1>, vector<256x128xf32>
    %get3A_1715 = arith.constant 0 : index
    %get3A_1716 = arith.constant 13 : index
    %get3A_1717 = arith.constant 0 : index
    %get3A_1718 = arith.constant 0 : index
    %get3A_1719 = vector.load %arg2[%get3A_1715, %get3A_1716, %get3A_1717, %get3A_1718] : memref<1x80x256x128xf32, #tpu.memory_space<vmem>>, vector<1x1x256x128xf32>
    %get3A_1720 = vector.shape_cast %get3A_1719 : vector<1x1x256x128xf32> to vector<256x128xf32>
    %exp3A_1721 = math.exp %get3A_1720 : vector<256x128xf32>
    %add3A_1722 = arith.addf %add3A_1709, %exp3A_1721 : vector<256x128xf32>
    %max3A_1723 = arith.maximumf %max3A_1710, %get3A_1720 : vector<256x128xf32>
    %eq3A_1724 = arith.constant 13 : i32
    %eq3A_1725 = vector.broadcast %eq3A_1724 : i32 to vector<256x128xi32>
    %eq3A_1726 = arith.cmpi eq, %sub3A_1539, %eq3A_1725 : vector<256x128xi32>
    %select_n3A_1727 = arith.select %eq3A_1726, %get3A_1720, %select_n3A_1714 : vector<256x128xi1>, vector<256x128xf32>
    %get3A_1728 = arith.constant 0 : index
    %get3A_1729 = arith.constant 14 : index
    %get3A_1730 = arith.constant 0 : index
    %get3A_1731 = arith.constant 0 : index
    %get3A_1732 = vector.load %arg2[%get3A_1728, %get3A_1729, %get3A_1730, %get3A_1731] : memref<1x80x256x128xf32, #tpu.memory_space<vmem>>, vector<1x1x256x128xf32>
    %get3A_1733 = vector.shape_cast %get3A_1732 : vector<1x1x256x128xf32> to vector<256x128xf32>
    %exp3A_1734 = math.exp %get3A_1733 : vector<256x128xf32>
    %add3A_1735 = arith.addf %add3A_1722, %exp3A_1734 : vector<256x128xf32>
    %max3A_1736 = arith.maximumf %max3A_1723, %get3A_1733 : vector<256x128xf32>
    %eq3A_1737 = arith.constant 14 : i32
    %eq3A_1738 = vector.broadcast %eq3A_1737 : i32 to vector<256x128xi32>
    %eq3A_1739 = arith.cmpi eq, %sub3A_1539, %eq3A_1738 : vector<256x128xi32>
    %select_n3A_1740 = arith.select %eq3A_1739, %get3A_1733, %select_n3A_1727 : vector<256x128xi1>, vector<256x128xf32>
    %get3A_1741 = arith.constant 0 : index
    %get3A_1742 = arith.constant 15 : index
    %get3A_1743 = arith.constant 0 : index
    %get3A_1744 = arith.constant 0 : index
    %get3A_1745 = vector.load %arg2[%get3A_1741, %get3A_1742, %get3A_1743, %get3A_1744] : memref<1x80x256x128xf32, #tpu.memory_space<vmem>>, vector<1x1x256x128xf32>
    %get3A_1746 = vector.shape_cast %get3A_1745 : vector<1x1x256x128xf32> to vector<256x128xf32>
    %exp3A_1747 = math.exp %get3A_1746 : vector<256x128xf32>
    %add3A_1748 = arith.addf %add3A_1735, %exp3A_1747 : vector<256x128xf32>
    %max3A_1749 = arith.maximumf %max3A_1736, %get3A_1746 : vector<256x128xf32>
    %eq3A_1750 = arith.constant 15 : i32
    %eq3A_1751 = vector.broadcast %eq3A_1750 : i32 to vector<256x128xi32>
    %eq3A_1752 = arith.cmpi eq, %sub3A_1539, %eq3A_1751 : vector<256x128xi32>
    %select_n3A_1753 = arith.select %eq3A_1752, %get3A_1746, %select_n3A_1740 : vector<256x128xi1>, vector<256x128xf32>
    %get3A_1754 = arith.constant 0 : index
    %get3A_1755 = arith.constant 16 : index
    %get3A_1756 = arith.constant 0 : index
    %get3A_1757 = arith.constant 0 : index
    %get3A_1758 = vector.load %arg2[%get3A_1754, %get3A_1755, %get3A_1756, %get3A_1757] : memref<1x80x256x128xf32, #tpu.memory_space<vmem>>, vector<1x1x256x128xf32>
    %get3A_1759 = vector.shape_cast %get3A_1758 : vector<1x1x256x128xf32> to vector<256x128xf32>
    %exp3A_1760 = math.exp %get3A_1759 : vector<256x128xf32>
    %add3A_1761 = arith.addf %add3A_1748, %exp3A_1760 : vector<256x128xf32>
    %max3A_1762 = arith.maximumf %max3A_1749, %get3A_1759 : vector<256x128xf32>
    %eq3A_1763 = arith.constant 16 : i32
    %eq3A_1764 = vector.broadcast %eq3A_1763 : i32 to vector<256x128xi32>
    %eq3A_1765 = arith.cmpi eq, %sub3A_1539, %eq3A_1764 : vector<256x128xi32>
    %select_n3A_1766 = arith.select %eq3A_1765, %get3A_1759, %select_n3A_1753 : vector<256x128xi1>, vector<256x128xf32>
    %get3A_1767 = arith.constant 0 : index
    %get3A_1768 = arith.constant 17 : index
    %get3A_1769 = arith.constant 0 : index
    %get3A_1770 = arith.constant 0 : index
    %get3A_1771 = vector.load %arg2[%get3A_1767, %get3A_1768, %get3A_1769, %get3A_1770] : memref<1x80x256x128xf32, #tpu.memory_space<vmem>>, vector<1x1x256x128xf32>
    %get3A_1772 = vector.shape_cast %get3A_1771 : vector<1x1x256x128xf32> to vector<256x128xf32>
    %exp3A_1773 = math.exp %get3A_1772 : vector<256x128xf32>
    %add3A_1774 = arith.addf %add3A_1761, %exp3A_1773 : vector<256x128xf32>
    %max3A_1775 = arith.maximumf %max3A_1762, %get3A_1772 : vector<256x128xf32>
    %eq3A_1776 = arith.constant 17 : i32
    %eq3A_1777 = vector.broadcast %eq3A_1776 : i32 to vector<256x128xi32>
    %eq3A_1778 = arith.cmpi eq, %sub3A_1539, %eq3A_1777 : vector<256x128xi32>
    %select_n3A_1779 = arith.select %eq3A_1778, %get3A_1772, %select_n3A_1766 : vector<256x128xi1>, vector<256x128xf32>
    %get3A_1780 = arith.constant 0 : index
    %get3A_1781 = arith.constant 18 : index
    %get3A_1782 = arith.constant 0 : index
    %get3A_1783 = arith.constant 0 : index
    %get3A_1784 = vector.load %arg2[%get3A_1780, %get3A_1781, %get3A_1782, %get3A_1783] : memref<1x80x256x128xf32, #tpu.memory_space<vmem>>, vector<1x1x256x128xf32>
    %get3A_1785 = vector.shape_cast %get3A_1784 : vector<1x1x256x128xf32> to vector<256x128xf32>
    %exp3A_1786 = math.exp %get3A_1785 : vector<256x128xf32>
    %add3A_1787 = arith.addf %add3A_1774, %exp3A_1786 : vector<256x128xf32>
    %max3A_1788 = arith.maximumf %max3A_1775, %get3A_1785 : vector<256x128xf32>
    %eq3A_1789 = arith.constant 18 : i32
    %eq3A_1790 = vector.broadcast %eq3A_1789 : i32 to vector<256x128xi32>
    %eq3A_1791 = arith.cmpi eq, %sub3A_1539, %eq3A_1790 : vector<256x128xi32>
    %select_n3A_1792 = arith.select %eq3A_1791, %get3A_1785, %select_n3A_1779 : vector<256x128xi1>, vector<256x128xf32>
    %get3A_1793 = arith.constant 0 : index
    %get3A_1794 = arith.constant 19 : index
    %get3A_1795 = arith.constant 0 : index
    %get3A_1796 = arith.constant 0 : index
    %get3A_1797 = vector.load %arg2[%get3A_1793, %get3A_1794, %get3A_1795, %get3A_1796] : memref<1x80x256x128xf32, #tpu.memory_space<vmem>>, vector<1x1x256x128xf32>
    %get3A_1798 = vector.shape_cast %get3A_1797 : vector<1x1x256x128xf32> to vector<256x128xf32>
    %exp3A_1799 = math.exp %get3A_1798 : vector<256x128xf32>
    %add3A_1800 = arith.addf %add3A_1787, %exp3A_1799 : vector<256x128xf32>
    %max3A_1801 = arith.maximumf %max3A_1788, %get3A_1798 : vector<256x128xf32>
    %eq3A_1802 = arith.constant 19 : i32
    %eq3A_1803 = vector.broadcast %eq3A_1802 : i32 to vector<256x128xi32>
    %eq3A_1804 = arith.cmpi eq, %sub3A_1539, %eq3A_1803 : vector<256x128xi32>
    %select_n3A_1805 = arith.select %eq3A_1804, %get3A_1798, %select_n3A_1792 : vector<256x128xi1>, vector<256x128xf32>
    %get3A_1806 = arith.constant 0 : index
    %get3A_1807 = arith.constant 20 : index
    %get3A_1808 = arith.constant 0 : index
    %get3A_1809 = arith.constant 0 : index
    %get3A_1810 = vector.load %arg2[%get3A_1806, %get3A_1807, %get3A_1808, %get3A_1809] : memref<1x80x256x128xf32, #tpu.memory_space<vmem>>, vector<1x1x256x128xf32>
    %get3A_1811 = vector.shape_cast %get3A_1810 : vector<1x1x256x128xf32> to vector<256x128xf32>
    %exp3A_1812 = math.exp %get3A_1811 : vector<256x128xf32>
    %add3A_1813 = arith.addf %add3A_1800, %exp3A_1812 : vector<256x128xf32>
    %max3A_1814 = arith.maximumf %max3A_1801, %get3A_1811 : vector<256x128xf32>
    %eq3A_1815 = arith.constant 20 : i32
    %eq3A_1816 = vector.broadcast %eq3A_1815 : i32 to vector<256x128xi32>
    %eq3A_1817 = arith.cmpi eq, %sub3A_1539, %eq3A_1816 : vector<256x128xi32>
    %select_n3A_1818 = arith.select %eq3A_1817, %get3A_1811, %select_n3A_1805 : vector<256x128xi1>, vector<256x128xf32>
    %get3A_1819 = arith.constant 0 : index
    %get3A_1820 = arith.constant 21 : index
    %get3A_1821 = arith.constant 0 : index
    %get3A_1822 = arith.constant 0 : index
    %get3A_1823 = vector.load %arg2[%get3A_1819, %get3A_1820, %get3A_1821, %get3A_1822] : memref<1x80x256x128xf32, #tpu.memory_space<vmem>>, vector<1x1x256x128xf32>
    %get3A_1824 = vector.shape_cast %get3A_1823 : vector<1x1x256x128xf32> to vector<256x128xf32>
    %exp3A_1825 = math.exp %get3A_1824 : vector<256x128xf32>
    %add3A_1826 = arith.addf %add3A_1813, %exp3A_1825 : vector<256x128xf32>
    %max3A_1827 = arith.maximumf %max3A_1814, %get3A_1824 : vector<256x128xf32>
    %eq3A_1828 = arith.constant 21 : i32
    %eq3A_1829 = vector.broadcast %eq3A_1828 : i32 to vector<256x128xi32>
    %eq3A_1830 = arith.cmpi eq, %sub3A_1539, %eq3A_1829 : vector<256x128xi32>
    %select_n3A_1831 = arith.select %eq3A_1830, %get3A_1824, %select_n3A_1818 : vector<256x128xi1>, vector<256x128xf32>
    %get3A_1832 = arith.constant 0 : index
    %get3A_1833 = arith.constant 22 : index
    %get3A_1834 = arith.constant 0 : index
    %get3A_1835 = arith.constant 0 : index
    %get3A_1836 = vector.load %arg2[%get3A_1832, %get3A_1833, %get3A_1834, %get3A_1835] : memref<1x80x256x128xf32, #tpu.memory_space<vmem>>, vector<1x1x256x128xf32>
    %get3A_1837 = vector.shape_cast %get3A_1836 : vector<1x1x256x128xf32> to vector<256x128xf32>
    %exp3A_1838 = math.exp %get3A_1837 : vector<256x128xf32>
    %add3A_1839 = arith.addf %add3A_1826, %exp3A_1838 : vector<256x128xf32>
    %max3A_1840 = arith.maximumf %max3A_1827, %get3A_1837 : vector<256x128xf32>
    %eq3A_1841 = arith.constant 22 : i32
    %eq3A_1842 = vector.broadcast %eq3A_1841 : i32 to vector<256x128xi32>
    %eq3A_1843 = arith.cmpi eq, %sub3A_1539, %eq3A_1842 : vector<256x128xi32>
    %select_n3A_1844 = arith.select %eq3A_1843, %get3A_1837, %select_n3A_1831 : vector<256x128xi1>, vector<256x128xf32>
    %get3A_1845 = arith.constant 0 : index
    %get3A_1846 = arith.constant 23 : index
    %get3A_1847 = arith.constant 0 : index
    %get3A_1848 = arith.constant 0 : index
    %get3A_1849 = vector.load %arg2[%get3A_1845, %get3A_1846, %get3A_1847, %get3A_1848] : memref<1x80x256x128xf32, #tpu.memory_space<vmem>>, vector<1x1x256x128xf32>
    %get3A_1850 = vector.shape_cast %get3A_1849 : vector<1x1x256x128xf32> to vector<256x128xf32>
    %exp3A_1851 = math.exp %get3A_1850 : vector<256x128xf32>
    %add3A_1852 = arith.addf %add3A_1839, %exp3A_1851 : vector<256x128xf32>
    %max3A_1853 = arith.maximumf %max3A_1840, %get3A_1850 : vector<256x128xf32>
    %eq3A_1854 = arith.constant 23 : i32
    %eq3A_1855 = vector.broadcast %eq3A_1854 : i32 to vector<256x128xi32>
    %eq3A_1856 = arith.cmpi eq, %sub3A_1539, %eq3A_1855 : vector<256x128xi32>
    %select_n3A_1857 = arith.select %eq3A_1856, %get3A_1850, %select_n3A_1844 : vector<256x128xi1>, vector<256x128xf32>
    %get3A_1858 = arith.constant 0 : index
    %get3A_1859 = arith.constant 24 : index
    %get3A_1860 = arith.constant 0 : index
    %get3A_1861 = arith.constant 0 : index
    %get3A_1862 = vector.load %arg2[%get3A_1858, %get3A_1859, %get3A_1860, %get3A_1861] : memref<1x80x256x128xf32, #tpu.memory_space<vmem>>, vector<1x1x256x128xf32>
    %get3A_1863 = vector.shape_cast %get3A_1862 : vector<1x1x256x128xf32> to vector<256x128xf32>
    %exp3A_1864 = math.exp %get3A_1863 : vector<256x128xf32>
    %add3A_1865 = arith.addf %add3A_1852, %exp3A_1864 : vector<256x128xf32>
    %max3A_1866 = arith.maximumf %max3A_1853, %get3A_1863 : vector<256x128xf32>
    %eq3A_1867 = arith.constant 24 : i32
    %eq3A_1868 = vector.broadcast %eq3A_1867 : i32 to vector<256x128xi32>
    %eq3A_1869 = arith.cmpi eq, %sub3A_1539, %eq3A_1868 : vector<256x128xi32>
    %select_n3A_1870 = arith.select %eq3A_1869, %get3A_1863, %select_n3A_1857 : vector<256x128xi1>, vector<256x128xf32>
    %get3A_1871 = arith.constant 0 : index
    %get3A_1872 = arith.constant 25 : index
    %get3A_1873 = arith.constant 0 : index
    %get3A_1874 = arith.constant 0 : index
    %get3A_1875 = vector.load %arg2[%get3A_1871, %get3A_1872, %get3A_1873, %get3A_1874] : memref<1x80x256x128xf32, #tpu.memory_space<vmem>>, vector<1x1x256x128xf32>
    %get3A_1876 = vector.shape_cast %get3A_1875 : vector<1x1x256x128xf32> to vector<256x128xf32>
    %exp3A_1877 = math.exp %get3A_1876 : vector<256x128xf32>
    %add3A_1878 = arith.addf %add3A_1865, %exp3A_1877 : vector<256x128xf32>
    %max3A_1879 = arith.maximumf %max3A_1866, %get3A_1876 : vector<256x128xf32>
    %eq3A_1880 = arith.constant 25 : i32
    %eq3A_1881 = vector.broadcast %eq3A_1880 : i32 to vector<256x128xi32>
    %eq3A_1882 = arith.cmpi eq, %sub3A_1539, %eq3A_1881 : vector<256x128xi32>
    %select_n3A_1883 = arith.select %eq3A_1882, %get3A_1876, %select_n3A_1870 : vector<256x128xi1>, vector<256x128xf32>
    %get3A_1884 = arith.constant 0 : index
    %get3A_1885 = arith.constant 26 : index
    %get3A_1886 = arith.constant 0 : index
    %get3A_1887 = arith.constant 0 : index
    %get3A_1888 = vector.load %arg2[%get3A_1884, %get3A_1885, %get3A_1886, %get3A_1887] : memref<1x80x256x128xf32, #tpu.memory_space<vmem>>, vector<1x1x256x128xf32>
    %get3A_1889 = vector.shape_cast %get3A_1888 : vector<1x1x256x128xf32> to vector<256x128xf32>
    %exp3A_1890 = math.exp %get3A_1889 : vector<256x128xf32>
    %add3A_1891 = arith.addf %add3A_1878, %exp3A_1890 : vector<256x128xf32>
    %max3A_1892 = arith.maximumf %max3A_1879, %get3A_1889 : vector<256x128xf32>
    %eq3A_1893 = arith.constant 26 : i32
    %eq3A_1894 = vector.broadcast %eq3A_1893 : i32 to vector<256x128xi32>
    %eq3A_1895 = arith.cmpi eq, %sub3A_1539, %eq3A_1894 : vector<256x128xi32>
    %select_n3A_1896 = arith.select %eq3A_1895, %get3A_1889, %select_n3A_1883 : vector<256x128xi1>, vector<256x128xf32>
    %get3A_1897 = arith.constant 0 : index
    %get3A_1898 = arith.constant 27 : index
    %get3A_1899 = arith.constant 0 : index
    %get3A_1900 = arith.constant 0 : index
    %get3A_1901 = vector.load %arg2[%get3A_1897, %get3A_1898, %get3A_1899, %get3A_1900] : memref<1x80x256x128xf32, #tpu.memory_space<vmem>>, vector<1x1x256x128xf32>
    %get3A_1902 = vector.shape_cast %get3A_1901 : vector<1x1x256x128xf32> to vector<256x128xf32>
    %exp3A_1903 = math.exp %get3A_1902 : vector<256x128xf32>
    %add3A_1904 = arith.addf %add3A_1891, %exp3A_1903 : vector<256x128xf32>
    %max3A_1905 = arith.maximumf %max3A_1892, %get3A_1902 : vector<256x128xf32>
    %eq3A_1906 = arith.constant 27 : i32
    %eq3A_1907 = vector.broadcast %eq3A_1906 : i32 to vector<256x128xi32>
    %eq3A_1908 = arith.cmpi eq, %sub3A_1539, %eq3A_1907 : vector<256x128xi32>
    %select_n3A_1909 = arith.select %eq3A_1908, %get3A_1902, %select_n3A_1896 : vector<256x128xi1>, vector<256x128xf32>
    %get3A_1910 = arith.constant 0 : index
    %get3A_1911 = arith.constant 28 : index
    %get3A_1912 = arith.constant 0 : index
    %get3A_1913 = arith.constant 0 : index
    %get3A_1914 = vector.load %arg2[%get3A_1910, %get3A_1911, %get3A_1912, %get3A_1913] : memref<1x80x256x128xf32, #tpu.memory_space<vmem>>, vector<1x1x256x128xf32>
    %get3A_1915 = vector.shape_cast %get3A_1914 : vector<1x1x256x128xf32> to vector<256x128xf32>
    %exp3A_1916 = math.exp %get3A_1915 : vector<256x128xf32>
    %add3A_1917 = arith.addf %add3A_1904, %exp3A_1916 : vector<256x128xf32>
    %max3A_1918 = arith.maximumf %max3A_1905, %get3A_1915 : vector<256x128xf32>
    %eq3A_1919 = arith.constant 28 : i32
    %eq3A_1920 = vector.broadcast %eq3A_1919 : i32 to vector<256x128xi32>
    %eq3A_1921 = arith.cmpi eq, %sub3A_1539, %eq3A_1920 : vector<256x128xi32>
    %select_n3A_1922 = arith.select %eq3A_1921, %get3A_1915, %select_n3A_1909 : vector<256x128xi1>, vector<256x128xf32>
    %get3A_1923 = arith.constant 0 : index
    %get3A_1924 = arith.constant 29 : index
    %get3A_1925 = arith.constant 0 : index
    %get3A_1926 = arith.constant 0 : index
    %get3A_1927 = vector.load %arg2[%get3A_1923, %get3A_1924, %get3A_1925, %get3A_1926] : memref<1x80x256x128xf32, #tpu.memory_space<vmem>>, vector<1x1x256x128xf32>
    %get3A_1928 = vector.shape_cast %get3A_1927 : vector<1x1x256x128xf32> to vector<256x128xf32>
    %exp3A_1929 = math.exp %get3A_1928 : vector<256x128xf32>
    %add3A_1930 = arith.addf %add3A_1917, %exp3A_1929 : vector<256x128xf32>
    %max3A_1931 = arith.maximumf %max3A_1918, %get3A_1928 : vector<256x128xf32>
    %eq3A_1932 = arith.constant 29 : i32
    %eq3A_1933 = vector.broadcast %eq3A_1932 : i32 to vector<256x128xi32>
    %eq3A_1934 = arith.cmpi eq, %sub3A_1539, %eq3A_1933 : vector<256x128xi32>
    %select_n3A_1935 = arith.select %eq3A_1934, %get3A_1928, %select_n3A_1922 : vector<256x128xi1>, vector<256x128xf32>
    %get3A_1936 = arith.constant 0 : index
    %get3A_1937 = arith.constant 30 : index
    %get3A_1938 = arith.constant 0 : index
    %get3A_1939 = arith.constant 0 : index
    %get3A_1940 = vector.load %arg2[%get3A_1936, %get3A_1937, %get3A_1938, %get3A_1939] : memref<1x80x256x128xf32, #tpu.memory_space<vmem>>, vector<1x1x256x128xf32>
    %get3A_1941 = vector.shape_cast %get3A_1940 : vector<1x1x256x128xf32> to vector<256x128xf32>
    %exp3A_1942 = math.exp %get3A_1941 : vector<256x128xf32>
    %add3A_1943 = arith.addf %add3A_1930, %exp3A_1942 : vector<256x128xf32>
    %max3A_1944 = arith.maximumf %max3A_1931, %get3A_1941 : vector<256x128xf32>
    %eq3A_1945 = arith.constant 30 : i32
    %eq3A_1946 = vector.broadcast %eq3A_1945 : i32 to vector<256x128xi32>
    %eq3A_1947 = arith.cmpi eq, %sub3A_1539, %eq3A_1946 : vector<256x128xi32>
    %select_n3A_1948 = arith.select %eq3A_1947, %get3A_1941, %select_n3A_1935 : vector<256x128xi1>, vector<256x128xf32>
    %get3A_1949 = arith.constant 0 : index
    %get3A_1950 = arith.constant 31 : index
    %get3A_1951 = arith.constant 0 : index
    %get3A_1952 = arith.constant 0 : index
    %get3A_1953 = vector.load %arg2[%get3A_1949, %get3A_1950, %get3A_1951, %get3A_1952] : memref<1x80x256x128xf32, #tpu.memory_space<vmem>>, vector<1x1x256x128xf32>
    %get3A_1954 = vector.shape_cast %get3A_1953 : vector<1x1x256x128xf32> to vector<256x128xf32>
    %exp3A_1955 = math.exp %get3A_1954 : vector<256x128xf32>
    %add3A_1956 = arith.addf %add3A_1943, %exp3A_1955 : vector<256x128xf32>
    %max3A_1957 = arith.maximumf %max3A_1944, %get3A_1954 : vector<256x128xf32>
    %eq3A_1958 = arith.constant 31 : i32
    %eq3A_1959 = vector.broadcast %eq3A_1958 : i32 to vector<256x128xi32>
    %eq3A_1960 = arith.cmpi eq, %sub3A_1539, %eq3A_1959 : vector<256x128xi32>
    %select_n3A_1961 = arith.select %eq3A_1960, %get3A_1954, %select_n3A_1948 : vector<256x128xi1>, vector<256x128xf32>
    %get3A_1962 = arith.constant 0 : index
    %get3A_1963 = arith.constant 32 : index
    %get3A_1964 = arith.constant 0 : index
    %get3A_1965 = arith.constant 0 : index
    %get3A_1966 = vector.load %arg2[%get3A_1962, %get3A_1963, %get3A_1964, %get3A_1965] : memref<1x80x256x128xf32, #tpu.memory_space<vmem>>, vector<1x1x256x128xf32>
    %get3A_1967 = vector.shape_cast %get3A_1966 : vector<1x1x256x128xf32> to vector<256x128xf32>
    %exp3A_1968 = math.exp %get3A_1967 : vector<256x128xf32>
    %add3A_1969 = arith.addf %add3A_1956, %exp3A_1968 : vector<256x128xf32>
    %max3A_1970 = arith.maximumf %max3A_1957, %get3A_1967 : vector<256x128xf32>
    %eq3A_1971 = arith.constant 32 : i32
    %eq3A_1972 = vector.broadcast %eq3A_1971 : i32 to vector<256x128xi32>
    %eq3A_1973 = arith.cmpi eq, %sub3A_1539, %eq3A_1972 : vector<256x128xi32>
    %select_n3A_1974 = arith.select %eq3A_1973, %get3A_1967, %select_n3A_1961 : vector<256x128xi1>, vector<256x128xf32>
    %get3A_1975 = arith.constant 0 : index
    %get3A_1976 = arith.constant 33 : index
    %get3A_1977 = arith.constant 0 : index
    %get3A_1978 = arith.constant 0 : index
    %get3A_1979 = vector.load %arg2[%get3A_1975, %get3A_1976, %get3A_1977, %get3A_1978] : memref<1x80x256x128xf32, #tpu.memory_space<vmem>>, vector<1x1x256x128xf32>
    %get3A_1980 = vector.shape_cast %get3A_1979 : vector<1x1x256x128xf32> to vector<256x128xf32>
    %exp3A_1981 = math.exp %get3A_1980 : vector<256x128xf32>
    %add3A_1982 = arith.addf %add3A_1969, %exp3A_1981 : vector<256x128xf32>
    %max3A_1983 = arith.maximumf %max3A_1970, %get3A_1980 : vector<256x128xf32>
    %eq3A_1984 = arith.constant 33 : i32
    %eq3A_1985 = vector.broadcast %eq3A_1984 : i32 to vector<256x128xi32>
    %eq3A_1986 = arith.cmpi eq, %sub3A_1539, %eq3A_1985 : vector<256x128xi32>
    %select_n3A_1987 = arith.select %eq3A_1986, %get3A_1980, %select_n3A_1974 : vector<256x128xi1>, vector<256x128xf32>
    %get3A_1988 = arith.constant 0 : index
    %get3A_1989 = arith.constant 34 : index
    %get3A_1990 = arith.constant 0 : index
    %get3A_1991 = arith.constant 0 : index
    %get3A_1992 = vector.load %arg2[%get3A_1988, %get3A_1989, %get3A_1990, %get3A_1991] : memref<1x80x256x128xf32, #tpu.memory_space<vmem>>, vector<1x1x256x128xf32>
    %get3A_1993 = vector.shape_cast %get3A_1992 : vector<1x1x256x128xf32> to vector<256x128xf32>
    %exp3A_1994 = math.exp %get3A_1993 : vector<256x128xf32>
    %add3A_1995 = arith.addf %add3A_1982, %exp3A_1994 : vector<256x128xf32>
    %max3A_1996 = arith.maximumf %max3A_1983, %get3A_1993 : vector<256x128xf32>
    %eq3A_1997 = arith.constant 34 : i32
    %eq3A_1998 = vector.broadcast %eq3A_1997 : i32 to vector<256x128xi32>
    %eq3A_1999 = arith.cmpi eq, %sub3A_1539, %eq3A_1998 : vector<256x128xi32>
    %select_n3A_2000 = arith.select %eq3A_1999, %get3A_1993, %select_n3A_1987 : vector<256x128xi1>, vector<256x128xf32>
    %get3A_2001 = arith.constant 0 : index
    %get3A_2002 = arith.constant 35 : index
    %get3A_2003 = arith.constant 0 : index
    %get3A_2004 = arith.constant 0 : index
    %get3A_2005 = vector.load %arg2[%get3A_2001, %get3A_2002, %get3A_2003, %get3A_2004] : memref<1x80x256x128xf32, #tpu.memory_space<vmem>>, vector<1x1x256x128xf32>
    %get3A_2006 = vector.shape_cast %get3A_2005 : vector<1x1x256x128xf32> to vector<256x128xf32>
    %exp3A_2007 = math.exp %get3A_2006 : vector<256x128xf32>
    %add3A_2008 = arith.addf %add3A_1995, %exp3A_2007 : vector<256x128xf32>
    %max3A_2009 = arith.maximumf %max3A_1996, %get3A_2006 : vector<256x128xf32>
    %eq3A_2010 = arith.constant 35 : i32
    %eq3A_2011 = vector.broadcast %eq3A_2010 : i32 to vector<256x128xi32>
    %eq3A_2012 = arith.cmpi eq, %sub3A_1539, %eq3A_2011 : vector<256x128xi32>
    %select_n3A_2013 = arith.select %eq3A_2012, %get3A_2006, %select_n3A_2000 : vector<256x128xi1>, vector<256x128xf32>
    %get3A_2014 = arith.constant 0 : index
    %get3A_2015 = arith.constant 36 : index
    %get3A_2016 = arith.constant 0 : index
    %get3A_2017 = arith.constant 0 : index
    %get3A_2018 = vector.load %arg2[%get3A_2014, %get3A_2015, %get3A_2016, %get3A_2017] : memref<1x80x256x128xf32, #tpu.memory_space<vmem>>, vector<1x1x256x128xf32>
    %get3A_2019 = vector.shape_cast %get3A_2018 : vector<1x1x256x128xf32> to vector<256x128xf32>
    %exp3A_2020 = math.exp %get3A_2019 : vector<256x128xf32>
    %add3A_2021 = arith.addf %add3A_2008, %exp3A_2020 : vector<256x128xf32>
    %max3A_2022 = arith.maximumf %max3A_2009, %get3A_2019 : vector<256x128xf32>
    %eq3A_2023 = arith.constant 36 : i32
    %eq3A_2024 = vector.broadcast %eq3A_2023 : i32 to vector<256x128xi32>
    %eq3A_2025 = arith.cmpi eq, %sub3A_1539, %eq3A_2024 : vector<256x128xi32>
    %select_n3A_2026 = arith.select %eq3A_2025, %get3A_2019, %select_n3A_2013 : vector<256x128xi1>, vector<256x128xf32>
    %get3A_2027 = arith.constant 0 : index
    %get3A_2028 = arith.constant 37 : index
    %get3A_2029 = arith.constant 0 : index
    %get3A_2030 = arith.constant 0 : index
    %get3A_2031 = vector.load %arg2[%get3A_2027, %get3A_2028, %get3A_2029, %get3A_2030] : memref<1x80x256x128xf32, #tpu.memory_space<vmem>>, vector<1x1x256x128xf32>
    %get3A_2032 = vector.shape_cast %get3A_2031 : vector<1x1x256x128xf32> to vector<256x128xf32>
    %exp3A_2033 = math.exp %get3A_2032 : vector<256x128xf32>
    %add3A_2034 = arith.addf %add3A_2021, %exp3A_2033 : vector<256x128xf32>
    %max3A_2035 = arith.maximumf %max3A_2022, %get3A_2032 : vector<256x128xf32>
    %eq3A_2036 = arith.constant 37 : i32
    %eq3A_2037 = vector.broadcast %eq3A_2036 : i32 to vector<256x128xi32>
    %eq3A_2038 = arith.cmpi eq, %sub3A_1539, %eq3A_2037 : vector<256x128xi32>
    %select_n3A_2039 = arith.select %eq3A_2038, %get3A_2032, %select_n3A_2026 : vector<256x128xi1>, vector<256x128xf32>
    %get3A_2040 = arith.constant 0 : index
    %get3A_2041 = arith.constant 38 : index
    %get3A_2042 = arith.constant 0 : index
    %get3A_2043 = arith.constant 0 : index
    %get3A_2044 = vector.load %arg2[%get3A_2040, %get3A_2041, %get3A_2042, %get3A_2043] : memref<1x80x256x128xf32, #tpu.memory_space<vmem>>, vector<1x1x256x128xf32>
    %get3A_2045 = vector.shape_cast %get3A_2044 : vector<1x1x256x128xf32> to vector<256x128xf32>
    %exp3A_2046 = math.exp %get3A_2045 : vector<256x128xf32>
    %add3A_2047 = arith.addf %add3A_2034, %exp3A_2046 : vector<256x128xf32>
    %max3A_2048 = arith.maximumf %max3A_2035, %get3A_2045 : vector<256x128xf32>
    %eq3A_2049 = arith.constant 38 : i32
    %eq3A_2050 = vector.broadcast %eq3A_2049 : i32 to vector<256x128xi32>
    %eq3A_2051 = arith.cmpi eq, %sub3A_1539, %eq3A_2050 : vector<256x128xi32>
    %select_n3A_2052 = arith.select %eq3A_2051, %get3A_2045, %select_n3A_2039 : vector<256x128xi1>, vector<256x128xf32>
    %get3A_2053 = arith.constant 0 : index
    %get3A_2054 = arith.constant 39 : index
    %get3A_2055 = arith.constant 0 : index
    %get3A_2056 = arith.constant 0 : index
    %get3A_2057 = vector.load %arg2[%get3A_2053, %get3A_2054, %get3A_2055, %get3A_2056] : memref<1x80x256x128xf32, #tpu.memory_space<vmem>>, vector<1x1x256x128xf32>
    %get3A_2058 = vector.shape_cast %get3A_2057 : vector<1x1x256x128xf32> to vector<256x128xf32>
    %exp3A_2059 = math.exp %get3A_2058 : vector<256x128xf32>
    %add3A_2060 = arith.addf %add3A_2047, %exp3A_2059 : vector<256x128xf32>
    %max3A_2061 = arith.maximumf %max3A_2048, %get3A_2058 : vector<256x128xf32>
    %eq3A_2062 = arith.constant 39 : i32
    %eq3A_2063 = vector.broadcast %eq3A_2062 : i32 to vector<256x128xi32>
    %eq3A_2064 = arith.cmpi eq, %sub3A_1539, %eq3A_2063 : vector<256x128xi32>
    %select_n3A_2065 = arith.select %eq3A_2064, %get3A_2058, %select_n3A_2052 : vector<256x128xi1>, vector<256x128xf32>
    %get3A_2066 = arith.constant 0 : index
    %get3A_2067 = arith.constant 40 : index
    %get3A_2068 = arith.constant 0 : index
    %get3A_2069 = arith.constant 0 : index
    %get3A_2070 = vector.load %arg2[%get3A_2066, %get3A_2067, %get3A_2068, %get3A_2069] : memref<1x80x256x128xf32, #tpu.memory_space<vmem>>, vector<1x1x256x128xf32>
    %get3A_2071 = vector.shape_cast %get3A_2070 : vector<1x1x256x128xf32> to vector<256x128xf32>
    %exp3A_2072 = math.exp %get3A_2071 : vector<256x128xf32>
    %add3A_2073 = arith.addf %add3A_2060, %exp3A_2072 : vector<256x128xf32>
    %max3A_2074 = arith.maximumf %max3A_2061, %get3A_2071 : vector<256x128xf32>
    %eq3A_2075 = arith.constant 40 : i32
    %eq3A_2076 = vector.broadcast %eq3A_2075 : i32 to vector<256x128xi32>
    %eq3A_2077 = arith.cmpi eq, %sub3A_1539, %eq3A_2076 : vector<256x128xi32>
    %select_n3A_2078 = arith.select %eq3A_2077, %get3A_2071, %select_n3A_2065 : vector<256x128xi1>, vector<256x128xf32>
    %get3A_2079 = arith.constant 0 : index
    %get3A_2080 = arith.constant 41 : index
    %get3A_2081 = arith.constant 0 : index
    %get3A_2082 = arith.constant 0 : index
    %get3A_2083 = vector.load %arg2[%get3A_2079, %get3A_2080, %get3A_2081, %get3A_2082] : memref<1x80x256x128xf32, #tpu.memory_space<vmem>>, vector<1x1x256x128xf32>
    %get3A_2084 = vector.shape_cast %get3A_2083 : vector<1x1x256x128xf32> to vector<256x128xf32>
    %exp3A_2085 = math.exp %get3A_2084 : vector<256x128xf32>
    %add3A_2086 = arith.addf %add3A_2073, %exp3A_2085 : vector<256x128xf32>
    %max3A_2087 = arith.maximumf %max3A_2074, %get3A_2084 : vector<256x128xf32>
    %eq3A_2088 = arith.constant 41 : i32
    %eq3A_2089 = vector.broadcast %eq3A_2088 : i32 to vector<256x128xi32>
    %eq3A_2090 = arith.cmpi eq, %sub3A_1539, %eq3A_2089 : vector<256x128xi32>
    %select_n3A_2091 = arith.select %eq3A_2090, %get3A_2084, %select_n3A_2078 : vector<256x128xi1>, vector<256x128xf32>
    %get3A_2092 = arith.constant 0 : index
    %get3A_2093 = arith.constant 42 : index
    %get3A_2094 = arith.constant 0 : index
    %get3A_2095 = arith.constant 0 : index
    %get3A_2096 = vector.load %arg2[%get3A_2092, %get3A_2093, %get3A_2094, %get3A_2095] : memref<1x80x256x128xf32, #tpu.memory_space<vmem>>, vector<1x1x256x128xf32>
    %get3A_2097 = vector.shape_cast %get3A_2096 : vector<1x1x256x128xf32> to vector<256x128xf32>
    %exp3A_2098 = math.exp %get3A_2097 : vector<256x128xf32>
    %add3A_2099 = arith.addf %add3A_2086, %exp3A_2098 : vector<256x128xf32>
    %max3A_2100 = arith.maximumf %max3A_2087, %get3A_2097 : vector<256x128xf32>
    %eq3A_2101 = arith.constant 42 : i32
    %eq3A_2102 = vector.broadcast %eq3A_2101 : i32 to vector<256x128xi32>
    %eq3A_2103 = arith.cmpi eq, %sub3A_1539, %eq3A_2102 : vector<256x128xi32>
    %select_n3A_2104 = arith.select %eq3A_2103, %get3A_2097, %select_n3A_2091 : vector<256x128xi1>, vector<256x128xf32>
    %get3A_2105 = arith.constant 0 : index
    %get3A_2106 = arith.constant 43 : index
    %get3A_2107 = arith.constant 0 : index
    %get3A_2108 = arith.constant 0 : index
    %get3A_2109 = vector.load %arg2[%get3A_2105, %get3A_2106, %get3A_2107, %get3A_2108] : memref<1x80x256x128xf32, #tpu.memory_space<vmem>>, vector<1x1x256x128xf32>
    %get3A_2110 = vector.shape_cast %get3A_2109 : vector<1x1x256x128xf32> to vector<256x128xf32>
    %exp3A_2111 = math.exp %get3A_2110 : vector<256x128xf32>
    %add3A_2112 = arith.addf %add3A_2099, %exp3A_2111 : vector<256x128xf32>
    %max3A_2113 = arith.maximumf %max3A_2100, %get3A_2110 : vector<256x128xf32>
    %eq3A_2114 = arith.constant 43 : i32
    %eq3A_2115 = vector.broadcast %eq3A_2114 : i32 to vector<256x128xi32>
    %eq3A_2116 = arith.cmpi eq, %sub3A_1539, %eq3A_2115 : vector<256x128xi32>
    %select_n3A_2117 = arith.select %eq3A_2116, %get3A_2110, %select_n3A_2104 : vector<256x128xi1>, vector<256x128xf32>
    %get3A_2118 = arith.constant 0 : index
    %get3A_2119 = arith.constant 44 : index
    %get3A_2120 = arith.constant 0 : index
    %get3A_2121 = arith.constant 0 : index
    %get3A_2122 = vector.load %arg2[%get3A_2118, %get3A_2119, %get3A_2120, %get3A_2121] : memref<1x80x256x128xf32, #tpu.memory_space<vmem>>, vector<1x1x256x128xf32>
    %get3A_2123 = vector.shape_cast %get3A_2122 : vector<1x1x256x128xf32> to vector<256x128xf32>
    %exp3A_2124 = math.exp %get3A_2123 : vector<256x128xf32>
    %add3A_2125 = arith.addf %add3A_2112, %exp3A_2124 : vector<256x128xf32>
    %max3A_2126 = arith.maximumf %max3A_2113, %get3A_2123 : vector<256x128xf32>
    %eq3A_2127 = arith.constant 44 : i32
    %eq3A_2128 = vector.broadcast %eq3A_2127 : i32 to vector<256x128xi32>
    %eq3A_2129 = arith.cmpi eq, %sub3A_1539, %eq3A_2128 : vector<256x128xi32>
    %select_n3A_2130 = arith.select %eq3A_2129, %get3A_2123, %select_n3A_2117 : vector<256x128xi1>, vector<256x128xf32>
    %get3A_2131 = arith.constant 0 : index
    %get3A_2132 = arith.constant 45 : index
    %get3A_2133 = arith.constant 0 : index
    %get3A_2134 = arith.constant 0 : index
    %get3A_2135 = vector.load %arg2[%get3A_2131, %get3A_2132, %get3A_2133, %get3A_2134] : memref<1x80x256x128xf32, #tpu.memory_space<vmem>>, vector<1x1x256x128xf32>
    %get3A_2136 = vector.shape_cast %get3A_2135 : vector<1x1x256x128xf32> to vector<256x128xf32>
    %exp3A_2137 = math.exp %get3A_2136 : vector<256x128xf32>
    %add3A_2138 = arith.addf %add3A_2125, %exp3A_2137 : vector<256x128xf32>
    %max3A_2139 = arith.maximumf %max3A_2126, %get3A_2136 : vector<256x128xf32>
    %eq3A_2140 = arith.constant 45 : i32
    %eq3A_2141 = vector.broadcast %eq3A_2140 : i32 to vector<256x128xi32>
    %eq3A_2142 = arith.cmpi eq, %sub3A_1539, %eq3A_2141 : vector<256x128xi32>
    %select_n3A_2143 = arith.select %eq3A_2142, %get3A_2136, %select_n3A_2130 : vector<256x128xi1>, vector<256x128xf32>
    %get3A_2144 = arith.constant 0 : index
    %get3A_2145 = arith.constant 46 : index
    %get3A_2146 = arith.constant 0 : index
    %get3A_2147 = arith.constant 0 : index
    %get3A_2148 = vector.load %arg2[%get3A_2144, %get3A_2145, %get3A_2146, %get3A_2147] : memref<1x80x256x128xf32, #tpu.memory_space<vmem>>, vector<1x1x256x128xf32>
    %get3A_2149 = vector.shape_cast %get3A_2148 : vector<1x1x256x128xf32> to vector<256x128xf32>
    %exp3A_2150 = math.exp %get3A_2149 : vector<256x128xf32>
    %add3A_2151 = arith.addf %add3A_2138, %exp3A_2150 : vector<256x128xf32>
    %max3A_2152 = arith.maximumf %max3A_2139, %get3A_2149 : vector<256x128xf32>
    %eq3A_2153 = arith.constant 46 : i32
    %eq3A_2154 = vector.broadcast %eq3A_2153 : i32 to vector<256x128xi32>
    %eq3A_2155 = arith.cmpi eq, %sub3A_1539, %eq3A_2154 : vector<256x128xi32>
    %select_n3A_2156 = arith.select %eq3A_2155, %get3A_2149, %select_n3A_2143 : vector<256x128xi1>, vector<256x128xf32>
    %get3A_2157 = arith.constant 0 : index
    %get3A_2158 = arith.constant 47 : index
    %get3A_2159 = arith.constant 0 : index
    %get3A_2160 = arith.constant 0 : index
    %get3A_2161 = vector.load %arg2[%get3A_2157, %get3A_2158, %get3A_2159, %get3A_2160] : memref<1x80x256x128xf32, #tpu.memory_space<vmem>>, vector<1x1x256x128xf32>
    %get3A_2162 = vector.shape_cast %get3A_2161 : vector<1x1x256x128xf32> to vector<256x128xf32>
    %exp3A_2163 = math.exp %get3A_2162 : vector<256x128xf32>
    %add3A_2164 = arith.addf %add3A_2151, %exp3A_2163 : vector<256x128xf32>
    %max3A_2165 = arith.maximumf %max3A_2152, %get3A_2162 : vector<256x128xf32>
    %eq3A_2166 = arith.constant 47 : i32
    %eq3A_2167 = vector.broadcast %eq3A_2166 : i32 to vector<256x128xi32>
    %eq3A_2168 = arith.cmpi eq, %sub3A_1539, %eq3A_2167 : vector<256x128xi32>
    %select_n3A_2169 = arith.select %eq3A_2168, %get3A_2162, %select_n3A_2156 : vector<256x128xi1>, vector<256x128xf32>
    %get3A_2170 = arith.constant 0 : index
    %get3A_2171 = arith.constant 48 : index
    %get3A_2172 = arith.constant 0 : index
    %get3A_2173 = arith.constant 0 : index
    %get3A_2174 = vector.load %arg2[%get3A_2170, %get3A_2171, %get3A_2172, %get3A_2173] : memref<1x80x256x128xf32, #tpu.memory_space<vmem>>, vector<1x1x256x128xf32>
    %get3A_2175 = vector.shape_cast %get3A_2174 : vector<1x1x256x128xf32> to vector<256x128xf32>
    %exp3A_2176 = math.exp %get3A_2175 : vector<256x128xf32>
    %add3A_2177 = arith.addf %add3A_2164, %exp3A_2176 : vector<256x128xf32>
    %max3A_2178 = arith.maximumf %max3A_2165, %get3A_2175 : vector<256x128xf32>
    %eq3A_2179 = arith.constant 48 : i32
    %eq3A_2180 = vector.broadcast %eq3A_2179 : i32 to vector<256x128xi32>
    %eq3A_2181 = arith.cmpi eq, %sub3A_1539, %eq3A_2180 : vector<256x128xi32>
    %select_n3A_2182 = arith.select %eq3A_2181, %get3A_2175, %select_n3A_2169 : vector<256x128xi1>, vector<256x128xf32>
    %get3A_2183 = arith.constant 0 : index
    %get3A_2184 = arith.constant 49 : index
    %get3A_2185 = arith.constant 0 : index
    %get3A_2186 = arith.constant 0 : index
    %get3A_2187 = vector.load %arg2[%get3A_2183, %get3A_2184, %get3A_2185, %get3A_2186] : memref<1x80x256x128xf32, #tpu.memory_space<vmem>>, vector<1x1x256x128xf32>
    %get3A_2188 = vector.shape_cast %get3A_2187 : vector<1x1x256x128xf32> to vector<256x128xf32>
    %exp3A_2189 = math.exp %get3A_2188 : vector<256x128xf32>
    %add3A_2190 = arith.addf %add3A_2177, %exp3A_2189 : vector<256x128xf32>
    %max3A_2191 = arith.maximumf %max3A_2178, %get3A_2188 : vector<256x128xf32>
    %eq3A_2192 = arith.constant 49 : i32
    %eq3A_2193 = vector.broadcast %eq3A_2192 : i32 to vector<256x128xi32>
    %eq3A_2194 = arith.cmpi eq, %sub3A_1539, %eq3A_2193 : vector<256x128xi32>
    %select_n3A_2195 = arith.select %eq3A_2194, %get3A_2188, %select_n3A_2182 : vector<256x128xi1>, vector<256x128xf32>
    %get3A_2196 = arith.constant 0 : index
    %get3A_2197 = arith.constant 50 : index
    %get3A_2198 = arith.constant 0 : index
    %get3A_2199 = arith.constant 0 : index
    %get3A_2200 = vector.load %arg2[%get3A_2196, %get3A_2197, %get3A_2198, %get3A_2199] : memref<1x80x256x128xf32, #tpu.memory_space<vmem>>, vector<1x1x256x128xf32>
    %get3A_2201 = vector.shape_cast %get3A_2200 : vector<1x1x256x128xf32> to vector<256x128xf32>
    %exp3A_2202 = math.exp %get3A_2201 : vector<256x128xf32>
    %add3A_2203 = arith.addf %add3A_2190, %exp3A_2202 : vector<256x128xf32>
    %max3A_2204 = arith.maximumf %max3A_2191, %get3A_2201 : vector<256x128xf32>
    %eq3A_2205 = arith.constant 50 : i32
    %eq3A_2206 = vector.broadcast %eq3A_2205 : i32 to vector<256x128xi32>
    %eq3A_2207 = arith.cmpi eq, %sub3A_1539, %eq3A_2206 : vector<256x128xi32>
    %select_n3A_2208 = arith.select %eq3A_2207, %get3A_2201, %select_n3A_2195 : vector<256x128xi1>, vector<256x128xf32>
    %get3A_2209 = arith.constant 0 : index
    %get3A_2210 = arith.constant 51 : index
    %get3A_2211 = arith.constant 0 : index
    %get3A_2212 = arith.constant 0 : index
    %get3A_2213 = vector.load %arg2[%get3A_2209, %get3A_2210, %get3A_2211, %get3A_2212] : memref<1x80x256x128xf32, #tpu.memory_space<vmem>>, vector<1x1x256x128xf32>
    %get3A_2214 = vector.shape_cast %get3A_2213 : vector<1x1x256x128xf32> to vector<256x128xf32>
    %exp3A_2215 = math.exp %get3A_2214 : vector<256x128xf32>
    %add3A_2216 = arith.addf %add3A_2203, %exp3A_2215 : vector<256x128xf32>
    %max3A_2217 = arith.maximumf %max3A_2204, %get3A_2214 : vector<256x128xf32>
    %eq3A_2218 = arith.constant 51 : i32
    %eq3A_2219 = vector.broadcast %eq3A_2218 : i32 to vector<256x128xi32>
    %eq3A_2220 = arith.cmpi eq, %sub3A_1539, %eq3A_2219 : vector<256x128xi32>
    %select_n3A_2221 = arith.select %eq3A_2220, %get3A_2214, %select_n3A_2208 : vector<256x128xi1>, vector<256x128xf32>
    %get3A_2222 = arith.constant 0 : index
    %get3A_2223 = arith.constant 52 : index
    %get3A_2224 = arith.constant 0 : index
    %get3A_2225 = arith.constant 0 : index
    %get3A_2226 = vector.load %arg2[%get3A_2222, %get3A_2223, %get3A_2224, %get3A_2225] : memref<1x80x256x128xf32, #tpu.memory_space<vmem>>, vector<1x1x256x128xf32>
    %get3A_2227 = vector.shape_cast %get3A_2226 : vector<1x1x256x128xf32> to vector<256x128xf32>
    %exp3A_2228 = math.exp %get3A_2227 : vector<256x128xf32>
    %add3A_2229 = arith.addf %add3A_2216, %exp3A_2228 : vector<256x128xf32>
    %max3A_2230 = arith.maximumf %max3A_2217, %get3A_2227 : vector<256x128xf32>
    %eq3A_2231 = arith.constant 52 : i32
    %eq3A_2232 = vector.broadcast %eq3A_2231 : i32 to vector<256x128xi32>
    %eq3A_2233 = arith.cmpi eq, %sub3A_1539, %eq3A_2232 : vector<256x128xi32>
    %select_n3A_2234 = arith.select %eq3A_2233, %get3A_2227, %select_n3A_2221 : vector<256x128xi1>, vector<256x128xf32>
    %get3A_2235 = arith.constant 0 : index
    %get3A_2236 = arith.constant 53 : index
    %get3A_2237 = arith.constant 0 : index
    %get3A_2238 = arith.constant 0 : index
    %get3A_2239 = vector.load %arg2[%get3A_2235, %get3A_2236, %get3A_2237, %get3A_2238] : memref<1x80x256x128xf32, #tpu.memory_space<vmem>>, vector<1x1x256x128xf32>
    %get3A_2240 = vector.shape_cast %get3A_2239 : vector<1x1x256x128xf32> to vector<256x128xf32>
    %exp3A_2241 = math.exp %get3A_2240 : vector<256x128xf32>
    %add3A_2242 = arith.addf %add3A_2229, %exp3A_2241 : vector<256x128xf32>
    %max3A_2243 = arith.maximumf %max3A_2230, %get3A_2240 : vector<256x128xf32>
    %eq3A_2244 = arith.constant 53 : i32
    %eq3A_2245 = vector.broadcast %eq3A_2244 : i32 to vector<256x128xi32>
    %eq3A_2246 = arith.cmpi eq, %sub3A_1539, %eq3A_2245 : vector<256x128xi32>
    %select_n3A_2247 = arith.select %eq3A_2246, %get3A_2240, %select_n3A_2234 : vector<256x128xi1>, vector<256x128xf32>
    %get3A_2248 = arith.constant 0 : index
    %get3A_2249 = arith.constant 54 : index
    %get3A_2250 = arith.constant 0 : index
    %get3A_2251 = arith.constant 0 : index
    %get3A_2252 = vector.load %arg2[%get3A_2248, %get3A_2249, %get3A_2250, %get3A_2251] : memref<1x80x256x128xf32, #tpu.memory_space<vmem>>, vector<1x1x256x128xf32>
    %get3A_2253 = vector.shape_cast %get3A_2252 : vector<1x1x256x128xf32> to vector<256x128xf32>
    %exp3A_2254 = math.exp %get3A_2253 : vector<256x128xf32>
    %add3A_2255 = arith.addf %add3A_2242, %exp3A_2254 : vector<256x128xf32>
    %max3A_2256 = arith.maximumf %max3A_2243, %get3A_2253 : vector<256x128xf32>
    %eq3A_2257 = arith.constant 54 : i32
    %eq3A_2258 = vector.broadcast %eq3A_2257 : i32 to vector<256x128xi32>
    %eq3A_2259 = arith.cmpi eq, %sub3A_1539, %eq3A_2258 : vector<256x128xi32>
    %select_n3A_2260 = arith.select %eq3A_2259, %get3A_2253, %select_n3A_2247 : vector<256x128xi1>, vector<256x128xf32>
    %get3A_2261 = arith.constant 0 : index
    %get3A_2262 = arith.constant 55 : index
    %get3A_2263 = arith.constant 0 : index
    %get3A_2264 = arith.constant 0 : index
    %get3A_2265 = vector.load %arg2[%get3A_2261, %get3A_2262, %get3A_2263, %get3A_2264] : memref<1x80x256x128xf32, #tpu.memory_space<vmem>>, vector<1x1x256x128xf32>
    %get3A_2266 = vector.shape_cast %get3A_2265 : vector<1x1x256x128xf32> to vector<256x128xf32>
    %exp3A_2267 = math.exp %get3A_2266 : vector<256x128xf32>
    %add3A_2268 = arith.addf %add3A_2255, %exp3A_2267 : vector<256x128xf32>
    %max3A_2269 = arith.maximumf %max3A_2256, %get3A_2266 : vector<256x128xf32>
    %eq3A_2270 = arith.constant 55 : i32
    %eq3A_2271 = vector.broadcast %eq3A_2270 : i32 to vector<256x128xi32>
    %eq3A_2272 = arith.cmpi eq, %sub3A_1539, %eq3A_2271 : vector<256x128xi32>
    %select_n3A_2273 = arith.select %eq3A_2272, %get3A_2266, %select_n3A_2260 : vector<256x128xi1>, vector<256x128xf32>
    %get3A_2274 = arith.constant 0 : index
    %get3A_2275 = arith.constant 56 : index
    %get3A_2276 = arith.constant 0 : index
    %get3A_2277 = arith.constant 0 : index
    %get3A_2278 = vector.load %arg2[%get3A_2274, %get3A_2275, %get3A_2276, %get3A_2277] : memref<1x80x256x128xf32, #tpu.memory_space<vmem>>, vector<1x1x256x128xf32>
    %get3A_2279 = vector.shape_cast %get3A_2278 : vector<1x1x256x128xf32> to vector<256x128xf32>
    %exp3A_2280 = math.exp %get3A_2279 : vector<256x128xf32>
    %add3A_2281 = arith.addf %add3A_2268, %exp3A_2280 : vector<256x128xf32>
    %max3A_2282 = arith.maximumf %max3A_2269, %get3A_2279 : vector<256x128xf32>
    %eq3A_2283 = arith.constant 56 : i32
    %eq3A_2284 = vector.broadcast %eq3A_2283 : i32 to vector<256x128xi32>
    %eq3A_2285 = arith.cmpi eq, %sub3A_1539, %eq3A_2284 : vector<256x128xi32>
    %select_n3A_2286 = arith.select %eq3A_2285, %get3A_2279, %select_n3A_2273 : vector<256x128xi1>, vector<256x128xf32>
    %get3A_2287 = arith.constant 0 : index
    %get3A_2288 = arith.constant 57 : index
    %get3A_2289 = arith.constant 0 : index
    %get3A_2290 = arith.constant 0 : index
    %get3A_2291 = vector.load %arg2[%get3A_2287, %get3A_2288, %get3A_2289, %get3A_2290] : memref<1x80x256x128xf32, #tpu.memory_space<vmem>>, vector<1x1x256x128xf32>
    %get3A_2292 = vector.shape_cast %get3A_2291 : vector<1x1x256x128xf32> to vector<256x128xf32>
    %exp3A_2293 = math.exp %get3A_2292 : vector<256x128xf32>
    %add3A_2294 = arith.addf %add3A_2281, %exp3A_2293 : vector<256x128xf32>
    %max3A_2295 = arith.maximumf %max3A_2282, %get3A_2292 : vector<256x128xf32>
    %eq3A_2296 = arith.constant 57 : i32
    %eq3A_2297 = vector.broadcast %eq3A_2296 : i32 to vector<256x128xi32>
    %eq3A_2298 = arith.cmpi eq, %sub3A_1539, %eq3A_2297 : vector<256x128xi32>
    %select_n3A_2299 = arith.select %eq3A_2298, %get3A_2292, %select_n3A_2286 : vector<256x128xi1>, vector<256x128xf32>
    %get3A_2300 = arith.constant 0 : index
    %get3A_2301 = arith.constant 58 : index
    %get3A_2302 = arith.constant 0 : index
    %get3A_2303 = arith.constant 0 : index
    %get3A_2304 = vector.load %arg2[%get3A_2300, %get3A_2301, %get3A_2302, %get3A_2303] : memref<1x80x256x128xf32, #tpu.memory_space<vmem>>, vector<1x1x256x128xf32>
    %get3A_2305 = vector.shape_cast %get3A_2304 : vector<1x1x256x128xf32> to vector<256x128xf32>
    %exp3A_2306 = math.exp %get3A_2305 : vector<256x128xf32>
    %add3A_2307 = arith.addf %add3A_2294, %exp3A_2306 : vector<256x128xf32>
    %max3A_2308 = arith.maximumf %max3A_2295, %get3A_2305 : vector<256x128xf32>
    %eq3A_2309 = arith.constant 58 : i32
    %eq3A_2310 = vector.broadcast %eq3A_2309 : i32 to vector<256x128xi32>
    %eq3A_2311 = arith.cmpi eq, %sub3A_1539, %eq3A_2310 : vector<256x128xi32>
    %select_n3A_2312 = arith.select %eq3A_2311, %get3A_2305, %select_n3A_2299 : vector<256x128xi1>, vector<256x128xf32>
    %get3A_2313 = arith.constant 0 : index
    %get3A_2314 = arith.constant 59 : index
    %get3A_2315 = arith.constant 0 : index
    %get3A_2316 = arith.constant 0 : index
    %get3A_2317 = vector.load %arg2[%get3A_2313, %get3A_2314, %get3A_2315, %get3A_2316] : memref<1x80x256x128xf32, #tpu.memory_space<vmem>>, vector<1x1x256x128xf32>
    %get3A_2318 = vector.shape_cast %get3A_2317 : vector<1x1x256x128xf32> to vector<256x128xf32>
    %exp3A_2319 = math.exp %get3A_2318 : vector<256x128xf32>
    %add3A_2320 = arith.addf %add3A_2307, %exp3A_2319 : vector<256x128xf32>
    %max3A_2321 = arith.maximumf %max3A_2308, %get3A_2318 : vector<256x128xf32>
    %eq3A_2322 = arith.constant 59 : i32
    %eq3A_2323 = vector.broadcast %eq3A_2322 : i32 to vector<256x128xi32>
    %eq3A_2324 = arith.cmpi eq, %sub3A_1539, %eq3A_2323 : vector<256x128xi32>
    %select_n3A_2325 = arith.select %eq3A_2324, %get3A_2318, %select_n3A_2312 : vector<256x128xi1>, vector<256x128xf32>
    %get3A_2326 = arith.constant 0 : index
    %get3A_2327 = arith.constant 60 : index
    %get3A_2328 = arith.constant 0 : index
    %get3A_2329 = arith.constant 0 : index
    %get3A_2330 = vector.load %arg2[%get3A_2326, %get3A_2327, %get3A_2328, %get3A_2329] : memref<1x80x256x128xf32, #tpu.memory_space<vmem>>, vector<1x1x256x128xf32>
    %get3A_2331 = vector.shape_cast %get3A_2330 : vector<1x1x256x128xf32> to vector<256x128xf32>
    %exp3A_2332 = math.exp %get3A_2331 : vector<256x128xf32>
    %add3A_2333 = arith.addf %add3A_2320, %exp3A_2332 : vector<256x128xf32>
    %max3A_2334 = arith.maximumf %max3A_2321, %get3A_2331 : vector<256x128xf32>
    %eq3A_2335 = arith.constant 60 : i32
    %eq3A_2336 = vector.broadcast %eq3A_2335 : i32 to vector<256x128xi32>
    %eq3A_2337 = arith.cmpi eq, %sub3A_1539, %eq3A_2336 : vector<256x128xi32>
    %select_n3A_2338 = arith.select %eq3A_2337, %get3A_2331, %select_n3A_2325 : vector<256x128xi1>, vector<256x128xf32>
    %get3A_2339 = arith.constant 0 : index
    %get3A_2340 = arith.constant 61 : index
    %get3A_2341 = arith.constant 0 : index
    %get3A_2342 = arith.constant 0 : index
    %get3A_2343 = vector.load %arg2[%get3A_2339, %get3A_2340, %get3A_2341, %get3A_2342] : memref<1x80x256x128xf32, #tpu.memory_space<vmem>>, vector<1x1x256x128xf32>
    %get3A_2344 = vector.shape_cast %get3A_2343 : vector<1x1x256x128xf32> to vector<256x128xf32>
    %exp3A_2345 = math.exp %get3A_2344 : vector<256x128xf32>
    %add3A_2346 = arith.addf %add3A_2333, %exp3A_2345 : vector<256x128xf32>
    %max3A_2347 = arith.maximumf %max3A_2334, %get3A_2344 : vector<256x128xf32>
    %eq3A_2348 = arith.constant 61 : i32
    %eq3A_2349 = vector.broadcast %eq3A_2348 : i32 to vector<256x128xi32>
    %eq3A_2350 = arith.cmpi eq, %sub3A_1539, %eq3A_2349 : vector<256x128xi32>
    %select_n3A_2351 = arith.select %eq3A_2350, %get3A_2344, %select_n3A_2338 : vector<256x128xi1>, vector<256x128xf32>
    %get3A_2352 = arith.constant 0 : index
    %get3A_2353 = arith.constant 62 : index
    %get3A_2354 = arith.constant 0 : index
    %get3A_2355 = arith.constant 0 : index
    %get3A_2356 = vector.load %arg2[%get3A_2352, %get3A_2353, %get3A_2354, %get3A_2355] : memref<1x80x256x128xf32, #tpu.memory_space<vmem>>, vector<1x1x256x128xf32>
    %get3A_2357 = vector.shape_cast %get3A_2356 : vector<1x1x256x128xf32> to vector<256x128xf32>
    %exp3A_2358 = math.exp %get3A_2357 : vector<256x128xf32>
    %add3A_2359 = arith.addf %add3A_2346, %exp3A_2358 : vector<256x128xf32>
    %max3A_2360 = arith.maximumf %max3A_2347, %get3A_2357 : vector<256x128xf32>
    %eq3A_2361 = arith.constant 62 : i32
    %eq3A_2362 = vector.broadcast %eq3A_2361 : i32 to vector<256x128xi32>
    %eq3A_2363 = arith.cmpi eq, %sub3A_1539, %eq3A_2362 : vector<256x128xi32>
    %select_n3A_2364 = arith.select %eq3A_2363, %get3A_2357, %select_n3A_2351 : vector<256x128xi1>, vector<256x128xf32>
    %get3A_2365 = arith.constant 0 : index
    %get3A_2366 = arith.constant 63 : index
    %get3A_2367 = arith.constant 0 : index
    %get3A_2368 = arith.constant 0 : index
    %get3A_2369 = vector.load %arg2[%get3A_2365, %get3A_2366, %get3A_2367, %get3A_2368] : memref<1x80x256x128xf32, #tpu.memory_space<vmem>>, vector<1x1x256x128xf32>
    %get3A_2370 = vector.shape_cast %get3A_2369 : vector<1x1x256x128xf32> to vector<256x128xf32>
    %exp3A_2371 = math.exp %get3A_2370 : vector<256x128xf32>
    %add3A_2372 = arith.addf %add3A_2359, %exp3A_2371 : vector<256x128xf32>
    %max3A_2373 = arith.maximumf %max3A_2360, %get3A_2370 : vector<256x128xf32>
    %eq3A_2374 = arith.constant 63 : i32
    %eq3A_2375 = vector.broadcast %eq3A_2374 : i32 to vector<256x128xi32>
    %eq3A_2376 = arith.cmpi eq, %sub3A_1539, %eq3A_2375 : vector<256x128xi32>
    %select_n3A_2377 = arith.select %eq3A_2376, %get3A_2370, %select_n3A_2364 : vector<256x128xi1>, vector<256x128xf32>
    %get3A_2378 = arith.constant 0 : index
    %get3A_2379 = arith.constant 64 : index
    %get3A_2380 = arith.constant 0 : index
    %get3A_2381 = arith.constant 0 : index
    %get3A_2382 = vector.load %arg2[%get3A_2378, %get3A_2379, %get3A_2380, %get3A_2381] : memref<1x80x256x128xf32, #tpu.memory_space<vmem>>, vector<1x1x256x128xf32>
    %get3A_2383 = vector.shape_cast %get3A_2382 : vector<1x1x256x128xf32> to vector<256x128xf32>
    %exp3A_2384 = math.exp %get3A_2383 : vector<256x128xf32>
    %add3A_2385 = arith.addf %add3A_2372, %exp3A_2384 : vector<256x128xf32>
    %max3A_2386 = arith.maximumf %max3A_2373, %get3A_2383 : vector<256x128xf32>
    %eq3A_2387 = arith.constant 64 : i32
    %eq3A_2388 = vector.broadcast %eq3A_2387 : i32 to vector<256x128xi32>
    %eq3A_2389 = arith.cmpi eq, %sub3A_1539, %eq3A_2388 : vector<256x128xi32>
    %select_n3A_2390 = arith.select %eq3A_2389, %get3A_2383, %select_n3A_2377 : vector<256x128xi1>, vector<256x128xf32>
    %get3A_2391 = arith.constant 0 : index
    %get3A_2392 = arith.constant 65 : index
    %get3A_2393 = arith.constant 0 : index
    %get3A_2394 = arith.constant 0 : index
    %get3A_2395 = vector.load %arg2[%get3A_2391, %get3A_2392, %get3A_2393, %get3A_2394] : memref<1x80x256x128xf32, #tpu.memory_space<vmem>>, vector<1x1x256x128xf32>
    %get3A_2396 = vector.shape_cast %get3A_2395 : vector<1x1x256x128xf32> to vector<256x128xf32>
    %exp3A_2397 = math.exp %get3A_2396 : vector<256x128xf32>
    %add3A_2398 = arith.addf %add3A_2385, %exp3A_2397 : vector<256x128xf32>
    %max3A_2399 = arith.maximumf %max3A_2386, %get3A_2396 : vector<256x128xf32>
    %eq3A_2400 = arith.constant 65 : i32
    %eq3A_2401 = vector.broadcast %eq3A_2400 : i32 to vector<256x128xi32>
    %eq3A_2402 = arith.cmpi eq, %sub3A_1539, %eq3A_2401 : vector<256x128xi32>
    %select_n3A_2403 = arith.select %eq3A_2402, %get3A_2396, %select_n3A_2390 : vector<256x128xi1>, vector<256x128xf32>
    %get3A_2404 = arith.constant 0 : index
    %get3A_2405 = arith.constant 66 : index
    %get3A_2406 = arith.constant 0 : index
    %get3A_2407 = arith.constant 0 : index
    %get3A_2408 = vector.load %arg2[%get3A_2404, %get3A_2405, %get3A_2406, %get3A_2407] : memref<1x80x256x128xf32, #tpu.memory_space<vmem>>, vector<1x1x256x128xf32>
    %get3A_2409 = vector.shape_cast %get3A_2408 : vector<1x1x256x128xf32> to vector<256x128xf32>
    %exp3A_2410 = math.exp %get3A_2409 : vector<256x128xf32>
    %add3A_2411 = arith.addf %add3A_2398, %exp3A_2410 : vector<256x128xf32>
    %max3A_2412 = arith.maximumf %max3A_2399, %get3A_2409 : vector<256x128xf32>
    %eq3A_2413 = arith.constant 66 : i32
    %eq3A_2414 = vector.broadcast %eq3A_2413 : i32 to vector<256x128xi32>
    %eq3A_2415 = arith.cmpi eq, %sub3A_1539, %eq3A_2414 : vector<256x128xi32>
    %select_n3A_2416 = arith.select %eq3A_2415, %get3A_2409, %select_n3A_2403 : vector<256x128xi1>, vector<256x128xf32>
    %get3A_2417 = arith.constant 0 : index
    %get3A_2418 = arith.constant 67 : index
    %get3A_2419 = arith.constant 0 : index
    %get3A_2420 = arith.constant 0 : index
    %get3A_2421 = vector.load %arg2[%get3A_2417, %get3A_2418, %get3A_2419, %get3A_2420] : memref<1x80x256x128xf32, #tpu.memory_space<vmem>>, vector<1x1x256x128xf32>
    %get3A_2422 = vector.shape_cast %get3A_2421 : vector<1x1x256x128xf32> to vector<256x128xf32>
    %exp3A_2423 = math.exp %get3A_2422 : vector<256x128xf32>
    %add3A_2424 = arith.addf %add3A_2411, %exp3A_2423 : vector<256x128xf32>
    %max3A_2425 = arith.maximumf %max3A_2412, %get3A_2422 : vector<256x128xf32>
    %eq3A_2426 = arith.constant 67 : i32
    %eq3A_2427 = vector.broadcast %eq3A_2426 : i32 to vector<256x128xi32>
    %eq3A_2428 = arith.cmpi eq, %sub3A_1539, %eq3A_2427 : vector<256x128xi32>
    %select_n3A_2429 = arith.select %eq3A_2428, %get3A_2422, %select_n3A_2416 : vector<256x128xi1>, vector<256x128xf32>
    %get3A_2430 = arith.constant 0 : index
    %get3A_2431 = arith.constant 68 : index
    %get3A_2432 = arith.constant 0 : index
    %get3A_2433 = arith.constant 0 : index
    %get3A_2434 = vector.load %arg2[%get3A_2430, %get3A_2431, %get3A_2432, %get3A_2433] : memref<1x80x256x128xf32, #tpu.memory_space<vmem>>, vector<1x1x256x128xf32>
    %get3A_2435 = vector.shape_cast %get3A_2434 : vector<1x1x256x128xf32> to vector<256x128xf32>
    %exp3A_2436 = math.exp %get3A_2435 : vector<256x128xf32>
    %add3A_2437 = arith.addf %add3A_2424, %exp3A_2436 : vector<256x128xf32>
    %max3A_2438 = arith.maximumf %max3A_2425, %get3A_2435 : vector<256x128xf32>
    %eq3A_2439 = arith.constant 68 : i32
    %eq3A_2440 = vector.broadcast %eq3A_2439 : i32 to vector<256x128xi32>
    %eq3A_2441 = arith.cmpi eq, %sub3A_1539, %eq3A_2440 : vector<256x128xi32>
    %select_n3A_2442 = arith.select %eq3A_2441, %get3A_2435, %select_n3A_2429 : vector<256x128xi1>, vector<256x128xf32>
    %get3A_2443 = arith.constant 0 : index
    %get3A_2444 = arith.constant 69 : index
    %get3A_2445 = arith.constant 0 : index
    %get3A_2446 = arith.constant 0 : index
    %get3A_2447 = vector.load %arg2[%get3A_2443, %get3A_2444, %get3A_2445, %get3A_2446] : memref<1x80x256x128xf32, #tpu.memory_space<vmem>>, vector<1x1x256x128xf32>
    %get3A_2448 = vector.shape_cast %get3A_2447 : vector<1x1x256x128xf32> to vector<256x128xf32>
    %exp3A_2449 = math.exp %get3A_2448 : vector<256x128xf32>
    %add3A_2450 = arith.addf %add3A_2437, %exp3A_2449 : vector<256x128xf32>
    %max3A_2451 = arith.maximumf %max3A_2438, %get3A_2448 : vector<256x128xf32>
    %eq3A_2452 = arith.constant 69 : i32
    %eq3A_2453 = vector.broadcast %eq3A_2452 : i32 to vector<256x128xi32>
    %eq3A_2454 = arith.cmpi eq, %sub3A_1539, %eq3A_2453 : vector<256x128xi32>
    %select_n3A_2455 = arith.select %eq3A_2454, %get3A_2448, %select_n3A_2442 : vector<256x128xi1>, vector<256x128xf32>
    %get3A_2456 = arith.constant 0 : index
    %get3A_2457 = arith.constant 70 : index
    %get3A_2458 = arith.constant 0 : index
    %get3A_2459 = arith.constant 0 : index
    %get3A_2460 = vector.load %arg2[%get3A_2456, %get3A_2457, %get3A_2458, %get3A_2459] : memref<1x80x256x128xf32, #tpu.memory_space<vmem>>, vector<1x1x256x128xf32>
    %get3A_2461 = vector.shape_cast %get3A_2460 : vector<1x1x256x128xf32> to vector<256x128xf32>
    %exp3A_2462 = math.exp %get3A_2461 : vector<256x128xf32>
    %add3A_2463 = arith.addf %add3A_2450, %exp3A_2462 : vector<256x128xf32>
    %max3A_2464 = arith.maximumf %max3A_2451, %get3A_2461 : vector<256x128xf32>
    %eq3A_2465 = arith.constant 70 : i32
    %eq3A_2466 = vector.broadcast %eq3A_2465 : i32 to vector<256x128xi32>
    %eq3A_2467 = arith.cmpi eq, %sub3A_1539, %eq3A_2466 : vector<256x128xi32>
    %select_n3A_2468 = arith.select %eq3A_2467, %get3A_2461, %select_n3A_2455 : vector<256x128xi1>, vector<256x128xf32>
    %get3A_2469 = arith.constant 0 : index
    %get3A_2470 = arith.constant 71 : index
    %get3A_2471 = arith.constant 0 : index
    %get3A_2472 = arith.constant 0 : index
    %get3A_2473 = vector.load %arg2[%get3A_2469, %get3A_2470, %get3A_2471, %get3A_2472] : memref<1x80x256x128xf32, #tpu.memory_space<vmem>>, vector<1x1x256x128xf32>
    %get3A_2474 = vector.shape_cast %get3A_2473 : vector<1x1x256x128xf32> to vector<256x128xf32>
    %exp3A_2475 = math.exp %get3A_2474 : vector<256x128xf32>
    %add3A_2476 = arith.addf %add3A_2463, %exp3A_2475 : vector<256x128xf32>
    %max3A_2477 = arith.maximumf %max3A_2464, %get3A_2474 : vector<256x128xf32>
    %eq3A_2478 = arith.constant 71 : i32
    %eq3A_2479 = vector.broadcast %eq3A_2478 : i32 to vector<256x128xi32>
    %eq3A_2480 = arith.cmpi eq, %sub3A_1539, %eq3A_2479 : vector<256x128xi32>
    %select_n3A_2481 = arith.select %eq3A_2480, %get3A_2474, %select_n3A_2468 : vector<256x128xi1>, vector<256x128xf32>
    %get3A_2482 = arith.constant 0 : index
    %get3A_2483 = arith.constant 72 : index
    %get3A_2484 = arith.constant 0 : index
    %get3A_2485 = arith.constant 0 : index
    %get3A_2486 = vector.load %arg2[%get3A_2482, %get3A_2483, %get3A_2484, %get3A_2485] : memref<1x80x256x128xf32, #tpu.memory_space<vmem>>, vector<1x1x256x128xf32>
    %get3A_2487 = vector.shape_cast %get3A_2486 : vector<1x1x256x128xf32> to vector<256x128xf32>
    %exp3A_2488 = math.exp %get3A_2487 : vector<256x128xf32>
    %add3A_2489 = arith.addf %add3A_2476, %exp3A_2488 : vector<256x128xf32>
    %max3A_2490 = arith.maximumf %max3A_2477, %get3A_2487 : vector<256x128xf32>
    %eq3A_2491 = arith.constant 72 : i32
    %eq3A_2492 = vector.broadcast %eq3A_2491 : i32 to vector<256x128xi32>
    %eq3A_2493 = arith.cmpi eq, %sub3A_1539, %eq3A_2492 : vector<256x128xi32>
    %select_n3A_2494 = arith.select %eq3A_2493, %get3A_2487, %select_n3A_2481 : vector<256x128xi1>, vector<256x128xf32>
    %get3A_2495 = arith.constant 0 : index
    %get3A_2496 = arith.constant 73 : index
    %get3A_2497 = arith.constant 0 : index
    %get3A_2498 = arith.constant 0 : index
    %get3A_2499 = vector.load %arg2[%get3A_2495, %get3A_2496, %get3A_2497, %get3A_2498] : memref<1x80x256x128xf32, #tpu.memory_space<vmem>>, vector<1x1x256x128xf32>
    %get3A_2500 = vector.shape_cast %get3A_2499 : vector<1x1x256x128xf32> to vector<256x128xf32>
    %exp3A_2501 = math.exp %get3A_2500 : vector<256x128xf32>
    %add3A_2502 = arith.addf %add3A_2489, %exp3A_2501 : vector<256x128xf32>
    %max3A_2503 = arith.maximumf %max3A_2490, %get3A_2500 : vector<256x128xf32>
    %eq3A_2504 = arith.constant 73 : i32
    %eq3A_2505 = vector.broadcast %eq3A_2504 : i32 to vector<256x128xi32>
    %eq3A_2506 = arith.cmpi eq, %sub3A_1539, %eq3A_2505 : vector<256x128xi32>
    %select_n3A_2507 = arith.select %eq3A_2506, %get3A_2500, %select_n3A_2494 : vector<256x128xi1>, vector<256x128xf32>
    %get3A_2508 = arith.constant 0 : index
    %get3A_2509 = arith.constant 74 : index
    %get3A_2510 = arith.constant 0 : index
    %get3A_2511 = arith.constant 0 : index
    %get3A_2512 = vector.load %arg2[%get3A_2508, %get3A_2509, %get3A_2510, %get3A_2511] : memref<1x80x256x128xf32, #tpu.memory_space<vmem>>, vector<1x1x256x128xf32>
    %get3A_2513 = vector.shape_cast %get3A_2512 : vector<1x1x256x128xf32> to vector<256x128xf32>
    %exp3A_2514 = math.exp %get3A_2513 : vector<256x128xf32>
    %add3A_2515 = arith.addf %add3A_2502, %exp3A_2514 : vector<256x128xf32>
    %max3A_2516 = arith.maximumf %max3A_2503, %get3A_2513 : vector<256x128xf32>
    %eq3A_2517 = arith.constant 74 : i32
    %eq3A_2518 = vector.broadcast %eq3A_2517 : i32 to vector<256x128xi32>
    %eq3A_2519 = arith.cmpi eq, %sub3A_1539, %eq3A_2518 : vector<256x128xi32>
    %select_n3A_2520 = arith.select %eq3A_2519, %get3A_2513, %select_n3A_2507 : vector<256x128xi1>, vector<256x128xf32>
    %get3A_2521 = arith.constant 0 : index
    %get3A_2522 = arith.constant 75 : index
    %get3A_2523 = arith.constant 0 : index
    %get3A_2524 = arith.constant 0 : index
    %get3A_2525 = vector.load %arg2[%get3A_2521, %get3A_2522, %get3A_2523, %get3A_2524] : memref<1x80x256x128xf32, #tpu.memory_space<vmem>>, vector<1x1x256x128xf32>
    %get3A_2526 = vector.shape_cast %get3A_2525 : vector<1x1x256x128xf32> to vector<256x128xf32>
    %exp3A_2527 = math.exp %get3A_2526 : vector<256x128xf32>
    %add3A_2528 = arith.addf %add3A_2515, %exp3A_2527 : vector<256x128xf32>
    %max3A_2529 = arith.maximumf %max3A_2516, %get3A_2526 : vector<256x128xf32>
    %eq3A_2530 = arith.constant 75 : i32
    %eq3A_2531 = vector.broadcast %eq3A_2530 : i32 to vector<256x128xi32>
    %eq3A_2532 = arith.cmpi eq, %sub3A_1539, %eq3A_2531 : vector<256x128xi32>
    %select_n3A_2533 = arith.select %eq3A_2532, %get3A_2526, %select_n3A_2520 : vector<256x128xi1>, vector<256x128xf32>
    %get3A_2534 = arith.constant 0 : index
    %get3A_2535 = arith.constant 76 : index
    %get3A_2536 = arith.constant 0 : index
    %get3A_2537 = arith.constant 0 : index
    %get3A_2538 = vector.load %arg2[%get3A_2534, %get3A_2535, %get3A_2536, %get3A_2537] : memref<1x80x256x128xf32, #tpu.memory_space<vmem>>, vector<1x1x256x128xf32>
    %get3A_2539 = vector.shape_cast %get3A_2538 : vector<1x1x256x128xf32> to vector<256x128xf32>
    %exp3A_2540 = math.exp %get3A_2539 : vector<256x128xf32>
    %add3A_2541 = arith.addf %add3A_2528, %exp3A_2540 : vector<256x128xf32>
    %max3A_2542 = arith.maximumf %max3A_2529, %get3A_2539 : vector<256x128xf32>
    %eq3A_2543 = arith.constant 76 : i32
    %eq3A_2544 = vector.broadcast %eq3A_2543 : i32 to vector<256x128xi32>
    %eq3A_2545 = arith.cmpi eq, %sub3A_1539, %eq3A_2544 : vector<256x128xi32>
    %select_n3A_2546 = arith.select %eq3A_2545, %get3A_2539, %select_n3A_2533 : vector<256x128xi1>, vector<256x128xf32>
    %get3A_2547 = arith.constant 0 : index
    %get3A_2548 = arith.constant 77 : index
    %get3A_2549 = arith.constant 0 : index
    %get3A_2550 = arith.constant 0 : index
    %get3A_2551 = vector.load %arg2[%get3A_2547, %get3A_2548, %get3A_2549, %get3A_2550] : memref<1x80x256x128xf32, #tpu.memory_space<vmem>>, vector<1x1x256x128xf32>
    %get3A_2552 = vector.shape_cast %get3A_2551 : vector<1x1x256x128xf32> to vector<256x128xf32>
    %exp3A_2553 = math.exp %get3A_2552 : vector<256x128xf32>
    %add3A_2554 = arith.addf %add3A_2541, %exp3A_2553 : vector<256x128xf32>
    %max3A_2555 = arith.maximumf %max3A_2542, %get3A_2552 : vector<256x128xf32>
    %eq3A_2556 = arith.constant 77 : i32
    %eq3A_2557 = vector.broadcast %eq3A_2556 : i32 to vector<256x128xi32>
    %eq3A_2558 = arith.cmpi eq, %sub3A_1539, %eq3A_2557 : vector<256x128xi32>
    %select_n3A_2559 = arith.select %eq3A_2558, %get3A_2552, %select_n3A_2546 : vector<256x128xi1>, vector<256x128xf32>
    %get3A_2560 = arith.constant 0 : index
    %get3A_2561 = arith.constant 78 : index
    %get3A_2562 = arith.constant 0 : index
    %get3A_2563 = arith.constant 0 : index
    %get3A_2564 = vector.load %arg2[%get3A_2560, %get3A_2561, %get3A_2562, %get3A_2563] : memref<1x80x256x128xf32, #tpu.memory_space<vmem>>, vector<1x1x256x128xf32>
    %get3A_2565 = vector.shape_cast %get3A_2564 : vector<1x1x256x128xf32> to vector<256x128xf32>
    %exp3A_2566 = math.exp %get3A_2565 : vector<256x128xf32>
    %add3A_2567 = arith.addf %add3A_2554, %exp3A_2566 : vector<256x128xf32>
    %max3A_2568 = arith.maximumf %max3A_2555, %get3A_2565 : vector<256x128xf32>
    %eq3A_2569 = arith.constant 78 : i32
    %eq3A_2570 = vector.broadcast %eq3A_2569 : i32 to vector<256x128xi32>
    %eq3A_2571 = arith.cmpi eq, %sub3A_1539, %eq3A_2570 : vector<256x128xi32>
    %select_n3A_2572 = arith.select %eq3A_2571, %get3A_2565, %select_n3A_2559 : vector<256x128xi1>, vector<256x128xf32>
    %get3A_2573 = arith.constant 0 : index
    %get3A_2574 = arith.constant 79 : index
    %get3A_2575 = arith.constant 0 : index
    %get3A_2576 = arith.constant 0 : index
    %get3A_2577 = vector.load %arg2[%get3A_2573, %get3A_2574, %get3A_2575, %get3A_2576] : memref<1x80x256x128xf32, #tpu.memory_space<vmem>>, vector<1x1x256x128xf32>
    %get3A_2578 = vector.shape_cast %get3A_2577 : vector<1x1x256x128xf32> to vector<256x128xf32>
    %exp3A_2579 = math.exp %get3A_2578 : vector<256x128xf32>
    %add3A_2580 = arith.addf %add3A_2567, %exp3A_2579 : vector<256x128xf32>
    %max3A_2581 = arith.maximumf %max3A_2568, %get3A_2578 : vector<256x128xf32>
    %eq3A_2582 = arith.constant 79 : i32
    %eq3A_2583 = vector.broadcast %eq3A_2582 : i32 to vector<256x128xi32>
    %eq3A_2584 = arith.cmpi eq, %sub3A_1539, %eq3A_2583 : vector<256x128xi32>
    %select_n3A_2585 = arith.select %eq3A_2584, %get3A_2578, %select_n3A_2572 : vector<256x128xi1>, vector<256x128xf32>
    %log3A_2586 = math.log %add3A_2580 : vector<256x128xf32>
    %add3A_2587 = arith.addf %squeeze3A_1525, %log3A_2586 : vector<256x128xf32>
    %add3A_2588 = arith.addf %max3A_2581, %squeeze3A_1527 : vector<256x128xf32>
    %max3A_2589 = arith.maximumf %add3A_2587, %add3A_2588 : vector<256x128xf32>
    %sub3A_2590 = arith.subf %squeeze3A_1527, %max3A_2589 : vector<256x128xf32>
    %sub3A_2591 = arith.subf %add3A_2587, %max3A_2589 : vector<256x128xf32>
    %exp3A_2592 = math.exp %sub3A_2591 : vector<256x128xf32>
    %get3A_2593 = arith.constant 0 : index
    %get3A_2594 = arith.constant 0 : index
    %get3A_2595 = arith.constant 0 : index
    %get3A_2596 = arith.constant 0 : index
    %get3A_2597 = vector.load %arg2[%get3A_2593, %get3A_2594, %get3A_2595, %get3A_2596] : memref<1x80x256x128xf32, #tpu.memory_space<vmem>>, vector<1x1x256x128xf32>
    %get3A_2598 = vector.shape_cast %get3A_2597 : vector<1x1x256x128xf32> to vector<256x128xf32>
    %add3A_2599 = arith.addf %get3A_2598, %sub3A_2590 : vector<256x128xf32>
    %exp3A_2600 = math.exp %add3A_2599 : vector<256x128xf32>
    %add3A_2601 = arith.addf %exp3A_2592, %exp3A_2600 : vector<256x128xf32>
    %get3A_2602 = arith.constant 0 : index
    %get3A_2603 = arith.constant 1 : index
    %get3A_2604 = arith.constant 0 : index
    %get3A_2605 = arith.constant 0 : index
    %get3A_2606 = vector.load %arg2[%get3A_2602, %get3A_2603, %get3A_2604, %get3A_2605] : memref<1x80x256x128xf32, #tpu.memory_space<vmem>>, vector<1x1x256x128xf32>
    %get3A_2607 = vector.shape_cast %get3A_2606 : vector<1x1x256x128xf32> to vector<256x128xf32>
    %add3A_2608 = arith.addf %get3A_2607, %sub3A_2590 : vector<256x128xf32>
    %exp3A_2609 = math.exp %add3A_2608 : vector<256x128xf32>
    %add3A_2610 = arith.addf %add3A_2601, %exp3A_2609 : vector<256x128xf32>
    %get3A_2611 = arith.constant 0 : index
    %get3A_2612 = arith.constant 2 : index
    %get3A_2613 = arith.constant 0 : index
    %get3A_2614 = arith.constant 0 : index
    %get3A_2615 = vector.load %arg2[%get3A_2611, %get3A_2612, %get3A_2613, %get3A_2614] : memref<1x80x256x128xf32, #tpu.memory_space<vmem>>, vector<1x1x256x128xf32>
    %get3A_2616 = vector.shape_cast %get3A_2615 : vector<1x1x256x128xf32> to vector<256x128xf32>
    %add3A_2617 = arith.addf %get3A_2616, %sub3A_2590 : vector<256x128xf32>
    %exp3A_2618 = math.exp %add3A_2617 : vector<256x128xf32>
    %add3A_2619 = arith.addf %add3A_2610, %exp3A_2618 : vector<256x128xf32>
    %get3A_2620 = arith.constant 0 : index
    %get3A_2621 = arith.constant 3 : index
    %get3A_2622 = arith.constant 0 : index
    %get3A_2623 = arith.constant 0 : index
    %get3A_2624 = vector.load %arg2[%get3A_2620, %get3A_2621, %get3A_2622, %get3A_2623] : memref<1x80x256x128xf32, #tpu.memory_space<vmem>>, vector<1x1x256x128xf32>
    %get3A_2625 = vector.shape_cast %get3A_2624 : vector<1x1x256x128xf32> to vector<256x128xf32>
    %add3A_2626 = arith.addf %get3A_2625, %sub3A_2590 : vector<256x128xf32>
    %exp3A_2627 = math.exp %add3A_2626 : vector<256x128xf32>
    %add3A_2628 = arith.addf %add3A_2619, %exp3A_2627 : vector<256x128xf32>
    %get3A_2629 = arith.constant 0 : index
    %get3A_2630 = arith.constant 4 : index
    %get3A_2631 = arith.constant 0 : index
    %get3A_2632 = arith.constant 0 : index
    %get3A_2633 = vector.load %arg2[%get3A_2629, %get3A_2630, %get3A_2631, %get3A_2632] : memref<1x80x256x128xf32, #tpu.memory_space<vmem>>, vector<1x1x256x128xf32>
    %get3A_2634 = vector.shape_cast %get3A_2633 : vector<1x1x256x128xf32> to vector<256x128xf32>
    %add3A_2635 = arith.addf %get3A_2634, %sub3A_2590 : vector<256x128xf32>
    %exp3A_2636 = math.exp %add3A_2635 : vector<256x128xf32>
    %add3A_2637 = arith.addf %add3A_2628, %exp3A_2636 : vector<256x128xf32>
    %get3A_2638 = arith.constant 0 : index
    %get3A_2639 = arith.constant 5 : index
    %get3A_2640 = arith.constant 0 : index
    %get3A_2641 = arith.constant 0 : index
    %get3A_2642 = vector.load %arg2[%get3A_2638, %get3A_2639, %get3A_2640, %get3A_2641] : memref<1x80x256x128xf32, #tpu.memory_space<vmem>>, vector<1x1x256x128xf32>
    %get3A_2643 = vector.shape_cast %get3A_2642 : vector<1x1x256x128xf32> to vector<256x128xf32>
    %add3A_2644 = arith.addf %get3A_2643, %sub3A_2590 : vector<256x128xf32>
    %exp3A_2645 = math.exp %add3A_2644 : vector<256x128xf32>
    %add3A_2646 = arith.addf %add3A_2637, %exp3A_2645 : vector<256x128xf32>
    %get3A_2647 = arith.constant 0 : index
    %get3A_2648 = arith.constant 6 : index
    %get3A_2649 = arith.constant 0 : index
    %get3A_2650 = arith.constant 0 : index
    %get3A_2651 = vector.load %arg2[%get3A_2647, %get3A_2648, %get3A_2649, %get3A_2650] : memref<1x80x256x128xf32, #tpu.memory_space<vmem>>, vector<1x1x256x128xf32>
    %get3A_2652 = vector.shape_cast %get3A_2651 : vector<1x1x256x128xf32> to vector<256x128xf32>
    %add3A_2653 = arith.addf %get3A_2652, %sub3A_2590 : vector<256x128xf32>
    %exp3A_2654 = math.exp %add3A_2653 : vector<256x128xf32>
    %add3A_2655 = arith.addf %add3A_2646, %exp3A_2654 : vector<256x128xf32>
    %get3A_2656 = arith.constant 0 : index
    %get3A_2657 = arith.constant 7 : index
    %get3A_2658 = arith.constant 0 : index
    %get3A_2659 = arith.constant 0 : index
    %get3A_2660 = vector.load %arg2[%get3A_2656, %get3A_2657, %get3A_2658, %get3A_2659] : memref<1x80x256x128xf32, #tpu.memory_space<vmem>>, vector<1x1x256x128xf32>
    %get3A_2661 = vector.shape_cast %get3A_2660 : vector<1x1x256x128xf32> to vector<256x128xf32>
    %add3A_2662 = arith.addf %get3A_2661, %sub3A_2590 : vector<256x128xf32>
    %exp3A_2663 = math.exp %add3A_2662 : vector<256x128xf32>
    %add3A_2664 = arith.addf %add3A_2655, %exp3A_2663 : vector<256x128xf32>
    %get3A_2665 = arith.constant 0 : index
    %get3A_2666 = arith.constant 8 : index
    %get3A_2667 = arith.constant 0 : index
    %get3A_2668 = arith.constant 0 : index
    %get3A_2669 = vector.load %arg2[%get3A_2665, %get3A_2666, %get3A_2667, %get3A_2668] : memref<1x80x256x128xf32, #tpu.memory_space<vmem>>, vector<1x1x256x128xf32>
    %get3A_2670 = vector.shape_cast %get3A_2669 : vector<1x1x256x128xf32> to vector<256x128xf32>
    %add3A_2671 = arith.addf %get3A_2670, %sub3A_2590 : vector<256x128xf32>
    %exp3A_2672 = math.exp %add3A_2671 : vector<256x128xf32>
    %add3A_2673 = arith.addf %add3A_2664, %exp3A_2672 : vector<256x128xf32>
    %get3A_2674 = arith.constant 0 : index
    %get3A_2675 = arith.constant 9 : index
    %get3A_2676 = arith.constant 0 : index
    %get3A_2677 = arith.constant 0 : index
    %get3A_2678 = vector.load %arg2[%get3A_2674, %get3A_2675, %get3A_2676, %get3A_2677] : memref<1x80x256x128xf32, #tpu.memory_space<vmem>>, vector<1x1x256x128xf32>
    %get3A_2679 = vector.shape_cast %get3A_2678 : vector<1x1x256x128xf32> to vector<256x128xf32>
    %add3A_2680 = arith.addf %get3A_2679, %sub3A_2590 : vector<256x128xf32>
    %exp3A_2681 = math.exp %add3A_2680 : vector<256x128xf32>
    %add3A_2682 = arith.addf %add3A_2673, %exp3A_2681 : vector<256x128xf32>
    %get3A_2683 = arith.constant 0 : index
    %get3A_2684 = arith.constant 10 : index
    %get3A_2685 = arith.constant 0 : index
    %get3A_2686 = arith.constant 0 : index
    %get3A_2687 = vector.load %arg2[%get3A_2683, %get3A_2684, %get3A_2685, %get3A_2686] : memref<1x80x256x128xf32, #tpu.memory_space<vmem>>, vector<1x1x256x128xf32>
    %get3A_2688 = vector.shape_cast %get3A_2687 : vector<1x1x256x128xf32> to vector<256x128xf32>
    %add3A_2689 = arith.addf %get3A_2688, %sub3A_2590 : vector<256x128xf32>
    %exp3A_2690 = math.exp %add3A_2689 : vector<256x128xf32>
    %add3A_2691 = arith.addf %add3A_2682, %exp3A_2690 : vector<256x128xf32>
    %get3A_2692 = arith.constant 0 : index
    %get3A_2693 = arith.constant 11 : index
    %get3A_2694 = arith.constant 0 : index
    %get3A_2695 = arith.constant 0 : index
    %get3A_2696 = vector.load %arg2[%get3A_2692, %get3A_2693, %get3A_2694, %get3A_2695] : memref<1x80x256x128xf32, #tpu.memory_space<vmem>>, vector<1x1x256x128xf32>
    %get3A_2697 = vector.shape_cast %get3A_2696 : vector<1x1x256x128xf32> to vector<256x128xf32>
    %add3A_2698 = arith.addf %get3A_2697, %sub3A_2590 : vector<256x128xf32>
    %exp3A_2699 = math.exp %add3A_2698 : vector<256x128xf32>
    %add3A_2700 = arith.addf %add3A_2691, %exp3A_2699 : vector<256x128xf32>
    %get3A_2701 = arith.constant 0 : index
    %get3A_2702 = arith.constant 12 : index
    %get3A_2703 = arith.constant 0 : index
    %get3A_2704 = arith.constant 0 : index
    %get3A_2705 = vector.load %arg2[%get3A_2701, %get3A_2702, %get3A_2703, %get3A_2704] : memref<1x80x256x128xf32, #tpu.memory_space<vmem>>, vector<1x1x256x128xf32>
    %get3A_2706 = vector.shape_cast %get3A_2705 : vector<1x1x256x128xf32> to vector<256x128xf32>
    %add3A_2707 = arith.addf %get3A_2706, %sub3A_2590 : vector<256x128xf32>
    %exp3A_2708 = math.exp %add3A_2707 : vector<256x128xf32>
    %add3A_2709 = arith.addf %add3A_2700, %exp3A_2708 : vector<256x128xf32>
    %get3A_2710 = arith.constant 0 : index
    %get3A_2711 = arith.constant 13 : index
    %get3A_2712 = arith.constant 0 : index
    %get3A_2713 = arith.constant 0 : index
    %get3A_2714 = vector.load %arg2[%get3A_2710, %get3A_2711, %get3A_2712, %get3A_2713] : memref<1x80x256x128xf32, #tpu.memory_space<vmem>>, vector<1x1x256x128xf32>
    %get3A_2715 = vector.shape_cast %get3A_2714 : vector<1x1x256x128xf32> to vector<256x128xf32>
    %add3A_2716 = arith.addf %get3A_2715, %sub3A_2590 : vector<256x128xf32>
    %exp3A_2717 = math.exp %add3A_2716 : vector<256x128xf32>
    %add3A_2718 = arith.addf %add3A_2709, %exp3A_2717 : vector<256x128xf32>
    %get3A_2719 = arith.constant 0 : index
    %get3A_2720 = arith.constant 14 : index
    %get3A_2721 = arith.constant 0 : index
    %get3A_2722 = arith.constant 0 : index
    %get3A_2723 = vector.load %arg2[%get3A_2719, %get3A_2720, %get3A_2721, %get3A_2722] : memref<1x80x256x128xf32, #tpu.memory_space<vmem>>, vector<1x1x256x128xf32>
    %get3A_2724 = vector.shape_cast %get3A_2723 : vector<1x1x256x128xf32> to vector<256x128xf32>
    %add3A_2725 = arith.addf %get3A_2724, %sub3A_2590 : vector<256x128xf32>
    %exp3A_2726 = math.exp %add3A_2725 : vector<256x128xf32>
    %add3A_2727 = arith.addf %add3A_2718, %exp3A_2726 : vector<256x128xf32>
    %get3A_2728 = arith.constant 0 : index
    %get3A_2729 = arith.constant 15 : index
    %get3A_2730 = arith.constant 0 : index
    %get3A_2731 = arith.constant 0 : index
    %get3A_2732 = vector.load %arg2[%get3A_2728, %get3A_2729, %get3A_2730, %get3A_2731] : memref<1x80x256x128xf32, #tpu.memory_space<vmem>>, vector<1x1x256x128xf32>
    %get3A_2733 = vector.shape_cast %get3A_2732 : vector<1x1x256x128xf32> to vector<256x128xf32>
    %add3A_2734 = arith.addf %get3A_2733, %sub3A_2590 : vector<256x128xf32>
    %exp3A_2735 = math.exp %add3A_2734 : vector<256x128xf32>
    %add3A_2736 = arith.addf %add3A_2727, %exp3A_2735 : vector<256x128xf32>
    %get3A_2737 = arith.constant 0 : index
    %get3A_2738 = arith.constant 16 : index
    %get3A_2739 = arith.constant 0 : index
    %get3A_2740 = arith.constant 0 : index
    %get3A_2741 = vector.load %arg2[%get3A_2737, %get3A_2738, %get3A_2739, %get3A_2740] : memref<1x80x256x128xf32, #tpu.memory_space<vmem>>, vector<1x1x256x128xf32>
    %get3A_2742 = vector.shape_cast %get3A_2741 : vector<1x1x256x128xf32> to vector<256x128xf32>
    %add3A_2743 = arith.addf %get3A_2742, %sub3A_2590 : vector<256x128xf32>
    %exp3A_2744 = math.exp %add3A_2743 : vector<256x128xf32>
    %add3A_2745 = arith.addf %add3A_2736, %exp3A_2744 : vector<256x128xf32>
    %get3A_2746 = arith.constant 0 : index
    %get3A_2747 = arith.constant 17 : index
    %get3A_2748 = arith.constant 0 : index
    %get3A_2749 = arith.constant 0 : index
    %get3A_2750 = vector.load %arg2[%get3A_2746, %get3A_2747, %get3A_2748, %get3A_2749] : memref<1x80x256x128xf32, #tpu.memory_space<vmem>>, vector<1x1x256x128xf32>
    %get3A_2751 = vector.shape_cast %get3A_2750 : vector<1x1x256x128xf32> to vector<256x128xf32>
    %add3A_2752 = arith.addf %get3A_2751, %sub3A_2590 : vector<256x128xf32>
    %exp3A_2753 = math.exp %add3A_2752 : vector<256x128xf32>
    %add3A_2754 = arith.addf %add3A_2745, %exp3A_2753 : vector<256x128xf32>
    %get3A_2755 = arith.constant 0 : index
    %get3A_2756 = arith.constant 18 : index
    %get3A_2757 = arith.constant 0 : index
    %get3A_2758 = arith.constant 0 : index
    %get3A_2759 = vector.load %arg2[%get3A_2755, %get3A_2756, %get3A_2757, %get3A_2758] : memref<1x80x256x128xf32, #tpu.memory_space<vmem>>, vector<1x1x256x128xf32>
    %get3A_2760 = vector.shape_cast %get3A_2759 : vector<1x1x256x128xf32> to vector<256x128xf32>
    %add3A_2761 = arith.addf %get3A_2760, %sub3A_2590 : vector<256x128xf32>
    %exp3A_2762 = math.exp %add3A_2761 : vector<256x128xf32>
    %add3A_2763 = arith.addf %add3A_2754, %exp3A_2762 : vector<256x128xf32>
    %get3A_2764 = arith.constant 0 : index
    %get3A_2765 = arith.constant 19 : index
    %get3A_2766 = arith.constant 0 : index
    %get3A_2767 = arith.constant 0 : index
    %get3A_2768 = vector.load %arg2[%get3A_2764, %get3A_2765, %get3A_2766, %get3A_2767] : memref<1x80x256x128xf32, #tpu.memory_space<vmem>>, vector<1x1x256x128xf32>
    %get3A_2769 = vector.shape_cast %get3A_2768 : vector<1x1x256x128xf32> to vector<256x128xf32>
    %add3A_2770 = arith.addf %get3A_2769, %sub3A_2590 : vector<256x128xf32>
    %exp3A_2771 = math.exp %add3A_2770 : vector<256x128xf32>
    %add3A_2772 = arith.addf %add3A_2763, %exp3A_2771 : vector<256x128xf32>
    %get3A_2773 = arith.constant 0 : index
    %get3A_2774 = arith.constant 20 : index
    %get3A_2775 = arith.constant 0 : index
    %get3A_2776 = arith.constant 0 : index
    %get3A_2777 = vector.load %arg2[%get3A_2773, %get3A_2774, %get3A_2775, %get3A_2776] : memref<1x80x256x128xf32, #tpu.memory_space<vmem>>, vector<1x1x256x128xf32>
    %get3A_2778 = vector.shape_cast %get3A_2777 : vector<1x1x256x128xf32> to vector<256x128xf32>
    %add3A_2779 = arith.addf %get3A_2778, %sub3A_2590 : vector<256x128xf32>
    %exp3A_2780 = math.exp %add3A_2779 : vector<256x128xf32>
    %add3A_2781 = arith.addf %add3A_2772, %exp3A_2780 : vector<256x128xf32>
    %get3A_2782 = arith.constant 0 : index
    %get3A_2783 = arith.constant 21 : index
    %get3A_2784 = arith.constant 0 : index
    %get3A_2785 = arith.constant 0 : index
    %get3A_2786 = vector.load %arg2[%get3A_2782, %get3A_2783, %get3A_2784, %get3A_2785] : memref<1x80x256x128xf32, #tpu.memory_space<vmem>>, vector<1x1x256x128xf32>
    %get3A_2787 = vector.shape_cast %get3A_2786 : vector<1x1x256x128xf32> to vector<256x128xf32>
    %add3A_2788 = arith.addf %get3A_2787, %sub3A_2590 : vector<256x128xf32>
    %exp3A_2789 = math.exp %add3A_2788 : vector<256x128xf32>
    %add3A_2790 = arith.addf %add3A_2781, %exp3A_2789 : vector<256x128xf32>
    %get3A_2791 = arith.constant 0 : index
    %get3A_2792 = arith.constant 22 : index
    %get3A_2793 = arith.constant 0 : index
    %get3A_2794 = arith.constant 0 : index
    %get3A_2795 = vector.load %arg2[%get3A_2791, %get3A_2792, %get3A_2793, %get3A_2794] : memref<1x80x256x128xf32, #tpu.memory_space<vmem>>, vector<1x1x256x128xf32>
    %get3A_2796 = vector.shape_cast %get3A_2795 : vector<1x1x256x128xf32> to vector<256x128xf32>
    %add3A_2797 = arith.addf %get3A_2796, %sub3A_2590 : vector<256x128xf32>
    %exp3A_2798 = math.exp %add3A_2797 : vector<256x128xf32>
    %add3A_2799 = arith.addf %add3A_2790, %exp3A_2798 : vector<256x128xf32>
    %get3A_2800 = arith.constant 0 : index
    %get3A_2801 = arith.constant 23 : index
    %get3A_2802 = arith.constant 0 : index
    %get3A_2803 = arith.constant 0 : index
    %get3A_2804 = vector.load %arg2[%get3A_2800, %get3A_2801, %get3A_2802, %get3A_2803] : memref<1x80x256x128xf32, #tpu.memory_space<vmem>>, vector<1x1x256x128xf32>
    %get3A_2805 = vector.shape_cast %get3A_2804 : vector<1x1x256x128xf32> to vector<256x128xf32>
    %add3A_2806 = arith.addf %get3A_2805, %sub3A_2590 : vector<256x128xf32>
    %exp3A_2807 = math.exp %add3A_2806 : vector<256x128xf32>
    %add3A_2808 = arith.addf %add3A_2799, %exp3A_2807 : vector<256x128xf32>
    %get3A_2809 = arith.constant 0 : index
    %get3A_2810 = arith.constant 24 : index
    %get3A_2811 = arith.constant 0 : index
    %get3A_2812 = arith.constant 0 : index
    %get3A_2813 = vector.load %arg2[%get3A_2809, %get3A_2810, %get3A_2811, %get3A_2812] : memref<1x80x256x128xf32, #tpu.memory_space<vmem>>, vector<1x1x256x128xf32>
    %get3A_2814 = vector.shape_cast %get3A_2813 : vector<1x1x256x128xf32> to vector<256x128xf32>
    %add3A_2815 = arith.addf %get3A_2814, %sub3A_2590 : vector<256x128xf32>
    %exp3A_2816 = math.exp %add3A_2815 : vector<256x128xf32>
    %add3A_2817 = arith.addf %add3A_2808, %exp3A_2816 : vector<256x128xf32>
    %get3A_2818 = arith.constant 0 : index
    %get3A_2819 = arith.constant 25 : index
    %get3A_2820 = arith.constant 0 : index
    %get3A_2821 = arith.constant 0 : index
    %get3A_2822 = vector.load %arg2[%get3A_2818, %get3A_2819, %get3A_2820, %get3A_2821] : memref<1x80x256x128xf32, #tpu.memory_space<vmem>>, vector<1x1x256x128xf32>
    %get3A_2823 = vector.shape_cast %get3A_2822 : vector<1x1x256x128xf32> to vector<256x128xf32>
    %add3A_2824 = arith.addf %get3A_2823, %sub3A_2590 : vector<256x128xf32>
    %exp3A_2825 = math.exp %add3A_2824 : vector<256x128xf32>
    %add3A_2826 = arith.addf %add3A_2817, %exp3A_2825 : vector<256x128xf32>
    %get3A_2827 = arith.constant 0 : index
    %get3A_2828 = arith.constant 26 : index
    %get3A_2829 = arith.constant 0 : index
    %get3A_2830 = arith.constant 0 : index
    %get3A_2831 = vector.load %arg2[%get3A_2827, %get3A_2828, %get3A_2829, %get3A_2830] : memref<1x80x256x128xf32, #tpu.memory_space<vmem>>, vector<1x1x256x128xf32>
    %get3A_2832 = vector.shape_cast %get3A_2831 : vector<1x1x256x128xf32> to vector<256x128xf32>
    %add3A_2833 = arith.addf %get3A_2832, %sub3A_2590 : vector<256x128xf32>
    %exp3A_2834 = math.exp %add3A_2833 : vector<256x128xf32>
    %add3A_2835 = arith.addf %add3A_2826, %exp3A_2834 : vector<256x128xf32>
    %get3A_2836 = arith.constant 0 : index
    %get3A_2837 = arith.constant 27 : index
    %get3A_2838 = arith.constant 0 : index
    %get3A_2839 = arith.constant 0 : index
    %get3A_2840 = vector.load %arg2[%get3A_2836, %get3A_2837, %get3A_2838, %get3A_2839] : memref<1x80x256x128xf32, #tpu.memory_space<vmem>>, vector<1x1x256x128xf32>
    %get3A_2841 = vector.shape_cast %get3A_2840 : vector<1x1x256x128xf32> to vector<256x128xf32>
    %add3A_2842 = arith.addf %get3A_2841, %sub3A_2590 : vector<256x128xf32>
    %exp3A_2843 = math.exp %add3A_2842 : vector<256x128xf32>
    %add3A_2844 = arith.addf %add3A_2835, %exp3A_2843 : vector<256x128xf32>
    %get3A_2845 = arith.constant 0 : index
    %get3A_2846 = arith.constant 28 : index
    %get3A_2847 = arith.constant 0 : index
    %get3A_2848 = arith.constant 0 : index
    %get3A_2849 = vector.load %arg2[%get3A_2845, %get3A_2846, %get3A_2847, %get3A_2848] : memref<1x80x256x128xf32, #tpu.memory_space<vmem>>, vector<1x1x256x128xf32>
    %get3A_2850 = vector.shape_cast %get3A_2849 : vector<1x1x256x128xf32> to vector<256x128xf32>
    %add3A_2851 = arith.addf %get3A_2850, %sub3A_2590 : vector<256x128xf32>
    %exp3A_2852 = math.exp %add3A_2851 : vector<256x128xf32>
    %add3A_2853 = arith.addf %add3A_2844, %exp3A_2852 : vector<256x128xf32>
    %get3A_2854 = arith.constant 0 : index
    %get3A_2855 = arith.constant 29 : index
    %get3A_2856 = arith.constant 0 : index
    %get3A_2857 = arith.constant 0 : index
    %get3A_2858 = vector.load %arg2[%get3A_2854, %get3A_2855, %get3A_2856, %get3A_2857] : memref<1x80x256x128xf32, #tpu.memory_space<vmem>>, vector<1x1x256x128xf32>
    %get3A_2859 = vector.shape_cast %get3A_2858 : vector<1x1x256x128xf32> to vector<256x128xf32>
    %add3A_2860 = arith.addf %get3A_2859, %sub3A_2590 : vector<256x128xf32>
    %exp3A_2861 = math.exp %add3A_2860 : vector<256x128xf32>
    %add3A_2862 = arith.addf %add3A_2853, %exp3A_2861 : vector<256x128xf32>
    %get3A_2863 = arith.constant 0 : index
    %get3A_2864 = arith.constant 30 : index
    %get3A_2865 = arith.constant 0 : index
    %get3A_2866 = arith.constant 0 : index
    %get3A_2867 = vector.load %arg2[%get3A_2863, %get3A_2864, %get3A_2865, %get3A_2866] : memref<1x80x256x128xf32, #tpu.memory_space<vmem>>, vector<1x1x256x128xf32>
    %get3A_2868 = vector.shape_cast %get3A_2867 : vector<1x1x256x128xf32> to vector<256x128xf32>
    %add3A_2869 = arith.addf %get3A_2868, %sub3A_2590 : vector<256x128xf32>
    %exp3A_2870 = math.exp %add3A_2869 : vector<256x128xf32>
    %add3A_2871 = arith.addf %add3A_2862, %exp3A_2870 : vector<256x128xf32>
    %get3A_2872 = arith.constant 0 : index
    %get3A_2873 = arith.constant 31 : index
    %get3A_2874 = arith.constant 0 : index
    %get3A_2875 = arith.constant 0 : index
    %get3A_2876 = vector.load %arg2[%get3A_2872, %get3A_2873, %get3A_2874, %get3A_2875] : memref<1x80x256x128xf32, #tpu.memory_space<vmem>>, vector<1x1x256x128xf32>
    %get3A_2877 = vector.shape_cast %get3A_2876 : vector<1x1x256x128xf32> to vector<256x128xf32>
    %add3A_2878 = arith.addf %get3A_2877, %sub3A_2590 : vector<256x128xf32>
    %exp3A_2879 = math.exp %add3A_2878 : vector<256x128xf32>
    %add3A_2880 = arith.addf %add3A_2871, %exp3A_2879 : vector<256x128xf32>
    %get3A_2881 = arith.constant 0 : index
    %get3A_2882 = arith.constant 32 : index
    %get3A_2883 = arith.constant 0 : index
    %get3A_2884 = arith.constant 0 : index
    %get3A_2885 = vector.load %arg2[%get3A_2881, %get3A_2882, %get3A_2883, %get3A_2884] : memref<1x80x256x128xf32, #tpu.memory_space<vmem>>, vector<1x1x256x128xf32>
    %get3A_2886 = vector.shape_cast %get3A_2885 : vector<1x1x256x128xf32> to vector<256x128xf32>
    %add3A_2887 = arith.addf %get3A_2886, %sub3A_2590 : vector<256x128xf32>
    %exp3A_2888 = math.exp %add3A_2887 : vector<256x128xf32>
    %add3A_2889 = arith.addf %add3A_2880, %exp3A_2888 : vector<256x128xf32>
    %get3A_2890 = arith.constant 0 : index
    %get3A_2891 = arith.constant 33 : index
    %get3A_2892 = arith.constant 0 : index
    %get3A_2893 = arith.constant 0 : index
    %get3A_2894 = vector.load %arg2[%get3A_2890, %get3A_2891, %get3A_2892, %get3A_2893] : memref<1x80x256x128xf32, #tpu.memory_space<vmem>>, vector<1x1x256x128xf32>
    %get3A_2895 = vector.shape_cast %get3A_2894 : vector<1x1x256x128xf32> to vector<256x128xf32>
    %add3A_2896 = arith.addf %get3A_2895, %sub3A_2590 : vector<256x128xf32>
    %exp3A_2897 = math.exp %add3A_2896 : vector<256x128xf32>
    %add3A_2898 = arith.addf %add3A_2889, %exp3A_2897 : vector<256x128xf32>
    %get3A_2899 = arith.constant 0 : index
    %get3A_2900 = arith.constant 34 : index
    %get3A_2901 = arith.constant 0 : index
    %get3A_2902 = arith.constant 0 : index
    %get3A_2903 = vector.load %arg2[%get3A_2899, %get3A_2900, %get3A_2901, %get3A_2902] : memref<1x80x256x128xf32, #tpu.memory_space<vmem>>, vector<1x1x256x128xf32>
    %get3A_2904 = vector.shape_cast %get3A_2903 : vector<1x1x256x128xf32> to vector<256x128xf32>
    %add3A_2905 = arith.addf %get3A_2904, %sub3A_2590 : vector<256x128xf32>
    %exp3A_2906 = math.exp %add3A_2905 : vector<256x128xf32>
    %add3A_2907 = arith.addf %add3A_2898, %exp3A_2906 : vector<256x128xf32>
    %get3A_2908 = arith.constant 0 : index
    %get3A_2909 = arith.constant 35 : index
    %get3A_2910 = arith.constant 0 : index
    %get3A_2911 = arith.constant 0 : index
    %get3A_2912 = vector.load %arg2[%get3A_2908, %get3A_2909, %get3A_2910, %get3A_2911] : memref<1x80x256x128xf32, #tpu.memory_space<vmem>>, vector<1x1x256x128xf32>
    %get3A_2913 = vector.shape_cast %get3A_2912 : vector<1x1x256x128xf32> to vector<256x128xf32>
    %add3A_2914 = arith.addf %get3A_2913, %sub3A_2590 : vector<256x128xf32>
    %exp3A_2915 = math.exp %add3A_2914 : vector<256x128xf32>
    %add3A_2916 = arith.addf %add3A_2907, %exp3A_2915 : vector<256x128xf32>
    %get3A_2917 = arith.constant 0 : index
    %get3A_2918 = arith.constant 36 : index
    %get3A_2919 = arith.constant 0 : index
    %get3A_2920 = arith.constant 0 : index
    %get3A_2921 = vector.load %arg2[%get3A_2917, %get3A_2918, %get3A_2919, %get3A_2920] : memref<1x80x256x128xf32, #tpu.memory_space<vmem>>, vector<1x1x256x128xf32>
    %get3A_2922 = vector.shape_cast %get3A_2921 : vector<1x1x256x128xf32> to vector<256x128xf32>
    %add3A_2923 = arith.addf %get3A_2922, %sub3A_2590 : vector<256x128xf32>
    %exp3A_2924 = math.exp %add3A_2923 : vector<256x128xf32>
    %add3A_2925 = arith.addf %add3A_2916, %exp3A_2924 : vector<256x128xf32>
    %get3A_2926 = arith.constant 0 : index
    %get3A_2927 = arith.constant 37 : index
    %get3A_2928 = arith.constant 0 : index
    %get3A_2929 = arith.constant 0 : index
    %get3A_2930 = vector.load %arg2[%get3A_2926, %get3A_2927, %get3A_2928, %get3A_2929] : memref<1x80x256x128xf32, #tpu.memory_space<vmem>>, vector<1x1x256x128xf32>
    %get3A_2931 = vector.shape_cast %get3A_2930 : vector<1x1x256x128xf32> to vector<256x128xf32>
    %add3A_2932 = arith.addf %get3A_2931, %sub3A_2590 : vector<256x128xf32>
    %exp3A_2933 = math.exp %add3A_2932 : vector<256x128xf32>
    %add3A_2934 = arith.addf %add3A_2925, %exp3A_2933 : vector<256x128xf32>
    %get3A_2935 = arith.constant 0 : index
    %get3A_2936 = arith.constant 38 : index
    %get3A_2937 = arith.constant 0 : index
    %get3A_2938 = arith.constant 0 : index
    %get3A_2939 = vector.load %arg2[%get3A_2935, %get3A_2936, %get3A_2937, %get3A_2938] : memref<1x80x256x128xf32, #tpu.memory_space<vmem>>, vector<1x1x256x128xf32>
    %get3A_2940 = vector.shape_cast %get3A_2939 : vector<1x1x256x128xf32> to vector<256x128xf32>
    %add3A_2941 = arith.addf %get3A_2940, %sub3A_2590 : vector<256x128xf32>
    %exp3A_2942 = math.exp %add3A_2941 : vector<256x128xf32>
    %add3A_2943 = arith.addf %add3A_2934, %exp3A_2942 : vector<256x128xf32>
    %get3A_2944 = arith.constant 0 : index
    %get3A_2945 = arith.constant 39 : index
    %get3A_2946 = arith.constant 0 : index
    %get3A_2947 = arith.constant 0 : index
    %get3A_2948 = vector.load %arg2[%get3A_2944, %get3A_2945, %get3A_2946, %get3A_2947] : memref<1x80x256x128xf32, #tpu.memory_space<vmem>>, vector<1x1x256x128xf32>
    %get3A_2949 = vector.shape_cast %get3A_2948 : vector<1x1x256x128xf32> to vector<256x128xf32>
    %add3A_2950 = arith.addf %get3A_2949, %sub3A_2590 : vector<256x128xf32>
    %exp3A_2951 = math.exp %add3A_2950 : vector<256x128xf32>
    %add3A_2952 = arith.addf %add3A_2943, %exp3A_2951 : vector<256x128xf32>
    %get3A_2953 = arith.constant 0 : index
    %get3A_2954 = arith.constant 40 : index
    %get3A_2955 = arith.constant 0 : index
    %get3A_2956 = arith.constant 0 : index
    %get3A_2957 = vector.load %arg2[%get3A_2953, %get3A_2954, %get3A_2955, %get3A_2956] : memref<1x80x256x128xf32, #tpu.memory_space<vmem>>, vector<1x1x256x128xf32>
    %get3A_2958 = vector.shape_cast %get3A_2957 : vector<1x1x256x128xf32> to vector<256x128xf32>
    %add3A_2959 = arith.addf %get3A_2958, %sub3A_2590 : vector<256x128xf32>
    %exp3A_2960 = math.exp %add3A_2959 : vector<256x128xf32>
    %add3A_2961 = arith.addf %add3A_2952, %exp3A_2960 : vector<256x128xf32>
    %get3A_2962 = arith.constant 0 : index
    %get3A_2963 = arith.constant 41 : index
    %get3A_2964 = arith.constant 0 : index
    %get3A_2965 = arith.constant 0 : index
    %get3A_2966 = vector.load %arg2[%get3A_2962, %get3A_2963, %get3A_2964, %get3A_2965] : memref<1x80x256x128xf32, #tpu.memory_space<vmem>>, vector<1x1x256x128xf32>
    %get3A_2967 = vector.shape_cast %get3A_2966 : vector<1x1x256x128xf32> to vector<256x128xf32>
    %add3A_2968 = arith.addf %get3A_2967, %sub3A_2590 : vector<256x128xf32>
    %exp3A_2969 = math.exp %add3A_2968 : vector<256x128xf32>
    %add3A_2970 = arith.addf %add3A_2961, %exp3A_2969 : vector<256x128xf32>
    %get3A_2971 = arith.constant 0 : index
    %get3A_2972 = arith.constant 42 : index
    %get3A_2973 = arith.constant 0 : index
    %get3A_2974 = arith.constant 0 : index
    %get3A_2975 = vector.load %arg2[%get3A_2971, %get3A_2972, %get3A_2973, %get3A_2974] : memref<1x80x256x128xf32, #tpu.memory_space<vmem>>, vector<1x1x256x128xf32>
    %get3A_2976 = vector.shape_cast %get3A_2975 : vector<1x1x256x128xf32> to vector<256x128xf32>
    %add3A_2977 = arith.addf %get3A_2976, %sub3A_2590 : vector<256x128xf32>
    %exp3A_2978 = math.exp %add3A_2977 : vector<256x128xf32>
    %add3A_2979 = arith.addf %add3A_2970, %exp3A_2978 : vector<256x128xf32>
    %get3A_2980 = arith.constant 0 : index
    %get3A_2981 = arith.constant 43 : index
    %get3A_2982 = arith.constant 0 : index
    %get3A_2983 = arith.constant 0 : index
    %get3A_2984 = vector.load %arg2[%get3A_2980, %get3A_2981, %get3A_2982, %get3A_2983] : memref<1x80x256x128xf32, #tpu.memory_space<vmem>>, vector<1x1x256x128xf32>
    %get3A_2985 = vector.shape_cast %get3A_2984 : vector<1x1x256x128xf32> to vector<256x128xf32>
    %add3A_2986 = arith.addf %get3A_2985, %sub3A_2590 : vector<256x128xf32>
    %exp3A_2987 = math.exp %add3A_2986 : vector<256x128xf32>
    %add3A_2988 = arith.addf %add3A_2979, %exp3A_2987 : vector<256x128xf32>
    %get3A_2989 = arith.constant 0 : index
    %get3A_2990 = arith.constant 44 : index
    %get3A_2991 = arith.constant 0 : index
    %get3A_2992 = arith.constant 0 : index
    %get3A_2993 = vector.load %arg2[%get3A_2989, %get3A_2990, %get3A_2991, %get3A_2992] : memref<1x80x256x128xf32, #tpu.memory_space<vmem>>, vector<1x1x256x128xf32>
    %get3A_2994 = vector.shape_cast %get3A_2993 : vector<1x1x256x128xf32> to vector<256x128xf32>
    %add3A_2995 = arith.addf %get3A_2994, %sub3A_2590 : vector<256x128xf32>
    %exp3A_2996 = math.exp %add3A_2995 : vector<256x128xf32>
    %add3A_2997 = arith.addf %add3A_2988, %exp3A_2996 : vector<256x128xf32>
    %get3A_2998 = arith.constant 0 : index
    %get3A_2999 = arith.constant 45 : index
    %get3A_3000 = arith.constant 0 : index
    %get3A_3001 = arith.constant 0 : index
    %get3A_3002 = vector.load %arg2[%get3A_2998, %get3A_2999, %get3A_3000, %get3A_3001] : memref<1x80x256x128xf32, #tpu.memory_space<vmem>>, vector<1x1x256x128xf32>
    %get3A_3003 = vector.shape_cast %get3A_3002 : vector<1x1x256x128xf32> to vector<256x128xf32>
    %add3A_3004 = arith.addf %get3A_3003, %sub3A_2590 : vector<256x128xf32>
    %exp3A_3005 = math.exp %add3A_3004 : vector<256x128xf32>
    %add3A_3006 = arith.addf %add3A_2997, %exp3A_3005 : vector<256x128xf32>
    %get3A_3007 = arith.constant 0 : index
    %get3A_3008 = arith.constant 46 : index
    %get3A_3009 = arith.constant 0 : index
    %get3A_3010 = arith.constant 0 : index
    %get3A_3011 = vector.load %arg2[%get3A_3007, %get3A_3008, %get3A_3009, %get3A_3010] : memref<1x80x256x128xf32, #tpu.memory_space<vmem>>, vector<1x1x256x128xf32>
    %get3A_3012 = vector.shape_cast %get3A_3011 : vector<1x1x256x128xf32> to vector<256x128xf32>
    %add3A_3013 = arith.addf %get3A_3012, %sub3A_2590 : vector<256x128xf32>
    %exp3A_3014 = math.exp %add3A_3013 : vector<256x128xf32>
    %add3A_3015 = arith.addf %add3A_3006, %exp3A_3014 : vector<256x128xf32>
    %get3A_3016 = arith.constant 0 : index
    %get3A_3017 = arith.constant 47 : index
    %get3A_3018 = arith.constant 0 : index
    %get3A_3019 = arith.constant 0 : index
    %get3A_3020 = vector.load %arg2[%get3A_3016, %get3A_3017, %get3A_3018, %get3A_3019] : memref<1x80x256x128xf32, #tpu.memory_space<vmem>>, vector<1x1x256x128xf32>
    %get3A_3021 = vector.shape_cast %get3A_3020 : vector<1x1x256x128xf32> to vector<256x128xf32>
    %add3A_3022 = arith.addf %get3A_3021, %sub3A_2590 : vector<256x128xf32>
    %exp3A_3023 = math.exp %add3A_3022 : vector<256x128xf32>
    %add3A_3024 = arith.addf %add3A_3015, %exp3A_3023 : vector<256x128xf32>
    %get3A_3025 = arith.constant 0 : index
    %get3A_3026 = arith.constant 48 : index
    %get3A_3027 = arith.constant 0 : index
    %get3A_3028 = arith.constant 0 : index
    %get3A_3029 = vector.load %arg2[%get3A_3025, %get3A_3026, %get3A_3027, %get3A_3028] : memref<1x80x256x128xf32, #tpu.memory_space<vmem>>, vector<1x1x256x128xf32>
    %get3A_3030 = vector.shape_cast %get3A_3029 : vector<1x1x256x128xf32> to vector<256x128xf32>
    %add3A_3031 = arith.addf %get3A_3030, %sub3A_2590 : vector<256x128xf32>
    %exp3A_3032 = math.exp %add3A_3031 : vector<256x128xf32>
    %add3A_3033 = arith.addf %add3A_3024, %exp3A_3032 : vector<256x128xf32>
    %get3A_3034 = arith.constant 0 : index
    %get3A_3035 = arith.constant 49 : index
    %get3A_3036 = arith.constant 0 : index
    %get3A_3037 = arith.constant 0 : index
    %get3A_3038 = vector.load %arg2[%get3A_3034, %get3A_3035, %get3A_3036, %get3A_3037] : memref<1x80x256x128xf32, #tpu.memory_space<vmem>>, vector<1x1x256x128xf32>
    %get3A_3039 = vector.shape_cast %get3A_3038 : vector<1x1x256x128xf32> to vector<256x128xf32>
    %add3A_3040 = arith.addf %get3A_3039, %sub3A_2590 : vector<256x128xf32>
    %exp3A_3041 = math.exp %add3A_3040 : vector<256x128xf32>
    %add3A_3042 = arith.addf %add3A_3033, %exp3A_3041 : vector<256x128xf32>
    %get3A_3043 = arith.constant 0 : index
    %get3A_3044 = arith.constant 50 : index
    %get3A_3045 = arith.constant 0 : index
    %get3A_3046 = arith.constant 0 : index
    %get3A_3047 = vector.load %arg2[%get3A_3043, %get3A_3044, %get3A_3045, %get3A_3046] : memref<1x80x256x128xf32, #tpu.memory_space<vmem>>, vector<1x1x256x128xf32>
    %get3A_3048 = vector.shape_cast %get3A_3047 : vector<1x1x256x128xf32> to vector<256x128xf32>
    %add3A_3049 = arith.addf %get3A_3048, %sub3A_2590 : vector<256x128xf32>
    %exp3A_3050 = math.exp %add3A_3049 : vector<256x128xf32>
    %add3A_3051 = arith.addf %add3A_3042, %exp3A_3050 : vector<256x128xf32>
    %get3A_3052 = arith.constant 0 : index
    %get3A_3053 = arith.constant 51 : index
    %get3A_3054 = arith.constant 0 : index
    %get3A_3055 = arith.constant 0 : index
    %get3A_3056 = vector.load %arg2[%get3A_3052, %get3A_3053, %get3A_3054, %get3A_3055] : memref<1x80x256x128xf32, #tpu.memory_space<vmem>>, vector<1x1x256x128xf32>
    %get3A_3057 = vector.shape_cast %get3A_3056 : vector<1x1x256x128xf32> to vector<256x128xf32>
    %add3A_3058 = arith.addf %get3A_3057, %sub3A_2590 : vector<256x128xf32>
    %exp3A_3059 = math.exp %add3A_3058 : vector<256x128xf32>
    %add3A_3060 = arith.addf %add3A_3051, %exp3A_3059 : vector<256x128xf32>
    %get3A_3061 = arith.constant 0 : index
    %get3A_3062 = arith.constant 52 : index
    %get3A_3063 = arith.constant 0 : index
    %get3A_3064 = arith.constant 0 : index
    %get3A_3065 = vector.load %arg2[%get3A_3061, %get3A_3062, %get3A_3063, %get3A_3064] : memref<1x80x256x128xf32, #tpu.memory_space<vmem>>, vector<1x1x256x128xf32>
    %get3A_3066 = vector.shape_cast %get3A_3065 : vector<1x1x256x128xf32> to vector<256x128xf32>
    %add3A_3067 = arith.addf %get3A_3066, %sub3A_2590 : vector<256x128xf32>
    %exp3A_3068 = math.exp %add3A_3067 : vector<256x128xf32>
    %add3A_3069 = arith.addf %add3A_3060, %exp3A_3068 : vector<256x128xf32>
    %get3A_3070 = arith.constant 0 : index
    %get3A_3071 = arith.constant 53 : index
    %get3A_3072 = arith.constant 0 : index
    %get3A_3073 = arith.constant 0 : index
    %get3A_3074 = vector.load %arg2[%get3A_3070, %get3A_3071, %get3A_3072, %get3A_3073] : memref<1x80x256x128xf32, #tpu.memory_space<vmem>>, vector<1x1x256x128xf32>
    %get3A_3075 = vector.shape_cast %get3A_3074 : vector<1x1x256x128xf32> to vector<256x128xf32>
    %add3A_3076 = arith.addf %get3A_3075, %sub3A_2590 : vector<256x128xf32>
    %exp3A_3077 = math.exp %add3A_3076 : vector<256x128xf32>
    %add3A_3078 = arith.addf %add3A_3069, %exp3A_3077 : vector<256x128xf32>
    %get3A_3079 = arith.constant 0 : index
    %get3A_3080 = arith.constant 54 : index
    %get3A_3081 = arith.constant 0 : index
    %get3A_3082 = arith.constant 0 : index
    %get3A_3083 = vector.load %arg2[%get3A_3079, %get3A_3080, %get3A_3081, %get3A_3082] : memref<1x80x256x128xf32, #tpu.memory_space<vmem>>, vector<1x1x256x128xf32>
    %get3A_3084 = vector.shape_cast %get3A_3083 : vector<1x1x256x128xf32> to vector<256x128xf32>
    %add3A_3085 = arith.addf %get3A_3084, %sub3A_2590 : vector<256x128xf32>
    %exp3A_3086 = math.exp %add3A_3085 : vector<256x128xf32>
    %add3A_3087 = arith.addf %add3A_3078, %exp3A_3086 : vector<256x128xf32>
    %get3A_3088 = arith.constant 0 : index
    %get3A_3089 = arith.constant 55 : index
    %get3A_3090 = arith.constant 0 : index
    %get3A_3091 = arith.constant 0 : index
    %get3A_3092 = vector.load %arg2[%get3A_3088, %get3A_3089, %get3A_3090, %get3A_3091] : memref<1x80x256x128xf32, #tpu.memory_space<vmem>>, vector<1x1x256x128xf32>
    %get3A_3093 = vector.shape_cast %get3A_3092 : vector<1x1x256x128xf32> to vector<256x128xf32>
    %add3A_3094 = arith.addf %get3A_3093, %sub3A_2590 : vector<256x128xf32>
    %exp3A_3095 = math.exp %add3A_3094 : vector<256x128xf32>
    %add3A_3096 = arith.addf %add3A_3087, %exp3A_3095 : vector<256x128xf32>
    %get3A_3097 = arith.constant 0 : index
    %get3A_3098 = arith.constant 56 : index
    %get3A_3099 = arith.constant 0 : index
    %get3A_3100 = arith.constant 0 : index
    %get3A_3101 = vector.load %arg2[%get3A_3097, %get3A_3098, %get3A_3099, %get3A_3100] : memref<1x80x256x128xf32, #tpu.memory_space<vmem>>, vector<1x1x256x128xf32>
    %get3A_3102 = vector.shape_cast %get3A_3101 : vector<1x1x256x128xf32> to vector<256x128xf32>
    %add3A_3103 = arith.addf %get3A_3102, %sub3A_2590 : vector<256x128xf32>
    %exp3A_3104 = math.exp %add3A_3103 : vector<256x128xf32>
    %add3A_3105 = arith.addf %add3A_3096, %exp3A_3104 : vector<256x128xf32>
    %get3A_3106 = arith.constant 0 : index
    %get3A_3107 = arith.constant 57 : index
    %get3A_3108 = arith.constant 0 : index
    %get3A_3109 = arith.constant 0 : index
    %get3A_3110 = vector.load %arg2[%get3A_3106, %get3A_3107, %get3A_3108, %get3A_3109] : memref<1x80x256x128xf32, #tpu.memory_space<vmem>>, vector<1x1x256x128xf32>
    %get3A_3111 = vector.shape_cast %get3A_3110 : vector<1x1x256x128xf32> to vector<256x128xf32>
    %add3A_3112 = arith.addf %get3A_3111, %sub3A_2590 : vector<256x128xf32>
    %exp3A_3113 = math.exp %add3A_3112 : vector<256x128xf32>
    %add3A_3114 = arith.addf %add3A_3105, %exp3A_3113 : vector<256x128xf32>
    %get3A_3115 = arith.constant 0 : index
    %get3A_3116 = arith.constant 58 : index
    %get3A_3117 = arith.constant 0 : index
    %get3A_3118 = arith.constant 0 : index
    %get3A_3119 = vector.load %arg2[%get3A_3115, %get3A_3116, %get3A_3117, %get3A_3118] : memref<1x80x256x128xf32, #tpu.memory_space<vmem>>, vector<1x1x256x128xf32>
    %get3A_3120 = vector.shape_cast %get3A_3119 : vector<1x1x256x128xf32> to vector<256x128xf32>
    %add3A_3121 = arith.addf %get3A_3120, %sub3A_2590 : vector<256x128xf32>
    %exp3A_3122 = math.exp %add3A_3121 : vector<256x128xf32>
    %add3A_3123 = arith.addf %add3A_3114, %exp3A_3122 : vector<256x128xf32>
    %get3A_3124 = arith.constant 0 : index
    %get3A_3125 = arith.constant 59 : index
    %get3A_3126 = arith.constant 0 : index
    %get3A_3127 = arith.constant 0 : index
    %get3A_3128 = vector.load %arg2[%get3A_3124, %get3A_3125, %get3A_3126, %get3A_3127] : memref<1x80x256x128xf32, #tpu.memory_space<vmem>>, vector<1x1x256x128xf32>
    %get3A_3129 = vector.shape_cast %get3A_3128 : vector<1x1x256x128xf32> to vector<256x128xf32>
    %add3A_3130 = arith.addf %get3A_3129, %sub3A_2590 : vector<256x128xf32>
    %exp3A_3131 = math.exp %add3A_3130 : vector<256x128xf32>
    %add3A_3132 = arith.addf %add3A_3123, %exp3A_3131 : vector<256x128xf32>
    %get3A_3133 = arith.constant 0 : index
    %get3A_3134 = arith.constant 60 : index
    %get3A_3135 = arith.constant 0 : index
    %get3A_3136 = arith.constant 0 : index
    %get3A_3137 = vector.load %arg2[%get3A_3133, %get3A_3134, %get3A_3135, %get3A_3136] : memref<1x80x256x128xf32, #tpu.memory_space<vmem>>, vector<1x1x256x128xf32>
    %get3A_3138 = vector.shape_cast %get3A_3137 : vector<1x1x256x128xf32> to vector<256x128xf32>
    %add3A_3139 = arith.addf %get3A_3138, %sub3A_2590 : vector<256x128xf32>
    %exp3A_3140 = math.exp %add3A_3139 : vector<256x128xf32>
    %add3A_3141 = arith.addf %add3A_3132, %exp3A_3140 : vector<256x128xf32>
    %get3A_3142 = arith.constant 0 : index
    %get3A_3143 = arith.constant 61 : index
    %get3A_3144 = arith.constant 0 : index
    %get3A_3145 = arith.constant 0 : index
    %get3A_3146 = vector.load %arg2[%get3A_3142, %get3A_3143, %get3A_3144, %get3A_3145] : memref<1x80x256x128xf32, #tpu.memory_space<vmem>>, vector<1x1x256x128xf32>
    %get3A_3147 = vector.shape_cast %get3A_3146 : vector<1x1x256x128xf32> to vector<256x128xf32>
    %add3A_3148 = arith.addf %get3A_3147, %sub3A_2590 : vector<256x128xf32>
    %exp3A_3149 = math.exp %add3A_3148 : vector<256x128xf32>
    %add3A_3150 = arith.addf %add3A_3141, %exp3A_3149 : vector<256x128xf32>
    %get3A_3151 = arith.constant 0 : index
    %get3A_3152 = arith.constant 62 : index
    %get3A_3153 = arith.constant 0 : index
    %get3A_3154 = arith.constant 0 : index
    %get3A_3155 = vector.load %arg2[%get3A_3151, %get3A_3152, %get3A_3153, %get3A_3154] : memref<1x80x256x128xf32, #tpu.memory_space<vmem>>, vector<1x1x256x128xf32>
    %get3A_3156 = vector.shape_cast %get3A_3155 : vector<1x1x256x128xf32> to vector<256x128xf32>
    %add3A_3157 = arith.addf %get3A_3156, %sub3A_2590 : vector<256x128xf32>
    %exp3A_3158 = math.exp %add3A_3157 : vector<256x128xf32>
    %add3A_3159 = arith.addf %add3A_3150, %exp3A_3158 : vector<256x128xf32>
    %get3A_3160 = arith.constant 0 : index
    %get3A_3161 = arith.constant 63 : index
    %get3A_3162 = arith.constant 0 : index
    %get3A_3163 = arith.constant 0 : index
    %get3A_3164 = vector.load %arg2[%get3A_3160, %get3A_3161, %get3A_3162, %get3A_3163] : memref<1x80x256x128xf32, #tpu.memory_space<vmem>>, vector<1x1x256x128xf32>
    %get3A_3165 = vector.shape_cast %get3A_3164 : vector<1x1x256x128xf32> to vector<256x128xf32>
    %add3A_3166 = arith.addf %get3A_3165, %sub3A_2590 : vector<256x128xf32>
    %exp3A_3167 = math.exp %add3A_3166 : vector<256x128xf32>
    %add3A_3168 = arith.addf %add3A_3159, %exp3A_3167 : vector<256x128xf32>
    %get3A_3169 = arith.constant 0 : index
    %get3A_3170 = arith.constant 64 : index
    %get3A_3171 = arith.constant 0 : index
    %get3A_3172 = arith.constant 0 : index
    %get3A_3173 = vector.load %arg2[%get3A_3169, %get3A_3170, %get3A_3171, %get3A_3172] : memref<1x80x256x128xf32, #tpu.memory_space<vmem>>, vector<1x1x256x128xf32>
    %get3A_3174 = vector.shape_cast %get3A_3173 : vector<1x1x256x128xf32> to vector<256x128xf32>
    %add3A_3175 = arith.addf %get3A_3174, %sub3A_2590 : vector<256x128xf32>
    %exp3A_3176 = math.exp %add3A_3175 : vector<256x128xf32>
    %add3A_3177 = arith.addf %add3A_3168, %exp3A_3176 : vector<256x128xf32>
    %get3A_3178 = arith.constant 0 : index
    %get3A_3179 = arith.constant 65 : index
    %get3A_3180 = arith.constant 0 : index
    %get3A_3181 = arith.constant 0 : index
    %get3A_3182 = vector.load %arg2[%get3A_3178, %get3A_3179, %get3A_3180, %get3A_3181] : memref<1x80x256x128xf32, #tpu.memory_space<vmem>>, vector<1x1x256x128xf32>
    %get3A_3183 = vector.shape_cast %get3A_3182 : vector<1x1x256x128xf32> to vector<256x128xf32>
    %add3A_3184 = arith.addf %get3A_3183, %sub3A_2590 : vector<256x128xf32>
    %exp3A_3185 = math.exp %add3A_3184 : vector<256x128xf32>
    %add3A_3186 = arith.addf %add3A_3177, %exp3A_3185 : vector<256x128xf32>
    %get3A_3187 = arith.constant 0 : index
    %get3A_3188 = arith.constant 66 : index
    %get3A_3189 = arith.constant 0 : index
    %get3A_3190 = arith.constant 0 : index
    %get3A_3191 = vector.load %arg2[%get3A_3187, %get3A_3188, %get3A_3189, %get3A_3190] : memref<1x80x256x128xf32, #tpu.memory_space<vmem>>, vector<1x1x256x128xf32>
    %get3A_3192 = vector.shape_cast %get3A_3191 : vector<1x1x256x128xf32> to vector<256x128xf32>
    %add3A_3193 = arith.addf %get3A_3192, %sub3A_2590 : vector<256x128xf32>
    %exp3A_3194 = math.exp %add3A_3193 : vector<256x128xf32>
    %add3A_3195 = arith.addf %add3A_3186, %exp3A_3194 : vector<256x128xf32>
    %get3A_3196 = arith.constant 0 : index
    %get3A_3197 = arith.constant 67 : index
    %get3A_3198 = arith.constant 0 : index
    %get3A_3199 = arith.constant 0 : index
    %get3A_3200 = vector.load %arg2[%get3A_3196, %get3A_3197, %get3A_3198, %get3A_3199] : memref<1x80x256x128xf32, #tpu.memory_space<vmem>>, vector<1x1x256x128xf32>
    %get3A_3201 = vector.shape_cast %get3A_3200 : vector<1x1x256x128xf32> to vector<256x128xf32>
    %add3A_3202 = arith.addf %get3A_3201, %sub3A_2590 : vector<256x128xf32>
    %exp3A_3203 = math.exp %add3A_3202 : vector<256x128xf32>
    %add3A_3204 = arith.addf %add3A_3195, %exp3A_3203 : vector<256x128xf32>
    %get3A_3205 = arith.constant 0 : index
    %get3A_3206 = arith.constant 68 : index
    %get3A_3207 = arith.constant 0 : index
    %get3A_3208 = arith.constant 0 : index
    %get3A_3209 = vector.load %arg2[%get3A_3205, %get3A_3206, %get3A_3207, %get3A_3208] : memref<1x80x256x128xf32, #tpu.memory_space<vmem>>, vector<1x1x256x128xf32>
    %get3A_3210 = vector.shape_cast %get3A_3209 : vector<1x1x256x128xf32> to vector<256x128xf32>
    %add3A_3211 = arith.addf %get3A_3210, %sub3A_2590 : vector<256x128xf32>
    %exp3A_3212 = math.exp %add3A_3211 : vector<256x128xf32>
    %add3A_3213 = arith.addf %add3A_3204, %exp3A_3212 : vector<256x128xf32>
    %get3A_3214 = arith.constant 0 : index
    %get3A_3215 = arith.constant 69 : index
    %get3A_3216 = arith.constant 0 : index
    %get3A_3217 = arith.constant 0 : index
    %get3A_3218 = vector.load %arg2[%get3A_3214, %get3A_3215, %get3A_3216, %get3A_3217] : memref<1x80x256x128xf32, #tpu.memory_space<vmem>>, vector<1x1x256x128xf32>
    %get3A_3219 = vector.shape_cast %get3A_3218 : vector<1x1x256x128xf32> to vector<256x128xf32>
    %add3A_3220 = arith.addf %get3A_3219, %sub3A_2590 : vector<256x128xf32>
    %exp3A_3221 = math.exp %add3A_3220 : vector<256x128xf32>
    %add3A_3222 = arith.addf %add3A_3213, %exp3A_3221 : vector<256x128xf32>
    %get3A_3223 = arith.constant 0 : index
    %get3A_3224 = arith.constant 70 : index
    %get3A_3225 = arith.constant 0 : index
    %get3A_3226 = arith.constant 0 : index
    %get3A_3227 = vector.load %arg2[%get3A_3223, %get3A_3224, %get3A_3225, %get3A_3226] : memref<1x80x256x128xf32, #tpu.memory_space<vmem>>, vector<1x1x256x128xf32>
    %get3A_3228 = vector.shape_cast %get3A_3227 : vector<1x1x256x128xf32> to vector<256x128xf32>
    %add3A_3229 = arith.addf %get3A_3228, %sub3A_2590 : vector<256x128xf32>
    %exp3A_3230 = math.exp %add3A_3229 : vector<256x128xf32>
    %add3A_3231 = arith.addf %add3A_3222, %exp3A_3230 : vector<256x128xf32>
    %get3A_3232 = arith.constant 0 : index
    %get3A_3233 = arith.constant 71 : index
    %get3A_3234 = arith.constant 0 : index
    %get3A_3235 = arith.constant 0 : index
    %get3A_3236 = vector.load %arg2[%get3A_3232, %get3A_3233, %get3A_3234, %get3A_3235] : memref<1x80x256x128xf32, #tpu.memory_space<vmem>>, vector<1x1x256x128xf32>
    %get3A_3237 = vector.shape_cast %get3A_3236 : vector<1x1x256x128xf32> to vector<256x128xf32>
    %add3A_3238 = arith.addf %get3A_3237, %sub3A_2590 : vector<256x128xf32>
    %exp3A_3239 = math.exp %add3A_3238 : vector<256x128xf32>
    %add3A_3240 = arith.addf %add3A_3231, %exp3A_3239 : vector<256x128xf32>
    %get3A_3241 = arith.constant 0 : index
    %get3A_3242 = arith.constant 72 : index
    %get3A_3243 = arith.constant 0 : index
    %get3A_3244 = arith.constant 0 : index
    %get3A_3245 = vector.load %arg2[%get3A_3241, %get3A_3242, %get3A_3243, %get3A_3244] : memref<1x80x256x128xf32, #tpu.memory_space<vmem>>, vector<1x1x256x128xf32>
    %get3A_3246 = vector.shape_cast %get3A_3245 : vector<1x1x256x128xf32> to vector<256x128xf32>
    %add3A_3247 = arith.addf %get3A_3246, %sub3A_2590 : vector<256x128xf32>
    %exp3A_3248 = math.exp %add3A_3247 : vector<256x128xf32>
    %add3A_3249 = arith.addf %add3A_3240, %exp3A_3248 : vector<256x128xf32>
    %get3A_3250 = arith.constant 0 : index
    %get3A_3251 = arith.constant 73 : index
    %get3A_3252 = arith.constant 0 : index
    %get3A_3253 = arith.constant 0 : index
    %get3A_3254 = vector.load %arg2[%get3A_3250, %get3A_3251, %get3A_3252, %get3A_3253] : memref<1x80x256x128xf32, #tpu.memory_space<vmem>>, vector<1x1x256x128xf32>
    %get3A_3255 = vector.shape_cast %get3A_3254 : vector<1x1x256x128xf32> to vector<256x128xf32>
    %add3A_3256 = arith.addf %get3A_3255, %sub3A_2590 : vector<256x128xf32>
    %exp3A_3257 = math.exp %add3A_3256 : vector<256x128xf32>
    %add3A_3258 = arith.addf %add3A_3249, %exp3A_3257 : vector<256x128xf32>
    %get3A_3259 = arith.constant 0 : index
    %get3A_3260 = arith.constant 74 : index
    %get3A_3261 = arith.constant 0 : index
    %get3A_3262 = arith.constant 0 : index
    %get3A_3263 = vector.load %arg2[%get3A_3259, %get3A_3260, %get3A_3261, %get3A_3262] : memref<1x80x256x128xf32, #tpu.memory_space<vmem>>, vector<1x1x256x128xf32>
    %get3A_3264 = vector.shape_cast %get3A_3263 : vector<1x1x256x128xf32> to vector<256x128xf32>
    %add3A_3265 = arith.addf %get3A_3264, %sub3A_2590 : vector<256x128xf32>
    %exp3A_3266 = math.exp %add3A_3265 : vector<256x128xf32>
    %add3A_3267 = arith.addf %add3A_3258, %exp3A_3266 : vector<256x128xf32>
    %get3A_3268 = arith.constant 0 : index
    %get3A_3269 = arith.constant 75 : index
    %get3A_3270 = arith.constant 0 : index
    %get3A_3271 = arith.constant 0 : index
    %get3A_3272 = vector.load %arg2[%get3A_3268, %get3A_3269, %get3A_3270, %get3A_3271] : memref<1x80x256x128xf32, #tpu.memory_space<vmem>>, vector<1x1x256x128xf32>
    %get3A_3273 = vector.shape_cast %get3A_3272 : vector<1x1x256x128xf32> to vector<256x128xf32>
    %add3A_3274 = arith.addf %get3A_3273, %sub3A_2590 : vector<256x128xf32>
    %exp3A_3275 = math.exp %add3A_3274 : vector<256x128xf32>
    %add3A_3276 = arith.addf %add3A_3267, %exp3A_3275 : vector<256x128xf32>
    %get3A_3277 = arith.constant 0 : index
    %get3A_3278 = arith.constant 76 : index
    %get3A_3279 = arith.constant 0 : index
    %get3A_3280 = arith.constant 0 : index
    %get3A_3281 = vector.load %arg2[%get3A_3277, %get3A_3278, %get3A_3279, %get3A_3280] : memref<1x80x256x128xf32, #tpu.memory_space<vmem>>, vector<1x1x256x128xf32>
    %get3A_3282 = vector.shape_cast %get3A_3281 : vector<1x1x256x128xf32> to vector<256x128xf32>
    %add3A_3283 = arith.addf %get3A_3282, %sub3A_2590 : vector<256x128xf32>
    %exp3A_3284 = math.exp %add3A_3283 : vector<256x128xf32>
    %add3A_3285 = arith.addf %add3A_3276, %exp3A_3284 : vector<256x128xf32>
    %get3A_3286 = arith.constant 0 : index
    %get3A_3287 = arith.constant 77 : index
    %get3A_3288 = arith.constant 0 : index
    %get3A_3289 = arith.constant 0 : index
    %get3A_3290 = vector.load %arg2[%get3A_3286, %get3A_3287, %get3A_3288, %get3A_3289] : memref<1x80x256x128xf32, #tpu.memory_space<vmem>>, vector<1x1x256x128xf32>
    %get3A_3291 = vector.shape_cast %get3A_3290 : vector<1x1x256x128xf32> to vector<256x128xf32>
    %add3A_3292 = arith.addf %get3A_3291, %sub3A_2590 : vector<256x128xf32>
    %exp3A_3293 = math.exp %add3A_3292 : vector<256x128xf32>
    %add3A_3294 = arith.addf %add3A_3285, %exp3A_3293 : vector<256x128xf32>
    %get3A_3295 = arith.constant 0 : index
    %get3A_3296 = arith.constant 78 : index
    %get3A_3297 = arith.constant 0 : index
    %get3A_3298 = arith.constant 0 : index
    %get3A_3299 = vector.load %arg2[%get3A_3295, %get3A_3296, %get3A_3297, %get3A_3298] : memref<1x80x256x128xf32, #tpu.memory_space<vmem>>, vector<1x1x256x128xf32>
    %get3A_3300 = vector.shape_cast %get3A_3299 : vector<1x1x256x128xf32> to vector<256x128xf32>
    %add3A_3301 = arith.addf %get3A_3300, %sub3A_2590 : vector<256x128xf32>
    %exp3A_3302 = math.exp %add3A_3301 : vector<256x128xf32>
    %add3A_3303 = arith.addf %add3A_3294, %exp3A_3302 : vector<256x128xf32>
    %get3A_3304 = arith.constant 0 : index
    %get3A_3305 = arith.constant 79 : index
    %get3A_3306 = arith.constant 0 : index
    %get3A_3307 = arith.constant 0 : index
    %get3A_3308 = vector.load %arg2[%get3A_3304, %get3A_3305, %get3A_3306, %get3A_3307] : memref<1x80x256x128xf32, #tpu.memory_space<vmem>>, vector<1x1x256x128xf32>
    %get3A_3309 = vector.shape_cast %get3A_3308 : vector<1x1x256x128xf32> to vector<256x128xf32>
    %add3A_3310 = arith.addf %get3A_3309, %sub3A_2590 : vector<256x128xf32>
    %exp3A_3311 = math.exp %add3A_3310 : vector<256x128xf32>
    %add3A_3312 = arith.addf %add3A_3303, %exp3A_3311 : vector<256x128xf32>
    %log3A_3313 = math.log %add3A_3312 : vector<256x128xf32>
    %add3A_3314 = arith.addf %max3A_2589, %log3A_3313 : vector<256x128xf32>
    %eq3A_3315 = arith.constant 0 : i32
    %eq3A_3316 = vector.broadcast %eq3A_3315 : i32 to vector<256x128xi32>
    %eq3A_3317 = arith.cmpi eq, %select_n3A_1382, %eq3A_3316 : vector<256x128xi32>
    %add3A_3318 = arith.addf %select_n3A_2585, %squeeze3A_1527 : vector<256x128xf32>
    %select_n3A_3319 = arith.select %eq3A_3317, %add3A_2587, %add3A_3318 : vector<256x128xi1>, vector<256x128xf32>
    %sub3A_3320 = arith.subf %add3A_3314, %select_n3A_3319 : vector<256x128xf32>
    %convert_element_type3A_3321 = arith.extui %ge3A_1376 : vector<256x128xi1> to vector<256x128xi32>
    %reduce_sum3A_3322 = vector.shape_cast %convert_element_type3A_3321 : vector<256x128xi32> to vector<1x256x128xi32>
    %reduce_sum3A_3323 = arith.constant dense<0> : vector<1xi32>
    %reduce_sum3A_3324 = vector.multi_reduction <add>, %reduce_sum3A_3322, %reduce_sum3A_3323 [1, 2] : vector<1x256x128xi32> to vector<1xi32>
    %reduce_sum3A_3325 = vector.shape_cast %reduce_sum3A_3324 : vector<1xi32> to vector<1x1x1xi32>
    %reduce_sum3A_3326 = vector.extract %reduce_sum3A_3325[0, 0, 0] : i32 from vector<1x1x1xi32>
    %mul3A_3327 = arith.constant 3 : i32
    %mul3A_3328 = arith.muli %mul3A_3327, %reduce_sum3A_3326 : i32
    %min3A_3329 = arith.constant 32767 : i32
    %min3A_3330 = arith.minsi %mul3A_3328, %min3A_3329 : i32
    %jit3A_3331 = arith.constant 0.000000e+00 : f32
    %broadcast_in_dim3A_3332 = vector.broadcast %jit3A_3331 : f32 to vector<256x128xf32>
    %select_n3A_3333 = arith.select %ge3A_1376, %broadcast_in_dim3A_3332, %sub3A_1536 : vector<256x128xi1>, vector<256x128xf32>
    %bitcast_convert_type3A = tpu.bitcast %select_n3A_3333 : vector<256x128xf32> -> vector<256x128xi32>
    %or3A = arith.constant 0 : i32
    %or3A_3334 = arith.constant 1073741824 : i32
    %or3A_3335 = arith.ori %or3A, %or3A_3334 : i32
    %ge3A_3336 = vector.broadcast %or3A_3335 : i32 to vector<256x128xi32>
    %ge3A_3337 = arith.cmpi sge, %bitcast_convert_type3A, %ge3A_3336 : vector<256x128xi32>
    %convert_element_type3A_3338 = arith.extui %ge3A_3337 : vector<256x128xi1> to vector<256x128xi32>
    %reduce_sum3A_3339 = vector.shape_cast %convert_element_type3A_3338 : vector<256x128xi32> to vector<1x256x128xi32>
    %reduce_sum3A_3340 = arith.constant dense<0> : vector<1xi32>
    %reduce_sum3A_3341 = vector.multi_reduction <add>, %reduce_sum3A_3339, %reduce_sum3A_3340 [1, 2] : vector<1x256x128xi32> to vector<1xi32>
    %reduce_sum3A_3342 = vector.shape_cast %reduce_sum3A_3341 : vector<1xi32> to vector<1x1x1xi32>
    %reduce_sum3A_3343 = vector.extract %reduce_sum3A_3342[0, 0, 0] : i32 from vector<1x1x1xi32>
    %ge3A_3344 = arith.cmpi sge, %reduce_sum3A_3343, %min3A_3330 : i32
    %jit3A_3345 = arith.constant 0 : i32
    %select_n3A_3346 = arith.select %ge3A_3344, %or3A_3335, %jit3A_3345 : i32
    %or3A_3347 = arith.constant 536870912 : i32
    %or3A_3348 = arith.ori %select_n3A_3346, %or3A_3347 : i32
    %ge3A_3349 = vector.broadcast %or3A_3348 : i32 to vector<256x128xi32>
    %ge3A_3350 = arith.cmpi sge, %bitcast_convert_type3A, %ge3A_3349 : vector<256x128xi32>
    %convert_element_type3A_3351 = arith.extui %ge3A_3350 : vector<256x128xi1> to vector<256x128xi32>
    %reduce_sum3A_3352 = vector.shape_cast %convert_element_type3A_3351 : vector<256x128xi32> to vector<1x256x128xi32>
    %reduce_sum3A_3353 = arith.constant dense<0> : vector<1xi32>
    %reduce_sum3A_3354 = vector.multi_reduction <add>, %reduce_sum3A_3352, %reduce_sum3A_3353 [1, 2] : vector<1x256x128xi32> to vector<1xi32>
    %reduce_sum3A_3355 = vector.shape_cast %reduce_sum3A_3354 : vector<1xi32> to vector<1x1x1xi32>
    %reduce_sum3A_3356 = vector.extract %reduce_sum3A_3355[0, 0, 0] : i32 from vector<1x1x1xi32>
    %ge3A_3357 = arith.cmpi sge, %reduce_sum3A_3356, %min3A_3330 : i32
    %select_n3A_3358 = arith.select %ge3A_3357, %or3A_3348, %select_n3A_3346 : i32
    %or3A_3359 = arith.constant 268435456 : i32
    %or3A_3360 = arith.ori %select_n3A_3358, %or3A_3359 : i32
    %ge3A_3361 = vector.broadcast %or3A_3360 : i32 to vector<256x128xi32>
    %ge3A_3362 = arith.cmpi sge, %bitcast_convert_type3A, %ge3A_3361 : vector<256x128xi32>
    %convert_element_type3A_3363 = arith.extui %ge3A_3362 : vector<256x128xi1> to vector<256x128xi32>
    %reduce_sum3A_3364 = vector.shape_cast %convert_element_type3A_3363 : vector<256x128xi32> to vector<1x256x128xi32>
    %reduce_sum3A_3365 = arith.constant dense<0> : vector<1xi32>
    %reduce_sum3A_3366 = vector.multi_reduction <add>, %reduce_sum3A_3364, %reduce_sum3A_3365 [1, 2] : vector<1x256x128xi32> to vector<1xi32>
    %reduce_sum3A_3367 = vector.shape_cast %reduce_sum3A_3366 : vector<1xi32> to vector<1x1x1xi32>
    %reduce_sum3A_3368 = vector.extract %reduce_sum3A_3367[0, 0, 0] : i32 from vector<1x1x1xi32>
    %ge3A_3369 = arith.cmpi sge, %reduce_sum3A_3368, %min3A_3330 : i32
    %select_n3A_3370 = arith.select %ge3A_3369, %or3A_3360, %select_n3A_3358 : i32
    %or3A_3371 = arith.constant 134217728 : i32
    %or3A_3372 = arith.ori %select_n3A_3370, %or3A_3371 : i32
    %ge3A_3373 = vector.broadcast %or3A_3372 : i32 to vector<256x128xi32>
    %ge3A_3374 = arith.cmpi sge, %bitcast_convert_type3A, %ge3A_3373 : vector<256x128xi32>
    %convert_element_type3A_3375 = arith.extui %ge3A_3374 : vector<256x128xi1> to vector<256x128xi32>
    %reduce_sum3A_3376 = vector.shape_cast %convert_element_type3A_3375 : vector<256x128xi32> to vector<1x256x128xi32>
    %reduce_sum3A_3377 = arith.constant dense<0> : vector<1xi32>
    %reduce_sum3A_3378 = vector.multi_reduction <add>, %reduce_sum3A_3376, %reduce_sum3A_3377 [1, 2] : vector<1x256x128xi32> to vector<1xi32>
    %reduce_sum3A_3379 = vector.shape_cast %reduce_sum3A_3378 : vector<1xi32> to vector<1x1x1xi32>
    %reduce_sum3A_3380 = vector.extract %reduce_sum3A_3379[0, 0, 0] : i32 from vector<1x1x1xi32>
    %ge3A_3381 = arith.cmpi sge, %reduce_sum3A_3380, %min3A_3330 : i32
    %select_n3A_3382 = arith.select %ge3A_3381, %or3A_3372, %select_n3A_3370 : i32
    %or3A_3383 = arith.constant 67108864 : i32
    %or3A_3384 = arith.ori %select_n3A_3382, %or3A_3383 : i32
    %ge3A_3385 = vector.broadcast %or3A_3384 : i32 to vector<256x128xi32>
    %ge3A_3386 = arith.cmpi sge, %bitcast_convert_type3A, %ge3A_3385 : vector<256x128xi32>
    %convert_element_type3A_3387 = arith.extui %ge3A_3386 : vector<256x128xi1> to vector<256x128xi32>
    %reduce_sum3A_3388 = vector.shape_cast %convert_element_type3A_3387 : vector<256x128xi32> to vector<1x256x128xi32>
    %reduce_sum3A_3389 = arith.constant dense<0> : vector<1xi32>
    %reduce_sum3A_3390 = vector.multi_reduction <add>, %reduce_sum3A_3388, %reduce_sum3A_3389 [1, 2] : vector<1x256x128xi32> to vector<1xi32>
    %reduce_sum3A_3391 = vector.shape_cast %reduce_sum3A_3390 : vector<1xi32> to vector<1x1x1xi32>
    %reduce_sum3A_3392 = vector.extract %reduce_sum3A_3391[0, 0, 0] : i32 from vector<1x1x1xi32>
    %ge3A_3393 = arith.cmpi sge, %reduce_sum3A_3392, %min3A_3330 : i32
    %select_n3A_3394 = arith.select %ge3A_3393, %or3A_3384, %select_n3A_3382 : i32
    %or3A_3395 = arith.constant 33554432 : i32
    %or3A_3396 = arith.ori %select_n3A_3394, %or3A_3395 : i32
    %ge3A_3397 = vector.broadcast %or3A_3396 : i32 to vector<256x128xi32>
    %ge3A_3398 = arith.cmpi sge, %bitcast_convert_type3A, %ge3A_3397 : vector<256x128xi32>
    %convert_element_type3A_3399 = arith.extui %ge3A_3398 : vector<256x128xi1> to vector<256x128xi32>
    %reduce_sum3A_3400 = vector.shape_cast %convert_element_type3A_3399 : vector<256x128xi32> to vector<1x256x128xi32>
    %reduce_sum3A_3401 = arith.constant dense<0> : vector<1xi32>
    %reduce_sum3A_3402 = vector.multi_reduction <add>, %reduce_sum3A_3400, %reduce_sum3A_3401 [1, 2] : vector<1x256x128xi32> to vector<1xi32>
    %reduce_sum3A_3403 = vector.shape_cast %reduce_sum3A_3402 : vector<1xi32> to vector<1x1x1xi32>
    %reduce_sum3A_3404 = vector.extract %reduce_sum3A_3403[0, 0, 0] : i32 from vector<1x1x1xi32>
    %ge3A_3405 = arith.cmpi sge, %reduce_sum3A_3404, %min3A_3330 : i32
    %select_n3A_3406 = arith.select %ge3A_3405, %or3A_3396, %select_n3A_3394 : i32
    %or3A_3407 = arith.constant 16777216 : i32
    %or3A_3408 = arith.ori %select_n3A_3406, %or3A_3407 : i32
    %ge3A_3409 = vector.broadcast %or3A_3408 : i32 to vector<256x128xi32>
    %ge3A_3410 = arith.cmpi sge, %bitcast_convert_type3A, %ge3A_3409 : vector<256x128xi32>
    %convert_element_type3A_3411 = arith.extui %ge3A_3410 : vector<256x128xi1> to vector<256x128xi32>
    %reduce_sum3A_3412 = vector.shape_cast %convert_element_type3A_3411 : vector<256x128xi32> to vector<1x256x128xi32>
    %reduce_sum3A_3413 = arith.constant dense<0> : vector<1xi32>
    %reduce_sum3A_3414 = vector.multi_reduction <add>, %reduce_sum3A_3412, %reduce_sum3A_3413 [1, 2] : vector<1x256x128xi32> to vector<1xi32>
    %reduce_sum3A_3415 = vector.shape_cast %reduce_sum3A_3414 : vector<1xi32> to vector<1x1x1xi32>
    %reduce_sum3A_3416 = vector.extract %reduce_sum3A_3415[0, 0, 0] : i32 from vector<1x1x1xi32>
    %ge3A_3417 = arith.cmpi sge, %reduce_sum3A_3416, %min3A_3330 : i32
    %select_n3A_3418 = arith.select %ge3A_3417, %or3A_3408, %select_n3A_3406 : i32
    %or3A_3419 = arith.constant 8388608 : i32
    %or3A_3420 = arith.ori %select_n3A_3418, %or3A_3419 : i32
    %ge3A_3421 = vector.broadcast %or3A_3420 : i32 to vector<256x128xi32>
    %ge3A_3422 = arith.cmpi sge, %bitcast_convert_type3A, %ge3A_3421 : vector<256x128xi32>
    %convert_element_type3A_3423 = arith.extui %ge3A_3422 : vector<256x128xi1> to vector<256x128xi32>
    %reduce_sum3A_3424 = vector.shape_cast %convert_element_type3A_3423 : vector<256x128xi32> to vector<1x256x128xi32>
    %reduce_sum3A_3425 = arith.constant dense<0> : vector<1xi32>
    %reduce_sum3A_3426 = vector.multi_reduction <add>, %reduce_sum3A_3424, %reduce_sum3A_3425 [1, 2] : vector<1x256x128xi32> to vector<1xi32>
    %reduce_sum3A_3427 = vector.shape_cast %reduce_sum3A_3426 : vector<1xi32> to vector<1x1x1xi32>
    %reduce_sum3A_3428 = vector.extract %reduce_sum3A_3427[0, 0, 0] : i32 from vector<1x1x1xi32>
    %ge3A_3429 = arith.cmpi sge, %reduce_sum3A_3428, %min3A_3330 : i32
    %select_n3A_3430 = arith.select %ge3A_3429, %or3A_3420, %select_n3A_3418 : i32
    %or3A_3431 = arith.constant 4194304 : i32
    %or3A_3432 = arith.ori %select_n3A_3430, %or3A_3431 : i32
    %ge3A_3433 = vector.broadcast %or3A_3432 : i32 to vector<256x128xi32>
    %ge3A_3434 = arith.cmpi sge, %bitcast_convert_type3A, %ge3A_3433 : vector<256x128xi32>
    %convert_element_type3A_3435 = arith.extui %ge3A_3434 : vector<256x128xi1> to vector<256x128xi32>
    %reduce_sum3A_3436 = vector.shape_cast %convert_element_type3A_3435 : vector<256x128xi32> to vector<1x256x128xi32>
    %reduce_sum3A_3437 = arith.constant dense<0> : vector<1xi32>
    %reduce_sum3A_3438 = vector.multi_reduction <add>, %reduce_sum3A_3436, %reduce_sum3A_3437 [1, 2] : vector<1x256x128xi32> to vector<1xi32>
    %reduce_sum3A_3439 = vector.shape_cast %reduce_sum3A_3438 : vector<1xi32> to vector<1x1x1xi32>
    %reduce_sum3A_3440 = vector.extract %reduce_sum3A_3439[0, 0, 0] : i32 from vector<1x1x1xi32>
    %ge3A_3441 = arith.cmpi sge, %reduce_sum3A_3440, %min3A_3330 : i32
    %select_n3A_3442 = arith.select %ge3A_3441, %or3A_3432, %select_n3A_3430 : i32
    %or3A_3443 = arith.constant 2097152 : i32
    %or3A_3444 = arith.ori %select_n3A_3442, %or3A_3443 : i32
    %ge3A_3445 = vector.broadcast %or3A_3444 : i32 to vector<256x128xi32>
    %ge3A_3446 = arith.cmpi sge, %bitcast_convert_type3A, %ge3A_3445 : vector<256x128xi32>
    %convert_element_type3A_3447 = arith.extui %ge3A_3446 : vector<256x128xi1> to vector<256x128xi32>
    %reduce_sum3A_3448 = vector.shape_cast %convert_element_type3A_3447 : vector<256x128xi32> to vector<1x256x128xi32>
    %reduce_sum3A_3449 = arith.constant dense<0> : vector<1xi32>
    %reduce_sum3A_3450 = vector.multi_reduction <add>, %reduce_sum3A_3448, %reduce_sum3A_3449 [1, 2] : vector<1x256x128xi32> to vector<1xi32>
    %reduce_sum3A_3451 = vector.shape_cast %reduce_sum3A_3450 : vector<1xi32> to vector<1x1x1xi32>
    %reduce_sum3A_3452 = vector.extract %reduce_sum3A_3451[0, 0, 0] : i32 from vector<1x1x1xi32>
    %ge3A_3453 = arith.cmpi sge, %reduce_sum3A_3452, %min3A_3330 : i32
    %select_n3A_3454 = arith.select %ge3A_3453, %or3A_3444, %select_n3A_3442 : i32
    %or3A_3455 = arith.constant 1048576 : i32
    %or3A_3456 = arith.ori %select_n3A_3454, %or3A_3455 : i32
    %ge3A_3457 = vector.broadcast %or3A_3456 : i32 to vector<256x128xi32>
    %ge3A_3458 = arith.cmpi sge, %bitcast_convert_type3A, %ge3A_3457 : vector<256x128xi32>
    %convert_element_type3A_3459 = arith.extui %ge3A_3458 : vector<256x128xi1> to vector<256x128xi32>
    %reduce_sum3A_3460 = vector.shape_cast %convert_element_type3A_3459 : vector<256x128xi32> to vector<1x256x128xi32>
    %reduce_sum3A_3461 = arith.constant dense<0> : vector<1xi32>
    %reduce_sum3A_3462 = vector.multi_reduction <add>, %reduce_sum3A_3460, %reduce_sum3A_3461 [1, 2] : vector<1x256x128xi32> to vector<1xi32>
    %reduce_sum3A_3463 = vector.shape_cast %reduce_sum3A_3462 : vector<1xi32> to vector<1x1x1xi32>
    %reduce_sum3A_3464 = vector.extract %reduce_sum3A_3463[0, 0, 0] : i32 from vector<1x1x1xi32>
    %ge3A_3465 = arith.cmpi sge, %reduce_sum3A_3464, %min3A_3330 : i32
    %select_n3A_3466 = arith.select %ge3A_3465, %or3A_3456, %select_n3A_3454 : i32
    %or3A_3467 = arith.constant 524288 : i32
    %or3A_3468 = arith.ori %select_n3A_3466, %or3A_3467 : i32
    %ge3A_3469 = vector.broadcast %or3A_3468 : i32 to vector<256x128xi32>
    %ge3A_3470 = arith.cmpi sge, %bitcast_convert_type3A, %ge3A_3469 : vector<256x128xi32>
    %convert_element_type3A_3471 = arith.extui %ge3A_3470 : vector<256x128xi1> to vector<256x128xi32>
    %reduce_sum3A_3472 = vector.shape_cast %convert_element_type3A_3471 : vector<256x128xi32> to vector<1x256x128xi32>
    %reduce_sum3A_3473 = arith.constant dense<0> : vector<1xi32>
    %reduce_sum3A_3474 = vector.multi_reduction <add>, %reduce_sum3A_3472, %reduce_sum3A_3473 [1, 2] : vector<1x256x128xi32> to vector<1xi32>
    %reduce_sum3A_3475 = vector.shape_cast %reduce_sum3A_3474 : vector<1xi32> to vector<1x1x1xi32>
    %reduce_sum3A_3476 = vector.extract %reduce_sum3A_3475[0, 0, 0] : i32 from vector<1x1x1xi32>
    %ge3A_3477 = arith.cmpi sge, %reduce_sum3A_3476, %min3A_3330 : i32
    %select_n3A_3478 = arith.select %ge3A_3477, %or3A_3468, %select_n3A_3466 : i32
    %or3A_3479 = arith.constant 262144 : i32
    %or3A_3480 = arith.ori %select_n3A_3478, %or3A_3479 : i32
    %ge3A_3481 = vector.broadcast %or3A_3480 : i32 to vector<256x128xi32>
    %ge3A_3482 = arith.cmpi sge, %bitcast_convert_type3A, %ge3A_3481 : vector<256x128xi32>
    %convert_element_type3A_3483 = arith.extui %ge3A_3482 : vector<256x128xi1> to vector<256x128xi32>
    %reduce_sum3A_3484 = vector.shape_cast %convert_element_type3A_3483 : vector<256x128xi32> to vector<1x256x128xi32>
    %reduce_sum3A_3485 = arith.constant dense<0> : vector<1xi32>
    %reduce_sum3A_3486 = vector.multi_reduction <add>, %reduce_sum3A_3484, %reduce_sum3A_3485 [1, 2] : vector<1x256x128xi32> to vector<1xi32>
    %reduce_sum3A_3487 = vector.shape_cast %reduce_sum3A_3486 : vector<1xi32> to vector<1x1x1xi32>
    %reduce_sum3A_3488 = vector.extract %reduce_sum3A_3487[0, 0, 0] : i32 from vector<1x1x1xi32>
    %ge3A_3489 = arith.cmpi sge, %reduce_sum3A_3488, %min3A_3330 : i32
    %select_n3A_3490 = arith.select %ge3A_3489, %or3A_3480, %select_n3A_3478 : i32
    %or3A_3491 = arith.constant 131072 : i32
    %or3A_3492 = arith.ori %select_n3A_3490, %or3A_3491 : i32
    %ge3A_3493 = vector.broadcast %or3A_3492 : i32 to vector<256x128xi32>
    %ge3A_3494 = arith.cmpi sge, %bitcast_convert_type3A, %ge3A_3493 : vector<256x128xi32>
    %convert_element_type3A_3495 = arith.extui %ge3A_3494 : vector<256x128xi1> to vector<256x128xi32>
    %reduce_sum3A_3496 = vector.shape_cast %convert_element_type3A_3495 : vector<256x128xi32> to vector<1x256x128xi32>
    %reduce_sum3A_3497 = arith.constant dense<0> : vector<1xi32>
    %reduce_sum3A_3498 = vector.multi_reduction <add>, %reduce_sum3A_3496, %reduce_sum3A_3497 [1, 2] : vector<1x256x128xi32> to vector<1xi32>
    %reduce_sum3A_3499 = vector.shape_cast %reduce_sum3A_3498 : vector<1xi32> to vector<1x1x1xi32>
    %reduce_sum3A_3500 = vector.extract %reduce_sum3A_3499[0, 0, 0] : i32 from vector<1x1x1xi32>
    %ge3A_3501 = arith.cmpi sge, %reduce_sum3A_3500, %min3A_3330 : i32
    %select_n3A_3502 = arith.select %ge3A_3501, %or3A_3492, %select_n3A_3490 : i32
    %or3A_3503 = arith.constant 65536 : i32
    %or3A_3504 = arith.ori %select_n3A_3502, %or3A_3503 : i32
    %ge3A_3505 = vector.broadcast %or3A_3504 : i32 to vector<256x128xi32>
    %ge3A_3506 = arith.cmpi sge, %bitcast_convert_type3A, %ge3A_3505 : vector<256x128xi32>
    %convert_element_type3A_3507 = arith.extui %ge3A_3506 : vector<256x128xi1> to vector<256x128xi32>
    %reduce_sum3A_3508 = vector.shape_cast %convert_element_type3A_3507 : vector<256x128xi32> to vector<1x256x128xi32>
    %reduce_sum3A_3509 = arith.constant dense<0> : vector<1xi32>
    %reduce_sum3A_3510 = vector.multi_reduction <add>, %reduce_sum3A_3508, %reduce_sum3A_3509 [1, 2] : vector<1x256x128xi32> to vector<1xi32>
    %reduce_sum3A_3511 = vector.shape_cast %reduce_sum3A_3510 : vector<1xi32> to vector<1x1x1xi32>
    %reduce_sum3A_3512 = vector.extract %reduce_sum3A_3511[0, 0, 0] : i32 from vector<1x1x1xi32>
    %ge3A_3513 = arith.cmpi sge, %reduce_sum3A_3512, %min3A_3330 : i32
    %select_n3A_3514 = arith.select %ge3A_3513, %or3A_3504, %select_n3A_3502 : i32
    %or3A_3515 = arith.constant 32768 : i32
    %or3A_3516 = arith.ori %select_n3A_3514, %or3A_3515 : i32
    %ge3A_3517 = vector.broadcast %or3A_3516 : i32 to vector<256x128xi32>
    %ge3A_3518 = arith.cmpi sge, %bitcast_convert_type3A, %ge3A_3517 : vector<256x128xi32>
    %convert_element_type3A_3519 = arith.extui %ge3A_3518 : vector<256x128xi1> to vector<256x128xi32>
    %reduce_sum3A_3520 = vector.shape_cast %convert_element_type3A_3519 : vector<256x128xi32> to vector<1x256x128xi32>
    %reduce_sum3A_3521 = arith.constant dense<0> : vector<1xi32>
    %reduce_sum3A_3522 = vector.multi_reduction <add>, %reduce_sum3A_3520, %reduce_sum3A_3521 [1, 2] : vector<1x256x128xi32> to vector<1xi32>
    %reduce_sum3A_3523 = vector.shape_cast %reduce_sum3A_3522 : vector<1xi32> to vector<1x1x1xi32>
    %reduce_sum3A_3524 = vector.extract %reduce_sum3A_3523[0, 0, 0] : i32 from vector<1x1x1xi32>
    %ge3A_3525 = arith.cmpi sge, %reduce_sum3A_3524, %min3A_3330 : i32
    %select_n3A_3526 = arith.select %ge3A_3525, %or3A_3516, %select_n3A_3514 : i32
    %or3A_3527 = arith.constant 16384 : i32
    %or3A_3528 = arith.ori %select_n3A_3526, %or3A_3527 : i32
    %ge3A_3529 = vector.broadcast %or3A_3528 : i32 to vector<256x128xi32>
    %ge3A_3530 = arith.cmpi sge, %bitcast_convert_type3A, %ge3A_3529 : vector<256x128xi32>
    %convert_element_type3A_3531 = arith.extui %ge3A_3530 : vector<256x128xi1> to vector<256x128xi32>
    %reduce_sum3A_3532 = vector.shape_cast %convert_element_type3A_3531 : vector<256x128xi32> to vector<1x256x128xi32>
    %reduce_sum3A_3533 = arith.constant dense<0> : vector<1xi32>
    %reduce_sum3A_3534 = vector.multi_reduction <add>, %reduce_sum3A_3532, %reduce_sum3A_3533 [1, 2] : vector<1x256x128xi32> to vector<1xi32>
    %reduce_sum3A_3535 = vector.shape_cast %reduce_sum3A_3534 : vector<1xi32> to vector<1x1x1xi32>
    %reduce_sum3A_3536 = vector.extract %reduce_sum3A_3535[0, 0, 0] : i32 from vector<1x1x1xi32>
    %ge3A_3537 = arith.cmpi sge, %reduce_sum3A_3536, %min3A_3330 : i32
    %select_n3A_3538 = arith.select %ge3A_3537, %or3A_3528, %select_n3A_3526 : i32
    %or3A_3539 = arith.constant 8192 : i32
    %or3A_3540 = arith.ori %select_n3A_3538, %or3A_3539 : i32
    %ge3A_3541 = vector.broadcast %or3A_3540 : i32 to vector<256x128xi32>
    %ge3A_3542 = arith.cmpi sge, %bitcast_convert_type3A, %ge3A_3541 : vector<256x128xi32>
    %convert_element_type3A_3543 = arith.extui %ge3A_3542 : vector<256x128xi1> to vector<256x128xi32>
    %reduce_sum3A_3544 = vector.shape_cast %convert_element_type3A_3543 : vector<256x128xi32> to vector<1x256x128xi32>
    %reduce_sum3A_3545 = arith.constant dense<0> : vector<1xi32>
    %reduce_sum3A_3546 = vector.multi_reduction <add>, %reduce_sum3A_3544, %reduce_sum3A_3545 [1, 2] : vector<1x256x128xi32> to vector<1xi32>
    %reduce_sum3A_3547 = vector.shape_cast %reduce_sum3A_3546 : vector<1xi32> to vector<1x1x1xi32>
    %reduce_sum3A_3548 = vector.extract %reduce_sum3A_3547[0, 0, 0] : i32 from vector<1x1x1xi32>
    %ge3A_3549 = arith.cmpi sge, %reduce_sum3A_3548, %min3A_3330 : i32
    %select_n3A_3550 = arith.select %ge3A_3549, %or3A_3540, %select_n3A_3538 : i32
    %or3A_3551 = arith.constant 4096 : i32
    %or3A_3552 = arith.ori %select_n3A_3550, %or3A_3551 : i32
    %ge3A_3553 = vector.broadcast %or3A_3552 : i32 to vector<256x128xi32>
    %ge3A_3554 = arith.cmpi sge, %bitcast_convert_type3A, %ge3A_3553 : vector<256x128xi32>
    %convert_element_type3A_3555 = arith.extui %ge3A_3554 : vector<256x128xi1> to vector<256x128xi32>
    %reduce_sum3A_3556 = vector.shape_cast %convert_element_type3A_3555 : vector<256x128xi32> to vector<1x256x128xi32>
    %reduce_sum3A_3557 = arith.constant dense<0> : vector<1xi32>
    %reduce_sum3A_3558 = vector.multi_reduction <add>, %reduce_sum3A_3556, %reduce_sum3A_3557 [1, 2] : vector<1x256x128xi32> to vector<1xi32>
    %reduce_sum3A_3559 = vector.shape_cast %reduce_sum3A_3558 : vector<1xi32> to vector<1x1x1xi32>
    %reduce_sum3A_3560 = vector.extract %reduce_sum3A_3559[0, 0, 0] : i32 from vector<1x1x1xi32>
    %ge3A_3561 = arith.cmpi sge, %reduce_sum3A_3560, %min3A_3330 : i32
    %select_n3A_3562 = arith.select %ge3A_3561, %or3A_3552, %select_n3A_3550 : i32
    %or3A_3563 = arith.constant 2048 : i32
    %or3A_3564 = arith.ori %select_n3A_3562, %or3A_3563 : i32
    %ge3A_3565 = vector.broadcast %or3A_3564 : i32 to vector<256x128xi32>
    %ge3A_3566 = arith.cmpi sge, %bitcast_convert_type3A, %ge3A_3565 : vector<256x128xi32>
    %convert_element_type3A_3567 = arith.extui %ge3A_3566 : vector<256x128xi1> to vector<256x128xi32>
    %reduce_sum3A_3568 = vector.shape_cast %convert_element_type3A_3567 : vector<256x128xi32> to vector<1x256x128xi32>
    %reduce_sum3A_3569 = arith.constant dense<0> : vector<1xi32>
    %reduce_sum3A_3570 = vector.multi_reduction <add>, %reduce_sum3A_3568, %reduce_sum3A_3569 [1, 2] : vector<1x256x128xi32> to vector<1xi32>
    %reduce_sum3A_3571 = vector.shape_cast %reduce_sum3A_3570 : vector<1xi32> to vector<1x1x1xi32>
    %reduce_sum3A_3572 = vector.extract %reduce_sum3A_3571[0, 0, 0] : i32 from vector<1x1x1xi32>
    %ge3A_3573 = arith.cmpi sge, %reduce_sum3A_3572, %min3A_3330 : i32
    %select_n3A_3574 = arith.select %ge3A_3573, %or3A_3564, %select_n3A_3562 : i32
    %or3A_3575 = arith.constant 1024 : i32
    %or3A_3576 = arith.ori %select_n3A_3574, %or3A_3575 : i32
    %ge3A_3577 = vector.broadcast %or3A_3576 : i32 to vector<256x128xi32>
    %ge3A_3578 = arith.cmpi sge, %bitcast_convert_type3A, %ge3A_3577 : vector<256x128xi32>
    %convert_element_type3A_3579 = arith.extui %ge3A_3578 : vector<256x128xi1> to vector<256x128xi32>
    %reduce_sum3A_3580 = vector.shape_cast %convert_element_type3A_3579 : vector<256x128xi32> to vector<1x256x128xi32>
    %reduce_sum3A_3581 = arith.constant dense<0> : vector<1xi32>
    %reduce_sum3A_3582 = vector.multi_reduction <add>, %reduce_sum3A_3580, %reduce_sum3A_3581 [1, 2] : vector<1x256x128xi32> to vector<1xi32>
    %reduce_sum3A_3583 = vector.shape_cast %reduce_sum3A_3582 : vector<1xi32> to vector<1x1x1xi32>
    %reduce_sum3A_3584 = vector.extract %reduce_sum3A_3583[0, 0, 0] : i32 from vector<1x1x1xi32>
    %ge3A_3585 = arith.cmpi sge, %reduce_sum3A_3584, %min3A_3330 : i32
    %select_n3A_3586 = arith.select %ge3A_3585, %or3A_3576, %select_n3A_3574 : i32
    %or3A_3587 = arith.constant 512 : i32
    %or3A_3588 = arith.ori %select_n3A_3586, %or3A_3587 : i32
    %ge3A_3589 = vector.broadcast %or3A_3588 : i32 to vector<256x128xi32>
    %ge3A_3590 = arith.cmpi sge, %bitcast_convert_type3A, %ge3A_3589 : vector<256x128xi32>
    %convert_element_type3A_3591 = arith.extui %ge3A_3590 : vector<256x128xi1> to vector<256x128xi32>
    %reduce_sum3A_3592 = vector.shape_cast %convert_element_type3A_3591 : vector<256x128xi32> to vector<1x256x128xi32>
    %reduce_sum3A_3593 = arith.constant dense<0> : vector<1xi32>
    %reduce_sum3A_3594 = vector.multi_reduction <add>, %reduce_sum3A_3592, %reduce_sum3A_3593 [1, 2] : vector<1x256x128xi32> to vector<1xi32>
    %reduce_sum3A_3595 = vector.shape_cast %reduce_sum3A_3594 : vector<1xi32> to vector<1x1x1xi32>
    %reduce_sum3A_3596 = vector.extract %reduce_sum3A_3595[0, 0, 0] : i32 from vector<1x1x1xi32>
    %ge3A_3597 = arith.cmpi sge, %reduce_sum3A_3596, %min3A_3330 : i32
    %select_n3A_3598 = arith.select %ge3A_3597, %or3A_3588, %select_n3A_3586 : i32
    %or3A_3599 = arith.constant 256 : i32
    %or3A_3600 = arith.ori %select_n3A_3598, %or3A_3599 : i32
    %ge3A_3601 = vector.broadcast %or3A_3600 : i32 to vector<256x128xi32>
    %ge3A_3602 = arith.cmpi sge, %bitcast_convert_type3A, %ge3A_3601 : vector<256x128xi32>
    %convert_element_type3A_3603 = arith.extui %ge3A_3602 : vector<256x128xi1> to vector<256x128xi32>
    %reduce_sum3A_3604 = vector.shape_cast %convert_element_type3A_3603 : vector<256x128xi32> to vector<1x256x128xi32>
    %reduce_sum3A_3605 = arith.constant dense<0> : vector<1xi32>
    %reduce_sum3A_3606 = vector.multi_reduction <add>, %reduce_sum3A_3604, %reduce_sum3A_3605 [1, 2] : vector<1x256x128xi32> to vector<1xi32>
    %reduce_sum3A_3607 = vector.shape_cast %reduce_sum3A_3606 : vector<1xi32> to vector<1x1x1xi32>
    %reduce_sum3A_3608 = vector.extract %reduce_sum3A_3607[0, 0, 0] : i32 from vector<1x1x1xi32>
    %ge3A_3609 = arith.cmpi sge, %reduce_sum3A_3608, %min3A_3330 : i32
    %select_n3A_3610 = arith.select %ge3A_3609, %or3A_3600, %select_n3A_3598 : i32
    %or3A_3611 = arith.constant 128 : i32
    %or3A_3612 = arith.ori %select_n3A_3610, %or3A_3611 : i32
    %ge3A_3613 = vector.broadcast %or3A_3612 : i32 to vector<256x128xi32>
    %ge3A_3614 = arith.cmpi sge, %bitcast_convert_type3A, %ge3A_3613 : vector<256x128xi32>
    %convert_element_type3A_3615 = arith.extui %ge3A_3614 : vector<256x128xi1> to vector<256x128xi32>
    %reduce_sum3A_3616 = vector.shape_cast %convert_element_type3A_3615 : vector<256x128xi32> to vector<1x256x128xi32>
    %reduce_sum3A_3617 = arith.constant dense<0> : vector<1xi32>
    %reduce_sum3A_3618 = vector.multi_reduction <add>, %reduce_sum3A_3616, %reduce_sum3A_3617 [1, 2] : vector<1x256x128xi32> to vector<1xi32>
    %reduce_sum3A_3619 = vector.shape_cast %reduce_sum3A_3618 : vector<1xi32> to vector<1x1x1xi32>
    %reduce_sum3A_3620 = vector.extract %reduce_sum3A_3619[0, 0, 0] : i32 from vector<1x1x1xi32>
    %ge3A_3621 = arith.cmpi sge, %reduce_sum3A_3620, %min3A_3330 : i32
    %select_n3A_3622 = arith.select %ge3A_3621, %or3A_3612, %select_n3A_3610 : i32
    %or3A_3623 = arith.constant 64 : i32
    %or3A_3624 = arith.ori %select_n3A_3622, %or3A_3623 : i32
    %ge3A_3625 = vector.broadcast %or3A_3624 : i32 to vector<256x128xi32>
    %ge3A_3626 = arith.cmpi sge, %bitcast_convert_type3A, %ge3A_3625 : vector<256x128xi32>
    %convert_element_type3A_3627 = arith.extui %ge3A_3626 : vector<256x128xi1> to vector<256x128xi32>
    %reduce_sum3A_3628 = vector.shape_cast %convert_element_type3A_3627 : vector<256x128xi32> to vector<1x256x128xi32>
    %reduce_sum3A_3629 = arith.constant dense<0> : vector<1xi32>
    %reduce_sum3A_3630 = vector.multi_reduction <add>, %reduce_sum3A_3628, %reduce_sum3A_3629 [1, 2] : vector<1x256x128xi32> to vector<1xi32>
    %reduce_sum3A_3631 = vector.shape_cast %reduce_sum3A_3630 : vector<1xi32> to vector<1x1x1xi32>
    %reduce_sum3A_3632 = vector.extract %reduce_sum3A_3631[0, 0, 0] : i32 from vector<1x1x1xi32>
    %ge3A_3633 = arith.cmpi sge, %reduce_sum3A_3632, %min3A_3330 : i32
    %select_n3A_3634 = arith.select %ge3A_3633, %or3A_3624, %select_n3A_3622 : i32
    %or3A_3635 = arith.constant 32 : i32
    %or3A_3636 = arith.ori %select_n3A_3634, %or3A_3635 : i32
    %ge3A_3637 = vector.broadcast %or3A_3636 : i32 to vector<256x128xi32>
    %ge3A_3638 = arith.cmpi sge, %bitcast_convert_type3A, %ge3A_3637 : vector<256x128xi32>
    %convert_element_type3A_3639 = arith.extui %ge3A_3638 : vector<256x128xi1> to vector<256x128xi32>
    %reduce_sum3A_3640 = vector.shape_cast %convert_element_type3A_3639 : vector<256x128xi32> to vector<1x256x128xi32>
    %reduce_sum3A_3641 = arith.constant dense<0> : vector<1xi32>
    %reduce_sum3A_3642 = vector.multi_reduction <add>, %reduce_sum3A_3640, %reduce_sum3A_3641 [1, 2] : vector<1x256x128xi32> to vector<1xi32>
    %reduce_sum3A_3643 = vector.shape_cast %reduce_sum3A_3642 : vector<1xi32> to vector<1x1x1xi32>
    %reduce_sum3A_3644 = vector.extract %reduce_sum3A_3643[0, 0, 0] : i32 from vector<1x1x1xi32>
    %ge3A_3645 = arith.cmpi sge, %reduce_sum3A_3644, %min3A_3330 : i32
    %select_n3A_3646 = arith.select %ge3A_3645, %or3A_3636, %select_n3A_3634 : i32
    %or3A_3647 = arith.constant 16 : i32
    %or3A_3648 = arith.ori %select_n3A_3646, %or3A_3647 : i32
    %ge3A_3649 = vector.broadcast %or3A_3648 : i32 to vector<256x128xi32>
    %ge3A_3650 = arith.cmpi sge, %bitcast_convert_type3A, %ge3A_3649 : vector<256x128xi32>
    %convert_element_type3A_3651 = arith.extui %ge3A_3650 : vector<256x128xi1> to vector<256x128xi32>
    %reduce_sum3A_3652 = vector.shape_cast %convert_element_type3A_3651 : vector<256x128xi32> to vector<1x256x128xi32>
    %reduce_sum3A_3653 = arith.constant dense<0> : vector<1xi32>
    %reduce_sum3A_3654 = vector.multi_reduction <add>, %reduce_sum3A_3652, %reduce_sum3A_3653 [1, 2] : vector<1x256x128xi32> to vector<1xi32>
    %reduce_sum3A_3655 = vector.shape_cast %reduce_sum3A_3654 : vector<1xi32> to vector<1x1x1xi32>
    %reduce_sum3A_3656 = vector.extract %reduce_sum3A_3655[0, 0, 0] : i32 from vector<1x1x1xi32>
    %ge3A_3657 = arith.cmpi sge, %reduce_sum3A_3656, %min3A_3330 : i32
    %select_n3A_3658 = arith.select %ge3A_3657, %or3A_3648, %select_n3A_3646 : i32
    %or3A_3659 = arith.constant 8 : i32
    %or3A_3660 = arith.ori %select_n3A_3658, %or3A_3659 : i32
    %ge3A_3661 = vector.broadcast %or3A_3660 : i32 to vector<256x128xi32>
    %ge3A_3662 = arith.cmpi sge, %bitcast_convert_type3A, %ge3A_3661 : vector<256x128xi32>
    %convert_element_type3A_3663 = arith.extui %ge3A_3662 : vector<256x128xi1> to vector<256x128xi32>
    %reduce_sum3A_3664 = vector.shape_cast %convert_element_type3A_3663 : vector<256x128xi32> to vector<1x256x128xi32>
    %reduce_sum3A_3665 = arith.constant dense<0> : vector<1xi32>
    %reduce_sum3A_3666 = vector.multi_reduction <add>, %reduce_sum3A_3664, %reduce_sum3A_3665 [1, 2] : vector<1x256x128xi32> to vector<1xi32>
    %reduce_sum3A_3667 = vector.shape_cast %reduce_sum3A_3666 : vector<1xi32> to vector<1x1x1xi32>
    %reduce_sum3A_3668 = vector.extract %reduce_sum3A_3667[0, 0, 0] : i32 from vector<1x1x1xi32>
    %ge3A_3669 = arith.cmpi sge, %reduce_sum3A_3668, %min3A_3330 : i32
    %select_n3A_3670 = arith.select %ge3A_3669, %or3A_3660, %select_n3A_3658 : i32
    %or3A_3671 = arith.constant 4 : i32
    %or3A_3672 = arith.ori %select_n3A_3670, %or3A_3671 : i32
    %ge3A_3673 = vector.broadcast %or3A_3672 : i32 to vector<256x128xi32>
    %ge3A_3674 = arith.cmpi sge, %bitcast_convert_type3A, %ge3A_3673 : vector<256x128xi32>
    %convert_element_type3A_3675 = arith.extui %ge3A_3674 : vector<256x128xi1> to vector<256x128xi32>
    %reduce_sum3A_3676 = vector.shape_cast %convert_element_type3A_3675 : vector<256x128xi32> to vector<1x256x128xi32>
    %reduce_sum3A_3677 = arith.constant dense<0> : vector<1xi32>
    %reduce_sum3A_3678 = vector.multi_reduction <add>, %reduce_sum3A_3676, %reduce_sum3A_3677 [1, 2] : vector<1x256x128xi32> to vector<1xi32>
    %reduce_sum3A_3679 = vector.shape_cast %reduce_sum3A_3678 : vector<1xi32> to vector<1x1x1xi32>
    %reduce_sum3A_3680 = vector.extract %reduce_sum3A_3679[0, 0, 0] : i32 from vector<1x1x1xi32>
    %ge3A_3681 = arith.cmpi sge, %reduce_sum3A_3680, %min3A_3330 : i32
    %select_n3A_3682 = arith.select %ge3A_3681, %or3A_3672, %select_n3A_3670 : i32
    %or3A_3683 = arith.constant 2 : i32
    %or3A_3684 = arith.ori %select_n3A_3682, %or3A_3683 : i32
    %ge3A_3685 = vector.broadcast %or3A_3684 : i32 to vector<256x128xi32>
    %ge3A_3686 = arith.cmpi sge, %bitcast_convert_type3A, %ge3A_3685 : vector<256x128xi32>
    %convert_element_type3A_3687 = arith.extui %ge3A_3686 : vector<256x128xi1> to vector<256x128xi32>
    %reduce_sum3A_3688 = vector.shape_cast %convert_element_type3A_3687 : vector<256x128xi32> to vector<1x256x128xi32>
    %reduce_sum3A_3689 = arith.constant dense<0> : vector<1xi32>
    %reduce_sum3A_3690 = vector.multi_reduction <add>, %reduce_sum3A_3688, %reduce_sum3A_3689 [1, 2] : vector<1x256x128xi32> to vector<1xi32>
    %reduce_sum3A_3691 = vector.shape_cast %reduce_sum3A_3690 : vector<1xi32> to vector<1x1x1xi32>
    %reduce_sum3A_3692 = vector.extract %reduce_sum3A_3691[0, 0, 0] : i32 from vector<1x1x1xi32>
    %ge3A_3693 = arith.cmpi sge, %reduce_sum3A_3692, %min3A_3330 : i32
    %select_n3A_3694 = arith.select %ge3A_3693, %or3A_3684, %select_n3A_3682 : i32
    %or3A_3695 = arith.constant 1 : i32
    %or3A_3696 = arith.ori %select_n3A_3694, %or3A_3695 : i32
    %ge3A_3697 = vector.broadcast %or3A_3696 : i32 to vector<256x128xi32>
    %ge3A_3698 = arith.cmpi sge, %bitcast_convert_type3A, %ge3A_3697 : vector<256x128xi32>
    %convert_element_type3A_3699 = arith.extui %ge3A_3698 : vector<256x128xi1> to vector<256x128xi32>
    %reduce_sum3A_3700 = vector.shape_cast %convert_element_type3A_3699 : vector<256x128xi32> to vector<1x256x128xi32>
    %reduce_sum3A_3701 = arith.constant dense<0> : vector<1xi32>
    %reduce_sum3A_3702 = vector.multi_reduction <add>, %reduce_sum3A_3700, %reduce_sum3A_3701 [1, 2] : vector<1x256x128xi32> to vector<1xi32>
    %reduce_sum3A_3703 = vector.shape_cast %reduce_sum3A_3702 : vector<1xi32> to vector<1x1x1xi32>
    %reduce_sum3A_3704 = vector.extract %reduce_sum3A_3703[0, 0, 0] : i32 from vector<1x1x1xi32>
    %ge3A_3705 = arith.cmpi sge, %reduce_sum3A_3704, %min3A_3330 : i32
    %select_n3A_3706 = arith.select %ge3A_3705, %or3A_3696, %select_n3A_3694 : i32
    %gt3A_3707 = vector.broadcast %select_n3A_3706 : i32 to vector<256x128xi32>
    %gt3A_3708 = arith.cmpi sgt, %bitcast_convert_type3A, %gt3A_3707 : vector<256x128xi32>
    %convert_element_type3A_3709 = arith.extui %gt3A_3708 : vector<256x128xi1> to vector<256x128xi32>
    %reduce_sum3A_3710 = vector.shape_cast %convert_element_type3A_3709 : vector<256x128xi32> to vector<1x256x128xi32>
    %reduce_sum3A_3711 = arith.constant dense<0> : vector<1xi32>
    %reduce_sum3A_3712 = vector.multi_reduction <add>, %reduce_sum3A_3710, %reduce_sum3A_3711 [1, 2] : vector<1x256x128xi32> to vector<1xi32>
    %reduce_sum3A_3713 = vector.shape_cast %reduce_sum3A_3712 : vector<1xi32> to vector<1x1x1xi32>
    %reduce_sum3A_3714 = vector.extract %reduce_sum3A_3713[0, 0, 0] : i32 from vector<1x1x1xi32>
    %sub3A_3715 = arith.subi %min3A_3330, %reduce_sum3A_3714 : i32
    %eq3A_3716 = vector.broadcast %select_n3A_3706 : i32 to vector<256x128xi32>
    %eq3A_3717 = arith.cmpi eq, %bitcast_convert_type3A, %eq3A_3716 : vector<256x128xi32>
    %or3A_3718 = arith.constant 0 : i32
    %or3A_3719 = arith.constant 16384 : i32
    %or3A_3720 = arith.ori %or3A_3718, %or3A_3719 : i32
    %lt3A_3721 = vector.broadcast %or3A_3720 : i32 to vector<256x128xi32>
    %lt3A_3722 = arith.cmpi slt, %add3A, %lt3A_3721 : vector<256x128xi32>
    %and3A = arith.andi %eq3A_3717, %lt3A_3722 : vector<256x128xi1>
    %convert_element_type3A_3723 = arith.extui %and3A : vector<256x128xi1> to vector<256x128xi32>
    %reduce_sum3A_3724 = vector.shape_cast %convert_element_type3A_3723 : vector<256x128xi32> to vector<1x256x128xi32>
    %reduce_sum3A_3725 = arith.constant dense<0> : vector<1xi32>
    %reduce_sum3A_3726 = vector.multi_reduction <add>, %reduce_sum3A_3724, %reduce_sum3A_3725 [1, 2] : vector<1x256x128xi32> to vector<1xi32>
    %reduce_sum3A_3727 = vector.shape_cast %reduce_sum3A_3726 : vector<1xi32> to vector<1x1x1xi32>
    %reduce_sum3A_3728 = vector.extract %reduce_sum3A_3727[0, 0, 0] : i32 from vector<1x1x1xi32>
    %lt3A_3729 = arith.cmpi slt, %reduce_sum3A_3728, %sub3A_3715 : i32
    %jit3A_3730 = arith.constant 0 : i32
    %select_n3A_3731 = arith.select %lt3A_3729, %or3A_3720, %jit3A_3730 : i32
    %or3A_3732 = arith.constant 8192 : i32
    %or3A_3733 = arith.ori %select_n3A_3731, %or3A_3732 : i32
    %lt3A_3734 = vector.broadcast %or3A_3733 : i32 to vector<256x128xi32>
    %lt3A_3735 = arith.cmpi slt, %add3A, %lt3A_3734 : vector<256x128xi32>
    %and3A_3736 = arith.andi %eq3A_3717, %lt3A_3735 : vector<256x128xi1>
    %convert_element_type3A_3737 = arith.extui %and3A_3736 : vector<256x128xi1> to vector<256x128xi32>
    %reduce_sum3A_3738 = vector.shape_cast %convert_element_type3A_3737 : vector<256x128xi32> to vector<1x256x128xi32>
    %reduce_sum3A_3739 = arith.constant dense<0> : vector<1xi32>
    %reduce_sum3A_3740 = vector.multi_reduction <add>, %reduce_sum3A_3738, %reduce_sum3A_3739 [1, 2] : vector<1x256x128xi32> to vector<1xi32>
    %reduce_sum3A_3741 = vector.shape_cast %reduce_sum3A_3740 : vector<1xi32> to vector<1x1x1xi32>
    %reduce_sum3A_3742 = vector.extract %reduce_sum3A_3741[0, 0, 0] : i32 from vector<1x1x1xi32>
    %lt3A_3743 = arith.cmpi slt, %reduce_sum3A_3742, %sub3A_3715 : i32
    %select_n3A_3744 = arith.select %lt3A_3743, %or3A_3733, %select_n3A_3731 : i32
    %or3A_3745 = arith.constant 4096 : i32
    %or3A_3746 = arith.ori %select_n3A_3744, %or3A_3745 : i32
    %lt3A_3747 = vector.broadcast %or3A_3746 : i32 to vector<256x128xi32>
    %lt3A_3748 = arith.cmpi slt, %add3A, %lt3A_3747 : vector<256x128xi32>
    %and3A_3749 = arith.andi %eq3A_3717, %lt3A_3748 : vector<256x128xi1>
    %convert_element_type3A_3750 = arith.extui %and3A_3749 : vector<256x128xi1> to vector<256x128xi32>
    %reduce_sum3A_3751 = vector.shape_cast %convert_element_type3A_3750 : vector<256x128xi32> to vector<1x256x128xi32>
    %reduce_sum3A_3752 = arith.constant dense<0> : vector<1xi32>
    %reduce_sum3A_3753 = vector.multi_reduction <add>, %reduce_sum3A_3751, %reduce_sum3A_3752 [1, 2] : vector<1x256x128xi32> to vector<1xi32>
    %reduce_sum3A_3754 = vector.shape_cast %reduce_sum3A_3753 : vector<1xi32> to vector<1x1x1xi32>
    %reduce_sum3A_3755 = vector.extract %reduce_sum3A_3754[0, 0, 0] : i32 from vector<1x1x1xi32>
    %lt3A_3756 = arith.cmpi slt, %reduce_sum3A_3755, %sub3A_3715 : i32
    %select_n3A_3757 = arith.select %lt3A_3756, %or3A_3746, %select_n3A_3744 : i32
    %or3A_3758 = arith.constant 2048 : i32
    %or3A_3759 = arith.ori %select_n3A_3757, %or3A_3758 : i32
    %lt3A_3760 = vector.broadcast %or3A_3759 : i32 to vector<256x128xi32>
    %lt3A_3761 = arith.cmpi slt, %add3A, %lt3A_3760 : vector<256x128xi32>
    %and3A_3762 = arith.andi %eq3A_3717, %lt3A_3761 : vector<256x128xi1>
    %convert_element_type3A_3763 = arith.extui %and3A_3762 : vector<256x128xi1> to vector<256x128xi32>
    %reduce_sum3A_3764 = vector.shape_cast %convert_element_type3A_3763 : vector<256x128xi32> to vector<1x256x128xi32>
    %reduce_sum3A_3765 = arith.constant dense<0> : vector<1xi32>
    %reduce_sum3A_3766 = vector.multi_reduction <add>, %reduce_sum3A_3764, %reduce_sum3A_3765 [1, 2] : vector<1x256x128xi32> to vector<1xi32>
    %reduce_sum3A_3767 = vector.shape_cast %reduce_sum3A_3766 : vector<1xi32> to vector<1x1x1xi32>
    %reduce_sum3A_3768 = vector.extract %reduce_sum3A_3767[0, 0, 0] : i32 from vector<1x1x1xi32>
    %lt3A_3769 = arith.cmpi slt, %reduce_sum3A_3768, %sub3A_3715 : i32
    %select_n3A_3770 = arith.select %lt3A_3769, %or3A_3759, %select_n3A_3757 : i32
    %or3A_3771 = arith.constant 1024 : i32
    %or3A_3772 = arith.ori %select_n3A_3770, %or3A_3771 : i32
    %lt3A_3773 = vector.broadcast %or3A_3772 : i32 to vector<256x128xi32>
    %lt3A_3774 = arith.cmpi slt, %add3A, %lt3A_3773 : vector<256x128xi32>
    %and3A_3775 = arith.andi %eq3A_3717, %lt3A_3774 : vector<256x128xi1>
    %convert_element_type3A_3776 = arith.extui %and3A_3775 : vector<256x128xi1> to vector<256x128xi32>
    %reduce_sum3A_3777 = vector.shape_cast %convert_element_type3A_3776 : vector<256x128xi32> to vector<1x256x128xi32>
    %reduce_sum3A_3778 = arith.constant dense<0> : vector<1xi32>
    %reduce_sum3A_3779 = vector.multi_reduction <add>, %reduce_sum3A_3777, %reduce_sum3A_3778 [1, 2] : vector<1x256x128xi32> to vector<1xi32>
    %reduce_sum3A_3780 = vector.shape_cast %reduce_sum3A_3779 : vector<1xi32> to vector<1x1x1xi32>
    %reduce_sum3A_3781 = vector.extract %reduce_sum3A_3780[0, 0, 0] : i32 from vector<1x1x1xi32>
    %lt3A_3782 = arith.cmpi slt, %reduce_sum3A_3781, %sub3A_3715 : i32
    %select_n3A_3783 = arith.select %lt3A_3782, %or3A_3772, %select_n3A_3770 : i32
    %or3A_3784 = arith.constant 512 : i32
    %or3A_3785 = arith.ori %select_n3A_3783, %or3A_3784 : i32
    %lt3A_3786 = vector.broadcast %or3A_3785 : i32 to vector<256x128xi32>
    %lt3A_3787 = arith.cmpi slt, %add3A, %lt3A_3786 : vector<256x128xi32>
    %and3A_3788 = arith.andi %eq3A_3717, %lt3A_3787 : vector<256x128xi1>
    %convert_element_type3A_3789 = arith.extui %and3A_3788 : vector<256x128xi1> to vector<256x128xi32>
    %reduce_sum3A_3790 = vector.shape_cast %convert_element_type3A_3789 : vector<256x128xi32> to vector<1x256x128xi32>
    %reduce_sum3A_3791 = arith.constant dense<0> : vector<1xi32>
    %reduce_sum3A_3792 = vector.multi_reduction <add>, %reduce_sum3A_3790, %reduce_sum3A_3791 [1, 2] : vector<1x256x128xi32> to vector<1xi32>
    %reduce_sum3A_3793 = vector.shape_cast %reduce_sum3A_3792 : vector<1xi32> to vector<1x1x1xi32>
    %reduce_sum3A_3794 = vector.extract %reduce_sum3A_3793[0, 0, 0] : i32 from vector<1x1x1xi32>
    %lt3A_3795 = arith.cmpi slt, %reduce_sum3A_3794, %sub3A_3715 : i32
    %select_n3A_3796 = arith.select %lt3A_3795, %or3A_3785, %select_n3A_3783 : i32
    %or3A_3797 = arith.constant 256 : i32
    %or3A_3798 = arith.ori %select_n3A_3796, %or3A_3797 : i32
    %lt3A_3799 = vector.broadcast %or3A_3798 : i32 to vector<256x128xi32>
    %lt3A_3800 = arith.cmpi slt, %add3A, %lt3A_3799 : vector<256x128xi32>
    %and3A_3801 = arith.andi %eq3A_3717, %lt3A_3800 : vector<256x128xi1>
    %convert_element_type3A_3802 = arith.extui %and3A_3801 : vector<256x128xi1> to vector<256x128xi32>
    %reduce_sum3A_3803 = vector.shape_cast %convert_element_type3A_3802 : vector<256x128xi32> to vector<1x256x128xi32>
    %reduce_sum3A_3804 = arith.constant dense<0> : vector<1xi32>
    %reduce_sum3A_3805 = vector.multi_reduction <add>, %reduce_sum3A_3803, %reduce_sum3A_3804 [1, 2] : vector<1x256x128xi32> to vector<1xi32>
    %reduce_sum3A_3806 = vector.shape_cast %reduce_sum3A_3805 : vector<1xi32> to vector<1x1x1xi32>
    %reduce_sum3A_3807 = vector.extract %reduce_sum3A_3806[0, 0, 0] : i32 from vector<1x1x1xi32>
    %lt3A_3808 = arith.cmpi slt, %reduce_sum3A_3807, %sub3A_3715 : i32
    %select_n3A_3809 = arith.select %lt3A_3808, %or3A_3798, %select_n3A_3796 : i32
    %or3A_3810 = arith.constant 128 : i32
    %or3A_3811 = arith.ori %select_n3A_3809, %or3A_3810 : i32
    %lt3A_3812 = vector.broadcast %or3A_3811 : i32 to vector<256x128xi32>
    %lt3A_3813 = arith.cmpi slt, %add3A, %lt3A_3812 : vector<256x128xi32>
    %and3A_3814 = arith.andi %eq3A_3717, %lt3A_3813 : vector<256x128xi1>
    %convert_element_type3A_3815 = arith.extui %and3A_3814 : vector<256x128xi1> to vector<256x128xi32>
    %reduce_sum3A_3816 = vector.shape_cast %convert_element_type3A_3815 : vector<256x128xi32> to vector<1x256x128xi32>
    %reduce_sum3A_3817 = arith.constant dense<0> : vector<1xi32>
    %reduce_sum3A_3818 = vector.multi_reduction <add>, %reduce_sum3A_3816, %reduce_sum3A_3817 [1, 2] : vector<1x256x128xi32> to vector<1xi32>
    %reduce_sum3A_3819 = vector.shape_cast %reduce_sum3A_3818 : vector<1xi32> to vector<1x1x1xi32>
    %reduce_sum3A_3820 = vector.extract %reduce_sum3A_3819[0, 0, 0] : i32 from vector<1x1x1xi32>
    %lt3A_3821 = arith.cmpi slt, %reduce_sum3A_3820, %sub3A_3715 : i32
    %select_n3A_3822 = arith.select %lt3A_3821, %or3A_3811, %select_n3A_3809 : i32
    %or3A_3823 = arith.constant 64 : i32
    %or3A_3824 = arith.ori %select_n3A_3822, %or3A_3823 : i32
    %lt3A_3825 = vector.broadcast %or3A_3824 : i32 to vector<256x128xi32>
    %lt3A_3826 = arith.cmpi slt, %add3A, %lt3A_3825 : vector<256x128xi32>
    %and3A_3827 = arith.andi %eq3A_3717, %lt3A_3826 : vector<256x128xi1>
    %convert_element_type3A_3828 = arith.extui %and3A_3827 : vector<256x128xi1> to vector<256x128xi32>
    %reduce_sum3A_3829 = vector.shape_cast %convert_element_type3A_3828 : vector<256x128xi32> to vector<1x256x128xi32>
    %reduce_sum3A_3830 = arith.constant dense<0> : vector<1xi32>
    %reduce_sum3A_3831 = vector.multi_reduction <add>, %reduce_sum3A_3829, %reduce_sum3A_3830 [1, 2] : vector<1x256x128xi32> to vector<1xi32>
    %reduce_sum3A_3832 = vector.shape_cast %reduce_sum3A_3831 : vector<1xi32> to vector<1x1x1xi32>
    %reduce_sum3A_3833 = vector.extract %reduce_sum3A_3832[0, 0, 0] : i32 from vector<1x1x1xi32>
    %lt3A_3834 = arith.cmpi slt, %reduce_sum3A_3833, %sub3A_3715 : i32
    %select_n3A_3835 = arith.select %lt3A_3834, %or3A_3824, %select_n3A_3822 : i32
    %or3A_3836 = arith.constant 32 : i32
    %or3A_3837 = arith.ori %select_n3A_3835, %or3A_3836 : i32
    %lt3A_3838 = vector.broadcast %or3A_3837 : i32 to vector<256x128xi32>
    %lt3A_3839 = arith.cmpi slt, %add3A, %lt3A_3838 : vector<256x128xi32>
    %and3A_3840 = arith.andi %eq3A_3717, %lt3A_3839 : vector<256x128xi1>
    %convert_element_type3A_3841 = arith.extui %and3A_3840 : vector<256x128xi1> to vector<256x128xi32>
    %reduce_sum3A_3842 = vector.shape_cast %convert_element_type3A_3841 : vector<256x128xi32> to vector<1x256x128xi32>
    %reduce_sum3A_3843 = arith.constant dense<0> : vector<1xi32>
    %reduce_sum3A_3844 = vector.multi_reduction <add>, %reduce_sum3A_3842, %reduce_sum3A_3843 [1, 2] : vector<1x256x128xi32> to vector<1xi32>
    %reduce_sum3A_3845 = vector.shape_cast %reduce_sum3A_3844 : vector<1xi32> to vector<1x1x1xi32>
    %reduce_sum3A_3846 = vector.extract %reduce_sum3A_3845[0, 0, 0] : i32 from vector<1x1x1xi32>
    %lt3A_3847 = arith.cmpi slt, %reduce_sum3A_3846, %sub3A_3715 : i32
    %select_n3A_3848 = arith.select %lt3A_3847, %or3A_3837, %select_n3A_3835 : i32
    %or3A_3849 = arith.constant 16 : i32
    %or3A_3850 = arith.ori %select_n3A_3848, %or3A_3849 : i32
    %lt3A_3851 = vector.broadcast %or3A_3850 : i32 to vector<256x128xi32>
    %lt3A_3852 = arith.cmpi slt, %add3A, %lt3A_3851 : vector<256x128xi32>
    %and3A_3853 = arith.andi %eq3A_3717, %lt3A_3852 : vector<256x128xi1>
    %convert_element_type3A_3854 = arith.extui %and3A_3853 : vector<256x128xi1> to vector<256x128xi32>
    %reduce_sum3A_3855 = vector.shape_cast %convert_element_type3A_3854 : vector<256x128xi32> to vector<1x256x128xi32>
    %reduce_sum3A_3856 = arith.constant dense<0> : vector<1xi32>
    %reduce_sum3A_3857 = vector.multi_reduction <add>, %reduce_sum3A_3855, %reduce_sum3A_3856 [1, 2] : vector<1x256x128xi32> to vector<1xi32>
    %reduce_sum3A_3858 = vector.shape_cast %reduce_sum3A_3857 : vector<1xi32> to vector<1x1x1xi32>
    %reduce_sum3A_3859 = vector.extract %reduce_sum3A_3858[0, 0, 0] : i32 from vector<1x1x1xi32>
    %lt3A_3860 = arith.cmpi slt, %reduce_sum3A_3859, %sub3A_3715 : i32
    %select_n3A_3861 = arith.select %lt3A_3860, %or3A_3850, %select_n3A_3848 : i32
    %or3A_3862 = arith.constant 8 : i32
    %or3A_3863 = arith.ori %select_n3A_3861, %or3A_3862 : i32
    %lt3A_3864 = vector.broadcast %or3A_3863 : i32 to vector<256x128xi32>
    %lt3A_3865 = arith.cmpi slt, %add3A, %lt3A_3864 : vector<256x128xi32>
    %and3A_3866 = arith.andi %eq3A_3717, %lt3A_3865 : vector<256x128xi1>
    %convert_element_type3A_3867 = arith.extui %and3A_3866 : vector<256x128xi1> to vector<256x128xi32>
    %reduce_sum3A_3868 = vector.shape_cast %convert_element_type3A_3867 : vector<256x128xi32> to vector<1x256x128xi32>
    %reduce_sum3A_3869 = arith.constant dense<0> : vector<1xi32>
    %reduce_sum3A_3870 = vector.multi_reduction <add>, %reduce_sum3A_3868, %reduce_sum3A_3869 [1, 2] : vector<1x256x128xi32> to vector<1xi32>
    %reduce_sum3A_3871 = vector.shape_cast %reduce_sum3A_3870 : vector<1xi32> to vector<1x1x1xi32>
    %reduce_sum3A_3872 = vector.extract %reduce_sum3A_3871[0, 0, 0] : i32 from vector<1x1x1xi32>
    %lt3A_3873 = arith.cmpi slt, %reduce_sum3A_3872, %sub3A_3715 : i32
    %select_n3A_3874 = arith.select %lt3A_3873, %or3A_3863, %select_n3A_3861 : i32
    %or3A_3875 = arith.constant 4 : i32
    %or3A_3876 = arith.ori %select_n3A_3874, %or3A_3875 : i32
    %lt3A_3877 = vector.broadcast %or3A_3876 : i32 to vector<256x128xi32>
    %lt3A_3878 = arith.cmpi slt, %add3A, %lt3A_3877 : vector<256x128xi32>
    %and3A_3879 = arith.andi %eq3A_3717, %lt3A_3878 : vector<256x128xi1>
    %convert_element_type3A_3880 = arith.extui %and3A_3879 : vector<256x128xi1> to vector<256x128xi32>
    %reduce_sum3A_3881 = vector.shape_cast %convert_element_type3A_3880 : vector<256x128xi32> to vector<1x256x128xi32>
    %reduce_sum3A_3882 = arith.constant dense<0> : vector<1xi32>
    %reduce_sum3A_3883 = vector.multi_reduction <add>, %reduce_sum3A_3881, %reduce_sum3A_3882 [1, 2] : vector<1x256x128xi32> to vector<1xi32>
    %reduce_sum3A_3884 = vector.shape_cast %reduce_sum3A_3883 : vector<1xi32> to vector<1x1x1xi32>
    %reduce_sum3A_3885 = vector.extract %reduce_sum3A_3884[0, 0, 0] : i32 from vector<1x1x1xi32>
    %lt3A_3886 = arith.cmpi slt, %reduce_sum3A_3885, %sub3A_3715 : i32
    %select_n3A_3887 = arith.select %lt3A_3886, %or3A_3876, %select_n3A_3874 : i32
    %or3A_3888 = arith.constant 2 : i32
    %or3A_3889 = arith.ori %select_n3A_3887, %or3A_3888 : i32
    %lt3A_3890 = vector.broadcast %or3A_3889 : i32 to vector<256x128xi32>
    %lt3A_3891 = arith.cmpi slt, %add3A, %lt3A_3890 : vector<256x128xi32>
    %and3A_3892 = arith.andi %eq3A_3717, %lt3A_3891 : vector<256x128xi1>
    %convert_element_type3A_3893 = arith.extui %and3A_3892 : vector<256x128xi1> to vector<256x128xi32>
    %reduce_sum3A_3894 = vector.shape_cast %convert_element_type3A_3893 : vector<256x128xi32> to vector<1x256x128xi32>
    %reduce_sum3A_3895 = arith.constant dense<0> : vector<1xi32>
    %reduce_sum3A_3896 = vector.multi_reduction <add>, %reduce_sum3A_3894, %reduce_sum3A_3895 [1, 2] : vector<1x256x128xi32> to vector<1xi32>
    %reduce_sum3A_3897 = vector.shape_cast %reduce_sum3A_3896 : vector<1xi32> to vector<1x1x1xi32>
    %reduce_sum3A_3898 = vector.extract %reduce_sum3A_3897[0, 0, 0] : i32 from vector<1x1x1xi32>
    %lt3A_3899 = arith.cmpi slt, %reduce_sum3A_3898, %sub3A_3715 : i32
    %select_n3A_3900 = arith.select %lt3A_3899, %or3A_3889, %select_n3A_3887 : i32
    %or3A_3901 = arith.constant 1 : i32
    %or3A_3902 = arith.ori %select_n3A_3900, %or3A_3901 : i32
    %lt3A_3903 = vector.broadcast %or3A_3902 : i32 to vector<256x128xi32>
    %lt3A_3904 = arith.cmpi slt, %add3A, %lt3A_3903 : vector<256x128xi32>
    %and3A_3905 = arith.andi %eq3A_3717, %lt3A_3904 : vector<256x128xi1>
    %convert_element_type3A_3906 = arith.extui %and3A_3905 : vector<256x128xi1> to vector<256x128xi32>
    %reduce_sum3A_3907 = vector.shape_cast %convert_element_type3A_3906 : vector<256x128xi32> to vector<1x256x128xi32>
    %reduce_sum3A_3908 = arith.constant dense<0> : vector<1xi32>
    %reduce_sum3A_3909 = vector.multi_reduction <add>, %reduce_sum3A_3907, %reduce_sum3A_3908 [1, 2] : vector<1x256x128xi32> to vector<1xi32>
    %reduce_sum3A_3910 = vector.shape_cast %reduce_sum3A_3909 : vector<1xi32> to vector<1x1x1xi32>
    %reduce_sum3A_3911 = vector.extract %reduce_sum3A_3910[0, 0, 0] : i32 from vector<1x1x1xi32>
    %lt3A_3912 = arith.cmpi slt, %reduce_sum3A_3911, %sub3A_3715 : i32
    %select_n3A_3913 = arith.select %lt3A_3912, %or3A_3902, %select_n3A_3900 : i32
    %gt3A_3914 = arith.constant 0 : i32
    %gt3A_3915 = arith.cmpi sgt, %sub3A_3715, %gt3A_3914 : i32
    %add3A_3916 = arith.constant 1 : i32
    %add3A_3917 = arith.addi %select_n3A_3913, %add3A_3916 : i32
    %jit3A_3918 = arith.constant 0 : i32
    %select_n3A_3919 = arith.select %gt3A_3915, %add3A_3917, %jit3A_3918 : i32
    %gt3A_3920 = vector.broadcast %select_n3A_3706 : i32 to vector<256x128xi32>
    %gt3A_3921 = arith.cmpi sgt, %bitcast_convert_type3A, %gt3A_3920 : vector<256x128xi32>
    %lt3A_3922 = vector.broadcast %select_n3A_3919 : i32 to vector<256x128xi32>
    %lt3A_3923 = arith.cmpi slt, %add3A, %lt3A_3922 : vector<256x128xi32>
    %and3A_3924 = arith.andi %eq3A_3717, %lt3A_3923 : vector<256x128xi1>
    %or3A_3925 = arith.ori %gt3A_3921, %and3A_3924 : vector<256x128xi1>
    %gt3A_3926 = arith.constant 0 : i32
    %gt3A_3927 = arith.cmpi sgt, %min3A_3330, %gt3A_3926 : i32
    %and3A_3928 = vector.broadcast %gt3A_3927 : i1 to vector<256x128xi1>
    %and3A_3929 = arith.andi %or3A_3925, %and3A_3928 : vector<256x128xi1>
    %jit3A_3930 = arith.constant 0.000000e+00 : f32
    %broadcast_in_dim3A_3931 = vector.broadcast %jit3A_3930 : f32 to vector<256x128xf32>
    %select_n3A_3932 = arith.select %ge3A_1376, %broadcast_in_dim3A_3931, %sub3A_3320 : vector<256x128xi1>, vector<256x128xf32>
    %bitcast_convert_type3A_3933 = tpu.bitcast %select_n3A_3932 : vector<256x128xf32> -> vector<256x128xi32>
    %or3A_3934 = arith.constant 0 : i32
    %or3A_3935 = arith.constant 1073741824 : i32
    %or3A_3936 = arith.ori %or3A_3934, %or3A_3935 : i32
    %ge3A_3937 = vector.broadcast %or3A_3936 : i32 to vector<256x128xi32>
    %ge3A_3938 = arith.cmpi sge, %bitcast_convert_type3A_3933, %ge3A_3937 : vector<256x128xi32>
    %convert_element_type3A_3939 = arith.extui %ge3A_3938 : vector<256x128xi1> to vector<256x128xi32>
    %reduce_sum3A_3940 = vector.shape_cast %convert_element_type3A_3939 : vector<256x128xi32> to vector<1x256x128xi32>
    %reduce_sum3A_3941 = arith.constant dense<0> : vector<1xi32>
    %reduce_sum3A_3942 = vector.multi_reduction <add>, %reduce_sum3A_3940, %reduce_sum3A_3941 [1, 2] : vector<1x256x128xi32> to vector<1xi32>
    %reduce_sum3A_3943 = vector.shape_cast %reduce_sum3A_3942 : vector<1xi32> to vector<1x1x1xi32>
    %reduce_sum3A_3944 = vector.extract %reduce_sum3A_3943[0, 0, 0] : i32 from vector<1x1x1xi32>
    %ge3A_3945 = arith.cmpi sge, %reduce_sum3A_3944, %min3A_3330 : i32
    %jit3A_3946 = arith.constant 0 : i32
    %select_n3A_3947 = arith.select %ge3A_3945, %or3A_3936, %jit3A_3946 : i32
    %or3A_3948 = arith.constant 536870912 : i32
    %or3A_3949 = arith.ori %select_n3A_3947, %or3A_3948 : i32
    %ge3A_3950 = vector.broadcast %or3A_3949 : i32 to vector<256x128xi32>
    %ge3A_3951 = arith.cmpi sge, %bitcast_convert_type3A_3933, %ge3A_3950 : vector<256x128xi32>
    %convert_element_type3A_3952 = arith.extui %ge3A_3951 : vector<256x128xi1> to vector<256x128xi32>
    %reduce_sum3A_3953 = vector.shape_cast %convert_element_type3A_3952 : vector<256x128xi32> to vector<1x256x128xi32>
    %reduce_sum3A_3954 = arith.constant dense<0> : vector<1xi32>
    %reduce_sum3A_3955 = vector.multi_reduction <add>, %reduce_sum3A_3953, %reduce_sum3A_3954 [1, 2] : vector<1x256x128xi32> to vector<1xi32>
    %reduce_sum3A_3956 = vector.shape_cast %reduce_sum3A_3955 : vector<1xi32> to vector<1x1x1xi32>
    %reduce_sum3A_3957 = vector.extract %reduce_sum3A_3956[0, 0, 0] : i32 from vector<1x1x1xi32>
    %ge3A_3958 = arith.cmpi sge, %reduce_sum3A_3957, %min3A_3330 : i32
    %select_n3A_3959 = arith.select %ge3A_3958, %or3A_3949, %select_n3A_3947 : i32
    %or3A_3960 = arith.constant 268435456 : i32
    %or3A_3961 = arith.ori %select_n3A_3959, %or3A_3960 : i32
    %ge3A_3962 = vector.broadcast %or3A_3961 : i32 to vector<256x128xi32>
    %ge3A_3963 = arith.cmpi sge, %bitcast_convert_type3A_3933, %ge3A_3962 : vector<256x128xi32>
    %convert_element_type3A_3964 = arith.extui %ge3A_3963 : vector<256x128xi1> to vector<256x128xi32>
    %reduce_sum3A_3965 = vector.shape_cast %convert_element_type3A_3964 : vector<256x128xi32> to vector<1x256x128xi32>
    %reduce_sum3A_3966 = arith.constant dense<0> : vector<1xi32>
    %reduce_sum3A_3967 = vector.multi_reduction <add>, %reduce_sum3A_3965, %reduce_sum3A_3966 [1, 2] : vector<1x256x128xi32> to vector<1xi32>
    %reduce_sum3A_3968 = vector.shape_cast %reduce_sum3A_3967 : vector<1xi32> to vector<1x1x1xi32>
    %reduce_sum3A_3969 = vector.extract %reduce_sum3A_3968[0, 0, 0] : i32 from vector<1x1x1xi32>
    %ge3A_3970 = arith.cmpi sge, %reduce_sum3A_3969, %min3A_3330 : i32
    %select_n3A_3971 = arith.select %ge3A_3970, %or3A_3961, %select_n3A_3959 : i32
    %or3A_3972 = arith.constant 134217728 : i32
    %or3A_3973 = arith.ori %select_n3A_3971, %or3A_3972 : i32
    %ge3A_3974 = vector.broadcast %or3A_3973 : i32 to vector<256x128xi32>
    %ge3A_3975 = arith.cmpi sge, %bitcast_convert_type3A_3933, %ge3A_3974 : vector<256x128xi32>
    %convert_element_type3A_3976 = arith.extui %ge3A_3975 : vector<256x128xi1> to vector<256x128xi32>
    %reduce_sum3A_3977 = vector.shape_cast %convert_element_type3A_3976 : vector<256x128xi32> to vector<1x256x128xi32>
    %reduce_sum3A_3978 = arith.constant dense<0> : vector<1xi32>
    %reduce_sum3A_3979 = vector.multi_reduction <add>, %reduce_sum3A_3977, %reduce_sum3A_3978 [1, 2] : vector<1x256x128xi32> to vector<1xi32>
    %reduce_sum3A_3980 = vector.shape_cast %reduce_sum3A_3979 : vector<1xi32> to vector<1x1x1xi32>
    %reduce_sum3A_3981 = vector.extract %reduce_sum3A_3980[0, 0, 0] : i32 from vector<1x1x1xi32>
    %ge3A_3982 = arith.cmpi sge, %reduce_sum3A_3981, %min3A_3330 : i32
    %select_n3A_3983 = arith.select %ge3A_3982, %or3A_3973, %select_n3A_3971 : i32
    %or3A_3984 = arith.constant 67108864 : i32
    %or3A_3985 = arith.ori %select_n3A_3983, %or3A_3984 : i32
    %ge3A_3986 = vector.broadcast %or3A_3985 : i32 to vector<256x128xi32>
    %ge3A_3987 = arith.cmpi sge, %bitcast_convert_type3A_3933, %ge3A_3986 : vector<256x128xi32>
    %convert_element_type3A_3988 = arith.extui %ge3A_3987 : vector<256x128xi1> to vector<256x128xi32>
    %reduce_sum3A_3989 = vector.shape_cast %convert_element_type3A_3988 : vector<256x128xi32> to vector<1x256x128xi32>
    %reduce_sum3A_3990 = arith.constant dense<0> : vector<1xi32>
    %reduce_sum3A_3991 = vector.multi_reduction <add>, %reduce_sum3A_3989, %reduce_sum3A_3990 [1, 2] : vector<1x256x128xi32> to vector<1xi32>
    %reduce_sum3A_3992 = vector.shape_cast %reduce_sum3A_3991 : vector<1xi32> to vector<1x1x1xi32>
    %reduce_sum3A_3993 = vector.extract %reduce_sum3A_3992[0, 0, 0] : i32 from vector<1x1x1xi32>
    %ge3A_3994 = arith.cmpi sge, %reduce_sum3A_3993, %min3A_3330 : i32
    %select_n3A_3995 = arith.select %ge3A_3994, %or3A_3985, %select_n3A_3983 : i32
    %or3A_3996 = arith.constant 33554432 : i32
    %or3A_3997 = arith.ori %select_n3A_3995, %or3A_3996 : i32
    %ge3A_3998 = vector.broadcast %or3A_3997 : i32 to vector<256x128xi32>
    %ge3A_3999 = arith.cmpi sge, %bitcast_convert_type3A_3933, %ge3A_3998 : vector<256x128xi32>
    %convert_element_type3A_4000 = arith.extui %ge3A_3999 : vector<256x128xi1> to vector<256x128xi32>
    %reduce_sum3A_4001 = vector.shape_cast %convert_element_type3A_4000 : vector<256x128xi32> to vector<1x256x128xi32>
    %reduce_sum3A_4002 = arith.constant dense<0> : vector<1xi32>
    %reduce_sum3A_4003 = vector.multi_reduction <add>, %reduce_sum3A_4001, %reduce_sum3A_4002 [1, 2] : vector<1x256x128xi32> to vector<1xi32>
    %reduce_sum3A_4004 = vector.shape_cast %reduce_sum3A_4003 : vector<1xi32> to vector<1x1x1xi32>
    %reduce_sum3A_4005 = vector.extract %reduce_sum3A_4004[0, 0, 0] : i32 from vector<1x1x1xi32>
    %ge3A_4006 = arith.cmpi sge, %reduce_sum3A_4005, %min3A_3330 : i32
    %select_n3A_4007 = arith.select %ge3A_4006, %or3A_3997, %select_n3A_3995 : i32
    %or3A_4008 = arith.constant 16777216 : i32
    %or3A_4009 = arith.ori %select_n3A_4007, %or3A_4008 : i32
    %ge3A_4010 = vector.broadcast %or3A_4009 : i32 to vector<256x128xi32>
    %ge3A_4011 = arith.cmpi sge, %bitcast_convert_type3A_3933, %ge3A_4010 : vector<256x128xi32>
    %convert_element_type3A_4012 = arith.extui %ge3A_4011 : vector<256x128xi1> to vector<256x128xi32>
    %reduce_sum3A_4013 = vector.shape_cast %convert_element_type3A_4012 : vector<256x128xi32> to vector<1x256x128xi32>
    %reduce_sum3A_4014 = arith.constant dense<0> : vector<1xi32>
    %reduce_sum3A_4015 = vector.multi_reduction <add>, %reduce_sum3A_4013, %reduce_sum3A_4014 [1, 2] : vector<1x256x128xi32> to vector<1xi32>
    %reduce_sum3A_4016 = vector.shape_cast %reduce_sum3A_4015 : vector<1xi32> to vector<1x1x1xi32>
    %reduce_sum3A_4017 = vector.extract %reduce_sum3A_4016[0, 0, 0] : i32 from vector<1x1x1xi32>
    %ge3A_4018 = arith.cmpi sge, %reduce_sum3A_4017, %min3A_3330 : i32
    %select_n3A_4019 = arith.select %ge3A_4018, %or3A_4009, %select_n3A_4007 : i32
    %or3A_4020 = arith.constant 8388608 : i32
    %or3A_4021 = arith.ori %select_n3A_4019, %or3A_4020 : i32
    %ge3A_4022 = vector.broadcast %or3A_4021 : i32 to vector<256x128xi32>
    %ge3A_4023 = arith.cmpi sge, %bitcast_convert_type3A_3933, %ge3A_4022 : vector<256x128xi32>
    %convert_element_type3A_4024 = arith.extui %ge3A_4023 : vector<256x128xi1> to vector<256x128xi32>
    %reduce_sum3A_4025 = vector.shape_cast %convert_element_type3A_4024 : vector<256x128xi32> to vector<1x256x128xi32>
    %reduce_sum3A_4026 = arith.constant dense<0> : vector<1xi32>
    %reduce_sum3A_4027 = vector.multi_reduction <add>, %reduce_sum3A_4025, %reduce_sum3A_4026 [1, 2] : vector<1x256x128xi32> to vector<1xi32>
    %reduce_sum3A_4028 = vector.shape_cast %reduce_sum3A_4027 : vector<1xi32> to vector<1x1x1xi32>
    %reduce_sum3A_4029 = vector.extract %reduce_sum3A_4028[0, 0, 0] : i32 from vector<1x1x1xi32>
    %ge3A_4030 = arith.cmpi sge, %reduce_sum3A_4029, %min3A_3330 : i32
    %select_n3A_4031 = arith.select %ge3A_4030, %or3A_4021, %select_n3A_4019 : i32
    %or3A_4032 = arith.constant 4194304 : i32
    %or3A_4033 = arith.ori %select_n3A_4031, %or3A_4032 : i32
    %ge3A_4034 = vector.broadcast %or3A_4033 : i32 to vector<256x128xi32>
    %ge3A_4035 = arith.cmpi sge, %bitcast_convert_type3A_3933, %ge3A_4034 : vector<256x128xi32>
    %convert_element_type3A_4036 = arith.extui %ge3A_4035 : vector<256x128xi1> to vector<256x128xi32>
    %reduce_sum3A_4037 = vector.shape_cast %convert_element_type3A_4036 : vector<256x128xi32> to vector<1x256x128xi32>
    %reduce_sum3A_4038 = arith.constant dense<0> : vector<1xi32>
    %reduce_sum3A_4039 = vector.multi_reduction <add>, %reduce_sum3A_4037, %reduce_sum3A_4038 [1, 2] : vector<1x256x128xi32> to vector<1xi32>
    %reduce_sum3A_4040 = vector.shape_cast %reduce_sum3A_4039 : vector<1xi32> to vector<1x1x1xi32>
    %reduce_sum3A_4041 = vector.extract %reduce_sum3A_4040[0, 0, 0] : i32 from vector<1x1x1xi32>
    %ge3A_4042 = arith.cmpi sge, %reduce_sum3A_4041, %min3A_3330 : i32
    %select_n3A_4043 = arith.select %ge3A_4042, %or3A_4033, %select_n3A_4031 : i32
    %or3A_4044 = arith.constant 2097152 : i32
    %or3A_4045 = arith.ori %select_n3A_4043, %or3A_4044 : i32
    %ge3A_4046 = vector.broadcast %or3A_4045 : i32 to vector<256x128xi32>
    %ge3A_4047 = arith.cmpi sge, %bitcast_convert_type3A_3933, %ge3A_4046 : vector<256x128xi32>
    %convert_element_type3A_4048 = arith.extui %ge3A_4047 : vector<256x128xi1> to vector<256x128xi32>
    %reduce_sum3A_4049 = vector.shape_cast %convert_element_type3A_4048 : vector<256x128xi32> to vector<1x256x128xi32>
    %reduce_sum3A_4050 = arith.constant dense<0> : vector<1xi32>
    %reduce_sum3A_4051 = vector.multi_reduction <add>, %reduce_sum3A_4049, %reduce_sum3A_4050 [1, 2] : vector<1x256x128xi32> to vector<1xi32>
    %reduce_sum3A_4052 = vector.shape_cast %reduce_sum3A_4051 : vector<1xi32> to vector<1x1x1xi32>
    %reduce_sum3A_4053 = vector.extract %reduce_sum3A_4052[0, 0, 0] : i32 from vector<1x1x1xi32>
    %ge3A_4054 = arith.cmpi sge, %reduce_sum3A_4053, %min3A_3330 : i32
    %select_n3A_4055 = arith.select %ge3A_4054, %or3A_4045, %select_n3A_4043 : i32
    %or3A_4056 = arith.constant 1048576 : i32
    %or3A_4057 = arith.ori %select_n3A_4055, %or3A_4056 : i32
    %ge3A_4058 = vector.broadcast %or3A_4057 : i32 to vector<256x128xi32>
    %ge3A_4059 = arith.cmpi sge, %bitcast_convert_type3A_3933, %ge3A_4058 : vector<256x128xi32>
    %convert_element_type3A_4060 = arith.extui %ge3A_4059 : vector<256x128xi1> to vector<256x128xi32>
    %reduce_sum3A_4061 = vector.shape_cast %convert_element_type3A_4060 : vector<256x128xi32> to vector<1x256x128xi32>
    %reduce_sum3A_4062 = arith.constant dense<0> : vector<1xi32>
    %reduce_sum3A_4063 = vector.multi_reduction <add>, %reduce_sum3A_4061, %reduce_sum3A_4062 [1, 2] : vector<1x256x128xi32> to vector<1xi32>
    %reduce_sum3A_4064 = vector.shape_cast %reduce_sum3A_4063 : vector<1xi32> to vector<1x1x1xi32>
    %reduce_sum3A_4065 = vector.extract %reduce_sum3A_4064[0, 0, 0] : i32 from vector<1x1x1xi32>
    %ge3A_4066 = arith.cmpi sge, %reduce_sum3A_4065, %min3A_3330 : i32
    %select_n3A_4067 = arith.select %ge3A_4066, %or3A_4057, %select_n3A_4055 : i32
    %or3A_4068 = arith.constant 524288 : i32
    %or3A_4069 = arith.ori %select_n3A_4067, %or3A_4068 : i32
    %ge3A_4070 = vector.broadcast %or3A_4069 : i32 to vector<256x128xi32>
    %ge3A_4071 = arith.cmpi sge, %bitcast_convert_type3A_3933, %ge3A_4070 : vector<256x128xi32>
    %convert_element_type3A_4072 = arith.extui %ge3A_4071 : vector<256x128xi1> to vector<256x128xi32>
    %reduce_sum3A_4073 = vector.shape_cast %convert_element_type3A_4072 : vector<256x128xi32> to vector<1x256x128xi32>
    %reduce_sum3A_4074 = arith.constant dense<0> : vector<1xi32>
    %reduce_sum3A_4075 = vector.multi_reduction <add>, %reduce_sum3A_4073, %reduce_sum3A_4074 [1, 2] : vector<1x256x128xi32> to vector<1xi32>
    %reduce_sum3A_4076 = vector.shape_cast %reduce_sum3A_4075 : vector<1xi32> to vector<1x1x1xi32>
    %reduce_sum3A_4077 = vector.extract %reduce_sum3A_4076[0, 0, 0] : i32 from vector<1x1x1xi32>
    %ge3A_4078 = arith.cmpi sge, %reduce_sum3A_4077, %min3A_3330 : i32
    %select_n3A_4079 = arith.select %ge3A_4078, %or3A_4069, %select_n3A_4067 : i32
    %or3A_4080 = arith.constant 262144 : i32
    %or3A_4081 = arith.ori %select_n3A_4079, %or3A_4080 : i32
    %ge3A_4082 = vector.broadcast %or3A_4081 : i32 to vector<256x128xi32>
    %ge3A_4083 = arith.cmpi sge, %bitcast_convert_type3A_3933, %ge3A_4082 : vector<256x128xi32>
    %convert_element_type3A_4084 = arith.extui %ge3A_4083 : vector<256x128xi1> to vector<256x128xi32>
    %reduce_sum3A_4085 = vector.shape_cast %convert_element_type3A_4084 : vector<256x128xi32> to vector<1x256x128xi32>
    %reduce_sum3A_4086 = arith.constant dense<0> : vector<1xi32>
    %reduce_sum3A_4087 = vector.multi_reduction <add>, %reduce_sum3A_4085, %reduce_sum3A_4086 [1, 2] : vector<1x256x128xi32> to vector<1xi32>
    %reduce_sum3A_4088 = vector.shape_cast %reduce_sum3A_4087 : vector<1xi32> to vector<1x1x1xi32>
    %reduce_sum3A_4089 = vector.extract %reduce_sum3A_4088[0, 0, 0] : i32 from vector<1x1x1xi32>
    %ge3A_4090 = arith.cmpi sge, %reduce_sum3A_4089, %min3A_3330 : i32
    %select_n3A_4091 = arith.select %ge3A_4090, %or3A_4081, %select_n3A_4079 : i32
    %or3A_4092 = arith.constant 131072 : i32
    %or3A_4093 = arith.ori %select_n3A_4091, %or3A_4092 : i32
    %ge3A_4094 = vector.broadcast %or3A_4093 : i32 to vector<256x128xi32>
    %ge3A_4095 = arith.cmpi sge, %bitcast_convert_type3A_3933, %ge3A_4094 : vector<256x128xi32>
    %convert_element_type3A_4096 = arith.extui %ge3A_4095 : vector<256x128xi1> to vector<256x128xi32>
    %reduce_sum3A_4097 = vector.shape_cast %convert_element_type3A_4096 : vector<256x128xi32> to vector<1x256x128xi32>
    %reduce_sum3A_4098 = arith.constant dense<0> : vector<1xi32>
    %reduce_sum3A_4099 = vector.multi_reduction <add>, %reduce_sum3A_4097, %reduce_sum3A_4098 [1, 2] : vector<1x256x128xi32> to vector<1xi32>
    %reduce_sum3A_4100 = vector.shape_cast %reduce_sum3A_4099 : vector<1xi32> to vector<1x1x1xi32>
    %reduce_sum3A_4101 = vector.extract %reduce_sum3A_4100[0, 0, 0] : i32 from vector<1x1x1xi32>
    %ge3A_4102 = arith.cmpi sge, %reduce_sum3A_4101, %min3A_3330 : i32
    %select_n3A_4103 = arith.select %ge3A_4102, %or3A_4093, %select_n3A_4091 : i32
    %or3A_4104 = arith.constant 65536 : i32
    %or3A_4105 = arith.ori %select_n3A_4103, %or3A_4104 : i32
    %ge3A_4106 = vector.broadcast %or3A_4105 : i32 to vector<256x128xi32>
    %ge3A_4107 = arith.cmpi sge, %bitcast_convert_type3A_3933, %ge3A_4106 : vector<256x128xi32>
    %convert_element_type3A_4108 = arith.extui %ge3A_4107 : vector<256x128xi1> to vector<256x128xi32>
    %reduce_sum3A_4109 = vector.shape_cast %convert_element_type3A_4108 : vector<256x128xi32> to vector<1x256x128xi32>
    %reduce_sum3A_4110 = arith.constant dense<0> : vector<1xi32>
    %reduce_sum3A_4111 = vector.multi_reduction <add>, %reduce_sum3A_4109, %reduce_sum3A_4110 [1, 2] : vector<1x256x128xi32> to vector<1xi32>
    %reduce_sum3A_4112 = vector.shape_cast %reduce_sum3A_4111 : vector<1xi32> to vector<1x1x1xi32>
    %reduce_sum3A_4113 = vector.extract %reduce_sum3A_4112[0, 0, 0] : i32 from vector<1x1x1xi32>
    %ge3A_4114 = arith.cmpi sge, %reduce_sum3A_4113, %min3A_3330 : i32
    %select_n3A_4115 = arith.select %ge3A_4114, %or3A_4105, %select_n3A_4103 : i32
    %or3A_4116 = arith.constant 32768 : i32
    %or3A_4117 = arith.ori %select_n3A_4115, %or3A_4116 : i32
    %ge3A_4118 = vector.broadcast %or3A_4117 : i32 to vector<256x128xi32>
    %ge3A_4119 = arith.cmpi sge, %bitcast_convert_type3A_3933, %ge3A_4118 : vector<256x128xi32>
    %convert_element_type3A_4120 = arith.extui %ge3A_4119 : vector<256x128xi1> to vector<256x128xi32>
    %reduce_sum3A_4121 = vector.shape_cast %convert_element_type3A_4120 : vector<256x128xi32> to vector<1x256x128xi32>
    %reduce_sum3A_4122 = arith.constant dense<0> : vector<1xi32>
    %reduce_sum3A_4123 = vector.multi_reduction <add>, %reduce_sum3A_4121, %reduce_sum3A_4122 [1, 2] : vector<1x256x128xi32> to vector<1xi32>
    %reduce_sum3A_4124 = vector.shape_cast %reduce_sum3A_4123 : vector<1xi32> to vector<1x1x1xi32>
    %reduce_sum3A_4125 = vector.extract %reduce_sum3A_4124[0, 0, 0] : i32 from vector<1x1x1xi32>
    %ge3A_4126 = arith.cmpi sge, %reduce_sum3A_4125, %min3A_3330 : i32
    %select_n3A_4127 = arith.select %ge3A_4126, %or3A_4117, %select_n3A_4115 : i32
    %or3A_4128 = arith.constant 16384 : i32
    %or3A_4129 = arith.ori %select_n3A_4127, %or3A_4128 : i32
    %ge3A_4130 = vector.broadcast %or3A_4129 : i32 to vector<256x128xi32>
    %ge3A_4131 = arith.cmpi sge, %bitcast_convert_type3A_3933, %ge3A_4130 : vector<256x128xi32>
    %convert_element_type3A_4132 = arith.extui %ge3A_4131 : vector<256x128xi1> to vector<256x128xi32>
    %reduce_sum3A_4133 = vector.shape_cast %convert_element_type3A_4132 : vector<256x128xi32> to vector<1x256x128xi32>
    %reduce_sum3A_4134 = arith.constant dense<0> : vector<1xi32>
    %reduce_sum3A_4135 = vector.multi_reduction <add>, %reduce_sum3A_4133, %reduce_sum3A_4134 [1, 2] : vector<1x256x128xi32> to vector<1xi32>
    %reduce_sum3A_4136 = vector.shape_cast %reduce_sum3A_4135 : vector<1xi32> to vector<1x1x1xi32>
    %reduce_sum3A_4137 = vector.extract %reduce_sum3A_4136[0, 0, 0] : i32 from vector<1x1x1xi32>
    %ge3A_4138 = arith.cmpi sge, %reduce_sum3A_4137, %min3A_3330 : i32
    %select_n3A_4139 = arith.select %ge3A_4138, %or3A_4129, %select_n3A_4127 : i32
    %or3A_4140 = arith.constant 8192 : i32
    %or3A_4141 = arith.ori %select_n3A_4139, %or3A_4140 : i32
    %ge3A_4142 = vector.broadcast %or3A_4141 : i32 to vector<256x128xi32>
    %ge3A_4143 = arith.cmpi sge, %bitcast_convert_type3A_3933, %ge3A_4142 : vector<256x128xi32>
    %convert_element_type3A_4144 = arith.extui %ge3A_4143 : vector<256x128xi1> to vector<256x128xi32>
    %reduce_sum3A_4145 = vector.shape_cast %convert_element_type3A_4144 : vector<256x128xi32> to vector<1x256x128xi32>
    %reduce_sum3A_4146 = arith.constant dense<0> : vector<1xi32>
    %reduce_sum3A_4147 = vector.multi_reduction <add>, %reduce_sum3A_4145, %reduce_sum3A_4146 [1, 2] : vector<1x256x128xi32> to vector<1xi32>
    %reduce_sum3A_4148 = vector.shape_cast %reduce_sum3A_4147 : vector<1xi32> to vector<1x1x1xi32>
    %reduce_sum3A_4149 = vector.extract %reduce_sum3A_4148[0, 0, 0] : i32 from vector<1x1x1xi32>
    %ge3A_4150 = arith.cmpi sge, %reduce_sum3A_4149, %min3A_3330 : i32
    %select_n3A_4151 = arith.select %ge3A_4150, %or3A_4141, %select_n3A_4139 : i32
    %or3A_4152 = arith.constant 4096 : i32
    %or3A_4153 = arith.ori %select_n3A_4151, %or3A_4152 : i32
    %ge3A_4154 = vector.broadcast %or3A_4153 : i32 to vector<256x128xi32>
    %ge3A_4155 = arith.cmpi sge, %bitcast_convert_type3A_3933, %ge3A_4154 : vector<256x128xi32>
    %convert_element_type3A_4156 = arith.extui %ge3A_4155 : vector<256x128xi1> to vector<256x128xi32>
    %reduce_sum3A_4157 = vector.shape_cast %convert_element_type3A_4156 : vector<256x128xi32> to vector<1x256x128xi32>
    %reduce_sum3A_4158 = arith.constant dense<0> : vector<1xi32>
    %reduce_sum3A_4159 = vector.multi_reduction <add>, %reduce_sum3A_4157, %reduce_sum3A_4158 [1, 2] : vector<1x256x128xi32> to vector<1xi32>
    %reduce_sum3A_4160 = vector.shape_cast %reduce_sum3A_4159 : vector<1xi32> to vector<1x1x1xi32>
    %reduce_sum3A_4161 = vector.extract %reduce_sum3A_4160[0, 0, 0] : i32 from vector<1x1x1xi32>
    %ge3A_4162 = arith.cmpi sge, %reduce_sum3A_4161, %min3A_3330 : i32
    %select_n3A_4163 = arith.select %ge3A_4162, %or3A_4153, %select_n3A_4151 : i32
    %or3A_4164 = arith.constant 2048 : i32
    %or3A_4165 = arith.ori %select_n3A_4163, %or3A_4164 : i32
    %ge3A_4166 = vector.broadcast %or3A_4165 : i32 to vector<256x128xi32>
    %ge3A_4167 = arith.cmpi sge, %bitcast_convert_type3A_3933, %ge3A_4166 : vector<256x128xi32>
    %convert_element_type3A_4168 = arith.extui %ge3A_4167 : vector<256x128xi1> to vector<256x128xi32>
    %reduce_sum3A_4169 = vector.shape_cast %convert_element_type3A_4168 : vector<256x128xi32> to vector<1x256x128xi32>
    %reduce_sum3A_4170 = arith.constant dense<0> : vector<1xi32>
    %reduce_sum3A_4171 = vector.multi_reduction <add>, %reduce_sum3A_4169, %reduce_sum3A_4170 [1, 2] : vector<1x256x128xi32> to vector<1xi32>
    %reduce_sum3A_4172 = vector.shape_cast %reduce_sum3A_4171 : vector<1xi32> to vector<1x1x1xi32>
    %reduce_sum3A_4173 = vector.extract %reduce_sum3A_4172[0, 0, 0] : i32 from vector<1x1x1xi32>
    %ge3A_4174 = arith.cmpi sge, %reduce_sum3A_4173, %min3A_3330 : i32
    %select_n3A_4175 = arith.select %ge3A_4174, %or3A_4165, %select_n3A_4163 : i32
    %or3A_4176 = arith.constant 1024 : i32
    %or3A_4177 = arith.ori %select_n3A_4175, %or3A_4176 : i32
    %ge3A_4178 = vector.broadcast %or3A_4177 : i32 to vector<256x128xi32>
    %ge3A_4179 = arith.cmpi sge, %bitcast_convert_type3A_3933, %ge3A_4178 : vector<256x128xi32>
    %convert_element_type3A_4180 = arith.extui %ge3A_4179 : vector<256x128xi1> to vector<256x128xi32>
    %reduce_sum3A_4181 = vector.shape_cast %convert_element_type3A_4180 : vector<256x128xi32> to vector<1x256x128xi32>
    %reduce_sum3A_4182 = arith.constant dense<0> : vector<1xi32>
    %reduce_sum3A_4183 = vector.multi_reduction <add>, %reduce_sum3A_4181, %reduce_sum3A_4182 [1, 2] : vector<1x256x128xi32> to vector<1xi32>
    %reduce_sum3A_4184 = vector.shape_cast %reduce_sum3A_4183 : vector<1xi32> to vector<1x1x1xi32>
    %reduce_sum3A_4185 = vector.extract %reduce_sum3A_4184[0, 0, 0] : i32 from vector<1x1x1xi32>
    %ge3A_4186 = arith.cmpi sge, %reduce_sum3A_4185, %min3A_3330 : i32
    %select_n3A_4187 = arith.select %ge3A_4186, %or3A_4177, %select_n3A_4175 : i32
    %or3A_4188 = arith.constant 512 : i32
    %or3A_4189 = arith.ori %select_n3A_4187, %or3A_4188 : i32
    %ge3A_4190 = vector.broadcast %or3A_4189 : i32 to vector<256x128xi32>
    %ge3A_4191 = arith.cmpi sge, %bitcast_convert_type3A_3933, %ge3A_4190 : vector<256x128xi32>
    %convert_element_type3A_4192 = arith.extui %ge3A_4191 : vector<256x128xi1> to vector<256x128xi32>
    %reduce_sum3A_4193 = vector.shape_cast %convert_element_type3A_4192 : vector<256x128xi32> to vector<1x256x128xi32>
    %reduce_sum3A_4194 = arith.constant dense<0> : vector<1xi32>
    %reduce_sum3A_4195 = vector.multi_reduction <add>, %reduce_sum3A_4193, %reduce_sum3A_4194 [1, 2] : vector<1x256x128xi32> to vector<1xi32>
    %reduce_sum3A_4196 = vector.shape_cast %reduce_sum3A_4195 : vector<1xi32> to vector<1x1x1xi32>
    %reduce_sum3A_4197 = vector.extract %reduce_sum3A_4196[0, 0, 0] : i32 from vector<1x1x1xi32>
    %ge3A_4198 = arith.cmpi sge, %reduce_sum3A_4197, %min3A_3330 : i32
    %select_n3A_4199 = arith.select %ge3A_4198, %or3A_4189, %select_n3A_4187 : i32
    %or3A_4200 = arith.constant 256 : i32
    %or3A_4201 = arith.ori %select_n3A_4199, %or3A_4200 : i32
    %ge3A_4202 = vector.broadcast %or3A_4201 : i32 to vector<256x128xi32>
    %ge3A_4203 = arith.cmpi sge, %bitcast_convert_type3A_3933, %ge3A_4202 : vector<256x128xi32>
    %convert_element_type3A_4204 = arith.extui %ge3A_4203 : vector<256x128xi1> to vector<256x128xi32>
    %reduce_sum3A_4205 = vector.shape_cast %convert_element_type3A_4204 : vector<256x128xi32> to vector<1x256x128xi32>
    %reduce_sum3A_4206 = arith.constant dense<0> : vector<1xi32>
    %reduce_sum3A_4207 = vector.multi_reduction <add>, %reduce_sum3A_4205, %reduce_sum3A_4206 [1, 2] : vector<1x256x128xi32> to vector<1xi32>
    %reduce_sum3A_4208 = vector.shape_cast %reduce_sum3A_4207 : vector<1xi32> to vector<1x1x1xi32>
    %reduce_sum3A_4209 = vector.extract %reduce_sum3A_4208[0, 0, 0] : i32 from vector<1x1x1xi32>
    %ge3A_4210 = arith.cmpi sge, %reduce_sum3A_4209, %min3A_3330 : i32
    %select_n3A_4211 = arith.select %ge3A_4210, %or3A_4201, %select_n3A_4199 : i32
    %or3A_4212 = arith.constant 128 : i32
    %or3A_4213 = arith.ori %select_n3A_4211, %or3A_4212 : i32
    %ge3A_4214 = vector.broadcast %or3A_4213 : i32 to vector<256x128xi32>
    %ge3A_4215 = arith.cmpi sge, %bitcast_convert_type3A_3933, %ge3A_4214 : vector<256x128xi32>
    %convert_element_type3A_4216 = arith.extui %ge3A_4215 : vector<256x128xi1> to vector<256x128xi32>
    %reduce_sum3A_4217 = vector.shape_cast %convert_element_type3A_4216 : vector<256x128xi32> to vector<1x256x128xi32>
    %reduce_sum3A_4218 = arith.constant dense<0> : vector<1xi32>
    %reduce_sum3A_4219 = vector.multi_reduction <add>, %reduce_sum3A_4217, %reduce_sum3A_4218 [1, 2] : vector<1x256x128xi32> to vector<1xi32>
    %reduce_sum3A_4220 = vector.shape_cast %reduce_sum3A_4219 : vector<1xi32> to vector<1x1x1xi32>
    %reduce_sum3A_4221 = vector.extract %reduce_sum3A_4220[0, 0, 0] : i32 from vector<1x1x1xi32>
    %ge3A_4222 = arith.cmpi sge, %reduce_sum3A_4221, %min3A_3330 : i32
    %select_n3A_4223 = arith.select %ge3A_4222, %or3A_4213, %select_n3A_4211 : i32
    %or3A_4224 = arith.constant 64 : i32
    %or3A_4225 = arith.ori %select_n3A_4223, %or3A_4224 : i32
    %ge3A_4226 = vector.broadcast %or3A_4225 : i32 to vector<256x128xi32>
    %ge3A_4227 = arith.cmpi sge, %bitcast_convert_type3A_3933, %ge3A_4226 : vector<256x128xi32>
    %convert_element_type3A_4228 = arith.extui %ge3A_4227 : vector<256x128xi1> to vector<256x128xi32>
    %reduce_sum3A_4229 = vector.shape_cast %convert_element_type3A_4228 : vector<256x128xi32> to vector<1x256x128xi32>
    %reduce_sum3A_4230 = arith.constant dense<0> : vector<1xi32>
    %reduce_sum3A_4231 = vector.multi_reduction <add>, %reduce_sum3A_4229, %reduce_sum3A_4230 [1, 2] : vector<1x256x128xi32> to vector<1xi32>
    %reduce_sum3A_4232 = vector.shape_cast %reduce_sum3A_4231 : vector<1xi32> to vector<1x1x1xi32>
    %reduce_sum3A_4233 = vector.extract %reduce_sum3A_4232[0, 0, 0] : i32 from vector<1x1x1xi32>
    %ge3A_4234 = arith.cmpi sge, %reduce_sum3A_4233, %min3A_3330 : i32
    %select_n3A_4235 = arith.select %ge3A_4234, %or3A_4225, %select_n3A_4223 : i32
    %or3A_4236 = arith.constant 32 : i32
    %or3A_4237 = arith.ori %select_n3A_4235, %or3A_4236 : i32
    %ge3A_4238 = vector.broadcast %or3A_4237 : i32 to vector<256x128xi32>
    %ge3A_4239 = arith.cmpi sge, %bitcast_convert_type3A_3933, %ge3A_4238 : vector<256x128xi32>
    %convert_element_type3A_4240 = arith.extui %ge3A_4239 : vector<256x128xi1> to vector<256x128xi32>
    %reduce_sum3A_4241 = vector.shape_cast %convert_element_type3A_4240 : vector<256x128xi32> to vector<1x256x128xi32>
    %reduce_sum3A_4242 = arith.constant dense<0> : vector<1xi32>
    %reduce_sum3A_4243 = vector.multi_reduction <add>, %reduce_sum3A_4241, %reduce_sum3A_4242 [1, 2] : vector<1x256x128xi32> to vector<1xi32>
    %reduce_sum3A_4244 = vector.shape_cast %reduce_sum3A_4243 : vector<1xi32> to vector<1x1x1xi32>
    %reduce_sum3A_4245 = vector.extract %reduce_sum3A_4244[0, 0, 0] : i32 from vector<1x1x1xi32>
    %ge3A_4246 = arith.cmpi sge, %reduce_sum3A_4245, %min3A_3330 : i32
    %select_n3A_4247 = arith.select %ge3A_4246, %or3A_4237, %select_n3A_4235 : i32
    %or3A_4248 = arith.constant 16 : i32
    %or3A_4249 = arith.ori %select_n3A_4247, %or3A_4248 : i32
    %ge3A_4250 = vector.broadcast %or3A_4249 : i32 to vector<256x128xi32>
    %ge3A_4251 = arith.cmpi sge, %bitcast_convert_type3A_3933, %ge3A_4250 : vector<256x128xi32>
    %convert_element_type3A_4252 = arith.extui %ge3A_4251 : vector<256x128xi1> to vector<256x128xi32>
    %reduce_sum3A_4253 = vector.shape_cast %convert_element_type3A_4252 : vector<256x128xi32> to vector<1x256x128xi32>
    %reduce_sum3A_4254 = arith.constant dense<0> : vector<1xi32>
    %reduce_sum3A_4255 = vector.multi_reduction <add>, %reduce_sum3A_4253, %reduce_sum3A_4254 [1, 2] : vector<1x256x128xi32> to vector<1xi32>
    %reduce_sum3A_4256 = vector.shape_cast %reduce_sum3A_4255 : vector<1xi32> to vector<1x1x1xi32>
    %reduce_sum3A_4257 = vector.extract %reduce_sum3A_4256[0, 0, 0] : i32 from vector<1x1x1xi32>
    %ge3A_4258 = arith.cmpi sge, %reduce_sum3A_4257, %min3A_3330 : i32
    %select_n3A_4259 = arith.select %ge3A_4258, %or3A_4249, %select_n3A_4247 : i32
    %or3A_4260 = arith.constant 8 : i32
    %or3A_4261 = arith.ori %select_n3A_4259, %or3A_4260 : i32
    %ge3A_4262 = vector.broadcast %or3A_4261 : i32 to vector<256x128xi32>
    %ge3A_4263 = arith.cmpi sge, %bitcast_convert_type3A_3933, %ge3A_4262 : vector<256x128xi32>
    %convert_element_type3A_4264 = arith.extui %ge3A_4263 : vector<256x128xi1> to vector<256x128xi32>
    %reduce_sum3A_4265 = vector.shape_cast %convert_element_type3A_4264 : vector<256x128xi32> to vector<1x256x128xi32>
    %reduce_sum3A_4266 = arith.constant dense<0> : vector<1xi32>
    %reduce_sum3A_4267 = vector.multi_reduction <add>, %reduce_sum3A_4265, %reduce_sum3A_4266 [1, 2] : vector<1x256x128xi32> to vector<1xi32>
    %reduce_sum3A_4268 = vector.shape_cast %reduce_sum3A_4267 : vector<1xi32> to vector<1x1x1xi32>
    %reduce_sum3A_4269 = vector.extract %reduce_sum3A_4268[0, 0, 0] : i32 from vector<1x1x1xi32>
    %ge3A_4270 = arith.cmpi sge, %reduce_sum3A_4269, %min3A_3330 : i32
    %select_n3A_4271 = arith.select %ge3A_4270, %or3A_4261, %select_n3A_4259 : i32
    %or3A_4272 = arith.constant 4 : i32
    %or3A_4273 = arith.ori %select_n3A_4271, %or3A_4272 : i32
    %ge3A_4274 = vector.broadcast %or3A_4273 : i32 to vector<256x128xi32>
    %ge3A_4275 = arith.cmpi sge, %bitcast_convert_type3A_3933, %ge3A_4274 : vector<256x128xi32>
    %convert_element_type3A_4276 = arith.extui %ge3A_4275 : vector<256x128xi1> to vector<256x128xi32>
    %reduce_sum3A_4277 = vector.shape_cast %convert_element_type3A_4276 : vector<256x128xi32> to vector<1x256x128xi32>
    %reduce_sum3A_4278 = arith.constant dense<0> : vector<1xi32>
    %reduce_sum3A_4279 = vector.multi_reduction <add>, %reduce_sum3A_4277, %reduce_sum3A_4278 [1, 2] : vector<1x256x128xi32> to vector<1xi32>
    %reduce_sum3A_4280 = vector.shape_cast %reduce_sum3A_4279 : vector<1xi32> to vector<1x1x1xi32>
    %reduce_sum3A_4281 = vector.extract %reduce_sum3A_4280[0, 0, 0] : i32 from vector<1x1x1xi32>
    %ge3A_4282 = arith.cmpi sge, %reduce_sum3A_4281, %min3A_3330 : i32
    %select_n3A_4283 = arith.select %ge3A_4282, %or3A_4273, %select_n3A_4271 : i32
    %or3A_4284 = arith.constant 2 : i32
    %or3A_4285 = arith.ori %select_n3A_4283, %or3A_4284 : i32
    %ge3A_4286 = vector.broadcast %or3A_4285 : i32 to vector<256x128xi32>
    %ge3A_4287 = arith.cmpi sge, %bitcast_convert_type3A_3933, %ge3A_4286 : vector<256x128xi32>
    %convert_element_type3A_4288 = arith.extui %ge3A_4287 : vector<256x128xi1> to vector<256x128xi32>
    %reduce_sum3A_4289 = vector.shape_cast %convert_element_type3A_4288 : vector<256x128xi32> to vector<1x256x128xi32>
    %reduce_sum3A_4290 = arith.constant dense<0> : vector<1xi32>
    %reduce_sum3A_4291 = vector.multi_reduction <add>, %reduce_sum3A_4289, %reduce_sum3A_4290 [1, 2] : vector<1x256x128xi32> to vector<1xi32>
    %reduce_sum3A_4292 = vector.shape_cast %reduce_sum3A_4291 : vector<1xi32> to vector<1x1x1xi32>
    %reduce_sum3A_4293 = vector.extract %reduce_sum3A_4292[0, 0, 0] : i32 from vector<1x1x1xi32>
    %ge3A_4294 = arith.cmpi sge, %reduce_sum3A_4293, %min3A_3330 : i32
    %select_n3A_4295 = arith.select %ge3A_4294, %or3A_4285, %select_n3A_4283 : i32
    %or3A_4296 = arith.constant 1 : i32
    %or3A_4297 = arith.ori %select_n3A_4295, %or3A_4296 : i32
    %ge3A_4298 = vector.broadcast %or3A_4297 : i32 to vector<256x128xi32>
    %ge3A_4299 = arith.cmpi sge, %bitcast_convert_type3A_3933, %ge3A_4298 : vector<256x128xi32>
    %convert_element_type3A_4300 = arith.extui %ge3A_4299 : vector<256x128xi1> to vector<256x128xi32>
    %reduce_sum3A_4301 = vector.shape_cast %convert_element_type3A_4300 : vector<256x128xi32> to vector<1x256x128xi32>
    %reduce_sum3A_4302 = arith.constant dense<0> : vector<1xi32>
    %reduce_sum3A_4303 = vector.multi_reduction <add>, %reduce_sum3A_4301, %reduce_sum3A_4302 [1, 2] : vector<1x256x128xi32> to vector<1xi32>
    %reduce_sum3A_4304 = vector.shape_cast %reduce_sum3A_4303 : vector<1xi32> to vector<1x1x1xi32>
    %reduce_sum3A_4305 = vector.extract %reduce_sum3A_4304[0, 0, 0] : i32 from vector<1x1x1xi32>
    %ge3A_4306 = arith.cmpi sge, %reduce_sum3A_4305, %min3A_3330 : i32
    %select_n3A_4307 = arith.select %ge3A_4306, %or3A_4297, %select_n3A_4295 : i32
    %gt3A_4308 = vector.broadcast %select_n3A_4307 : i32 to vector<256x128xi32>
    %gt3A_4309 = arith.cmpi sgt, %bitcast_convert_type3A_3933, %gt3A_4308 : vector<256x128xi32>
    %convert_element_type3A_4310 = arith.extui %gt3A_4309 : vector<256x128xi1> to vector<256x128xi32>
    %reduce_sum3A_4311 = vector.shape_cast %convert_element_type3A_4310 : vector<256x128xi32> to vector<1x256x128xi32>
    %reduce_sum3A_4312 = arith.constant dense<0> : vector<1xi32>
    %reduce_sum3A_4313 = vector.multi_reduction <add>, %reduce_sum3A_4311, %reduce_sum3A_4312 [1, 2] : vector<1x256x128xi32> to vector<1xi32>
    %reduce_sum3A_4314 = vector.shape_cast %reduce_sum3A_4313 : vector<1xi32> to vector<1x1x1xi32>
    %reduce_sum3A_4315 = vector.extract %reduce_sum3A_4314[0, 0, 0] : i32 from vector<1x1x1xi32>
    %sub3A_4316 = arith.subi %min3A_3330, %reduce_sum3A_4315 : i32
    %eq3A_4317 = vector.broadcast %select_n3A_4307 : i32 to vector<256x128xi32>
    %eq3A_4318 = arith.cmpi eq, %bitcast_convert_type3A_3933, %eq3A_4317 : vector<256x128xi32>
    %or3A_4319 = arith.constant 0 : i32
    %or3A_4320 = arith.constant 16384 : i32
    %or3A_4321 = arith.ori %or3A_4319, %or3A_4320 : i32
    %lt3A_4322 = vector.broadcast %or3A_4321 : i32 to vector<256x128xi32>
    %lt3A_4323 = arith.cmpi slt, %add3A, %lt3A_4322 : vector<256x128xi32>
    %and3A_4324 = arith.andi %eq3A_4318, %lt3A_4323 : vector<256x128xi1>
    %convert_element_type3A_4325 = arith.extui %and3A_4324 : vector<256x128xi1> to vector<256x128xi32>
    %reduce_sum3A_4326 = vector.shape_cast %convert_element_type3A_4325 : vector<256x128xi32> to vector<1x256x128xi32>
    %reduce_sum3A_4327 = arith.constant dense<0> : vector<1xi32>
    %reduce_sum3A_4328 = vector.multi_reduction <add>, %reduce_sum3A_4326, %reduce_sum3A_4327 [1, 2] : vector<1x256x128xi32> to vector<1xi32>
    %reduce_sum3A_4329 = vector.shape_cast %reduce_sum3A_4328 : vector<1xi32> to vector<1x1x1xi32>
    %reduce_sum3A_4330 = vector.extract %reduce_sum3A_4329[0, 0, 0] : i32 from vector<1x1x1xi32>
    %lt3A_4331 = arith.cmpi slt, %reduce_sum3A_4330, %sub3A_4316 : i32
    %jit3A_4332 = arith.constant 0 : i32
    %select_n3A_4333 = arith.select %lt3A_4331, %or3A_4321, %jit3A_4332 : i32
    %or3A_4334 = arith.constant 8192 : i32
    %or3A_4335 = arith.ori %select_n3A_4333, %or3A_4334 : i32
    %lt3A_4336 = vector.broadcast %or3A_4335 : i32 to vector<256x128xi32>
    %lt3A_4337 = arith.cmpi slt, %add3A, %lt3A_4336 : vector<256x128xi32>
    %and3A_4338 = arith.andi %eq3A_4318, %lt3A_4337 : vector<256x128xi1>
    %convert_element_type3A_4339 = arith.extui %and3A_4338 : vector<256x128xi1> to vector<256x128xi32>
    %reduce_sum3A_4340 = vector.shape_cast %convert_element_type3A_4339 : vector<256x128xi32> to vector<1x256x128xi32>
    %reduce_sum3A_4341 = arith.constant dense<0> : vector<1xi32>
    %reduce_sum3A_4342 = vector.multi_reduction <add>, %reduce_sum3A_4340, %reduce_sum3A_4341 [1, 2] : vector<1x256x128xi32> to vector<1xi32>
    %reduce_sum3A_4343 = vector.shape_cast %reduce_sum3A_4342 : vector<1xi32> to vector<1x1x1xi32>
    %reduce_sum3A_4344 = vector.extract %reduce_sum3A_4343[0, 0, 0] : i32 from vector<1x1x1xi32>
    %lt3A_4345 = arith.cmpi slt, %reduce_sum3A_4344, %sub3A_4316 : i32
    %select_n3A_4346 = arith.select %lt3A_4345, %or3A_4335, %select_n3A_4333 : i32
    %or3A_4347 = arith.constant 4096 : i32
    %or3A_4348 = arith.ori %select_n3A_4346, %or3A_4347 : i32
    %lt3A_4349 = vector.broadcast %or3A_4348 : i32 to vector<256x128xi32>
    %lt3A_4350 = arith.cmpi slt, %add3A, %lt3A_4349 : vector<256x128xi32>
    %and3A_4351 = arith.andi %eq3A_4318, %lt3A_4350 : vector<256x128xi1>
    %convert_element_type3A_4352 = arith.extui %and3A_4351 : vector<256x128xi1> to vector<256x128xi32>
    %reduce_sum3A_4353 = vector.shape_cast %convert_element_type3A_4352 : vector<256x128xi32> to vector<1x256x128xi32>
    %reduce_sum3A_4354 = arith.constant dense<0> : vector<1xi32>
    %reduce_sum3A_4355 = vector.multi_reduction <add>, %reduce_sum3A_4353, %reduce_sum3A_4354 [1, 2] : vector<1x256x128xi32> to vector<1xi32>
    %reduce_sum3A_4356 = vector.shape_cast %reduce_sum3A_4355 : vector<1xi32> to vector<1x1x1xi32>
    %reduce_sum3A_4357 = vector.extract %reduce_sum3A_4356[0, 0, 0] : i32 from vector<1x1x1xi32>
    %lt3A_4358 = arith.cmpi slt, %reduce_sum3A_4357, %sub3A_4316 : i32
    %select_n3A_4359 = arith.select %lt3A_4358, %or3A_4348, %select_n3A_4346 : i32
    %or3A_4360 = arith.constant 2048 : i32
    %or3A_4361 = arith.ori %select_n3A_4359, %or3A_4360 : i32
    %lt3A_4362 = vector.broadcast %or3A_4361 : i32 to vector<256x128xi32>
    %lt3A_4363 = arith.cmpi slt, %add3A, %lt3A_4362 : vector<256x128xi32>
    %and3A_4364 = arith.andi %eq3A_4318, %lt3A_4363 : vector<256x128xi1>
    %convert_element_type3A_4365 = arith.extui %and3A_4364 : vector<256x128xi1> to vector<256x128xi32>
    %reduce_sum3A_4366 = vector.shape_cast %convert_element_type3A_4365 : vector<256x128xi32> to vector<1x256x128xi32>
    %reduce_sum3A_4367 = arith.constant dense<0> : vector<1xi32>
    %reduce_sum3A_4368 = vector.multi_reduction <add>, %reduce_sum3A_4366, %reduce_sum3A_4367 [1, 2] : vector<1x256x128xi32> to vector<1xi32>
    %reduce_sum3A_4369 = vector.shape_cast %reduce_sum3A_4368 : vector<1xi32> to vector<1x1x1xi32>
    %reduce_sum3A_4370 = vector.extract %reduce_sum3A_4369[0, 0, 0] : i32 from vector<1x1x1xi32>
    %lt3A_4371 = arith.cmpi slt, %reduce_sum3A_4370, %sub3A_4316 : i32
    %select_n3A_4372 = arith.select %lt3A_4371, %or3A_4361, %select_n3A_4359 : i32
    %or3A_4373 = arith.constant 1024 : i32
    %or3A_4374 = arith.ori %select_n3A_4372, %or3A_4373 : i32
    %lt3A_4375 = vector.broadcast %or3A_4374 : i32 to vector<256x128xi32>
    %lt3A_4376 = arith.cmpi slt, %add3A, %lt3A_4375 : vector<256x128xi32>
    %and3A_4377 = arith.andi %eq3A_4318, %lt3A_4376 : vector<256x128xi1>
    %convert_element_type3A_4378 = arith.extui %and3A_4377 : vector<256x128xi1> to vector<256x128xi32>
    %reduce_sum3A_4379 = vector.shape_cast %convert_element_type3A_4378 : vector<256x128xi32> to vector<1x256x128xi32>
    %reduce_sum3A_4380 = arith.constant dense<0> : vector<1xi32>
    %reduce_sum3A_4381 = vector.multi_reduction <add>, %reduce_sum3A_4379, %reduce_sum3A_4380 [1, 2] : vector<1x256x128xi32> to vector<1xi32>
    %reduce_sum3A_4382 = vector.shape_cast %reduce_sum3A_4381 : vector<1xi32> to vector<1x1x1xi32>
    %reduce_sum3A_4383 = vector.extract %reduce_sum3A_4382[0, 0, 0] : i32 from vector<1x1x1xi32>
    %lt3A_4384 = arith.cmpi slt, %reduce_sum3A_4383, %sub3A_4316 : i32
    %select_n3A_4385 = arith.select %lt3A_4384, %or3A_4374, %select_n3A_4372 : i32
    %or3A_4386 = arith.constant 512 : i32
    %or3A_4387 = arith.ori %select_n3A_4385, %or3A_4386 : i32
    %lt3A_4388 = vector.broadcast %or3A_4387 : i32 to vector<256x128xi32>
    %lt3A_4389 = arith.cmpi slt, %add3A, %lt3A_4388 : vector<256x128xi32>
    %and3A_4390 = arith.andi %eq3A_4318, %lt3A_4389 : vector<256x128xi1>
    %convert_element_type3A_4391 = arith.extui %and3A_4390 : vector<256x128xi1> to vector<256x128xi32>
    %reduce_sum3A_4392 = vector.shape_cast %convert_element_type3A_4391 : vector<256x128xi32> to vector<1x256x128xi32>
    %reduce_sum3A_4393 = arith.constant dense<0> : vector<1xi32>
    %reduce_sum3A_4394 = vector.multi_reduction <add>, %reduce_sum3A_4392, %reduce_sum3A_4393 [1, 2] : vector<1x256x128xi32> to vector<1xi32>
    %reduce_sum3A_4395 = vector.shape_cast %reduce_sum3A_4394 : vector<1xi32> to vector<1x1x1xi32>
    %reduce_sum3A_4396 = vector.extract %reduce_sum3A_4395[0, 0, 0] : i32 from vector<1x1x1xi32>
    %lt3A_4397 = arith.cmpi slt, %reduce_sum3A_4396, %sub3A_4316 : i32
    %select_n3A_4398 = arith.select %lt3A_4397, %or3A_4387, %select_n3A_4385 : i32
    %or3A_4399 = arith.constant 256 : i32
    %or3A_4400 = arith.ori %select_n3A_4398, %or3A_4399 : i32
    %lt3A_4401 = vector.broadcast %or3A_4400 : i32 to vector<256x128xi32>
    %lt3A_4402 = arith.cmpi slt, %add3A, %lt3A_4401 : vector<256x128xi32>
    %and3A_4403 = arith.andi %eq3A_4318, %lt3A_4402 : vector<256x128xi1>
    %convert_element_type3A_4404 = arith.extui %and3A_4403 : vector<256x128xi1> to vector<256x128xi32>
    %reduce_sum3A_4405 = vector.shape_cast %convert_element_type3A_4404 : vector<256x128xi32> to vector<1x256x128xi32>
    %reduce_sum3A_4406 = arith.constant dense<0> : vector<1xi32>
    %reduce_sum3A_4407 = vector.multi_reduction <add>, %reduce_sum3A_4405, %reduce_sum3A_4406 [1, 2] : vector<1x256x128xi32> to vector<1xi32>
    %reduce_sum3A_4408 = vector.shape_cast %reduce_sum3A_4407 : vector<1xi32> to vector<1x1x1xi32>
    %reduce_sum3A_4409 = vector.extract %reduce_sum3A_4408[0, 0, 0] : i32 from vector<1x1x1xi32>
    %lt3A_4410 = arith.cmpi slt, %reduce_sum3A_4409, %sub3A_4316 : i32
    %select_n3A_4411 = arith.select %lt3A_4410, %or3A_4400, %select_n3A_4398 : i32
    %or3A_4412 = arith.constant 128 : i32
    %or3A_4413 = arith.ori %select_n3A_4411, %or3A_4412 : i32
    %lt3A_4414 = vector.broadcast %or3A_4413 : i32 to vector<256x128xi32>
    %lt3A_4415 = arith.cmpi slt, %add3A, %lt3A_4414 : vector<256x128xi32>
    %and3A_4416 = arith.andi %eq3A_4318, %lt3A_4415 : vector<256x128xi1>
    %convert_element_type3A_4417 = arith.extui %and3A_4416 : vector<256x128xi1> to vector<256x128xi32>
    %reduce_sum3A_4418 = vector.shape_cast %convert_element_type3A_4417 : vector<256x128xi32> to vector<1x256x128xi32>
    %reduce_sum3A_4419 = arith.constant dense<0> : vector<1xi32>
    %reduce_sum3A_4420 = vector.multi_reduction <add>, %reduce_sum3A_4418, %reduce_sum3A_4419 [1, 2] : vector<1x256x128xi32> to vector<1xi32>
    %reduce_sum3A_4421 = vector.shape_cast %reduce_sum3A_4420 : vector<1xi32> to vector<1x1x1xi32>
    %reduce_sum3A_4422 = vector.extract %reduce_sum3A_4421[0, 0, 0] : i32 from vector<1x1x1xi32>
    %lt3A_4423 = arith.cmpi slt, %reduce_sum3A_4422, %sub3A_4316 : i32
    %select_n3A_4424 = arith.select %lt3A_4423, %or3A_4413, %select_n3A_4411 : i32
    %or3A_4425 = arith.constant 64 : i32
    %or3A_4426 = arith.ori %select_n3A_4424, %or3A_4425 : i32
    %lt3A_4427 = vector.broadcast %or3A_4426 : i32 to vector<256x128xi32>
    %lt3A_4428 = arith.cmpi slt, %add3A, %lt3A_4427 : vector<256x128xi32>
    %and3A_4429 = arith.andi %eq3A_4318, %lt3A_4428 : vector<256x128xi1>
    %convert_element_type3A_4430 = arith.extui %and3A_4429 : vector<256x128xi1> to vector<256x128xi32>
    %reduce_sum3A_4431 = vector.shape_cast %convert_element_type3A_4430 : vector<256x128xi32> to vector<1x256x128xi32>
    %reduce_sum3A_4432 = arith.constant dense<0> : vector<1xi32>
    %reduce_sum3A_4433 = vector.multi_reduction <add>, %reduce_sum3A_4431, %reduce_sum3A_4432 [1, 2] : vector<1x256x128xi32> to vector<1xi32>
    %reduce_sum3A_4434 = vector.shape_cast %reduce_sum3A_4433 : vector<1xi32> to vector<1x1x1xi32>
    %reduce_sum3A_4435 = vector.extract %reduce_sum3A_4434[0, 0, 0] : i32 from vector<1x1x1xi32>
    %lt3A_4436 = arith.cmpi slt, %reduce_sum3A_4435, %sub3A_4316 : i32
    %select_n3A_4437 = arith.select %lt3A_4436, %or3A_4426, %select_n3A_4424 : i32
    %or3A_4438 = arith.constant 32 : i32
    %or3A_4439 = arith.ori %select_n3A_4437, %or3A_4438 : i32
    %lt3A_4440 = vector.broadcast %or3A_4439 : i32 to vector<256x128xi32>
    %lt3A_4441 = arith.cmpi slt, %add3A, %lt3A_4440 : vector<256x128xi32>
    %and3A_4442 = arith.andi %eq3A_4318, %lt3A_4441 : vector<256x128xi1>
    %convert_element_type3A_4443 = arith.extui %and3A_4442 : vector<256x128xi1> to vector<256x128xi32>
    %reduce_sum3A_4444 = vector.shape_cast %convert_element_type3A_4443 : vector<256x128xi32> to vector<1x256x128xi32>
    %reduce_sum3A_4445 = arith.constant dense<0> : vector<1xi32>
    %reduce_sum3A_4446 = vector.multi_reduction <add>, %reduce_sum3A_4444, %reduce_sum3A_4445 [1, 2] : vector<1x256x128xi32> to vector<1xi32>
    %reduce_sum3A_4447 = vector.shape_cast %reduce_sum3A_4446 : vector<1xi32> to vector<1x1x1xi32>
    %reduce_sum3A_4448 = vector.extract %reduce_sum3A_4447[0, 0, 0] : i32 from vector<1x1x1xi32>
    %lt3A_4449 = arith.cmpi slt, %reduce_sum3A_4448, %sub3A_4316 : i32
    %select_n3A_4450 = arith.select %lt3A_4449, %or3A_4439, %select_n3A_4437 : i32
    %or3A_4451 = arith.constant 16 : i32
    %or3A_4452 = arith.ori %select_n3A_4450, %or3A_4451 : i32
    %lt3A_4453 = vector.broadcast %or3A_4452 : i32 to vector<256x128xi32>
    %lt3A_4454 = arith.cmpi slt, %add3A, %lt3A_4453 : vector<256x128xi32>
    %and3A_4455 = arith.andi %eq3A_4318, %lt3A_4454 : vector<256x128xi1>
    %convert_element_type3A_4456 = arith.extui %and3A_4455 : vector<256x128xi1> to vector<256x128xi32>
    %reduce_sum3A_4457 = vector.shape_cast %convert_element_type3A_4456 : vector<256x128xi32> to vector<1x256x128xi32>
    %reduce_sum3A_4458 = arith.constant dense<0> : vector<1xi32>
    %reduce_sum3A_4459 = vector.multi_reduction <add>, %reduce_sum3A_4457, %reduce_sum3A_4458 [1, 2] : vector<1x256x128xi32> to vector<1xi32>
    %reduce_sum3A_4460 = vector.shape_cast %reduce_sum3A_4459 : vector<1xi32> to vector<1x1x1xi32>
    %reduce_sum3A_4461 = vector.extract %reduce_sum3A_4460[0, 0, 0] : i32 from vector<1x1x1xi32>
    %lt3A_4462 = arith.cmpi slt, %reduce_sum3A_4461, %sub3A_4316 : i32
    %select_n3A_4463 = arith.select %lt3A_4462, %or3A_4452, %select_n3A_4450 : i32
    %or3A_4464 = arith.constant 8 : i32
    %or3A_4465 = arith.ori %select_n3A_4463, %or3A_4464 : i32
    %lt3A_4466 = vector.broadcast %or3A_4465 : i32 to vector<256x128xi32>
    %lt3A_4467 = arith.cmpi slt, %add3A, %lt3A_4466 : vector<256x128xi32>
    %and3A_4468 = arith.andi %eq3A_4318, %lt3A_4467 : vector<256x128xi1>
    %convert_element_type3A_4469 = arith.extui %and3A_4468 : vector<256x128xi1> to vector<256x128xi32>
    %reduce_sum3A_4470 = vector.shape_cast %convert_element_type3A_4469 : vector<256x128xi32> to vector<1x256x128xi32>
    %reduce_sum3A_4471 = arith.constant dense<0> : vector<1xi32>
    %reduce_sum3A_4472 = vector.multi_reduction <add>, %reduce_sum3A_4470, %reduce_sum3A_4471 [1, 2] : vector<1x256x128xi32> to vector<1xi32>
    %reduce_sum3A_4473 = vector.shape_cast %reduce_sum3A_4472 : vector<1xi32> to vector<1x1x1xi32>
    %reduce_sum3A_4474 = vector.extract %reduce_sum3A_4473[0, 0, 0] : i32 from vector<1x1x1xi32>
    %lt3A_4475 = arith.cmpi slt, %reduce_sum3A_4474, %sub3A_4316 : i32
    %select_n3A_4476 = arith.select %lt3A_4475, %or3A_4465, %select_n3A_4463 : i32
    %or3A_4477 = arith.constant 4 : i32
    %or3A_4478 = arith.ori %select_n3A_4476, %or3A_4477 : i32
    %lt3A_4479 = vector.broadcast %or3A_4478 : i32 to vector<256x128xi32>
    %lt3A_4480 = arith.cmpi slt, %add3A, %lt3A_4479 : vector<256x128xi32>
    %and3A_4481 = arith.andi %eq3A_4318, %lt3A_4480 : vector<256x128xi1>
    %convert_element_type3A_4482 = arith.extui %and3A_4481 : vector<256x128xi1> to vector<256x128xi32>
    %reduce_sum3A_4483 = vector.shape_cast %convert_element_type3A_4482 : vector<256x128xi32> to vector<1x256x128xi32>
    %reduce_sum3A_4484 = arith.constant dense<0> : vector<1xi32>
    %reduce_sum3A_4485 = vector.multi_reduction <add>, %reduce_sum3A_4483, %reduce_sum3A_4484 [1, 2] : vector<1x256x128xi32> to vector<1xi32>
    %reduce_sum3A_4486 = vector.shape_cast %reduce_sum3A_4485 : vector<1xi32> to vector<1x1x1xi32>
    %reduce_sum3A_4487 = vector.extract %reduce_sum3A_4486[0, 0, 0] : i32 from vector<1x1x1xi32>
    %lt3A_4488 = arith.cmpi slt, %reduce_sum3A_4487, %sub3A_4316 : i32
    %select_n3A_4489 = arith.select %lt3A_4488, %or3A_4478, %select_n3A_4476 : i32
    %or3A_4490 = arith.constant 2 : i32
    %or3A_4491 = arith.ori %select_n3A_4489, %or3A_4490 : i32
    %lt3A_4492 = vector.broadcast %or3A_4491 : i32 to vector<256x128xi32>
    %lt3A_4493 = arith.cmpi slt, %add3A, %lt3A_4492 : vector<256x128xi32>
    %and3A_4494 = arith.andi %eq3A_4318, %lt3A_4493 : vector<256x128xi1>
    %convert_element_type3A_4495 = arith.extui %and3A_4494 : vector<256x128xi1> to vector<256x128xi32>
    %reduce_sum3A_4496 = vector.shape_cast %convert_element_type3A_4495 : vector<256x128xi32> to vector<1x256x128xi32>
    %reduce_sum3A_4497 = arith.constant dense<0> : vector<1xi32>
    %reduce_sum3A_4498 = vector.multi_reduction <add>, %reduce_sum3A_4496, %reduce_sum3A_4497 [1, 2] : vector<1x256x128xi32> to vector<1xi32>
    %reduce_sum3A_4499 = vector.shape_cast %reduce_sum3A_4498 : vector<1xi32> to vector<1x1x1xi32>
    %reduce_sum3A_4500 = vector.extract %reduce_sum3A_4499[0, 0, 0] : i32 from vector<1x1x1xi32>
    %lt3A_4501 = arith.cmpi slt, %reduce_sum3A_4500, %sub3A_4316 : i32
    %select_n3A_4502 = arith.select %lt3A_4501, %or3A_4491, %select_n3A_4489 : i32
    %or3A_4503 = arith.constant 1 : i32
    %or3A_4504 = arith.ori %select_n3A_4502, %or3A_4503 : i32
    %lt3A_4505 = vector.broadcast %or3A_4504 : i32 to vector<256x128xi32>
    %lt3A_4506 = arith.cmpi slt, %add3A, %lt3A_4505 : vector<256x128xi32>
    %and3A_4507 = arith.andi %eq3A_4318, %lt3A_4506 : vector<256x128xi1>
    %convert_element_type3A_4508 = arith.extui %and3A_4507 : vector<256x128xi1> to vector<256x128xi32>
    %reduce_sum3A_4509 = vector.shape_cast %convert_element_type3A_4508 : vector<256x128xi32> to vector<1x256x128xi32>
    %reduce_sum3A_4510 = arith.constant dense<0> : vector<1xi32>
    %reduce_sum3A_4511 = vector.multi_reduction <add>, %reduce_sum3A_4509, %reduce_sum3A_4510 [1, 2] : vector<1x256x128xi32> to vector<1xi32>
    %reduce_sum3A_4512 = vector.shape_cast %reduce_sum3A_4511 : vector<1xi32> to vector<1x1x1xi32>
    %reduce_sum3A_4513 = vector.extract %reduce_sum3A_4512[0, 0, 0] : i32 from vector<1x1x1xi32>
    %lt3A_4514 = arith.cmpi slt, %reduce_sum3A_4513, %sub3A_4316 : i32
    %select_n3A_4515 = arith.select %lt3A_4514, %or3A_4504, %select_n3A_4502 : i32
    %gt3A_4516 = arith.constant 0 : i32
    %gt3A_4517 = arith.cmpi sgt, %sub3A_4316, %gt3A_4516 : i32
    %add3A_4518 = arith.constant 1 : i32
    %add3A_4519 = arith.addi %select_n3A_4515, %add3A_4518 : i32
    %jit3A_4520 = arith.constant 0 : i32
    %select_n3A_4521 = arith.select %gt3A_4517, %add3A_4519, %jit3A_4520 : i32
    %gt3A_4522 = vector.broadcast %select_n3A_4307 : i32 to vector<256x128xi32>
    %gt3A_4523 = arith.cmpi sgt, %bitcast_convert_type3A_3933, %gt3A_4522 : vector<256x128xi32>
    %lt3A_4524 = vector.broadcast %select_n3A_4521 : i32 to vector<256x128xi32>
    %lt3A_4525 = arith.cmpi slt, %add3A, %lt3A_4524 : vector<256x128xi32>
    %and3A_4526 = arith.andi %eq3A_4318, %lt3A_4525 : vector<256x128xi1>
    %or3A_4527 = arith.ori %gt3A_4523, %and3A_4526 : vector<256x128xi1>
    %gt3A_4528 = arith.constant 0 : i32
    %gt3A_4529 = arith.cmpi sgt, %min3A_3330, %gt3A_4528 : i32
    %and3A_4530 = vector.broadcast %gt3A_4529 : i1 to vector<256x128xi1>
    %and3A_4531 = arith.andi %or3A_4527, %and3A_4530 : vector<256x128xi1>
    %or3A_4532 = arith.ori %ge3A_1376, %and3A_3929 : vector<256x128xi1>
    %convert_element_type3A_4533 = arith.extui %or3A_4532 : vector<256x128xi1> to vector<256x128xi32>
    %convert_element_type3A_4534 = arith.sitofp %convert_element_type3A_4533 : vector<256x128xi32> to vector<256x128xf32>
    %mul3A_4535 = arith.mulf %sub3A_1536, %convert_element_type3A_4534 : vector<256x128xf32>
    %reduce_sum3A_4536 = vector.shape_cast %mul3A_4535 : vector<256x128xf32> to vector<1x256x128xf32>
    %reduce_sum3A_4537 = arith.constant dense<0.000000e+00> : vector<1xf32>
    %reduce_sum3A_4538 = vector.multi_reduction <add>, %reduce_sum3A_4536, %reduce_sum3A_4537 [1, 2] : vector<1x256x128xf32> to vector<1xf32>
    %reduce_sum3A_4539 = vector.shape_cast %reduce_sum3A_4538 : vector<1xf32> to vector<1x1x1xf32>
    %reduce_sum3A_4540 = vector.extract %reduce_sum3A_4539[0, 0, 0] : f32 from vector<1x1x1xf32>
    %or3A_4541 = arith.ori %ge3A_1376, %and3A_4531 : vector<256x128xi1>
    %convert_element_type3A_4542 = arith.extui %or3A_4541 : vector<256x128xi1> to vector<256x128xi32>
    %convert_element_type3A_4543 = arith.sitofp %convert_element_type3A_4542 : vector<256x128xi32> to vector<256x128xf32>
    %mul3A_4544 = arith.mulf %sub3A_3320, %convert_element_type3A_4543 : vector<256x128xf32>
    %reduce_sum3A_4545 = vector.shape_cast %mul3A_4544 : vector<256x128xf32> to vector<1x256x128xf32>
    %reduce_sum3A_4546 = arith.constant dense<0.000000e+00> : vector<1xf32>
    %reduce_sum3A_4547 = vector.multi_reduction <add>, %reduce_sum3A_4545, %reduce_sum3A_4546 [1, 2] : vector<1x256x128xf32> to vector<1xf32>
    %reduce_sum3A_4548 = vector.shape_cast %reduce_sum3A_4547 : vector<1xf32> to vector<1x1x1xf32>
    %reduce_sum3A_4549 = vector.extract %reduce_sum3A_4548[0, 0, 0] : f32 from vector<1x1x1xf32>
    %iota3A_4550 = tpu.iota {dimensions = array<i32: 0>} : vector<8x128xi32>
    %iota3A_4551 = tpu.iota {dimensions = array<i32: 1>} : vector<8x128xi32>
    %eq3A_4552 = arith.constant 0 : i32
    %eq3A_4553 = vector.broadcast %eq3A_4552 : i32 to vector<8x128xi32>
    %eq3A_4554 = arith.cmpi eq, %iota3A_4550, %eq3A_4553 : vector<8x128xi32>
    %eq3A_4555 = arith.constant 0 : i32
    %eq3A_4556 = vector.broadcast %eq3A_4555 : i32 to vector<8x128xi32>
    %eq3A_4557 = arith.cmpi eq, %iota3A_4551, %eq3A_4556 : vector<8x128xi32>
    %and3A_4558 = arith.andi %eq3A_4554, %eq3A_4557 : vector<8x128xi1>
    %jit3A_4559 = arith.constant 0.000000e+00 : f32
    %broadcast_in_dim3A_4560 = vector.broadcast %add3A_1517 : f32 to vector<8x128xf32>
    %broadcast_in_dim3A_4561 = vector.broadcast %jit3A_4559 : f32 to vector<8x128xf32>
    %select_n3A_4562 = arith.select %and3A_4558, %broadcast_in_dim3A_4560, %broadcast_in_dim3A_4561 : vector<8x128xi1>, vector<8x128xf32>
    %eq3A_4563 = arith.constant 0 : i32
    %eq3A_4564 = vector.broadcast %eq3A_4563 : i32 to vector<8x128xi32>
    %eq3A_4565 = arith.cmpi eq, %iota3A_4550, %eq3A_4564 : vector<8x128xi32>
    %eq3A_4566 = arith.constant 1 : i32
    %eq3A_4567 = vector.broadcast %eq3A_4566 : i32 to vector<8x128xi32>
    %eq3A_4568 = arith.cmpi eq, %iota3A_4551, %eq3A_4567 : vector<8x128xi32>
    %and3A_4569 = arith.andi %eq3A_4565, %eq3A_4568 : vector<8x128xi1>
    %jit3A_4570 = arith.constant 0.000000e+00 : f32
    %broadcast_in_dim3A_4571 = vector.broadcast %reduce_sum3A_4540 : f32 to vector<8x128xf32>
    %broadcast_in_dim3A_4572 = vector.broadcast %jit3A_4570 : f32 to vector<8x128xf32>
    %select_n3A_4573 = arith.select %and3A_4569, %broadcast_in_dim3A_4571, %broadcast_in_dim3A_4572 : vector<8x128xi1>, vector<8x128xf32>
    %add3A_4574 = arith.addf %select_n3A_4562, %select_n3A_4573 : vector<8x128xf32>
    %eq3A_4575 = arith.constant 0 : i32
    %eq3A_4576 = vector.broadcast %eq3A_4575 : i32 to vector<8x128xi32>
    %eq3A_4577 = arith.cmpi eq, %iota3A_4550, %eq3A_4576 : vector<8x128xi32>
    %eq3A_4578 = arith.constant 2 : i32
    %eq3A_4579 = vector.broadcast %eq3A_4578 : i32 to vector<8x128xi32>
    %eq3A_4580 = arith.cmpi eq, %iota3A_4551, %eq3A_4579 : vector<8x128xi32>
    %and3A_4581 = arith.andi %eq3A_4577, %eq3A_4580 : vector<8x128xi1>
    %jit3A_4582 = arith.constant 0.000000e+00 : f32
    %broadcast_in_dim3A_4583 = vector.broadcast %reduce_sum3A_4549 : f32 to vector<8x128xf32>
    %broadcast_in_dim3A_4584 = vector.broadcast %jit3A_4582 : f32 to vector<8x128xf32>
    %select_n3A_4585 = arith.select %and3A_4581, %broadcast_in_dim3A_4583, %broadcast_in_dim3A_4584 : vector<8x128xi1>, vector<8x128xf32>
    %add3A_4586 = arith.addf %add3A_4574, %select_n3A_4585 : vector<8x128xf32>
    %eq3A_4587 = arith.constant 0 : i32
    %eq3A_4588 = vector.broadcast %eq3A_4587 : i32 to vector<8x128xi32>
    %eq3A_4589 = arith.cmpi eq, %iota3A_4550, %eq3A_4588 : vector<8x128xi32>
    %eq3A_4590 = arith.constant 3 : i32
    %eq3A_4591 = vector.broadcast %eq3A_4590 : i32 to vector<8x128xi32>
    %eq3A_4592 = arith.cmpi eq, %iota3A_4551, %eq3A_4591 : vector<8x128xi32>
    %and3A_4593 = arith.andi %eq3A_4589, %eq3A_4592 : vector<8x128xi1>
    %convert_element_type3A_4594 = arith.sitofp %reduce_sum3A_3326 : i32 to f32
    %jit3A_4595 = arith.constant 0.000000e+00 : f32
    %broadcast_in_dim3A_4596 = vector.broadcast %convert_element_type3A_4594 : f32 to vector<8x128xf32>
    %broadcast_in_dim3A_4597 = vector.broadcast %jit3A_4595 : f32 to vector<8x128xf32>
    %select_n3A_4598 = arith.select %and3A_4593, %broadcast_in_dim3A_4596, %broadcast_in_dim3A_4597 : vector<8x128xi1>, vector<8x128xf32>
    %add3A_4599 = arith.addf %add3A_4586, %select_n3A_4598 : vector<8x128xf32>
    %swap3A = arith.constant 0 : index
    %swap3A_4600 = arith.constant 0 : index
    %swap3A_4601 = arith.constant 0 : index
    %swap3A_4602 = vector.load %arg6[%swap3A, %swap3A_4600, %swap3A_4601] : memref<1x8x128xf32, #tpu.memory_space<vmem>>, vector<1x8x128xf32>
    %swap3A_4603 = vector.shape_cast %swap3A_4602 : vector<1x8x128xf32> to vector<8x128xf32>
    %swap3A_4604 = vector.shape_cast %add3A_4599 : vector<8x128xf32> to vector<1x8x128xf32>
    tpu.vector_store %arg6[%swap3A, %swap3A_4600, %swap3A_4601], %swap3A_4604 {strides = array<i32>} : memref<1x8x128xf32, #tpu.memory_space<vmem>>, vector<1x8x128xf32>,
    %swap3A_4605 = arith.constant 0 : index
    %swap3A_4606 = arith.constant 0 : index
    %swap3A_4607 = arith.constant 0 : index
    %swap3A_4608 = vector.load %arg7[%swap3A_4605, %swap3A_4606, %swap3A_4607] : memref<1x256x128xf32, #tpu.memory_space<vmem>>, vector<1x256x128xf32>
    %swap3A_4609 = vector.shape_cast %swap3A_4608 : vector<1x256x128xf32> to vector<256x128xf32>
    %swap3A_4610 = vector.shape_cast %convert_element_type3A_1431 : vector<256x128xf32> to vector<1x256x128xf32>
    tpu.vector_store %arg7[%swap3A_4605, %swap3A_4606, %swap3A_4607], %swap3A_4610 {strides = array<i32>} : memref<1x256x128xf32, #tpu.memory_space<vmem>>, vector<1x256x128xf32>,
    %convert_element_type3A_4611 = arith.extui %and3A_3929 : vector<256x128xi1> to vector<256x128xi32>
    %convert_element_type3A_4612 = arith.sitofp %convert_element_type3A_4611 : vector<256x128xi32> to vector<256x128xf32>
    %swap3A_4613 = arith.constant 0 : index
    %swap3A_4614 = arith.constant 0 : index
    %swap3A_4615 = arith.constant 0 : index
    %swap3A_4616 = vector.load %arg8[%swap3A_4613, %swap3A_4614, %swap3A_4615] : memref<1x256x128xf32, #tpu.memory_space<vmem>>, vector<1x256x128xf32>
    %swap3A_4617 = vector.shape_cast %swap3A_4616 : vector<1x256x128xf32> to vector<256x128xf32>
    %swap3A_4618 = vector.shape_cast %convert_element_type3A_4612 : vector<256x128xf32> to vector<1x256x128xf32>
    tpu.vector_store %arg8[%swap3A_4613, %swap3A_4614, %swap3A_4615], %swap3A_4618 {strides = array<i32>} : memref<1x256x128xf32, #tpu.memory_space<vmem>>, vector<1x256x128xf32>,
    %convert_element_type3A_4619 = arith.extui %and3A_4531 : vector<256x128xi1> to vector<256x128xi32>
    %convert_element_type3A_4620 = arith.sitofp %convert_element_type3A_4619 : vector<256x128xi32> to vector<256x128xf32>
    %swap3A_4621 = arith.constant 0 : index
    %swap3A_4622 = arith.constant 0 : index
    %swap3A_4623 = arith.constant 0 : index
    %swap3A_4624 = vector.load %arg9[%swap3A_4621, %swap3A_4622, %swap3A_4623] : memref<1x256x128xf32, #tpu.memory_space<vmem>>, vector<1x256x128xf32>
    %swap3A_4625 = vector.shape_cast %swap3A_4624 : vector<1x256x128xf32> to vector<256x128xf32>
    %swap3A_4626 = vector.shape_cast %convert_element_type3A_4620 : vector<256x128xf32> to vector<1x256x128xf32>
    tpu.vector_store %arg9[%swap3A_4621, %swap3A_4622, %swap3A_4623], %swap3A_4626 {strides = array<i32>} : memref<1x256x128xf32, #tpu.memory_space<vmem>>, vector<1x256x128xf32>,
    return
  }
  func.func @transform_0(%arg0: i32) -> (i32, i32, i32, i32) {
    %c0_i32 = arith.constant 0 : i32
    %c0_i32_0 = arith.constant 0 : i32
    %c0_i32_1 = arith.constant 0 : i32
    %c0_i32_2 = arith.constant 0 : i32
    return %arg0, %c0_i32, %c0_i32_0, %c0_i32_1 : i32, i32, i32, i32
  }
  func.func @transform_1(%arg0: i32) -> (i32, i32, i32, i32) {
    %c0_i32 = arith.constant 0 : i32
    %c0_i32_0 = arith.constant 0 : i32
    %c0_i32_1 = arith.constant 0 : i32
    %c0_i32_2 = arith.constant 0 : i32
    return %arg0, %c0_i32, %c0_i32_0, %c0_i32_1 : i32, i32, i32, i32
  }
  func.func @transform_2(%arg0: i32) -> (i32, i32, i32, i32) {
    %c0_i32 = arith.constant 0 : i32
    %c0_i32_0 = arith.constant 0 : i32
    %c0_i32_1 = arith.constant 0 : i32
    %c0_i32_2 = arith.constant 0 : i32
    return %arg0, %c0_i32, %c0_i32_0, %c0_i32_1 : i32, i32, i32, i32
  }
  func.func @transform_3(%arg0: i32) -> (i32, i32, i32) {
    %c0_i32 = arith.constant 0 : i32
    %c0_i32_0 = arith.constant 0 : i32
    %c0_i32_1 = arith.constant 0 : i32
    %c0_i32_2 = arith.constant 0 : i32
    return %c0_i32, %c0_i32_0, %c0_i32_1 : i32, i32, i32
  }
  func.func @transform_4(%arg0: i32) -> (i32, i32, i32) {
    %c0_i32 = arith.constant 0 : i32
    %c0_i32_0 = arith.constant 0 : i32
    %c0_i32_1 = arith.constant 0 : i32
    return %arg0, %c0_i32, %c0_i32_0 : i32, i32, i32
  }
  func.func @transform_5(%arg0: i32) -> (i32, i32, i32) {
    %c0_i32 = arith.constant 0 : i32
    %c0_i32_0 = arith.constant 0 : i32
    %c0_i32_1 = arith.constant 0 : i32
    return %arg0, %c0_i32, %c0_i32_0 : i32, i32, i32
  }
  func.func @transform_6(%arg0: i32) -> (i32, i32, i32) {
    %c0_i32 = arith.constant 0 : i32
    %c0_i32_0 = arith.constant 0 : i32
    %c0_i32_1 = arith.constant 0 : i32
    return %arg0, %c0_i32, %c0_i32_0 : i32, i32, i32
  }
  func.func @transform_7(%arg0: i32) -> (i32, i32, i32) {
    %c0_i32 = arith.constant 0 : i32
    %c0_i32_0 = arith.constant 0 : i32
    %c0_i32_1 = arith.constant 0 : i32
    return %arg0, %c0_i32, %c0_i32_0 : i32, i32, i32
  }
  func.func @transform_8(%arg0: i32) -> (i32, i32, i32) {
    %c0_i32 = arith.constant 0 : i32
    %c0_i32_0 = arith.constant 0 : i32
    %c0_i32_1 = arith.constant 0 : i32
    return %arg0, %c0_i32, %c0_i32_0 : i32, i32, i32
  }
}

</mosaic_0001>

<sc_bundles>
// kernel: sparse-core-data-format-call.cloned.1.call-start
scs
called_computation_lowered:
.L_overlay_start_0:
0x0: {  	s2 =	sld [smem:$0x3FD9]  }
0x1: {  	s3 =	sld [smem:$0x3FFE];
	_ =	sdelay $0x1  }
0x2: {  	s1 =	srdreg.scid  }
0x3: {  	s0 =	sand.u32 $0x1, s1  }
0x4: {  	s18 =	sshll.u32 s0, $0xA;
	s2 =	sadd.s32 s3, s2  }
0x5: {  	s2 =	sadd.s32 s2, s18  }
0x6: {  	[smem:$0x3FC3] =	sst s2  }
0x7: {  	_ = 	snop  }
0x8: {  	s2 =	sld [smem:$0x3FC8];
	(tm) =	ssettm $0x1  }
0x9: {  	s19 =	sld [smem:$0x3FFB];
	_ =	sdelay $0x3  }
0xa: {  	_ =	strace s19  }
0xb: {  	s3 =	sld [smem:$0x3FFC];
	_ =	sdelay $0x3  }
0xc: {  	_ =	strace s3  }
0xd: {  	s3 =	sld [smem:$0x3FFD];
	_ =	sdelay $0x3  }
0xe: {  	_ =	strace s3  }
0xf: {  	_ =	strace $0x8FFFFFFF  }
0x10: {  	s20 =	sld [smem:$0x3FDB];
	_ =	sdelay $0x1  }
0x11: {  	s4 =	simm.s32 $_scs_section_size  }
0x12: {  	s5 =	simm.s32 $_size__tile_overlayer_lowered;
	s6 =	simm.s32 $_tile_overlayer_lowered  }
0x13: {  	s23 =	simm.s32 $0x1BFF;
	s22 =	sshll.u32 s6, $0x1;
	s3 =	sadd.s32 s4, s20  }
0x14: {  	s7 =	simm.s32 $0x0;
	s21 =	sshll.u32 s5, $0x1;
	s5 =	sadd.s32 s22, s3  }
0x15: {  	[timem:s7], [sflag:s23] =	dma.local [hbm:s5], s21  }
0x16: {  	_ =	swait.ge [sflag:s23], s21  }
0x17: {  	s4 =	ssub.s32 $0x0, s21;
	[sflag:s23] =	ssyncset.done $0x0  }
0x18: {  	[sflag:s23] =	ssyncadd.s32 s4;
	_ =	sdelay $0x1  }
0x19: {  	s24 =	simm.s32 $0x1B8B  }
0x1a: {  	_ =	swait.ge [sflag:s24], $0x1  }
0x1b: {  	[sflag:s24] =	ssyncset.done $0x0  }
0x1c: {  	s26 =	simm.s32 $0x1B8E;
	s25 =	sld [smem:$0x3FFE];
	[sflag:s24] =	ssyncadd.s32 $0xFFFFFFFF  }
0x1d: {  	s27 =	simm.s32 $execute0_lowered;
	[smem:$0x3FD2] =	sst s26  }
0x1e: {  	s5 =	sshll.u32 s27, $0x1;
	_ =	strace $0x80000046;
	[dreg:$0x1] =	wrdreg $0xFFFFFFFF  }
0x1f: {  	s28 =	simm.s32 $_size_execute0_lowered;
	s3 =	sadd.s32 s3, s5;
	[dreg:$0x0] =	wrdreg $0x0  }
0x20: {  	s5 =	sshll.u32 s28, $0x1;
	[dreg:$0x2] =	wrdreg s3  }
0x21: {  	[dreg:$0x3] =	wrdreg s5  }
0x22: {  	[dreg:$0x4] =	wrdreg $0xC0  }
0x23: {  	_ =	task [dreg:s7], $0x5FFFF  }
0x24: {  	[dreg:$0x1] =	wrdreg $0xFFFFFFFF  }
0x25: {  	[dreg:$0x0] =	wrdreg $0x60  }
0x26: {  	[dreg:$0x2] =	wrdreg s2  }
0x27: {  	[dreg:$0x3] =	wrdreg s25  }
0x28: {  	[dreg:$0x4] =	wrdreg $0x9  }
0x29: {  	_ =	task.clear_ibuf [dreg:s7], $0x5FFFF;
	_ =	strace $0x90000046  }
0x2a: {  	s29 =	simm.s32 $0x9;
	_ =	strace $0x80000048  }
0x2b: {  	_ =	swait.ge [sflag:s29], $0x1  }
0x2c: {  	[sflag:s29] =	ssyncadd.s32 $0xFFFFFFFF  }
0x2d: {  	_ =	strace $0x90000048  }
0x2e: {  	_ =	sfence  }
0x2f: {  	s30 =	sld [smem:$0x0];
	_ =	sdelay $0x2  }
0x30: {  	s31 =	sshll.u32 s1, $0xD;
	s1 =	sshrl.u32 s1, $0x2  }
0x31: {  	s3 =	sand.u32 $0x4000, s31;
	s1 =	sadd.s32 s1, s30  }
0x32: {  	s0 =	sor.u32 s3, s0;
	s1 =	sshll.u32 s1, $0x11  }
0x33: {  	s0 =	sor.u32 s1, s0  }
0x34: {  	s0 =	sadd.s32 $0x8F2B, s0  }
0x35: {  	[sflag:s0] =	ssyncadd.remote.s32 $0x1  }
0x36: {  	_ =	sfence.sel $0xFFFF  }
0x37: {  	[dreg:$0x0] =	wrdreg $0xFFFFFFFF;
	(pc) =	sbr.abs _section_cstart, $3  }
0x38: {  	[dreg:$0x1] =	wrdreg $0xFFFFFFFF  }
0x39: {  	_ =	task.clear_ibuf [dreg:s7], $0x2FFFF;
	_ =	strace $0x9FFFFFFF  }
0x3a: {  	(tm) =	ssettm $0x7FFFFFFF  }
0x3b: {  	_ =	shalt  }
tec
execute0_lowered:
.L_overlay_start_1:
0x0: {  	(tag) =	ssettag $0x1  }
0x1: {  	s2 =	rddreg [dreg:$0x0]  }
0x2: {  	s1 =	rddreg [dreg:$0x1]  }
0x3: {  	s0 =	rddreg [dreg:$0x2];
	_ =	strace $0x80000047;
	s4 =	srdreg.scid  }
0x4: {  	s6 =	simm.s32 $0x2;
	s11 =	simm.s32 $0x0;
	p0 =	por $0x0, $0x0  }
.Ltmp0:
0x5: {  	s7 =	simm.s32 $0x8000;
	s12 =	simm.s32 $0x0;
	(pc) =	sbr.rel .LBB1_1-.Ltmp0, $4  }
0x6: {  	s9 =	simm.s32 $0x0;
	s3 =	sadd.s32 $0xC00, s1;
	s5 =	sshll.u32 s4, $0x4  }
0x7: {  	s1 =	stileid.u32;
	s4 =	simm.s32 $0x1;
	s5 =	sand.u32 $0x10, s5  }
0x8: {  	s8 =	simm.s32 $0x0;
	[sflag:s4] =	ssyncpa.u1 $0x0;
	s5 =	sor.u32 s1, s5  }
0x9: {  	[sflag:s6] =	ssyncpa.u1 $0x0;
	s6 =	simm.s32 $0x800;
	s10 =	smov.u32 s5  }
.LBB1_7:
0xa: {  	s13 =	sadd.s32 $0x10, s9  }
0xb: {  	s11 =	sadd.s32 $0x20, s10;
	s15 =	smov.u32 s10;
	p2 =	sgt.s32 s13, $0xFF  }
0xc: {  	p1 =	slt.u32 s8, $0x2;
	s15 =	smov.u32 @p2 s11  }
0xd: {  	s8 =	sadd.s32 $0x1, s8;
	s13 =	simm.s32 @p2 $0x0;
	p2 =	sgt.s32 s15, $0x13F  }
0xe: {  	s15 =	smov.u32 @p2 s5;
	p2 =	sne.s32 s8, $0xA2  }
.Ltmp1:
0xf: {  	_ = 	snop;
	(pc) =	sbr.rel @!p2 .LBB1_8-.Ltmp1, $4  }
0x10: {  	s14 =	simm.s32 @!p1 $0x2  }
0x11: {  	s12 =	smov.u32 s10;
	_ =	swait.ge @!p1 [sflag:s14], $0x4000  }
0x12: {  	p0 =	por !p0, !p0;
	s11 =	smov.u32 s9;
	[sflag:s14] =	ssyncset.done @!p1 $0x0  }
0x13: {  	s9 =	smov.u32 s13;
	[sflag:s14] =	ssyncadd.s32 @!p1 $0xFFFFC000;
	s10 =	smov.u32 s15  }
.LBB1_1:
0x14: {  	p1 =	sgt.u32 s8, $0x9F  }
0x15: {  	s13 =	sxor.u32 @!p1 $0xFFFFFFFF, s8;
	s14 =	sshll.u32 @!p1 s10, $0xF  }
0x16: {  	s15 =	sshll.u32 @!p1 s9, $0x7;
	s13 =	sshll.u32 @!p1 s13, $0xE;
	s14 =	sadd.s32 @!p1 s2, s14  }
0x17: {  	s13 =	sand.u32 @!p1 $0x4000, s13;
	s14 =	sadd.s32 @!p1 s15, s14;
	s15 =	simm.s32 @!p1 $0x0  }
0x18: {  	[tilespmem:s13], [sflag:$0x1] =	stream.linear.gather @!p1 [hbm4b:s14+s15], $0x4000, $0x38;
	[tilespmem:$0x10000] =	vst v63  }
0x19: {  	p1 =	seq.s32 s8, $0x0  }
0x1a: {  	p2 =	seq.s32 @!p1 s8, $0xA1  }
0x1b: {  	p1 =	por p1, p2  }
.Ltmp2:
0x1c: {  	_ = 	snop;
	(pc) =	sbr.rel @p1 .LBB1_7-.Ltmp2, $1  }
0x1d: {  	_ =	sdelay $0x3  }
0x1e: {  	s13 =	simm.s32 $0x1;
	_ =	swait.ge [sflag:s4], $0x4000;
	s16 =	sshll.u32 s8, $0xE  }
0x1f: {  	s13 =	simm.s32 @!p0 $0x0;
	[sflag:s4] =	ssyncset.done $0x0;
	s31 =	sand.u32 $0x4000, s16  }
0x20: {  	s16 =	simm.s32 $0x0;
	s14 =	sshll.u32 s13, $0xE;
	[sflag:s4] =	ssyncadd.s32 $0xFFFFC000  }
0x21: {  	s13 =	sor.u32 $0x8040, s14;
	s15 =	sor.u32 $0x40, s14;
	s14 =	sor.u32 $0x8000, s31  }
.LBB1_3:
0x22: {  	v0 =	vmov s15;
	_ =	sdelay $0x3  }
0x23: {  	s18 =	simm.s32 $0x0  }
0x24: {  	v6 =	vld.idx.msk [tilespmem:v0+s18+$0x30 ss:$0x1], $0xffff  }
0x25: {  	v7 =	vld.idx.msk [tilespmem:v0+s18+$0xFFFFFFC0 ss:$0x1], $0xffff  }
0x26: {  	v5 =	vld.idx.msk [tilespmem:v0+s18+$0xFFFFFFD0 ss:$0x1], $0xffff  }
0x27: {  	v4 =	vld.idx.msk [tilespmem:v0+s18+$0xFFFFFFE0 ss:$0x1], $0xffff  }
0x28: {  	v3 =	vld.idx.msk [tilespmem:v0+s18+$0xFFFFFFF0 ss:$0x1], $0xffff  }
0x29: {  	v1 =	vld.idx.msk [tilespmem:v0+s18+$0x0 ss:$0x1], $0xffff  }
0x2a: {  	v2 =	vld.idx.msk [tilespmem:v0+s18+$0x10 ss:$0x1], $0xffff;
	[tilespmem:s13+$0x30] =	vst v6  }
0x2b: {  	s17 =	simm.s32 $0x80;
	s19 =	simm.s32 $0x400;
	[tilespmem:s13+$0xFFFFFFC0] =	vst v7;
	v6 =	vld.idx.msk [tilespmem:v0+s18+$0x20 ss:$0x1], $0xffff;
	s18 =	smov.u32 s13  }
.LBB1_4:
0x2c: {  	p1 =	sne.s32 s19, $0xE00;
	v7 =	vld.idx.msk [tilespmem:v0+s17+$0x30 ss:$0x1], $0xffff;
	[tilespmem:s18+$0xFFFFFFD0] =	vst v5  }
0x2d: {  	v8 =	vld.idx.msk [tilespmem:v0+s17+$0xFFFFFFC0 ss:$0x1], $0xffff;
	[tilespmem:s18+$0xFFFFFFE0] =	vst v4  }
0x2e: {  	v5 =	vld.idx.msk [tilespmem:v0+s17+$0xFFFFFFD0 ss:$0x1], $0xffff;
	[tilespmem:s18+$0xFFFFFFF0] =	vst v3  }
.Ltmp3:
0x2f: {  	v4 =	vld.idx.msk [tilespmem:v0+s17+$0xFFFFFFE0 ss:$0x1], $0xffff;
	[tilespmem:s18+$0x0] =	vst v1;
	(pc) =	sbr.rel @p1 .LBB1_4-.Ltmp3, $4  }
0x30: {  	v3 =	vld.idx.msk [tilespmem:v0+s17+$0xFFFFFFF0 ss:$0x1], $0xffff;
	[tilespmem:s18+$0x10] =	vst v2  }
0x31: {  	v1 =	vld.idx.msk [tilespmem:v0+s17+$0x0 ss:$0x1], $0xffff;
	[tilespmem:s18+$0x20] =	vst v6;
	s18 =	sadd.s32 $0x800, s18  }
0x32: {  	v2 =	vld.idx.msk [tilespmem:v0+s17+$0x10 ss:$0x1], $0xffff;
	[tilespmem:s18+$0x30] =	vst v7  }
0x33: {  	[tilespmem:s18+$0xFFFFFFC0] =	vst v8;
	v6 =	vld.idx.msk [tilespmem:v0+s17+$0x20 ss:$0x1], $0xffff;
	s17 =	sshra.s32 s19, $0x2;
	s19 =	sadd.s32 $0x200, s19  }
0x34: {  	_ =	sdelay $0x2  }
0x35: {  	[tilespmem:s18+$0xFFFFFFD0] =	vst v5  }
0x36: {  	v56 =	vld.idx.msk [tilespmem:v0+s17+$0x30 ss:$0x1], $0xffff;
	[tilespmem:s18+$0xFFFFFFE0] =	vst v4  }
0x37: {  	v57 =	vld.idx.msk [tilespmem:v0+s17+$0xFFFFFFC0 ss:$0x1], $0xffff;
	[tilespmem:s18+$0xFFFFFFF0] =	vst v3  }
0x38: {  	v58 =	vld.idx.msk [tilespmem:v0+s17+$0xFFFFFFD0 ss:$0x1], $0xffff;
	[tilespmem:s18+$0x0] =	vst v1  }
0x39: {  	v59 =	vld.idx.msk [tilespmem:v0+s17+$0xFFFFFFE0 ss:$0x1], $0xffff;
	[tilespmem:s18+$0x10] =	vst v2  }
0x3a: {  	v60 =	vld.idx.msk [tilespmem:v0+s17+$0xFFFFFFF0 ss:$0x1], $0xffff;
	s31 =	sadd.s32 $0x800, s18;
	[tilespmem:s18+$0x20] =	vst v6  }
0x3b: {  	v61 =	vld.idx.msk [tilespmem:v0+s17+$0x0 ss:$0x1], $0xffff;
	[tilespmem:s31+$0x30] =	vst v56  }
0x3c: {  	v62 =	vld.idx.msk [tilespmem:v0+s17+$0x10 ss:$0x1], $0xffff;
	s16 =	sadd.s32 $0x1, s16;
	[tilespmem:s31+$0xFFFFFFC0] =	vst v57  }
0x3d: {  	v63 =	vld.idx.msk [tilespmem:v0+s17+$0x20 ss:$0x1], $0xffff;
	p1 =	sne.s32 s16, $0x10;
	[tilespmem:s31+$0xFFFFFFD0] =	vst v58  }
.Ltmp4:
0x3e: {  	[tilespmem:s31+$0xFFFFFFE0] =	vst v59;
	(pc) =	sbr.rel @p1 .LBB1_3-.Ltmp4, $4  }
0x3f: {  	[tilespmem:s31+$0xFFFFFFF0] =	vst v60  }
0x40: {  	[tilespmem:s31+$0x0] =	vst v61  }
0x41: {  	[tilespmem:s31+$0x10] =	vst v62  }
0x42: {  	s13 =	sadd.s32 $0x80, s13;
	s15 =	sadd.s32 $0x400, s15;
	[tilespmem:s31+$0x20] =	vst v63  }
.Ltmp5:
0x43: {  	(pc) =	sbr.rel .LBB1_7-.Ltmp5, $4  }
0x44: {  	s12 =	sshll.u32 s12, $0xF;
	s11 =	sshll.u32 s11, $0x4  }
0x45: {  	s11 =	sand.u32 $0xFF0, s11;
	s12 =	sadd.s32 s3, s12  }
0x46: {  	s11 =	sadd.s32 s11, s12  }
0x47: {  	[hbm4b:s11+s6] =	stream.strided.scatter [tilespmem:s14], [sflag:$0x2], $0x4000, s7, s6, $0x38;
	[tilespmem:$0x10000] =	vst v63  }
.LBB1_8:
0x48: {  	_ =	sfence.sel $0x180000  }
0x49: {  	s2 =	simm.s32 $0x1;
	[bflag:$0x0] =	sbarrier.arrive $0xFFFF  }
0x4a: {  	s31 =	simm.s32 $0x2;
	[sflag:s2] =	ssyncpa.u1 $0x1  }
0x4b: {  	[sflag:s31] =	ssyncpa.u1 $0x1  }
0x4c: {  	p0 =	sne.s32 s1, $0x0;
	_ =	strace $0x90000047  }
0x4d: {  	s0 =	sadd.s32 @!p0 $0x100000, s0;
	[bflag:$0x2] =	sbarrier.arrive $0xFFFF  }
0x4e: {  	[sflag:s0] =	ssyncadd.tile.s32 @!p0 $0x1;
	_ =	shalt  }
.Lfunc_end1:
_tile_overlayer_lowered:
.L_overlay_start_2:
0x4f: {  	(tag) =	ssettag $0x2  }
0x50: {  	s0 =	rddreg [dreg:$0x0];
	s2 =	stileid.u32  }
0x51: {  	s1 =	rddreg [dreg:$0x1];
	p0 =	sne.s32 s2, $0x0  }
0x52: {  	s3 =	rddreg [dreg:$0x2];
	[bflag:$0x3] =	sbarrier.arrive $0xFFFF;
	s2 =	simm.s32 @!p0 $0x1C01  }
0x53: {  	[timem:s3], [sflag:s2] =	dma.local @!p0 [hbm:s0], s1  }
0x54: {  	s0 =	simm.s32 @!p0 $0x1  }
0x55: {  	_ =	swait.ge @!p0 [sflag:s0], s1  }
0x56: {  	s1 =	ssub.s32 @!p0 $0x0, s1;
	[sflag:s0] =	ssyncset.done @!p0 $0x0  }
0x57: {  	[sflag:s0] =	ssyncadd.s32 @!p0 s1  }
0x58: {  	[bflag:$0x3] =	sbarrier.arrive $0xFFFF  }
0x59: {  	_ =	shalt  }

</sc_bundles>
